<compile_context>
chip_gen: v7x
topology: tpu7x:2x2x1
jax: 0.10.2.dev20260603
libtpu: 0.0.44.dev20260713+nightly
codegen_flags: <defaults>
</compile_context>

<pallas_src>
import functools

import jax
import jax.numpy as jnp
from jax import lax
from jax.experimental import pallas as pl
from jax.experimental.pallas import tpu as pltpu
from jax.experimental.pallas import tpu_sc as plsc

B, L, D, S = 512, 20, 128, 12
NC, NS = 2, 16
NW = NC * NS
BB = 64
WB = 4
NP = (B * L) // NW
NVP = NP * S
CH = 256
NCH = NVP // CH
EI = 2 * NP


def _leaky(x):
    return jnp.where(x >= 0, x, 0.2 * x)


def _fire_gather(table_hbm, idx_ref, idx_off, dst_ref, dst_off, n, sem):
    cps = []
    off = 0
    while off < n:
        c = min(128, n - off)
        cps.append(pltpu.async_copy(
            table_hbm.at[idx_ref.at[pl.ds(idx_off + off, c)]],
            dst_ref.at[pl.ds(dst_off + off, c)], sem))
        off += c
    return cps


def _sc_gather_all(adj_flat, numw_flat, embedding, flat_in, flat_it):
    N = B * L
    mesh = plsc.VectorSubcoreMesh(core_axis_name="c", subcore_axis_name="s")

    @functools.partial(
        pl.kernel,
        out_type=(
            jax.ShapeDtypeStruct((N * S,), jnp.float32),
            jax.ShapeDtypeStruct((N, D), jnp.float32),
            jax.ShapeDtypeStruct((N, D), jnp.float32),
            jax.ShapeDtypeStruct((N * S, D), jnp.float32),
        ),
        mesh=mesh,
        scratch_types=[
            pltpu.VMEM((2 * NP + NVP,), jnp.int32),
            pltpu.VMEM((NVP,), jnp.int32),
            pltpu.VMEM((NVP,), jnp.float32),
            pltpu.VMEM((CH, D), jnp.float32),
            pltpu.VMEM((CH, D), jnp.float32),
            pltpu.VMEM((CH, D), jnp.float32),
            pltpu.SemaphoreType.DMA,
            pltpu.SemaphoreType.DMA,
            pltpu.SemaphoreType.DMA,
            pltpu.SemaphoreType.DMA,
            pltpu.SemaphoreType.DMA,
            pltpu.SemaphoreType.DMA,
        ],
    )
    def k(adjf_hbm, numwf_hbm, emb_hbm, fin_hbm, fit_hbm,
          nw_out, h_out, it_out, nv_out,
          idx_all, ids_v, nw_v, buf_a, buf_b, buf_c, s0, s1, s2, o0, o1, o2):
        wid = lax.axis_index("s") * NC + lax.axis_index("c")
        base = wid * NP
        nbase = wid * NVP
        pltpu.sync_copy(fin_hbm.at[pl.ds(base, NP)], idx_all.at[pl.ds(0, NP)])
        pltpu.sync_copy(fit_hbm.at[pl.ds(base, NP)],
                        idx_all.at[pl.ds(NP, NP)])
        for g in range(NP // 16):
            v = idx_all[pl.ds(g * 16, 16)] * S
            for j in range(S):
                idx_all[pl.ds(EI + j * NP + g * 16, 16)] = v + j
        c_ids = _fire_gather(adjf_hbm, idx_all, EI, ids_v, 0, NVP, s0)
        c_nw = _fire_gather(numwf_hbm, idx_all, EI, nw_v, 0, NVP, s1)
        c_h0 = _fire_gather(emb_hbm, idx_all, 0, buf_b, 0, CH, s2)
        for cp in c_h0:
            cp.wait()
        o_h0 = pltpu.async_copy(buf_b, h_out.at[pl.ds(base, CH)], o1)
        c_i0 = _fire_gather(emb_hbm, idx_all, NP, buf_c, 0, CH, s2)
        for cp in c_i0:
            cp.wait()
        o_i0 = pltpu.async_copy(buf_c, it_out.at[pl.ds(base, CH)], o2)
        o_h0.wait()
        c_h1 = _fire_gather(emb_hbm, idx_all, CH, buf_b, 0, NP - CH, s2)
        for cp in c_h1:
            cp.wait()
        o_h1 = pltpu.async_copy(buf_b.at[pl.ds(0, NP - CH)],
                                h_out.at[pl.ds(base + CH, NP - CH)], o1)
        o_i0.wait()
        c_i1 = _fire_gather(emb_hbm, idx_all, NP + CH, buf_c, 0, NP - CH, s2)
        for cp in c_i1:
            cp.wait()
        o_i1 = pltpu.async_copy(buf_c.at[pl.ds(0, NP - CH)],
                                it_out.at[pl.ds(base + CH, NP - CH)], o2)
        for cp in c_nw:
            cp.wait()
        o_nw = pltpu.async_copy(nw_v, nw_out.at[pl.ds(nbase, NVP)], o0)
        for cp in c_ids:
            cp.wait()
        o_h1.wait()
        o_i1.wait()
        o_nw.wait()
        bufs = (buf_a, buf_b, buf_c)
        gsems = (s0, s1, s2)
        osems = (o0, o1, o2)

        def ring_gather(c):
            b = c % 3
            cps = []
            for j in range(CH // 128):
                cps.append(pltpu.async_copy(
                    emb_hbm.at[ids_v.at[pl.ds(c * CH + j * 128, 128)]],
                    bufs[b].at[pl.ds(j * 128, 128)], gsems[b]))
            return cps

        gcps = [None] * NCH
        ocps = [None] * NCH
        for c in range(3):
            gcps[c] = ring_gather(c)
        for c in range(NCH):
            b = c % 3
            for cp in gcps[c]:
                cp.wait()
            ocps[c] = pltpu.async_copy(
                bufs[b].at[pl.ds(0, CH)],
                nv_out.at[pl.ds(nbase + c * CH, CH)], osems[b])
            if c + 3 < NCH:
                ocps[c].wait()
                gcps[c + 3] = ring_gather(c + 3)
        for c in range(max(0, NCH - 3), NCH):
            ocps[c].wait()

    return k(adj_flat, numw_flat, embedding, flat_in, flat_it)


def _tc_body(h_ref, it_ref, mk_ref, adj_ref, nv_ref, nw_ref,
             a_ref, w1a_ref, w1b_ref, w2_ref, w3a_ref, w3b_ref, ab_ref,
             gwa_ref, gwb_ref, gb_ref, out_ref):
    h3 = h_ref[...]
    av = a_ref[...]
    ha4 = jnp.concatenate(
        [h3 * av[0][None, None, :], h3 * av[1][None, None, :],
         h3 * av[2][None, None, :], h3 * av[3][None, None, :]],
        axis=1)
    e4 = _leaky(lax.dot_general(
        ha4, h3, (((2,), (2,)), ((0,), (0,))),
        preferred_element_type=jnp.float32))
    adj3 = adj_ref[...]
    neg = jnp.float32(-9e15)
    alpha = jnp.where(adj3 == 1, e4[:, 0 * L:1 * L, :], neg)
    alpha = jnp.where(adj3 == 2, e4[:, 1 * L:2 * L, :], alpha)
    alpha = jnp.where(adj3 == 3, e4[:, 2 * L:3 * L, :], alpha)
    alpha = jnp.where(adj3 == 4, e4[:, 3 * L:4 * L, :], alpha)
    alpha = alpha - jnp.max(alpha, axis=-1, keepdims=True)
    alpha = jnp.exp(alpha)
    alpha = alpha / jnp.sum(alpha, axis=-1, keepdims=True)
    h_local = lax.dot_general(
        alpha, h3, (((2,), (1,)), ((0,), (0,))),
        preferred_element_type=jnp.float32)
    maskf = mk_ref[...]
    sess = (jnp.sum(it_ref[...] * maskf[..., None], axis=1)
            / jnp.sum(maskf, axis=1, keepdims=True))
    nvt = nv_ref[...]
    sess4 = jnp.reshape(
        jnp.broadcast_to(jnp.reshape(sess, (WB, BB // WB, 1, D)),
                         (WB, BB // WB, L, D)),
        (WB, NP, D))
    x2 = jnp.reshape(nvt * sess4[:, None, :, :], (BB * L * S, D))
    t2 = x2 @ w1a_ref[...]
    t4 = jnp.reshape(t2, (WB, S, NP, D))
    nwt = nw_ref[...]
    t4 = _leaky(t4 + nwt[..., None] * w1b_ref[...][None, None])
    al4 = jnp.reshape(jnp.reshape(t4, (BB * L * S, D)) @ w2_ref[...],
                      (WB, S, NP, D))
    ex = jnp.exp(al4)
    nagg = jnp.reshape(jnp.sum(ex * nvt, axis=1) / jnp.sum(ex, axis=1),
                       (BB * L, D))
    h2 = jnp.reshape(h3, (BB * L, D))
    hg = jnp.maximum(h2 @ w3a_ref[...] + nagg @ w3b_ref[...] + ab_ref[...], 0.0)
    hl2 = jnp.reshape(h_local, (BB * L, D))
    gt = hl2 @ gwa_ref[...] + hg @ gwb_ref[...] + gb_ref[...]
    gt = 1.0 / (1.0 + jnp.exp(-gt))
    out_ref[...] = jnp.reshape(gt * hg + (1.0 - gt) * hl2, (BB, L, D))


def _tc_compute(h, item_e, maskf, adj, nv, nw, a4, w1a, w1b, w2r,
                w3a, w3b, aggb, gwa, gwb, gb):
    bspec = lambda blk: pl.BlockSpec(blk, lambda i: (i,) + (0,) * (len(blk) - 1))
    wspec = lambda shp: pl.BlockSpec(shp, lambda i: (0,) * len(shp))
    return pl.pallas_call(
        _tc_body,
        grid=(B // BB,),
        in_specs=[
            bspec((BB, L, D)),
            bspec((BB, L, D)),
            bspec((BB, L)),
            bspec((BB, L, L)),
            bspec((WB, S, NP, D)),
            bspec((WB, S, NP)),
            wspec((4, D)),
            wspec((D, D)),
            wspec((1, D)),
            wspec((D, D)),
            wspec((D, D)),
            wspec((D, D)),
            wspec((1, D)),
            wspec((D, D)),
            wspec((D, D)),
            wspec((1, D)),
        ],
        out_specs=bspec((BB, L, D)),
        out_shape=jax.ShapeDtypeStruct((B, L, D), jnp.float32),
        compiler_params=pltpu.CompilerParams(
            dimension_semantics=("parallel",)),
    )(h, item_e, maskf, adj, nv, nw, a4, w1a, w1b, w2r,
      w3a, w3b, aggb, gwa, gwb, gb)


def kernel(inputs, adj, mask_item, item, embedding, a_0, a_1, a_2, a_3,
           w_1, w_2, w_3, agg_bias, gate_W, gate_b, adj_all, num_w):
    flat_in = jnp.reshape(inputs, (-1,)).astype(jnp.int32)
    flat_it = jnp.reshape(item, (-1,)).astype(jnp.int32)
    nw_t, h_rows, it_rows, nv_t = _sc_gather_all(
        jnp.reshape(adj_all.astype(jnp.int32), (-1,)),
        jnp.reshape(num_w, (-1,)),
        embedding, flat_in, flat_it)

    a4 = jnp.concatenate([a_0.T, a_1.T, a_2.T, a_3.T], axis=0)
    out = _tc_compute(
        jnp.reshape(h_rows, (B, L, D)),
        jnp.reshape(it_rows, (B, L, D)),
        mask_item.astype(jnp.float32),
        adj.astype(jnp.int32),
        jnp.reshape(nv_t, (NW, S, NP, D)),
        jnp.reshape(nw_t, (NW, S, NP)),
        a4,
        w_1[:D],
        w_1[D:D + 1],
        jnp.broadcast_to(w_2, (D, D)),
        w_3[:D],
        w_3[D:],
        jnp.reshape(agg_bias, (1, D)),
        gate_W[:D],
        gate_W[D:],
        jnp.reshape(gate_b, (1, D)),
    )
    return out

# --- scband reference (transcript-rebuilt; emitter-appended) ---
"""Pipeline reference for scband-gc-tagnn-30846455120226 (READ-ONLY COPY).

The authoritative reference and input builder live on the scoring server;
editing this copy changes nothing except your own understanding.
"""

import jax, jax.numpy as jnp
import numpy as np

B, L, D, S, V = 512, 20, 128, 12, 40000

def _leaky(x, slope=0.2):
    return jnp.where(x >= 0, x, slope * x)

def setup_inputs(seed: int = 0):
    key = jax.random.key(seed)
    ks = jax.random.split(key, 16)
    stdv = 1.0 / float(np.sqrt(D))
    u = lambda k, s: jax.random.uniform(k, s, jnp.float32, -stdv, stdv)
    return {
        "inputs": jax.random.randint(ks[0], (B, L), 0, V),
        "adj": jax.random.randint(ks[1], (B, L, L), 0, 5),
        "mask_item": jnp.ones((B, L), dtype=jnp.int32),
        "item": jax.random.randint(ks[2], (B, L), 0, V),
        "embedding": u(ks[3], (V, D)),
        "a_0": u(ks[4], (D, 1)),
        "a_1": u(ks[5], (D, 1)),
        "a_2": u(ks[6], (D, 1)),
        "a_3": u(ks[7], (D, 1)),
        "w_1": u(ks[8], (D + 1, D)),
        "w_2": u(ks[9], (D, 1)),
        "w_3": u(ks[10], (2 * D, D)),
        "agg_bias": u(ks[11], (D,)),
        "gate_W": u(ks[12], (2 * D, D)),
        "gate_b": u(ks[13], (D,)),
        "adj_all": jax.random.randint(ks[14], (V, S), 0, V),
        "num_w": jax.random.uniform(ks[15], (V, S), jnp.float32, 0.0, 1.0),
    }

def reference(inputs, adj, mask_item, item, embedding, a_0, a_1, a_2, a_3, w_1, w_2, w_3, agg_bias, gate_W, gate_b, adj_all, num_w):
    # h = embedding(inputs)
    h = jnp.take(embedding, inputs, axis=0)  # [B, L, D]
    # ---- LocalAggregator (GCE-GNN) with leaky-relu slope = opt.alpha = 0.2 ----
    a_input = h[:, :, None, :] * h[:, None, :, :]  # [B, L, L, D]
    e_0 = _leaky(jnp.squeeze(a_input @ a_0, -1))
    e_1 = _leaky(jnp.squeeze(a_input @ a_1, -1))
    e_2 = _leaky(jnp.squeeze(a_input @ a_2, -1))
    e_3 = _leaky(jnp.squeeze(a_input @ a_3, -1))
    neg = jnp.full_like(e_0, -9e15)
    alpha = jnp.where(adj == 1, e_0, neg)
    alpha = jnp.where(adj == 2, e_1, alpha)
    alpha = jnp.where(adj == 3, e_2, alpha)
    alpha = jnp.where(adj == 4, e_3, alpha)
    alpha = jax.nn.softmax(alpha, axis=-1)
    h_local = alpha @ h  # [B, L, D]
    # ---- Global hop sampling (hop = n_iter = 1) ----
    flat = inputs.reshape(-1)
    nbr_idx = jnp.take(adj_all, flat, axis=0).reshape(B, L * S)  # item_neighbors[1]
    nv = jnp.take(embedding, nbr_idx, axis=0).reshape(B, L, S, D)
    nw = jnp.take(num_w, flat, axis=0).reshape(B, L, S)
    maskf = mask_item.astype(jnp.float32)
    item_emb = jnp.take(embedding, item, axis=0) * maskf[..., None]
    sess = (jnp.sum(item_emb, 1) / jnp.sum(maskf, -1)[..., None])[:, None, :]
    sess = jnp.broadcast_to(sess, (B, L, D))  # session_info[0]
    # ---- GlobalAggregator (GCE-GNN), dropout_gcn = 0, act = relu ----
    cat = jnp.concatenate([sess[:, :, None, :] * nv, nw[..., None]], axis=-1)  # [B, L, S, D+1]
    al = _leaky(cat @ w_1, 0.2)
    al = jnp.squeeze(al @ w_2, -1)  # [B, L, S]
    al = jax.nn.softmax(al, axis=-1)[..., None]
    nagg = jnp.sum(al * nv, axis=-2)  # [B, L, D]
    h_global = jax.nn.relu(jnp.concatenate([h, nagg], axis=-1) @ w_3 + agg_bias)
    # dropout_local = dropout_global = 0 (eval)
    gate = jax.nn.sigmoid(jnp.concatenate([h_local, h_global], axis=-1) @ gate_W + gate_b)
    return gate * h_global + (1.0 - gate) * h_local

if __name__ == "__main__":
    import jax
    _d = setup_inputs()
    print(jax.jit(kernel)(*tuple(_d.values())))

</pallas_src>

<mosaic_0001>
#map = affine_map<(d0, d1) -> (0)>
#map1 = affine_map<(d0, d1) -> (0, 0)>
module attributes {stable_mosaic.version = 14 : i64} {
  func.func @k(%arg0: i32, %arg1: i32, %arg2: memref<480000xi32, #tpu.memory_space<hbm>>, %arg3: memref<480000xf32, #tpu.memory_space<hbm>>, %arg4: memref<40000x128xf32, #tpu.memory_space<hbm>>, %arg5: memref<10240xi32, #tpu.memory_space<hbm>>, %arg6: memref<10240xi32, #tpu.memory_space<hbm>>, %arg7: memref<122880xf32, #tpu.memory_space<hbm>>, %arg8: memref<10240x128xf32, #tpu.memory_space<hbm>>, %arg9: memref<10240x128xf32, #tpu.memory_space<hbm>>, %arg10: memref<122880x128xf32, #tpu.memory_space<hbm>>, %arg11: memref<4480xi32, #tpu.memory_space<vmem>>, %arg12: memref<3840xi32, #tpu.memory_space<vmem>>, %arg13: memref<3840xf32, #tpu.memory_space<vmem>>, %arg14: memref<256x128xf32, #tpu.memory_space<vmem>>, %arg15: memref<256x128xf32, #tpu.memory_space<vmem>>, %arg16: memref<256x128xf32, #tpu.memory_space<vmem>>, %arg17: memref<!tpu.dma_semaphore, #tpu.memory_space<semaphore_mem>>, %arg18: memref<!tpu.dma_semaphore, #tpu.memory_space<semaphore_mem>>, %arg19: memref<!tpu.dma_semaphore, #tpu.memory_space<semaphore_mem>>, %arg20: memref<!tpu.dma_semaphore, #tpu.memory_space<semaphore_mem>>, %arg21: memref<!tpu.dma_semaphore, #tpu.memory_space<semaphore_mem>>, %arg22: memref<!tpu.dma_semaphore, #tpu.memory_space<semaphore_mem>>) attributes {dimension_semantics = [#tpu.dimension_semantics<core_parallel>, #tpu.dimension_semantics<subcore_parallel>], iteration_bounds = array<i64: 2, 16>, scalar_prefetch = 0 : i64, scratch_operands = 12 : i64, tpu.core_type = #tpu.core_type<sc_vector_subcore>, window_params = [{transform_indices = #map}, {transform_indices = #map}, {transform_indices = #map1}, {transform_indices = #map}, {transform_indices = #map}, {transform_indices = #map}, {transform_indices = #map1}, {transform_indices = #map1}, {transform_indices = #map1}]} {
    %mul3A = arith.constant 2 : i32
    %mul3A_0 = arith.muli %arg1, %mul3A : i32
    %add3A = arith.addi %mul3A_0, %arg0 : i32
    %mul3A_1 = arith.constant 320 : i32
    %mul3A_2 = arith.muli %add3A, %mul3A_1 : i32
    %mul3A_3 = arith.constant 3840 : i32
    %mul3A_4 = arith.muli %add3A, %mul3A_3 : i32
    "tpu.region"() ({
      %run_scoped3A = tpu.sem_alloc : memref<!tpu.dma_semaphore, #tpu.memory_space<semaphore_mem>>
      %dma_start3A_3491 = arith.constant 0 : i32
      %dma_start3A_3492 = tpu.memref_slice %arg11[%dma_start3A_3491] : memref<4480xi32, #tpu.memory_space<vmem>> -> memref<320xi32, #tpu.memory_space<vmem>>
      %dma_start3A_3493 = tpu.memref_slice %arg5[%mul3A_2] : memref<10240xi32, #tpu.memory_space<hbm>> -> memref<320xi32, #tpu.memory_space<hbm>>
      %dma_start3A_3494 = arith.constant 0 : i32
      %dma_start3A_3495 = tpu.memref_slice %arg11[%dma_start3A_3494] : memref<4480xi32, #tpu.memory_space<vmem>> -> memref<320xi32, #tpu.memory_space<vmem>>
      %dma_start3A_3496 = tpu.memref_slice %arg5[%mul3A_2] : memref<10240xi32, #tpu.memory_space<hbm>> -> memref<320xi32, #tpu.memory_space<hbm>>
      tpu.enqueue_dma source(%dma_start3A_3496 : memref<320xi32, #tpu.memory_space<hbm>>) target(%dma_start3A_3495 : memref<320xi32, #tpu.memory_space<vmem>>) target_semaphore(%run_scoped3A : memref<!tpu.dma_semaphore, #tpu.memory_space<semaphore_mem>>)
      %dma_wait3A_3497 = arith.constant 0 : i32
      %dma_wait3A_3498 = tpu.memref_slice %arg11[%dma_wait3A_3497] : memref<4480xi32, #tpu.memory_space<vmem>> -> memref<320xi32, #tpu.memory_space<vmem>>
      %dma_wait3A_3499 = tpu.memref_slice %arg5[%mul3A_2] : memref<10240xi32, #tpu.memory_space<hbm>> -> memref<320xi32, #tpu.memory_space<hbm>>
      %dma_wait3A_3500 = arith.constant 0 : i32
      %dma_wait3A_3501 = tpu.memref_slice %arg11[%dma_wait3A_3500] : memref<4480xi32, #tpu.memory_space<vmem>> -> memref<320xi32, #tpu.memory_space<vmem>>
      %dma_wait3A_3502 = tpu.memref_slice %arg5[%mul3A_2] : memref<10240xi32, #tpu.memory_space<hbm>> -> memref<320xi32, #tpu.memory_space<hbm>>
      tpu.wait_dma2 semaphore(%run_scoped3A : memref<!tpu.dma_semaphore, #tpu.memory_space<semaphore_mem>>) src(%dma_wait3A_3502 : memref<320xi32, #tpu.memory_space<hbm>>) dst(%dma_wait3A_3501 : memref<320xi32, #tpu.memory_space<vmem>>)
      tpu.yield
    }) : () -> ()
    "tpu.region"() ({
      %run_scoped3A = tpu.sem_alloc : memref<!tpu.dma_semaphore, #tpu.memory_space<semaphore_mem>>
      %dma_start3A_3491 = arith.constant 320 : i32
      %dma_start3A_3492 = tpu.memref_slice %arg11[%dma_start3A_3491] : memref<4480xi32, #tpu.memory_space<vmem>> -> memref<320xi32, #tpu.memory_space<vmem>>
      %dma_start3A_3493 = tpu.memref_slice %arg6[%mul3A_2] : memref<10240xi32, #tpu.memory_space<hbm>> -> memref<320xi32, #tpu.memory_space<hbm>>
      %dma_start3A_3494 = arith.constant 320 : i32
      %dma_start3A_3495 = tpu.memref_slice %arg11[%dma_start3A_3494] : memref<4480xi32, #tpu.memory_space<vmem>> -> memref<320xi32, #tpu.memory_space<vmem>>
      %dma_start3A_3496 = tpu.memref_slice %arg6[%mul3A_2] : memref<10240xi32, #tpu.memory_space<hbm>> -> memref<320xi32, #tpu.memory_space<hbm>>
      tpu.enqueue_dma source(%dma_start3A_3496 : memref<320xi32, #tpu.memory_space<hbm>>) target(%dma_start3A_3495 : memref<320xi32, #tpu.memory_space<vmem>>) target_semaphore(%run_scoped3A : memref<!tpu.dma_semaphore, #tpu.memory_space<semaphore_mem>>)
      %dma_wait3A_3497 = arith.constant 320 : i32
      %dma_wait3A_3498 = tpu.memref_slice %arg11[%dma_wait3A_3497] : memref<4480xi32, #tpu.memory_space<vmem>> -> memref<320xi32, #tpu.memory_space<vmem>>
      %dma_wait3A_3499 = tpu.memref_slice %arg6[%mul3A_2] : memref<10240xi32, #tpu.memory_space<hbm>> -> memref<320xi32, #tpu.memory_space<hbm>>
      %dma_wait3A_3500 = arith.constant 320 : i32
      %dma_wait3A_3501 = tpu.memref_slice %arg11[%dma_wait3A_3500] : memref<4480xi32, #tpu.memory_space<vmem>> -> memref<320xi32, #tpu.memory_space<vmem>>
      %dma_wait3A_3502 = tpu.memref_slice %arg6[%mul3A_2] : memref<10240xi32, #tpu.memory_space<hbm>> -> memref<320xi32, #tpu.memory_space<hbm>>
      tpu.wait_dma2 semaphore(%run_scoped3A : memref<!tpu.dma_semaphore, #tpu.memory_space<semaphore_mem>>) src(%dma_wait3A_3502 : memref<320xi32, #tpu.memory_space<hbm>>) dst(%dma_wait3A_3501 : memref<320xi32, #tpu.memory_space<vmem>>)
      tpu.yield
    }) : () -> ()
    %get3A = arith.constant 0 : index
    %get3A_5 = tpu.vector_load %arg11[%get3A] {strides = array<i32>} : memref<4480xi32, #tpu.memory_space<vmem>>, vector<16xi32>,
    %get3A_6 = vector.shape_cast %get3A_5 : vector<16xi32> to vector<16xi32>
    %mul3A_7 = arith.constant 12 : i32
    %mul3A_8 = vector.broadcast %mul3A_7 : i32 to vector<16xi32>
    %mul3A_9 = arith.muli %get3A_6, %mul3A_8 : vector<16xi32>
    %add3A_10 = arith.constant 0 : i32
    %add3A_11 = vector.broadcast %add3A_10 : i32 to vector<16xi32>
    %add3A_12 = arith.addi %mul3A_9, %add3A_11 : vector<16xi32>
    %swap3A = arith.constant 640 : index
    %swap3A_13 = tpu.vector_load %arg11[%swap3A] {strides = array<i32>} : memref<4480xi32, #tpu.memory_space<vmem>>, vector<16xi32>,
    %swap3A_14 = vector.shape_cast %swap3A_13 : vector<16xi32> to vector<16xi32>
    %swap3A_15 = vector.shape_cast %add3A_12 : vector<16xi32> to vector<16xi32>
    tpu.vector_store %arg11[%swap3A], %swap3A_15 {strides = array<i32>} : memref<4480xi32, #tpu.memory_space<vmem>>, vector<16xi32>,
    %add3A_16 = arith.constant 1 : i32
    %add3A_17 = vector.broadcast %add3A_16 : i32 to vector<16xi32>
    %add3A_18 = arith.addi %mul3A_9, %add3A_17 : vector<16xi32>
    %swap3A_19 = arith.constant 960 : index
    %swap3A_20 = tpu.vector_load %arg11[%swap3A_19] {strides = array<i32>} : memref<4480xi32, #tpu.memory_space<vmem>>, vector<16xi32>,
    %swap3A_21 = vector.shape_cast %swap3A_20 : vector<16xi32> to vector<16xi32>
    %swap3A_22 = vector.shape_cast %add3A_18 : vector<16xi32> to vector<16xi32>
    tpu.vector_store %arg11[%swap3A_19], %swap3A_22 {strides = array<i32>} : memref<4480xi32, #tpu.memory_space<vmem>>, vector<16xi32>,
    %add3A_23 = arith.constant 2 : i32
    %add3A_24 = vector.broadcast %add3A_23 : i32 to vector<16xi32>
    %add3A_25 = arith.addi %mul3A_9, %add3A_24 : vector<16xi32>
    %swap3A_26 = arith.constant 1280 : index
    %swap3A_27 = tpu.vector_load %arg11[%swap3A_26] {strides = array<i32>} : memref<4480xi32, #tpu.memory_space<vmem>>, vector<16xi32>,
    %swap3A_28 = vector.shape_cast %swap3A_27 : vector<16xi32> to vector<16xi32>
    %swap3A_29 = vector.shape_cast %add3A_25 : vector<16xi32> to vector<16xi32>
    tpu.vector_store %arg11[%swap3A_26], %swap3A_29 {strides = array<i32>} : memref<4480xi32, #tpu.memory_space<vmem>>, vector<16xi32>,
    %add3A_30 = arith.constant 3 : i32
    %add3A_31 = vector.broadcast %add3A_30 : i32 to vector<16xi32>
    %add3A_32 = arith.addi %mul3A_9, %add3A_31 : vector<16xi32>
    %swap3A_33 = arith.constant 1600 : index
    %swap3A_34 = tpu.vector_load %arg11[%swap3A_33] {strides = array<i32>} : memref<4480xi32, #tpu.memory_space<vmem>>, vector<16xi32>,
    %swap3A_35 = vector.shape_cast %swap3A_34 : vector<16xi32> to vector<16xi32>
    %swap3A_36 = vector.shape_cast %add3A_32 : vector<16xi32> to vector<16xi32>
    tpu.vector_store %arg11[%swap3A_33], %swap3A_36 {strides = array<i32>} : memref<4480xi32, #tpu.memory_space<vmem>>, vector<16xi32>,
    %add3A_37 = arith.constant 4 : i32
    %add3A_38 = vector.broadcast %add3A_37 : i32 to vector<16xi32>
    %add3A_39 = arith.addi %mul3A_9, %add3A_38 : vector<16xi32>
    %swap3A_40 = arith.constant 1920 : index
    %swap3A_41 = tpu.vector_load %arg11[%swap3A_40] {strides = array<i32>} : memref<4480xi32, #tpu.memory_space<vmem>>, vector<16xi32>,
    %swap3A_42 = vector.shape_cast %swap3A_41 : vector<16xi32> to vector<16xi32>
    %swap3A_43 = vector.shape_cast %add3A_39 : vector<16xi32> to vector<16xi32>
    tpu.vector_store %arg11[%swap3A_40], %swap3A_43 {strides = array<i32>} : memref<4480xi32, #tpu.memory_space<vmem>>, vector<16xi32>,
    %add3A_44 = arith.constant 5 : i32
    %add3A_45 = vector.broadcast %add3A_44 : i32 to vector<16xi32>
    %add3A_46 = arith.addi %mul3A_9, %add3A_45 : vector<16xi32>
    %swap3A_47 = arith.constant 2240 : index
    %swap3A_48 = tpu.vector_load %arg11[%swap3A_47] {strides = array<i32>} : memref<4480xi32, #tpu.memory_space<vmem>>, vector<16xi32>,
    %swap3A_49 = vector.shape_cast %swap3A_48 : vector<16xi32> to vector<16xi32>
    %swap3A_50 = vector.shape_cast %add3A_46 : vector<16xi32> to vector<16xi32>
    tpu.vector_store %arg11[%swap3A_47], %swap3A_50 {strides = array<i32>} : memref<4480xi32, #tpu.memory_space<vmem>>, vector<16xi32>,
    %add3A_51 = arith.constant 6 : i32
    %add3A_52 = vector.broadcast %add3A_51 : i32 to vector<16xi32>
    %add3A_53 = arith.addi %mul3A_9, %add3A_52 : vector<16xi32>
    %swap3A_54 = arith.constant 2560 : index
    %swap3A_55 = tpu.vector_load %arg11[%swap3A_54] {strides = array<i32>} : memref<4480xi32, #tpu.memory_space<vmem>>, vector<16xi32>,
    %swap3A_56 = vector.shape_cast %swap3A_55 : vector<16xi32> to vector<16xi32>
    %swap3A_57 = vector.shape_cast %add3A_53 : vector<16xi32> to vector<16xi32>
    tpu.vector_store %arg11[%swap3A_54], %swap3A_57 {strides = array<i32>} : memref<4480xi32, #tpu.memory_space<vmem>>, vector<16xi32>,
    %add3A_58 = arith.constant 7 : i32
    %add3A_59 = vector.broadcast %add3A_58 : i32 to vector<16xi32>
    %add3A_60 = arith.addi %mul3A_9, %add3A_59 : vector<16xi32>
    %swap3A_61 = arith.constant 2880 : index
    %swap3A_62 = tpu.vector_load %arg11[%swap3A_61] {strides = array<i32>} : memref<4480xi32, #tpu.memory_space<vmem>>, vector<16xi32>,
    %swap3A_63 = vector.shape_cast %swap3A_62 : vector<16xi32> to vector<16xi32>
    %swap3A_64 = vector.shape_cast %add3A_60 : vector<16xi32> to vector<16xi32>
    tpu.vector_store %arg11[%swap3A_61], %swap3A_64 {strides = array<i32>} : memref<4480xi32, #tpu.memory_space<vmem>>, vector<16xi32>,
    %add3A_65 = arith.constant 8 : i32
    %add3A_66 = vector.broadcast %add3A_65 : i32 to vector<16xi32>
    %add3A_67 = arith.addi %mul3A_9, %add3A_66 : vector<16xi32>
    %swap3A_68 = arith.constant 3200 : index
    %swap3A_69 = tpu.vector_load %arg11[%swap3A_68] {strides = array<i32>} : memref<4480xi32, #tpu.memory_space<vmem>>, vector<16xi32>,
    %swap3A_70 = vector.shape_cast %swap3A_69 : vector<16xi32> to vector<16xi32>
    %swap3A_71 = vector.shape_cast %add3A_67 : vector<16xi32> to vector<16xi32>
    tpu.vector_store %arg11[%swap3A_68], %swap3A_71 {strides = array<i32>} : memref<4480xi32, #tpu.memory_space<vmem>>, vector<16xi32>,
    %add3A_72 = arith.constant 9 : i32
    %add3A_73 = vector.broadcast %add3A_72 : i32 to vector<16xi32>
    %add3A_74 = arith.addi %mul3A_9, %add3A_73 : vector<16xi32>
    %swap3A_75 = arith.constant 3520 : index
    %swap3A_76 = tpu.vector_load %arg11[%swap3A_75] {strides = array<i32>} : memref<4480xi32, #tpu.memory_space<vmem>>, vector<16xi32>,
    %swap3A_77 = vector.shape_cast %swap3A_76 : vector<16xi32> to vector<16xi32>
    %swap3A_78 = vector.shape_cast %add3A_74 : vector<16xi32> to vector<16xi32>
    tpu.vector_store %arg11[%swap3A_75], %swap3A_78 {strides = array<i32>} : memref<4480xi32, #tpu.memory_space<vmem>>, vector<16xi32>,
    %add3A_79 = arith.constant 10 : i32
    %add3A_80 = vector.broadcast %add3A_79 : i32 to vector<16xi32>
    %add3A_81 = arith.addi %mul3A_9, %add3A_80 : vector<16xi32>
    %swap3A_82 = arith.constant 3840 : index
    %swap3A_83 = tpu.vector_load %arg11[%swap3A_82] {strides = array<i32>} : memref<4480xi32, #tpu.memory_space<vmem>>, vector<16xi32>,
    %swap3A_84 = vector.shape_cast %swap3A_83 : vector<16xi32> to vector<16xi32>
    %swap3A_85 = vector.shape_cast %add3A_81 : vector<16xi32> to vector<16xi32>
    tpu.vector_store %arg11[%swap3A_82], %swap3A_85 {strides = array<i32>} : memref<4480xi32, #tpu.memory_space<vmem>>, vector<16xi32>,
    %add3A_86 = arith.constant 11 : i32
    %add3A_87 = vector.broadcast %add3A_86 : i32 to vector<16xi32>
    %add3A_88 = arith.addi %mul3A_9, %add3A_87 : vector<16xi32>
    %swap3A_89 = arith.constant 4160 : index
    %swap3A_90 = tpu.vector_load %arg11[%swap3A_89] {strides = array<i32>} : memref<4480xi32, #tpu.memory_space<vmem>>, vector<16xi32>,
    %swap3A_91 = vector.shape_cast %swap3A_90 : vector<16xi32> to vector<16xi32>
    %swap3A_92 = vector.shape_cast %add3A_88 : vector<16xi32> to vector<16xi32>
    tpu.vector_store %arg11[%swap3A_89], %swap3A_92 {strides = array<i32>} : memref<4480xi32, #tpu.memory_space<vmem>>, vector<16xi32>,
    %get3A_93 = arith.constant 16 : index
    %get3A_94 = tpu.vector_load %arg11[%get3A_93] {strides = array<i32>} : memref<4480xi32, #tpu.memory_space<vmem>>, vector<16xi32>,
    %get3A_95 = vector.shape_cast %get3A_94 : vector<16xi32> to vector<16xi32>
    %mul3A_96 = arith.constant 12 : i32
    %mul3A_97 = vector.broadcast %mul3A_96 : i32 to vector<16xi32>
    %mul3A_98 = arith.muli %get3A_95, %mul3A_97 : vector<16xi32>
    %add3A_99 = arith.constant 0 : i32
    %add3A_100 = vector.broadcast %add3A_99 : i32 to vector<16xi32>
    %add3A_101 = arith.addi %mul3A_98, %add3A_100 : vector<16xi32>
    %swap3A_102 = arith.constant 656 : index
    %swap3A_103 = tpu.vector_load %arg11[%swap3A_102] {strides = array<i32>} : memref<4480xi32, #tpu.memory_space<vmem>>, vector<16xi32>,
    %swap3A_104 = vector.shape_cast %swap3A_103 : vector<16xi32> to vector<16xi32>
    %swap3A_105 = vector.shape_cast %add3A_101 : vector<16xi32> to vector<16xi32>
    tpu.vector_store %arg11[%swap3A_102], %swap3A_105 {strides = array<i32>} : memref<4480xi32, #tpu.memory_space<vmem>>, vector<16xi32>,
    %add3A_106 = arith.constant 1 : i32
    %add3A_107 = vector.broadcast %add3A_106 : i32 to vector<16xi32>
    %add3A_108 = arith.addi %mul3A_98, %add3A_107 : vector<16xi32>
    %swap3A_109 = arith.constant 976 : index
    %swap3A_110 = tpu.vector_load %arg11[%swap3A_109] {strides = array<i32>} : memref<4480xi32, #tpu.memory_space<vmem>>, vector<16xi32>,
    %swap3A_111 = vector.shape_cast %swap3A_110 : vector<16xi32> to vector<16xi32>
    %swap3A_112 = vector.shape_cast %add3A_108 : vector<16xi32> to vector<16xi32>
    tpu.vector_store %arg11[%swap3A_109], %swap3A_112 {strides = array<i32>} : memref<4480xi32, #tpu.memory_space<vmem>>, vector<16xi32>,
    %add3A_113 = arith.constant 2 : i32
    %add3A_114 = vector.broadcast %add3A_113 : i32 to vector<16xi32>
    %add3A_115 = arith.addi %mul3A_98, %add3A_114 : vector<16xi32>
    %swap3A_116 = arith.constant 1296 : index
    %swap3A_117 = tpu.vector_load %arg11[%swap3A_116] {strides = array<i32>} : memref<4480xi32, #tpu.memory_space<vmem>>, vector<16xi32>,
    %swap3A_118 = vector.shape_cast %swap3A_117 : vector<16xi32> to vector<16xi32>
    %swap3A_119 = vector.shape_cast %add3A_115 : vector<16xi32> to vector<16xi32>
    tpu.vector_store %arg11[%swap3A_116], %swap3A_119 {strides = array<i32>} : memref<4480xi32, #tpu.memory_space<vmem>>, vector<16xi32>,
    %add3A_120 = arith.constant 3 : i32
    %add3A_121 = vector.broadcast %add3A_120 : i32 to vector<16xi32>
    %add3A_122 = arith.addi %mul3A_98, %add3A_121 : vector<16xi32>
    %swap3A_123 = arith.constant 1616 : index
    %swap3A_124 = tpu.vector_load %arg11[%swap3A_123] {strides = array<i32>} : memref<4480xi32, #tpu.memory_space<vmem>>, vector<16xi32>,
    %swap3A_125 = vector.shape_cast %swap3A_124 : vector<16xi32> to vector<16xi32>
    %swap3A_126 = vector.shape_cast %add3A_122 : vector<16xi32> to vector<16xi32>
    tpu.vector_store %arg11[%swap3A_123], %swap3A_126 {strides = array<i32>} : memref<4480xi32, #tpu.memory_space<vmem>>, vector<16xi32>,
    %add3A_127 = arith.constant 4 : i32
    %add3A_128 = vector.broadcast %add3A_127 : i32 to vector<16xi32>
    %add3A_129 = arith.addi %mul3A_98, %add3A_128 : vector<16xi32>
    %swap3A_130 = arith.constant 1936 : index
    %swap3A_131 = tpu.vector_load %arg11[%swap3A_130] {strides = array<i32>} : memref<4480xi32, #tpu.memory_space<vmem>>, vector<16xi32>,
    %swap3A_132 = vector.shape_cast %swap3A_131 : vector<16xi32> to vector<16xi32>
    %swap3A_133 = vector.shape_cast %add3A_129 : vector<16xi32> to vector<16xi32>
    tpu.vector_store %arg11[%swap3A_130], %swap3A_133 {strides = array<i32>} : memref<4480xi32, #tpu.memory_space<vmem>>, vector<16xi32>,
    %add3A_134 = arith.constant 5 : i32
    %add3A_135 = vector.broadcast %add3A_134 : i32 to vector<16xi32>
    %add3A_136 = arith.addi %mul3A_98, %add3A_135 : vector<16xi32>
    %swap3A_137 = arith.constant 2256 : index
    %swap3A_138 = tpu.vector_load %arg11[%swap3A_137] {strides = array<i32>} : memref<4480xi32, #tpu.memory_space<vmem>>, vector<16xi32>,
    %swap3A_139 = vector.shape_cast %swap3A_138 : vector<16xi32> to vector<16xi32>
    %swap3A_140 = vector.shape_cast %add3A_136 : vector<16xi32> to vector<16xi32>
    tpu.vector_store %arg11[%swap3A_137], %swap3A_140 {strides = array<i32>} : memref<4480xi32, #tpu.memory_space<vmem>>, vector<16xi32>,
    %add3A_141 = arith.constant 6 : i32
    %add3A_142 = vector.broadcast %add3A_141 : i32 to vector<16xi32>
    %add3A_143 = arith.addi %mul3A_98, %add3A_142 : vector<16xi32>
    %swap3A_144 = arith.constant 2576 : index
    %swap3A_145 = tpu.vector_load %arg11[%swap3A_144] {strides = array<i32>} : memref<4480xi32, #tpu.memory_space<vmem>>, vector<16xi32>,
    %swap3A_146 = vector.shape_cast %swap3A_145 : vector<16xi32> to vector<16xi32>
    %swap3A_147 = vector.shape_cast %add3A_143 : vector<16xi32> to vector<16xi32>
    tpu.vector_store %arg11[%swap3A_144], %swap3A_147 {strides = array<i32>} : memref<4480xi32, #tpu.memory_space<vmem>>, vector<16xi32>,
    %add3A_148 = arith.constant 7 : i32
    %add3A_149 = vector.broadcast %add3A_148 : i32 to vector<16xi32>
    %add3A_150 = arith.addi %mul3A_98, %add3A_149 : vector<16xi32>
    %swap3A_151 = arith.constant 2896 : index
    %swap3A_152 = tpu.vector_load %arg11[%swap3A_151] {strides = array<i32>} : memref<4480xi32, #tpu.memory_space<vmem>>, vector<16xi32>,
    %swap3A_153 = vector.shape_cast %swap3A_152 : vector<16xi32> to vector<16xi32>
    %swap3A_154 = vector.shape_cast %add3A_150 : vector<16xi32> to vector<16xi32>
    tpu.vector_store %arg11[%swap3A_151], %swap3A_154 {strides = array<i32>} : memref<4480xi32, #tpu.memory_space<vmem>>, vector<16xi32>,
    %add3A_155 = arith.constant 8 : i32
    %add3A_156 = vector.broadcast %add3A_155 : i32 to vector<16xi32>
    %add3A_157 = arith.addi %mul3A_98, %add3A_156 : vector<16xi32>
    %swap3A_158 = arith.constant 3216 : index
    %swap3A_159 = tpu.vector_load %arg11[%swap3A_158] {strides = array<i32>} : memref<4480xi32, #tpu.memory_space<vmem>>, vector<16xi32>,
    %swap3A_160 = vector.shape_cast %swap3A_159 : vector<16xi32> to vector<16xi32>
    %swap3A_161 = vector.shape_cast %add3A_157 : vector<16xi32> to vector<16xi32>
    tpu.vector_store %arg11[%swap3A_158], %swap3A_161 {strides = array<i32>} : memref<4480xi32, #tpu.memory_space<vmem>>, vector<16xi32>,
    %add3A_162 = arith.constant 9 : i32
    %add3A_163 = vector.broadcast %add3A_162 : i32 to vector<16xi32>
    %add3A_164 = arith.addi %mul3A_98, %add3A_163 : vector<16xi32>
    %swap3A_165 = arith.constant 3536 : index
    %swap3A_166 = tpu.vector_load %arg11[%swap3A_165] {strides = array<i32>} : memref<4480xi32, #tpu.memory_space<vmem>>, vector<16xi32>,
    %swap3A_167 = vector.shape_cast %swap3A_166 : vector<16xi32> to vector<16xi32>
    %swap3A_168 = vector.shape_cast %add3A_164 : vector<16xi32> to vector<16xi32>
    tpu.vector_store %arg11[%swap3A_165], %swap3A_168 {strides = array<i32>} : memref<4480xi32, #tpu.memory_space<vmem>>, vector<16xi32>,
    %add3A_169 = arith.constant 10 : i32
    %add3A_170 = vector.broadcast %add3A_169 : i32 to vector<16xi32>
    %add3A_171 = arith.addi %mul3A_98, %add3A_170 : vector<16xi32>
    %swap3A_172 = arith.constant 3856 : index
    %swap3A_173 = tpu.vector_load %arg11[%swap3A_172] {strides = array<i32>} : memref<4480xi32, #tpu.memory_space<vmem>>, vector<16xi32>,
    %swap3A_174 = vector.shape_cast %swap3A_173 : vector<16xi32> to vector<16xi32>
    %swap3A_175 = vector.shape_cast %add3A_171 : vector<16xi32> to vector<16xi32>
    tpu.vector_store %arg11[%swap3A_172], %swap3A_175 {strides = array<i32>} : memref<4480xi32, #tpu.memory_space<vmem>>, vector<16xi32>,
    %add3A_176 = arith.constant 11 : i32
    %add3A_177 = vector.broadcast %add3A_176 : i32 to vector<16xi32>
    %add3A_178 = arith.addi %mul3A_98, %add3A_177 : vector<16xi32>
    %swap3A_179 = arith.constant 4176 : index
    %swap3A_180 = tpu.vector_load %arg11[%swap3A_179] {strides = array<i32>} : memref<4480xi32, #tpu.memory_space<vmem>>, vector<16xi32>,
    %swap3A_181 = vector.shape_cast %swap3A_180 : vector<16xi32> to vector<16xi32>
    %swap3A_182 = vector.shape_cast %add3A_178 : vector<16xi32> to vector<16xi32>
    tpu.vector_store %arg11[%swap3A_179], %swap3A_182 {strides = array<i32>} : memref<4480xi32, #tpu.memory_space<vmem>>, vector<16xi32>,
    %get3A_183 = arith.constant 32 : index
    %get3A_184 = tpu.vector_load %arg11[%get3A_183] {strides = array<i32>} : memref<4480xi32, #tpu.memory_space<vmem>>, vector<16xi32>,
    %get3A_185 = vector.shape_cast %get3A_184 : vector<16xi32> to vector<16xi32>
    %mul3A_186 = arith.constant 12 : i32
    %mul3A_187 = vector.broadcast %mul3A_186 : i32 to vector<16xi32>
    %mul3A_188 = arith.muli %get3A_185, %mul3A_187 : vector<16xi32>
    %add3A_189 = arith.constant 0 : i32
    %add3A_190 = vector.broadcast %add3A_189 : i32 to vector<16xi32>
    %add3A_191 = arith.addi %mul3A_188, %add3A_190 : vector<16xi32>
    %swap3A_192 = arith.constant 672 : index
    %swap3A_193 = tpu.vector_load %arg11[%swap3A_192] {strides = array<i32>} : memref<4480xi32, #tpu.memory_space<vmem>>, vector<16xi32>,
    %swap3A_194 = vector.shape_cast %swap3A_193 : vector<16xi32> to vector<16xi32>
    %swap3A_195 = vector.shape_cast %add3A_191 : vector<16xi32> to vector<16xi32>
    tpu.vector_store %arg11[%swap3A_192], %swap3A_195 {strides = array<i32>} : memref<4480xi32, #tpu.memory_space<vmem>>, vector<16xi32>,
    %add3A_196 = arith.constant 1 : i32
    %add3A_197 = vector.broadcast %add3A_196 : i32 to vector<16xi32>
    %add3A_198 = arith.addi %mul3A_188, %add3A_197 : vector<16xi32>
    %swap3A_199 = arith.constant 992 : index
    %swap3A_200 = tpu.vector_load %arg11[%swap3A_199] {strides = array<i32>} : memref<4480xi32, #tpu.memory_space<vmem>>, vector<16xi32>,
    %swap3A_201 = vector.shape_cast %swap3A_200 : vector<16xi32> to vector<16xi32>
    %swap3A_202 = vector.shape_cast %add3A_198 : vector<16xi32> to vector<16xi32>
    tpu.vector_store %arg11[%swap3A_199], %swap3A_202 {strides = array<i32>} : memref<4480xi32, #tpu.memory_space<vmem>>, vector<16xi32>,
    %add3A_203 = arith.constant 2 : i32
    %add3A_204 = vector.broadcast %add3A_203 : i32 to vector<16xi32>
    %add3A_205 = arith.addi %mul3A_188, %add3A_204 : vector<16xi32>
    %swap3A_206 = arith.constant 1312 : index
    %swap3A_207 = tpu.vector_load %arg11[%swap3A_206] {strides = array<i32>} : memref<4480xi32, #tpu.memory_space<vmem>>, vector<16xi32>,
    %swap3A_208 = vector.shape_cast %swap3A_207 : vector<16xi32> to vector<16xi32>
    %swap3A_209 = vector.shape_cast %add3A_205 : vector<16xi32> to vector<16xi32>
    tpu.vector_store %arg11[%swap3A_206], %swap3A_209 {strides = array<i32>} : memref<4480xi32, #tpu.memory_space<vmem>>, vector<16xi32>,
    %add3A_210 = arith.constant 3 : i32
    %add3A_211 = vector.broadcast %add3A_210 : i32 to vector<16xi32>
    %add3A_212 = arith.addi %mul3A_188, %add3A_211 : vector<16xi32>
    %swap3A_213 = arith.constant 1632 : index
    %swap3A_214 = tpu.vector_load %arg11[%swap3A_213] {strides = array<i32>} : memref<4480xi32, #tpu.memory_space<vmem>>, vector<16xi32>,
    %swap3A_215 = vector.shape_cast %swap3A_214 : vector<16xi32> to vector<16xi32>
    %swap3A_216 = vector.shape_cast %add3A_212 : vector<16xi32> to vector<16xi32>
    tpu.vector_store %arg11[%swap3A_213], %swap3A_216 {strides = array<i32>} : memref<4480xi32, #tpu.memory_space<vmem>>, vector<16xi32>,
    %add3A_217 = arith.constant 4 : i32
    %add3A_218 = vector.broadcast %add3A_217 : i32 to vector<16xi32>
    %add3A_219 = arith.addi %mul3A_188, %add3A_218 : vector<16xi32>
    %swap3A_220 = arith.constant 1952 : index
    %swap3A_221 = tpu.vector_load %arg11[%swap3A_220] {strides = array<i32>} : memref<4480xi32, #tpu.memory_space<vmem>>, vector<16xi32>,
    %swap3A_222 = vector.shape_cast %swap3A_221 : vector<16xi32> to vector<16xi32>
    %swap3A_223 = vector.shape_cast %add3A_219 : vector<16xi32> to vector<16xi32>
    tpu.vector_store %arg11[%swap3A_220], %swap3A_223 {strides = array<i32>} : memref<4480xi32, #tpu.memory_space<vmem>>, vector<16xi32>,
    %add3A_224 = arith.constant 5 : i32
    %add3A_225 = vector.broadcast %add3A_224 : i32 to vector<16xi32>
    %add3A_226 = arith.addi %mul3A_188, %add3A_225 : vector<16xi32>
    %swap3A_227 = arith.constant 2272 : index
    %swap3A_228 = tpu.vector_load %arg11[%swap3A_227] {strides = array<i32>} : memref<4480xi32, #tpu.memory_space<vmem>>, vector<16xi32>,
    %swap3A_229 = vector.shape_cast %swap3A_228 : vector<16xi32> to vector<16xi32>
    %swap3A_230 = vector.shape_cast %add3A_226 : vector<16xi32> to vector<16xi32>
    tpu.vector_store %arg11[%swap3A_227], %swap3A_230 {strides = array<i32>} : memref<4480xi32, #tpu.memory_space<vmem>>, vector<16xi32>,
    %add3A_231 = arith.constant 6 : i32
    %add3A_232 = vector.broadcast %add3A_231 : i32 to vector<16xi32>
    %add3A_233 = arith.addi %mul3A_188, %add3A_232 : vector<16xi32>
    %swap3A_234 = arith.constant 2592 : index
    %swap3A_235 = tpu.vector_load %arg11[%swap3A_234] {strides = array<i32>} : memref<4480xi32, #tpu.memory_space<vmem>>, vector<16xi32>,
    %swap3A_236 = vector.shape_cast %swap3A_235 : vector<16xi32> to vector<16xi32>
    %swap3A_237 = vector.shape_cast %add3A_233 : vector<16xi32> to vector<16xi32>
    tpu.vector_store %arg11[%swap3A_234], %swap3A_237 {strides = array<i32>} : memref<4480xi32, #tpu.memory_space<vmem>>, vector<16xi32>,
    %add3A_238 = arith.constant 7 : i32
    %add3A_239 = vector.broadcast %add3A_238 : i32 to vector<16xi32>
    %add3A_240 = arith.addi %mul3A_188, %add3A_239 : vector<16xi32>
    %swap3A_241 = arith.constant 2912 : index
    %swap3A_242 = tpu.vector_load %arg11[%swap3A_241] {strides = array<i32>} : memref<4480xi32, #tpu.memory_space<vmem>>, vector<16xi32>,
    %swap3A_243 = vector.shape_cast %swap3A_242 : vector<16xi32> to vector<16xi32>
    %swap3A_244 = vector.shape_cast %add3A_240 : vector<16xi32> to vector<16xi32>
    tpu.vector_store %arg11[%swap3A_241], %swap3A_244 {strides = array<i32>} : memref<4480xi32, #tpu.memory_space<vmem>>, vector<16xi32>,
    %add3A_245 = arith.constant 8 : i32
    %add3A_246 = vector.broadcast %add3A_245 : i32 to vector<16xi32>
    %add3A_247 = arith.addi %mul3A_188, %add3A_246 : vector<16xi32>
    %swap3A_248 = arith.constant 3232 : index
    %swap3A_249 = tpu.vector_load %arg11[%swap3A_248] {strides = array<i32>} : memref<4480xi32, #tpu.memory_space<vmem>>, vector<16xi32>,
    %swap3A_250 = vector.shape_cast %swap3A_249 : vector<16xi32> to vector<16xi32>
    %swap3A_251 = vector.shape_cast %add3A_247 : vector<16xi32> to vector<16xi32>
    tpu.vector_store %arg11[%swap3A_248], %swap3A_251 {strides = array<i32>} : memref<4480xi32, #tpu.memory_space<vmem>>, vector<16xi32>,
    %add3A_252 = arith.constant 9 : i32
    %add3A_253 = vector.broadcast %add3A_252 : i32 to vector<16xi32>
    %add3A_254 = arith.addi %mul3A_188, %add3A_253 : vector<16xi32>
    %swap3A_255 = arith.constant 3552 : index
    %swap3A_256 = tpu.vector_load %arg11[%swap3A_255] {strides = array<i32>} : memref<4480xi32, #tpu.memory_space<vmem>>, vector<16xi32>,
    %swap3A_257 = vector.shape_cast %swap3A_256 : vector<16xi32> to vector<16xi32>
    %swap3A_258 = vector.shape_cast %add3A_254 : vector<16xi32> to vector<16xi32>
    tpu.vector_store %arg11[%swap3A_255], %swap3A_258 {strides = array<i32>} : memref<4480xi32, #tpu.memory_space<vmem>>, vector<16xi32>,
    %add3A_259 = arith.constant 10 : i32
    %add3A_260 = vector.broadcast %add3A_259 : i32 to vector<16xi32>
    %add3A_261 = arith.addi %mul3A_188, %add3A_260 : vector<16xi32>
    %swap3A_262 = arith.constant 3872 : index
    %swap3A_263 = tpu.vector_load %arg11[%swap3A_262] {strides = array<i32>} : memref<4480xi32, #tpu.memory_space<vmem>>, vector<16xi32>,
    %swap3A_264 = vector.shape_cast %swap3A_263 : vector<16xi32> to vector<16xi32>
    %swap3A_265 = vector.shape_cast %add3A_261 : vector<16xi32> to vector<16xi32>
    tpu.vector_store %arg11[%swap3A_262], %swap3A_265 {strides = array<i32>} : memref<4480xi32, #tpu.memory_space<vmem>>, vector<16xi32>,
    %add3A_266 = arith.constant 11 : i32
    %add3A_267 = vector.broadcast %add3A_266 : i32 to vector<16xi32>
    %add3A_268 = arith.addi %mul3A_188, %add3A_267 : vector<16xi32>
    %swap3A_269 = arith.constant 4192 : index
    %swap3A_270 = tpu.vector_load %arg11[%swap3A_269] {strides = array<i32>} : memref<4480xi32, #tpu.memory_space<vmem>>, vector<16xi32>,
    %swap3A_271 = vector.shape_cast %swap3A_270 : vector<16xi32> to vector<16xi32>
    %swap3A_272 = vector.shape_cast %add3A_268 : vector<16xi32> to vector<16xi32>
    tpu.vector_store %arg11[%swap3A_269], %swap3A_272 {strides = array<i32>} : memref<4480xi32, #tpu.memory_space<vmem>>, vector<16xi32>,
    %get3A_273 = arith.constant 48 : index
    %get3A_274 = tpu.vector_load %arg11[%get3A_273] {strides = array<i32>} : memref<4480xi32, #tpu.memory_space<vmem>>, vector<16xi32>,
    %get3A_275 = vector.shape_cast %get3A_274 : vector<16xi32> to vector<16xi32>
    %mul3A_276 = arith.constant 12 : i32
    %mul3A_277 = vector.broadcast %mul3A_276 : i32 to vector<16xi32>
    %mul3A_278 = arith.muli %get3A_275, %mul3A_277 : vector<16xi32>
    %add3A_279 = arith.constant 0 : i32
    %add3A_280 = vector.broadcast %add3A_279 : i32 to vector<16xi32>
    %add3A_281 = arith.addi %mul3A_278, %add3A_280 : vector<16xi32>
    %swap3A_282 = arith.constant 688 : index
    %swap3A_283 = tpu.vector_load %arg11[%swap3A_282] {strides = array<i32>} : memref<4480xi32, #tpu.memory_space<vmem>>, vector<16xi32>,
    %swap3A_284 = vector.shape_cast %swap3A_283 : vector<16xi32> to vector<16xi32>
    %swap3A_285 = vector.shape_cast %add3A_281 : vector<16xi32> to vector<16xi32>
    tpu.vector_store %arg11[%swap3A_282], %swap3A_285 {strides = array<i32>} : memref<4480xi32, #tpu.memory_space<vmem>>, vector<16xi32>,
    %add3A_286 = arith.constant 1 : i32
    %add3A_287 = vector.broadcast %add3A_286 : i32 to vector<16xi32>
    %add3A_288 = arith.addi %mul3A_278, %add3A_287 : vector<16xi32>
    %swap3A_289 = arith.constant 1008 : index
    %swap3A_290 = tpu.vector_load %arg11[%swap3A_289] {strides = array<i32>} : memref<4480xi32, #tpu.memory_space<vmem>>, vector<16xi32>,
    %swap3A_291 = vector.shape_cast %swap3A_290 : vector<16xi32> to vector<16xi32>
    %swap3A_292 = vector.shape_cast %add3A_288 : vector<16xi32> to vector<16xi32>
    tpu.vector_store %arg11[%swap3A_289], %swap3A_292 {strides = array<i32>} : memref<4480xi32, #tpu.memory_space<vmem>>, vector<16xi32>,
    %add3A_293 = arith.constant 2 : i32
    %add3A_294 = vector.broadcast %add3A_293 : i32 to vector<16xi32>
    %add3A_295 = arith.addi %mul3A_278, %add3A_294 : vector<16xi32>
    %swap3A_296 = arith.constant 1328 : index
    %swap3A_297 = tpu.vector_load %arg11[%swap3A_296] {strides = array<i32>} : memref<4480xi32, #tpu.memory_space<vmem>>, vector<16xi32>,
    %swap3A_298 = vector.shape_cast %swap3A_297 : vector<16xi32> to vector<16xi32>
    %swap3A_299 = vector.shape_cast %add3A_295 : vector<16xi32> to vector<16xi32>
    tpu.vector_store %arg11[%swap3A_296], %swap3A_299 {strides = array<i32>} : memref<4480xi32, #tpu.memory_space<vmem>>, vector<16xi32>,
    %add3A_300 = arith.constant 3 : i32
    %add3A_301 = vector.broadcast %add3A_300 : i32 to vector<16xi32>
    %add3A_302 = arith.addi %mul3A_278, %add3A_301 : vector<16xi32>
    %swap3A_303 = arith.constant 1648 : index
    %swap3A_304 = tpu.vector_load %arg11[%swap3A_303] {strides = array<i32>} : memref<4480xi32, #tpu.memory_space<vmem>>, vector<16xi32>,
    %swap3A_305 = vector.shape_cast %swap3A_304 : vector<16xi32> to vector<16xi32>
    %swap3A_306 = vector.shape_cast %add3A_302 : vector<16xi32> to vector<16xi32>
    tpu.vector_store %arg11[%swap3A_303], %swap3A_306 {strides = array<i32>} : memref<4480xi32, #tpu.memory_space<vmem>>, vector<16xi32>,
    %add3A_307 = arith.constant 4 : i32
    %add3A_308 = vector.broadcast %add3A_307 : i32 to vector<16xi32>
    %add3A_309 = arith.addi %mul3A_278, %add3A_308 : vector<16xi32>
    %swap3A_310 = arith.constant 1968 : index
    %swap3A_311 = tpu.vector_load %arg11[%swap3A_310] {strides = array<i32>} : memref<4480xi32, #tpu.memory_space<vmem>>, vector<16xi32>,
    %swap3A_312 = vector.shape_cast %swap3A_311 : vector<16xi32> to vector<16xi32>
    %swap3A_313 = vector.shape_cast %add3A_309 : vector<16xi32> to vector<16xi32>
    tpu.vector_store %arg11[%swap3A_310], %swap3A_313 {strides = array<i32>} : memref<4480xi32, #tpu.memory_space<vmem>>, vector<16xi32>,
    %add3A_314 = arith.constant 5 : i32
    %add3A_315 = vector.broadcast %add3A_314 : i32 to vector<16xi32>
    %add3A_316 = arith.addi %mul3A_278, %add3A_315 : vector<16xi32>
    %swap3A_317 = arith.constant 2288 : index
    %swap3A_318 = tpu.vector_load %arg11[%swap3A_317] {strides = array<i32>} : memref<4480xi32, #tpu.memory_space<vmem>>, vector<16xi32>,
    %swap3A_319 = vector.shape_cast %swap3A_318 : vector<16xi32> to vector<16xi32>
    %swap3A_320 = vector.shape_cast %add3A_316 : vector<16xi32> to vector<16xi32>
    tpu.vector_store %arg11[%swap3A_317], %swap3A_320 {strides = array<i32>} : memref<4480xi32, #tpu.memory_space<vmem>>, vector<16xi32>,
    %add3A_321 = arith.constant 6 : i32
    %add3A_322 = vector.broadcast %add3A_321 : i32 to vector<16xi32>
    %add3A_323 = arith.addi %mul3A_278, %add3A_322 : vector<16xi32>
    %swap3A_324 = arith.constant 2608 : index
    %swap3A_325 = tpu.vector_load %arg11[%swap3A_324] {strides = array<i32>} : memref<4480xi32, #tpu.memory_space<vmem>>, vector<16xi32>,
    %swap3A_326 = vector.shape_cast %swap3A_325 : vector<16xi32> to vector<16xi32>
    %swap3A_327 = vector.shape_cast %add3A_323 : vector<16xi32> to vector<16xi32>
    tpu.vector_store %arg11[%swap3A_324], %swap3A_327 {strides = array<i32>} : memref<4480xi32, #tpu.memory_space<vmem>>, vector<16xi32>,
    %add3A_328 = arith.constant 7 : i32
    %add3A_329 = vector.broadcast %add3A_328 : i32 to vector<16xi32>
    %add3A_330 = arith.addi %mul3A_278, %add3A_329 : vector<16xi32>
    %swap3A_331 = arith.constant 2928 : index
    %swap3A_332 = tpu.vector_load %arg11[%swap3A_331] {strides = array<i32>} : memref<4480xi32, #tpu.memory_space<vmem>>, vector<16xi32>,
    %swap3A_333 = vector.shape_cast %swap3A_332 : vector<16xi32> to vector<16xi32>
    %swap3A_334 = vector.shape_cast %add3A_330 : vector<16xi32> to vector<16xi32>
    tpu.vector_store %arg11[%swap3A_331], %swap3A_334 {strides = array<i32>} : memref<4480xi32, #tpu.memory_space<vmem>>, vector<16xi32>,
    %add3A_335 = arith.constant 8 : i32
    %add3A_336 = vector.broadcast %add3A_335 : i32 to vector<16xi32>
    %add3A_337 = arith.addi %mul3A_278, %add3A_336 : vector<16xi32>
    %swap3A_338 = arith.constant 3248 : index
    %swap3A_339 = tpu.vector_load %arg11[%swap3A_338] {strides = array<i32>} : memref<4480xi32, #tpu.memory_space<vmem>>, vector<16xi32>,
    %swap3A_340 = vector.shape_cast %swap3A_339 : vector<16xi32> to vector<16xi32>
    %swap3A_341 = vector.shape_cast %add3A_337 : vector<16xi32> to vector<16xi32>
    tpu.vector_store %arg11[%swap3A_338], %swap3A_341 {strides = array<i32>} : memref<4480xi32, #tpu.memory_space<vmem>>, vector<16xi32>,
    %add3A_342 = arith.constant 9 : i32
    %add3A_343 = vector.broadcast %add3A_342 : i32 to vector<16xi32>
    %add3A_344 = arith.addi %mul3A_278, %add3A_343 : vector<16xi32>
    %swap3A_345 = arith.constant 3568 : index
    %swap3A_346 = tpu.vector_load %arg11[%swap3A_345] {strides = array<i32>} : memref<4480xi32, #tpu.memory_space<vmem>>, vector<16xi32>,
    %swap3A_347 = vector.shape_cast %swap3A_346 : vector<16xi32> to vector<16xi32>
    %swap3A_348 = vector.shape_cast %add3A_344 : vector<16xi32> to vector<16xi32>
    tpu.vector_store %arg11[%swap3A_345], %swap3A_348 {strides = array<i32>} : memref<4480xi32, #tpu.memory_space<vmem>>, vector<16xi32>,
    %add3A_349 = arith.constant 10 : i32
    %add3A_350 = vector.broadcast %add3A_349 : i32 to vector<16xi32>
    %add3A_351 = arith.addi %mul3A_278, %add3A_350 : vector<16xi32>
    %swap3A_352 = arith.constant 3888 : index
    %swap3A_353 = tpu.vector_load %arg11[%swap3A_352] {strides = array<i32>} : memref<4480xi32, #tpu.memory_space<vmem>>, vector<16xi32>,
    %swap3A_354 = vector.shape_cast %swap3A_353 : vector<16xi32> to vector<16xi32>
    %swap3A_355 = vector.shape_cast %add3A_351 : vector<16xi32> to vector<16xi32>
    tpu.vector_store %arg11[%swap3A_352], %swap3A_355 {strides = array<i32>} : memref<4480xi32, #tpu.memory_space<vmem>>, vector<16xi32>,
    %add3A_356 = arith.constant 11 : i32
    %add3A_357 = vector.broadcast %add3A_356 : i32 to vector<16xi32>
    %add3A_358 = arith.addi %mul3A_278, %add3A_357 : vector<16xi32>
    %swap3A_359 = arith.constant 4208 : index
    %swap3A_360 = tpu.vector_load %arg11[%swap3A_359] {strides = array<i32>} : memref<4480xi32, #tpu.memory_space<vmem>>, vector<16xi32>,
    %swap3A_361 = vector.shape_cast %swap3A_360 : vector<16xi32> to vector<16xi32>
    %swap3A_362 = vector.shape_cast %add3A_358 : vector<16xi32> to vector<16xi32>
    tpu.vector_store %arg11[%swap3A_359], %swap3A_362 {strides = array<i32>} : memref<4480xi32, #tpu.memory_space<vmem>>, vector<16xi32>,
    %get3A_363 = arith.constant 64 : index
    %get3A_364 = tpu.vector_load %arg11[%get3A_363] {strides = array<i32>} : memref<4480xi32, #tpu.memory_space<vmem>>, vector<16xi32>,
    %get3A_365 = vector.shape_cast %get3A_364 : vector<16xi32> to vector<16xi32>
    %mul3A_366 = arith.constant 12 : i32
    %mul3A_367 = vector.broadcast %mul3A_366 : i32 to vector<16xi32>
    %mul3A_368 = arith.muli %get3A_365, %mul3A_367 : vector<16xi32>
    %add3A_369 = arith.constant 0 : i32
    %add3A_370 = vector.broadcast %add3A_369 : i32 to vector<16xi32>
    %add3A_371 = arith.addi %mul3A_368, %add3A_370 : vector<16xi32>
    %swap3A_372 = arith.constant 704 : index
    %swap3A_373 = tpu.vector_load %arg11[%swap3A_372] {strides = array<i32>} : memref<4480xi32, #tpu.memory_space<vmem>>, vector<16xi32>,
    %swap3A_374 = vector.shape_cast %swap3A_373 : vector<16xi32> to vector<16xi32>
    %swap3A_375 = vector.shape_cast %add3A_371 : vector<16xi32> to vector<16xi32>
    tpu.vector_store %arg11[%swap3A_372], %swap3A_375 {strides = array<i32>} : memref<4480xi32, #tpu.memory_space<vmem>>, vector<16xi32>,
    %add3A_376 = arith.constant 1 : i32
    %add3A_377 = vector.broadcast %add3A_376 : i32 to vector<16xi32>
    %add3A_378 = arith.addi %mul3A_368, %add3A_377 : vector<16xi32>
    %swap3A_379 = arith.constant 1024 : index
    %swap3A_380 = tpu.vector_load %arg11[%swap3A_379] {strides = array<i32>} : memref<4480xi32, #tpu.memory_space<vmem>>, vector<16xi32>,
    %swap3A_381 = vector.shape_cast %swap3A_380 : vector<16xi32> to vector<16xi32>
    %swap3A_382 = vector.shape_cast %add3A_378 : vector<16xi32> to vector<16xi32>
    tpu.vector_store %arg11[%swap3A_379], %swap3A_382 {strides = array<i32>} : memref<4480xi32, #tpu.memory_space<vmem>>, vector<16xi32>,
    %add3A_383 = arith.constant 2 : i32
    %add3A_384 = vector.broadcast %add3A_383 : i32 to vector<16xi32>
    %add3A_385 = arith.addi %mul3A_368, %add3A_384 : vector<16xi32>
    %swap3A_386 = arith.constant 1344 : index
    %swap3A_387 = tpu.vector_load %arg11[%swap3A_386] {strides = array<i32>} : memref<4480xi32, #tpu.memory_space<vmem>>, vector<16xi32>,
    %swap3A_388 = vector.shape_cast %swap3A_387 : vector<16xi32> to vector<16xi32>
    %swap3A_389 = vector.shape_cast %add3A_385 : vector<16xi32> to vector<16xi32>
    tpu.vector_store %arg11[%swap3A_386], %swap3A_389 {strides = array<i32>} : memref<4480xi32, #tpu.memory_space<vmem>>, vector<16xi32>,
    %add3A_390 = arith.constant 3 : i32
    %add3A_391 = vector.broadcast %add3A_390 : i32 to vector<16xi32>
    %add3A_392 = arith.addi %mul3A_368, %add3A_391 : vector<16xi32>
    %swap3A_393 = arith.constant 1664 : index
    %swap3A_394 = tpu.vector_load %arg11[%swap3A_393] {strides = array<i32>} : memref<4480xi32, #tpu.memory_space<vmem>>, vector<16xi32>,
    %swap3A_395 = vector.shape_cast %swap3A_394 : vector<16xi32> to vector<16xi32>
    %swap3A_396 = vector.shape_cast %add3A_392 : vector<16xi32> to vector<16xi32>
    tpu.vector_store %arg11[%swap3A_393], %swap3A_396 {strides = array<i32>} : memref<4480xi32, #tpu.memory_space<vmem>>, vector<16xi32>,
    %add3A_397 = arith.constant 4 : i32
    %add3A_398 = vector.broadcast %add3A_397 : i32 to vector<16xi32>
    %add3A_399 = arith.addi %mul3A_368, %add3A_398 : vector<16xi32>
    %swap3A_400 = arith.constant 1984 : index
    %swap3A_401 = tpu.vector_load %arg11[%swap3A_400] {strides = array<i32>} : memref<4480xi32, #tpu.memory_space<vmem>>, vector<16xi32>,
    %swap3A_402 = vector.shape_cast %swap3A_401 : vector<16xi32> to vector<16xi32>
    %swap3A_403 = vector.shape_cast %add3A_399 : vector<16xi32> to vector<16xi32>
    tpu.vector_store %arg11[%swap3A_400], %swap3A_403 {strides = array<i32>} : memref<4480xi32, #tpu.memory_space<vmem>>, vector<16xi32>,
    %add3A_404 = arith.constant 5 : i32
    %add3A_405 = vector.broadcast %add3A_404 : i32 to vector<16xi32>
    %add3A_406 = arith.addi %mul3A_368, %add3A_405 : vector<16xi32>
    %swap3A_407 = arith.constant 2304 : index
    %swap3A_408 = tpu.vector_load %arg11[%swap3A_407] {strides = array<i32>} : memref<4480xi32, #tpu.memory_space<vmem>>, vector<16xi32>,
    %swap3A_409 = vector.shape_cast %swap3A_408 : vector<16xi32> to vector<16xi32>
    %swap3A_410 = vector.shape_cast %add3A_406 : vector<16xi32> to vector<16xi32>
    tpu.vector_store %arg11[%swap3A_407], %swap3A_410 {strides = array<i32>} : memref<4480xi32, #tpu.memory_space<vmem>>, vector<16xi32>,
    %add3A_411 = arith.constant 6 : i32
    %add3A_412 = vector.broadcast %add3A_411 : i32 to vector<16xi32>
    %add3A_413 = arith.addi %mul3A_368, %add3A_412 : vector<16xi32>
    %swap3A_414 = arith.constant 2624 : index
    %swap3A_415 = tpu.vector_load %arg11[%swap3A_414] {strides = array<i32>} : memref<4480xi32, #tpu.memory_space<vmem>>, vector<16xi32>,
    %swap3A_416 = vector.shape_cast %swap3A_415 : vector<16xi32> to vector<16xi32>
    %swap3A_417 = vector.shape_cast %add3A_413 : vector<16xi32> to vector<16xi32>
    tpu.vector_store %arg11[%swap3A_414], %swap3A_417 {strides = array<i32>} : memref<4480xi32, #tpu.memory_space<vmem>>, vector<16xi32>,
    %add3A_418 = arith.constant 7 : i32
    %add3A_419 = vector.broadcast %add3A_418 : i32 to vector<16xi32>
    %add3A_420 = arith.addi %mul3A_368, %add3A_419 : vector<16xi32>
    %swap3A_421 = arith.constant 2944 : index
    %swap3A_422 = tpu.vector_load %arg11[%swap3A_421] {strides = array<i32>} : memref<4480xi32, #tpu.memory_space<vmem>>, vector<16xi32>,
    %swap3A_423 = vector.shape_cast %swap3A_422 : vector<16xi32> to vector<16xi32>
    %swap3A_424 = vector.shape_cast %add3A_420 : vector<16xi32> to vector<16xi32>
    tpu.vector_store %arg11[%swap3A_421], %swap3A_424 {strides = array<i32>} : memref<4480xi32, #tpu.memory_space<vmem>>, vector<16xi32>,
    %add3A_425 = arith.constant 8 : i32
    %add3A_426 = vector.broadcast %add3A_425 : i32 to vector<16xi32>
    %add3A_427 = arith.addi %mul3A_368, %add3A_426 : vector<16xi32>
    %swap3A_428 = arith.constant 3264 : index
    %swap3A_429 = tpu.vector_load %arg11[%swap3A_428] {strides = array<i32>} : memref<4480xi32, #tpu.memory_space<vmem>>, vector<16xi32>,
    %swap3A_430 = vector.shape_cast %swap3A_429 : vector<16xi32> to vector<16xi32>
    %swap3A_431 = vector.shape_cast %add3A_427 : vector<16xi32> to vector<16xi32>
    tpu.vector_store %arg11[%swap3A_428], %swap3A_431 {strides = array<i32>} : memref<4480xi32, #tpu.memory_space<vmem>>, vector<16xi32>,
    %add3A_432 = arith.constant 9 : i32
    %add3A_433 = vector.broadcast %add3A_432 : i32 to vector<16xi32>
    %add3A_434 = arith.addi %mul3A_368, %add3A_433 : vector<16xi32>
    %swap3A_435 = arith.constant 3584 : index
    %swap3A_436 = tpu.vector_load %arg11[%swap3A_435] {strides = array<i32>} : memref<4480xi32, #tpu.memory_space<vmem>>, vector<16xi32>,
    %swap3A_437 = vector.shape_cast %swap3A_436 : vector<16xi32> to vector<16xi32>
    %swap3A_438 = vector.shape_cast %add3A_434 : vector<16xi32> to vector<16xi32>
    tpu.vector_store %arg11[%swap3A_435], %swap3A_438 {strides = array<i32>} : memref<4480xi32, #tpu.memory_space<vmem>>, vector<16xi32>,
    %add3A_439 = arith.constant 10 : i32
    %add3A_440 = vector.broadcast %add3A_439 : i32 to vector<16xi32>
    %add3A_441 = arith.addi %mul3A_368, %add3A_440 : vector<16xi32>
    %swap3A_442 = arith.constant 3904 : index
    %swap3A_443 = tpu.vector_load %arg11[%swap3A_442] {strides = array<i32>} : memref<4480xi32, #tpu.memory_space<vmem>>, vector<16xi32>,
    %swap3A_444 = vector.shape_cast %swap3A_443 : vector<16xi32> to vector<16xi32>
    %swap3A_445 = vector.shape_cast %add3A_441 : vector<16xi32> to vector<16xi32>
    tpu.vector_store %arg11[%swap3A_442], %swap3A_445 {strides = array<i32>} : memref<4480xi32, #tpu.memory_space<vmem>>, vector<16xi32>,
    %add3A_446 = arith.constant 11 : i32
    %add3A_447 = vector.broadcast %add3A_446 : i32 to vector<16xi32>
    %add3A_448 = arith.addi %mul3A_368, %add3A_447 : vector<16xi32>
    %swap3A_449 = arith.constant 4224 : index
    %swap3A_450 = tpu.vector_load %arg11[%swap3A_449] {strides = array<i32>} : memref<4480xi32, #tpu.memory_space<vmem>>, vector<16xi32>,
    %swap3A_451 = vector.shape_cast %swap3A_450 : vector<16xi32> to vector<16xi32>
    %swap3A_452 = vector.shape_cast %add3A_448 : vector<16xi32> to vector<16xi32>
    tpu.vector_store %arg11[%swap3A_449], %swap3A_452 {strides = array<i32>} : memref<4480xi32, #tpu.memory_space<vmem>>, vector<16xi32>,
    %get3A_453 = arith.constant 80 : index
    %get3A_454 = tpu.vector_load %arg11[%get3A_453] {strides = array<i32>} : memref<4480xi32, #tpu.memory_space<vmem>>, vector<16xi32>,
    %get3A_455 = vector.shape_cast %get3A_454 : vector<16xi32> to vector<16xi32>
    %mul3A_456 = arith.constant 12 : i32
    %mul3A_457 = vector.broadcast %mul3A_456 : i32 to vector<16xi32>
    %mul3A_458 = arith.muli %get3A_455, %mul3A_457 : vector<16xi32>
    %add3A_459 = arith.constant 0 : i32
    %add3A_460 = vector.broadcast %add3A_459 : i32 to vector<16xi32>
    %add3A_461 = arith.addi %mul3A_458, %add3A_460 : vector<16xi32>
    %swap3A_462 = arith.constant 720 : index
    %swap3A_463 = tpu.vector_load %arg11[%swap3A_462] {strides = array<i32>} : memref<4480xi32, #tpu.memory_space<vmem>>, vector<16xi32>,
    %swap3A_464 = vector.shape_cast %swap3A_463 : vector<16xi32> to vector<16xi32>
    %swap3A_465 = vector.shape_cast %add3A_461 : vector<16xi32> to vector<16xi32>
    tpu.vector_store %arg11[%swap3A_462], %swap3A_465 {strides = array<i32>} : memref<4480xi32, #tpu.memory_space<vmem>>, vector<16xi32>,
    %add3A_466 = arith.constant 1 : i32
    %add3A_467 = vector.broadcast %add3A_466 : i32 to vector<16xi32>
    %add3A_468 = arith.addi %mul3A_458, %add3A_467 : vector<16xi32>
    %swap3A_469 = arith.constant 1040 : index
    %swap3A_470 = tpu.vector_load %arg11[%swap3A_469] {strides = array<i32>} : memref<4480xi32, #tpu.memory_space<vmem>>, vector<16xi32>,
    %swap3A_471 = vector.shape_cast %swap3A_470 : vector<16xi32> to vector<16xi32>
    %swap3A_472 = vector.shape_cast %add3A_468 : vector<16xi32> to vector<16xi32>
    tpu.vector_store %arg11[%swap3A_469], %swap3A_472 {strides = array<i32>} : memref<4480xi32, #tpu.memory_space<vmem>>, vector<16xi32>,
    %add3A_473 = arith.constant 2 : i32
    %add3A_474 = vector.broadcast %add3A_473 : i32 to vector<16xi32>
    %add3A_475 = arith.addi %mul3A_458, %add3A_474 : vector<16xi32>
    %swap3A_476 = arith.constant 1360 : index
    %swap3A_477 = tpu.vector_load %arg11[%swap3A_476] {strides = array<i32>} : memref<4480xi32, #tpu.memory_space<vmem>>, vector<16xi32>,
    %swap3A_478 = vector.shape_cast %swap3A_477 : vector<16xi32> to vector<16xi32>
    %swap3A_479 = vector.shape_cast %add3A_475 : vector<16xi32> to vector<16xi32>
    tpu.vector_store %arg11[%swap3A_476], %swap3A_479 {strides = array<i32>} : memref<4480xi32, #tpu.memory_space<vmem>>, vector<16xi32>,
    %add3A_480 = arith.constant 3 : i32
    %add3A_481 = vector.broadcast %add3A_480 : i32 to vector<16xi32>
    %add3A_482 = arith.addi %mul3A_458, %add3A_481 : vector<16xi32>
    %swap3A_483 = arith.constant 1680 : index
    %swap3A_484 = tpu.vector_load %arg11[%swap3A_483] {strides = array<i32>} : memref<4480xi32, #tpu.memory_space<vmem>>, vector<16xi32>,
    %swap3A_485 = vector.shape_cast %swap3A_484 : vector<16xi32> to vector<16xi32>
    %swap3A_486 = vector.shape_cast %add3A_482 : vector<16xi32> to vector<16xi32>
    tpu.vector_store %arg11[%swap3A_483], %swap3A_486 {strides = array<i32>} : memref<4480xi32, #tpu.memory_space<vmem>>, vector<16xi32>,
    %add3A_487 = arith.constant 4 : i32
    %add3A_488 = vector.broadcast %add3A_487 : i32 to vector<16xi32>
    %add3A_489 = arith.addi %mul3A_458, %add3A_488 : vector<16xi32>
    %swap3A_490 = arith.constant 2000 : index
    %swap3A_491 = tpu.vector_load %arg11[%swap3A_490] {strides = array<i32>} : memref<4480xi32, #tpu.memory_space<vmem>>, vector<16xi32>,
    %swap3A_492 = vector.shape_cast %swap3A_491 : vector<16xi32> to vector<16xi32>
    %swap3A_493 = vector.shape_cast %add3A_489 : vector<16xi32> to vector<16xi32>
    tpu.vector_store %arg11[%swap3A_490], %swap3A_493 {strides = array<i32>} : memref<4480xi32, #tpu.memory_space<vmem>>, vector<16xi32>,
    %add3A_494 = arith.constant 5 : i32
    %add3A_495 = vector.broadcast %add3A_494 : i32 to vector<16xi32>
    %add3A_496 = arith.addi %mul3A_458, %add3A_495 : vector<16xi32>
    %swap3A_497 = arith.constant 2320 : index
    %swap3A_498 = tpu.vector_load %arg11[%swap3A_497] {strides = array<i32>} : memref<4480xi32, #tpu.memory_space<vmem>>, vector<16xi32>,
    %swap3A_499 = vector.shape_cast %swap3A_498 : vector<16xi32> to vector<16xi32>
    %swap3A_500 = vector.shape_cast %add3A_496 : vector<16xi32> to vector<16xi32>
    tpu.vector_store %arg11[%swap3A_497], %swap3A_500 {strides = array<i32>} : memref<4480xi32, #tpu.memory_space<vmem>>, vector<16xi32>,
    %add3A_501 = arith.constant 6 : i32
    %add3A_502 = vector.broadcast %add3A_501 : i32 to vector<16xi32>
    %add3A_503 = arith.addi %mul3A_458, %add3A_502 : vector<16xi32>
    %swap3A_504 = arith.constant 2640 : index
    %swap3A_505 = tpu.vector_load %arg11[%swap3A_504] {strides = array<i32>} : memref<4480xi32, #tpu.memory_space<vmem>>, vector<16xi32>,
    %swap3A_506 = vector.shape_cast %swap3A_505 : vector<16xi32> to vector<16xi32>
    %swap3A_507 = vector.shape_cast %add3A_503 : vector<16xi32> to vector<16xi32>
    tpu.vector_store %arg11[%swap3A_504], %swap3A_507 {strides = array<i32>} : memref<4480xi32, #tpu.memory_space<vmem>>, vector<16xi32>,
    %add3A_508 = arith.constant 7 : i32
    %add3A_509 = vector.broadcast %add3A_508 : i32 to vector<16xi32>
    %add3A_510 = arith.addi %mul3A_458, %add3A_509 : vector<16xi32>
    %swap3A_511 = arith.constant 2960 : index
    %swap3A_512 = tpu.vector_load %arg11[%swap3A_511] {strides = array<i32>} : memref<4480xi32, #tpu.memory_space<vmem>>, vector<16xi32>,
    %swap3A_513 = vector.shape_cast %swap3A_512 : vector<16xi32> to vector<16xi32>
    %swap3A_514 = vector.shape_cast %add3A_510 : vector<16xi32> to vector<16xi32>
    tpu.vector_store %arg11[%swap3A_511], %swap3A_514 {strides = array<i32>} : memref<4480xi32, #tpu.memory_space<vmem>>, vector<16xi32>,
    %add3A_515 = arith.constant 8 : i32
    %add3A_516 = vector.broadcast %add3A_515 : i32 to vector<16xi32>
    %add3A_517 = arith.addi %mul3A_458, %add3A_516 : vector<16xi32>
    %swap3A_518 = arith.constant 3280 : index
    %swap3A_519 = tpu.vector_load %arg11[%swap3A_518] {strides = array<i32>} : memref<4480xi32, #tpu.memory_space<vmem>>, vector<16xi32>,
    %swap3A_520 = vector.shape_cast %swap3A_519 : vector<16xi32> to vector<16xi32>
    %swap3A_521 = vector.shape_cast %add3A_517 : vector<16xi32> to vector<16xi32>
    tpu.vector_store %arg11[%swap3A_518], %swap3A_521 {strides = array<i32>} : memref<4480xi32, #tpu.memory_space<vmem>>, vector<16xi32>,
    %add3A_522 = arith.constant 9 : i32
    %add3A_523 = vector.broadcast %add3A_522 : i32 to vector<16xi32>
    %add3A_524 = arith.addi %mul3A_458, %add3A_523 : vector<16xi32>
    %swap3A_525 = arith.constant 3600 : index
    %swap3A_526 = tpu.vector_load %arg11[%swap3A_525] {strides = array<i32>} : memref<4480xi32, #tpu.memory_space<vmem>>, vector<16xi32>,
    %swap3A_527 = vector.shape_cast %swap3A_526 : vector<16xi32> to vector<16xi32>
    %swap3A_528 = vector.shape_cast %add3A_524 : vector<16xi32> to vector<16xi32>
    tpu.vector_store %arg11[%swap3A_525], %swap3A_528 {strides = array<i32>} : memref<4480xi32, #tpu.memory_space<vmem>>, vector<16xi32>,
    %add3A_529 = arith.constant 10 : i32
    %add3A_530 = vector.broadcast %add3A_529 : i32 to vector<16xi32>
    %add3A_531 = arith.addi %mul3A_458, %add3A_530 : vector<16xi32>
    %swap3A_532 = arith.constant 3920 : index
    %swap3A_533 = tpu.vector_load %arg11[%swap3A_532] {strides = array<i32>} : memref<4480xi32, #tpu.memory_space<vmem>>, vector<16xi32>,
    %swap3A_534 = vector.shape_cast %swap3A_533 : vector<16xi32> to vector<16xi32>
    %swap3A_535 = vector.shape_cast %add3A_531 : vector<16xi32> to vector<16xi32>
    tpu.vector_store %arg11[%swap3A_532], %swap3A_535 {strides = array<i32>} : memref<4480xi32, #tpu.memory_space<vmem>>, vector<16xi32>,
    %add3A_536 = arith.constant 11 : i32
    %add3A_537 = vector.broadcast %add3A_536 : i32 to vector<16xi32>
    %add3A_538 = arith.addi %mul3A_458, %add3A_537 : vector<16xi32>
    %swap3A_539 = arith.constant 4240 : index
    %swap3A_540 = tpu.vector_load %arg11[%swap3A_539] {strides = array<i32>} : memref<4480xi32, #tpu.memory_space<vmem>>, vector<16xi32>,
    %swap3A_541 = vector.shape_cast %swap3A_540 : vector<16xi32> to vector<16xi32>
    %swap3A_542 = vector.shape_cast %add3A_538 : vector<16xi32> to vector<16xi32>
    tpu.vector_store %arg11[%swap3A_539], %swap3A_542 {strides = array<i32>} : memref<4480xi32, #tpu.memory_space<vmem>>, vector<16xi32>,
    %get3A_543 = arith.constant 96 : index
    %get3A_544 = tpu.vector_load %arg11[%get3A_543] {strides = array<i32>} : memref<4480xi32, #tpu.memory_space<vmem>>, vector<16xi32>,
    %get3A_545 = vector.shape_cast %get3A_544 : vector<16xi32> to vector<16xi32>
    %mul3A_546 = arith.constant 12 : i32
    %mul3A_547 = vector.broadcast %mul3A_546 : i32 to vector<16xi32>
    %mul3A_548 = arith.muli %get3A_545, %mul3A_547 : vector<16xi32>
    %add3A_549 = arith.constant 0 : i32
    %add3A_550 = vector.broadcast %add3A_549 : i32 to vector<16xi32>
    %add3A_551 = arith.addi %mul3A_548, %add3A_550 : vector<16xi32>
    %swap3A_552 = arith.constant 736 : index
    %swap3A_553 = tpu.vector_load %arg11[%swap3A_552] {strides = array<i32>} : memref<4480xi32, #tpu.memory_space<vmem>>, vector<16xi32>,
    %swap3A_554 = vector.shape_cast %swap3A_553 : vector<16xi32> to vector<16xi32>
    %swap3A_555 = vector.shape_cast %add3A_551 : vector<16xi32> to vector<16xi32>
    tpu.vector_store %arg11[%swap3A_552], %swap3A_555 {strides = array<i32>} : memref<4480xi32, #tpu.memory_space<vmem>>, vector<16xi32>,
    %add3A_556 = arith.constant 1 : i32
    %add3A_557 = vector.broadcast %add3A_556 : i32 to vector<16xi32>
    %add3A_558 = arith.addi %mul3A_548, %add3A_557 : vector<16xi32>
    %swap3A_559 = arith.constant 1056 : index
    %swap3A_560 = tpu.vector_load %arg11[%swap3A_559] {strides = array<i32>} : memref<4480xi32, #tpu.memory_space<vmem>>, vector<16xi32>,
    %swap3A_561 = vector.shape_cast %swap3A_560 : vector<16xi32> to vector<16xi32>
    %swap3A_562 = vector.shape_cast %add3A_558 : vector<16xi32> to vector<16xi32>
    tpu.vector_store %arg11[%swap3A_559], %swap3A_562 {strides = array<i32>} : memref<4480xi32, #tpu.memory_space<vmem>>, vector<16xi32>,
    %add3A_563 = arith.constant 2 : i32
    %add3A_564 = vector.broadcast %add3A_563 : i32 to vector<16xi32>
    %add3A_565 = arith.addi %mul3A_548, %add3A_564 : vector<16xi32>
    %swap3A_566 = arith.constant 1376 : index
    %swap3A_567 = tpu.vector_load %arg11[%swap3A_566] {strides = array<i32>} : memref<4480xi32, #tpu.memory_space<vmem>>, vector<16xi32>,
    %swap3A_568 = vector.shape_cast %swap3A_567 : vector<16xi32> to vector<16xi32>
    %swap3A_569 = vector.shape_cast %add3A_565 : vector<16xi32> to vector<16xi32>
    tpu.vector_store %arg11[%swap3A_566], %swap3A_569 {strides = array<i32>} : memref<4480xi32, #tpu.memory_space<vmem>>, vector<16xi32>,
    %add3A_570 = arith.constant 3 : i32
    %add3A_571 = vector.broadcast %add3A_570 : i32 to vector<16xi32>
    %add3A_572 = arith.addi %mul3A_548, %add3A_571 : vector<16xi32>
    %swap3A_573 = arith.constant 1696 : index
    %swap3A_574 = tpu.vector_load %arg11[%swap3A_573] {strides = array<i32>} : memref<4480xi32, #tpu.memory_space<vmem>>, vector<16xi32>,
    %swap3A_575 = vector.shape_cast %swap3A_574 : vector<16xi32> to vector<16xi32>
    %swap3A_576 = vector.shape_cast %add3A_572 : vector<16xi32> to vector<16xi32>
    tpu.vector_store %arg11[%swap3A_573], %swap3A_576 {strides = array<i32>} : memref<4480xi32, #tpu.memory_space<vmem>>, vector<16xi32>,
    %add3A_577 = arith.constant 4 : i32
    %add3A_578 = vector.broadcast %add3A_577 : i32 to vector<16xi32>
    %add3A_579 = arith.addi %mul3A_548, %add3A_578 : vector<16xi32>
    %swap3A_580 = arith.constant 2016 : index
    %swap3A_581 = tpu.vector_load %arg11[%swap3A_580] {strides = array<i32>} : memref<4480xi32, #tpu.memory_space<vmem>>, vector<16xi32>,
    %swap3A_582 = vector.shape_cast %swap3A_581 : vector<16xi32> to vector<16xi32>
    %swap3A_583 = vector.shape_cast %add3A_579 : vector<16xi32> to vector<16xi32>
    tpu.vector_store %arg11[%swap3A_580], %swap3A_583 {strides = array<i32>} : memref<4480xi32, #tpu.memory_space<vmem>>, vector<16xi32>,
    %add3A_584 = arith.constant 5 : i32
    %add3A_585 = vector.broadcast %add3A_584 : i32 to vector<16xi32>
    %add3A_586 = arith.addi %mul3A_548, %add3A_585 : vector<16xi32>
    %swap3A_587 = arith.constant 2336 : index
    %swap3A_588 = tpu.vector_load %arg11[%swap3A_587] {strides = array<i32>} : memref<4480xi32, #tpu.memory_space<vmem>>, vector<16xi32>,
    %swap3A_589 = vector.shape_cast %swap3A_588 : vector<16xi32> to vector<16xi32>
    %swap3A_590 = vector.shape_cast %add3A_586 : vector<16xi32> to vector<16xi32>
    tpu.vector_store %arg11[%swap3A_587], %swap3A_590 {strides = array<i32>} : memref<4480xi32, #tpu.memory_space<vmem>>, vector<16xi32>,
    %add3A_591 = arith.constant 6 : i32
    %add3A_592 = vector.broadcast %add3A_591 : i32 to vector<16xi32>
    %add3A_593 = arith.addi %mul3A_548, %add3A_592 : vector<16xi32>
    %swap3A_594 = arith.constant 2656 : index
    %swap3A_595 = tpu.vector_load %arg11[%swap3A_594] {strides = array<i32>} : memref<4480xi32, #tpu.memory_space<vmem>>, vector<16xi32>,
    %swap3A_596 = vector.shape_cast %swap3A_595 : vector<16xi32> to vector<16xi32>
    %swap3A_597 = vector.shape_cast %add3A_593 : vector<16xi32> to vector<16xi32>
    tpu.vector_store %arg11[%swap3A_594], %swap3A_597 {strides = array<i32>} : memref<4480xi32, #tpu.memory_space<vmem>>, vector<16xi32>,
    %add3A_598 = arith.constant 7 : i32
    %add3A_599 = vector.broadcast %add3A_598 : i32 to vector<16xi32>
    %add3A_600 = arith.addi %mul3A_548, %add3A_599 : vector<16xi32>
    %swap3A_601 = arith.constant 2976 : index
    %swap3A_602 = tpu.vector_load %arg11[%swap3A_601] {strides = array<i32>} : memref<4480xi32, #tpu.memory_space<vmem>>, vector<16xi32>,
    %swap3A_603 = vector.shape_cast %swap3A_602 : vector<16xi32> to vector<16xi32>
    %swap3A_604 = vector.shape_cast %add3A_600 : vector<16xi32> to vector<16xi32>
    tpu.vector_store %arg11[%swap3A_601], %swap3A_604 {strides = array<i32>} : memref<4480xi32, #tpu.memory_space<vmem>>, vector<16xi32>,
    %add3A_605 = arith.constant 8 : i32
    %add3A_606 = vector.broadcast %add3A_605 : i32 to vector<16xi32>
    %add3A_607 = arith.addi %mul3A_548, %add3A_606 : vector<16xi32>
    %swap3A_608 = arith.constant 3296 : index
    %swap3A_609 = tpu.vector_load %arg11[%swap3A_608] {strides = array<i32>} : memref<4480xi32, #tpu.memory_space<vmem>>, vector<16xi32>,
    %swap3A_610 = vector.shape_cast %swap3A_609 : vector<16xi32> to vector<16xi32>
    %swap3A_611 = vector.shape_cast %add3A_607 : vector<16xi32> to vector<16xi32>
    tpu.vector_store %arg11[%swap3A_608], %swap3A_611 {strides = array<i32>} : memref<4480xi32, #tpu.memory_space<vmem>>, vector<16xi32>,
    %add3A_612 = arith.constant 9 : i32
    %add3A_613 = vector.broadcast %add3A_612 : i32 to vector<16xi32>
    %add3A_614 = arith.addi %mul3A_548, %add3A_613 : vector<16xi32>
    %swap3A_615 = arith.constant 3616 : index
    %swap3A_616 = tpu.vector_load %arg11[%swap3A_615] {strides = array<i32>} : memref<4480xi32, #tpu.memory_space<vmem>>, vector<16xi32>,
    %swap3A_617 = vector.shape_cast %swap3A_616 : vector<16xi32> to vector<16xi32>
    %swap3A_618 = vector.shape_cast %add3A_614 : vector<16xi32> to vector<16xi32>
    tpu.vector_store %arg11[%swap3A_615], %swap3A_618 {strides = array<i32>} : memref<4480xi32, #tpu.memory_space<vmem>>, vector<16xi32>,
    %add3A_619 = arith.constant 10 : i32
    %add3A_620 = vector.broadcast %add3A_619 : i32 to vector<16xi32>
    %add3A_621 = arith.addi %mul3A_548, %add3A_620 : vector<16xi32>
    %swap3A_622 = arith.constant 3936 : index
    %swap3A_623 = tpu.vector_load %arg11[%swap3A_622] {strides = array<i32>} : memref<4480xi32, #tpu.memory_space<vmem>>, vector<16xi32>,
    %swap3A_624 = vector.shape_cast %swap3A_623 : vector<16xi32> to vector<16xi32>
    %swap3A_625 = vector.shape_cast %add3A_621 : vector<16xi32> to vector<16xi32>
    tpu.vector_store %arg11[%swap3A_622], %swap3A_625 {strides = array<i32>} : memref<4480xi32, #tpu.memory_space<vmem>>, vector<16xi32>,
    %add3A_626 = arith.constant 11 : i32
    %add3A_627 = vector.broadcast %add3A_626 : i32 to vector<16xi32>
    %add3A_628 = arith.addi %mul3A_548, %add3A_627 : vector<16xi32>
    %swap3A_629 = arith.constant 4256 : index
    %swap3A_630 = tpu.vector_load %arg11[%swap3A_629] {strides = array<i32>} : memref<4480xi32, #tpu.memory_space<vmem>>, vector<16xi32>,
    %swap3A_631 = vector.shape_cast %swap3A_630 : vector<16xi32> to vector<16xi32>
    %swap3A_632 = vector.shape_cast %add3A_628 : vector<16xi32> to vector<16xi32>
    tpu.vector_store %arg11[%swap3A_629], %swap3A_632 {strides = array<i32>} : memref<4480xi32, #tpu.memory_space<vmem>>, vector<16xi32>,
    %get3A_633 = arith.constant 112 : index
    %get3A_634 = tpu.vector_load %arg11[%get3A_633] {strides = array<i32>} : memref<4480xi32, #tpu.memory_space<vmem>>, vector<16xi32>,
    %get3A_635 = vector.shape_cast %get3A_634 : vector<16xi32> to vector<16xi32>
    %mul3A_636 = arith.constant 12 : i32
    %mul3A_637 = vector.broadcast %mul3A_636 : i32 to vector<16xi32>
    %mul3A_638 = arith.muli %get3A_635, %mul3A_637 : vector<16xi32>
    %add3A_639 = arith.constant 0 : i32
    %add3A_640 = vector.broadcast %add3A_639 : i32 to vector<16xi32>
    %add3A_641 = arith.addi %mul3A_638, %add3A_640 : vector<16xi32>
    %swap3A_642 = arith.constant 752 : index
    %swap3A_643 = tpu.vector_load %arg11[%swap3A_642] {strides = array<i32>} : memref<4480xi32, #tpu.memory_space<vmem>>, vector<16xi32>,
    %swap3A_644 = vector.shape_cast %swap3A_643 : vector<16xi32> to vector<16xi32>
    %swap3A_645 = vector.shape_cast %add3A_641 : vector<16xi32> to vector<16xi32>
    tpu.vector_store %arg11[%swap3A_642], %swap3A_645 {strides = array<i32>} : memref<4480xi32, #tpu.memory_space<vmem>>, vector<16xi32>,
    %add3A_646 = arith.constant 1 : i32
    %add3A_647 = vector.broadcast %add3A_646 : i32 to vector<16xi32>
    %add3A_648 = arith.addi %mul3A_638, %add3A_647 : vector<16xi32>
    %swap3A_649 = arith.constant 1072 : index
    %swap3A_650 = tpu.vector_load %arg11[%swap3A_649] {strides = array<i32>} : memref<4480xi32, #tpu.memory_space<vmem>>, vector<16xi32>,
    %swap3A_651 = vector.shape_cast %swap3A_650 : vector<16xi32> to vector<16xi32>
    %swap3A_652 = vector.shape_cast %add3A_648 : vector<16xi32> to vector<16xi32>
    tpu.vector_store %arg11[%swap3A_649], %swap3A_652 {strides = array<i32>} : memref<4480xi32, #tpu.memory_space<vmem>>, vector<16xi32>,
    %add3A_653 = arith.constant 2 : i32
    %add3A_654 = vector.broadcast %add3A_653 : i32 to vector<16xi32>
    %add3A_655 = arith.addi %mul3A_638, %add3A_654 : vector<16xi32>
    %swap3A_656 = arith.constant 1392 : index
    %swap3A_657 = tpu.vector_load %arg11[%swap3A_656] {strides = array<i32>} : memref<4480xi32, #tpu.memory_space<vmem>>, vector<16xi32>,
    %swap3A_658 = vector.shape_cast %swap3A_657 : vector<16xi32> to vector<16xi32>
    %swap3A_659 = vector.shape_cast %add3A_655 : vector<16xi32> to vector<16xi32>
    tpu.vector_store %arg11[%swap3A_656], %swap3A_659 {strides = array<i32>} : memref<4480xi32, #tpu.memory_space<vmem>>, vector<16xi32>,
    %add3A_660 = arith.constant 3 : i32
    %add3A_661 = vector.broadcast %add3A_660 : i32 to vector<16xi32>
    %add3A_662 = arith.addi %mul3A_638, %add3A_661 : vector<16xi32>
    %swap3A_663 = arith.constant 1712 : index
    %swap3A_664 = tpu.vector_load %arg11[%swap3A_663] {strides = array<i32>} : memref<4480xi32, #tpu.memory_space<vmem>>, vector<16xi32>,
    %swap3A_665 = vector.shape_cast %swap3A_664 : vector<16xi32> to vector<16xi32>
    %swap3A_666 = vector.shape_cast %add3A_662 : vector<16xi32> to vector<16xi32>
    tpu.vector_store %arg11[%swap3A_663], %swap3A_666 {strides = array<i32>} : memref<4480xi32, #tpu.memory_space<vmem>>, vector<16xi32>,
    %add3A_667 = arith.constant 4 : i32
    %add3A_668 = vector.broadcast %add3A_667 : i32 to vector<16xi32>
    %add3A_669 = arith.addi %mul3A_638, %add3A_668 : vector<16xi32>
    %swap3A_670 = arith.constant 2032 : index
    %swap3A_671 = tpu.vector_load %arg11[%swap3A_670] {strides = array<i32>} : memref<4480xi32, #tpu.memory_space<vmem>>, vector<16xi32>,
    %swap3A_672 = vector.shape_cast %swap3A_671 : vector<16xi32> to vector<16xi32>
    %swap3A_673 = vector.shape_cast %add3A_669 : vector<16xi32> to vector<16xi32>
    tpu.vector_store %arg11[%swap3A_670], %swap3A_673 {strides = array<i32>} : memref<4480xi32, #tpu.memory_space<vmem>>, vector<16xi32>,
    %add3A_674 = arith.constant 5 : i32
    %add3A_675 = vector.broadcast %add3A_674 : i32 to vector<16xi32>
    %add3A_676 = arith.addi %mul3A_638, %add3A_675 : vector<16xi32>
    %swap3A_677 = arith.constant 2352 : index
    %swap3A_678 = tpu.vector_load %arg11[%swap3A_677] {strides = array<i32>} : memref<4480xi32, #tpu.memory_space<vmem>>, vector<16xi32>,
    %swap3A_679 = vector.shape_cast %swap3A_678 : vector<16xi32> to vector<16xi32>
    %swap3A_680 = vector.shape_cast %add3A_676 : vector<16xi32> to vector<16xi32>
    tpu.vector_store %arg11[%swap3A_677], %swap3A_680 {strides = array<i32>} : memref<4480xi32, #tpu.memory_space<vmem>>, vector<16xi32>,
    %add3A_681 = arith.constant 6 : i32
    %add3A_682 = vector.broadcast %add3A_681 : i32 to vector<16xi32>
    %add3A_683 = arith.addi %mul3A_638, %add3A_682 : vector<16xi32>
    %swap3A_684 = arith.constant 2672 : index
    %swap3A_685 = tpu.vector_load %arg11[%swap3A_684] {strides = array<i32>} : memref<4480xi32, #tpu.memory_space<vmem>>, vector<16xi32>,
    %swap3A_686 = vector.shape_cast %swap3A_685 : vector<16xi32> to vector<16xi32>
    %swap3A_687 = vector.shape_cast %add3A_683 : vector<16xi32> to vector<16xi32>
    tpu.vector_store %arg11[%swap3A_684], %swap3A_687 {strides = array<i32>} : memref<4480xi32, #tpu.memory_space<vmem>>, vector<16xi32>,
    %add3A_688 = arith.constant 7 : i32
    %add3A_689 = vector.broadcast %add3A_688 : i32 to vector<16xi32>
    %add3A_690 = arith.addi %mul3A_638, %add3A_689 : vector<16xi32>
    %swap3A_691 = arith.constant 2992 : index
    %swap3A_692 = tpu.vector_load %arg11[%swap3A_691] {strides = array<i32>} : memref<4480xi32, #tpu.memory_space<vmem>>, vector<16xi32>,
    %swap3A_693 = vector.shape_cast %swap3A_692 : vector<16xi32> to vector<16xi32>
    %swap3A_694 = vector.shape_cast %add3A_690 : vector<16xi32> to vector<16xi32>
    tpu.vector_store %arg11[%swap3A_691], %swap3A_694 {strides = array<i32>} : memref<4480xi32, #tpu.memory_space<vmem>>, vector<16xi32>,
    %add3A_695 = arith.constant 8 : i32
    %add3A_696 = vector.broadcast %add3A_695 : i32 to vector<16xi32>
    %add3A_697 = arith.addi %mul3A_638, %add3A_696 : vector<16xi32>
    %swap3A_698 = arith.constant 3312 : index
    %swap3A_699 = tpu.vector_load %arg11[%swap3A_698] {strides = array<i32>} : memref<4480xi32, #tpu.memory_space<vmem>>, vector<16xi32>,
    %swap3A_700 = vector.shape_cast %swap3A_699 : vector<16xi32> to vector<16xi32>
    %swap3A_701 = vector.shape_cast %add3A_697 : vector<16xi32> to vector<16xi32>
    tpu.vector_store %arg11[%swap3A_698], %swap3A_701 {strides = array<i32>} : memref<4480xi32, #tpu.memory_space<vmem>>, vector<16xi32>,
    %add3A_702 = arith.constant 9 : i32
    %add3A_703 = vector.broadcast %add3A_702 : i32 to vector<16xi32>
    %add3A_704 = arith.addi %mul3A_638, %add3A_703 : vector<16xi32>
    %swap3A_705 = arith.constant 3632 : index
    %swap3A_706 = tpu.vector_load %arg11[%swap3A_705] {strides = array<i32>} : memref<4480xi32, #tpu.memory_space<vmem>>, vector<16xi32>,
    %swap3A_707 = vector.shape_cast %swap3A_706 : vector<16xi32> to vector<16xi32>
    %swap3A_708 = vector.shape_cast %add3A_704 : vector<16xi32> to vector<16xi32>
    tpu.vector_store %arg11[%swap3A_705], %swap3A_708 {strides = array<i32>} : memref<4480xi32, #tpu.memory_space<vmem>>, vector<16xi32>,
    %add3A_709 = arith.constant 10 : i32
    %add3A_710 = vector.broadcast %add3A_709 : i32 to vector<16xi32>
    %add3A_711 = arith.addi %mul3A_638, %add3A_710 : vector<16xi32>
    %swap3A_712 = arith.constant 3952 : index
    %swap3A_713 = tpu.vector_load %arg11[%swap3A_712] {strides = array<i32>} : memref<4480xi32, #tpu.memory_space<vmem>>, vector<16xi32>,
    %swap3A_714 = vector.shape_cast %swap3A_713 : vector<16xi32> to vector<16xi32>
    %swap3A_715 = vector.shape_cast %add3A_711 : vector<16xi32> to vector<16xi32>
    tpu.vector_store %arg11[%swap3A_712], %swap3A_715 {strides = array<i32>} : memref<4480xi32, #tpu.memory_space<vmem>>, vector<16xi32>,
    %add3A_716 = arith.constant 11 : i32
    %add3A_717 = vector.broadcast %add3A_716 : i32 to vector<16xi32>
    %add3A_718 = arith.addi %mul3A_638, %add3A_717 : vector<16xi32>
    %swap3A_719 = arith.constant 4272 : index
    %swap3A_720 = tpu.vector_load %arg11[%swap3A_719] {strides = array<i32>} : memref<4480xi32, #tpu.memory_space<vmem>>, vector<16xi32>,
    %swap3A_721 = vector.shape_cast %swap3A_720 : vector<16xi32> to vector<16xi32>
    %swap3A_722 = vector.shape_cast %add3A_718 : vector<16xi32> to vector<16xi32>
    tpu.vector_store %arg11[%swap3A_719], %swap3A_722 {strides = array<i32>} : memref<4480xi32, #tpu.memory_space<vmem>>, vector<16xi32>,
    %get3A_723 = arith.constant 128 : index
    %get3A_724 = tpu.vector_load %arg11[%get3A_723] {strides = array<i32>} : memref<4480xi32, #tpu.memory_space<vmem>>, vector<16xi32>,
    %get3A_725 = vector.shape_cast %get3A_724 : vector<16xi32> to vector<16xi32>
    %mul3A_726 = arith.constant 12 : i32
    %mul3A_727 = vector.broadcast %mul3A_726 : i32 to vector<16xi32>
    %mul3A_728 = arith.muli %get3A_725, %mul3A_727 : vector<16xi32>
    %add3A_729 = arith.constant 0 : i32
    %add3A_730 = vector.broadcast %add3A_729 : i32 to vector<16xi32>
    %add3A_731 = arith.addi %mul3A_728, %add3A_730 : vector<16xi32>
    %swap3A_732 = arith.constant 768 : index
    %swap3A_733 = tpu.vector_load %arg11[%swap3A_732] {strides = array<i32>} : memref<4480xi32, #tpu.memory_space<vmem>>, vector<16xi32>,
    %swap3A_734 = vector.shape_cast %swap3A_733 : vector<16xi32> to vector<16xi32>
    %swap3A_735 = vector.shape_cast %add3A_731 : vector<16xi32> to vector<16xi32>
    tpu.vector_store %arg11[%swap3A_732], %swap3A_735 {strides = array<i32>} : memref<4480xi32, #tpu.memory_space<vmem>>, vector<16xi32>,
    %add3A_736 = arith.constant 1 : i32
    %add3A_737 = vector.broadcast %add3A_736 : i32 to vector<16xi32>
    %add3A_738 = arith.addi %mul3A_728, %add3A_737 : vector<16xi32>
    %swap3A_739 = arith.constant 1088 : index
    %swap3A_740 = tpu.vector_load %arg11[%swap3A_739] {strides = array<i32>} : memref<4480xi32, #tpu.memory_space<vmem>>, vector<16xi32>,
    %swap3A_741 = vector.shape_cast %swap3A_740 : vector<16xi32> to vector<16xi32>
    %swap3A_742 = vector.shape_cast %add3A_738 : vector<16xi32> to vector<16xi32>
    tpu.vector_store %arg11[%swap3A_739], %swap3A_742 {strides = array<i32>} : memref<4480xi32, #tpu.memory_space<vmem>>, vector<16xi32>,
    %add3A_743 = arith.constant 2 : i32
    %add3A_744 = vector.broadcast %add3A_743 : i32 to vector<16xi32>
    %add3A_745 = arith.addi %mul3A_728, %add3A_744 : vector<16xi32>
    %swap3A_746 = arith.constant 1408 : index
    %swap3A_747 = tpu.vector_load %arg11[%swap3A_746] {strides = array<i32>} : memref<4480xi32, #tpu.memory_space<vmem>>, vector<16xi32>,
    %swap3A_748 = vector.shape_cast %swap3A_747 : vector<16xi32> to vector<16xi32>
    %swap3A_749 = vector.shape_cast %add3A_745 : vector<16xi32> to vector<16xi32>
    tpu.vector_store %arg11[%swap3A_746], %swap3A_749 {strides = array<i32>} : memref<4480xi32, #tpu.memory_space<vmem>>, vector<16xi32>,
    %add3A_750 = arith.constant 3 : i32
    %add3A_751 = vector.broadcast %add3A_750 : i32 to vector<16xi32>
    %add3A_752 = arith.addi %mul3A_728, %add3A_751 : vector<16xi32>
    %swap3A_753 = arith.constant 1728 : index
    %swap3A_754 = tpu.vector_load %arg11[%swap3A_753] {strides = array<i32>} : memref<4480xi32, #tpu.memory_space<vmem>>, vector<16xi32>,
    %swap3A_755 = vector.shape_cast %swap3A_754 : vector<16xi32> to vector<16xi32>
    %swap3A_756 = vector.shape_cast %add3A_752 : vector<16xi32> to vector<16xi32>
    tpu.vector_store %arg11[%swap3A_753], %swap3A_756 {strides = array<i32>} : memref<4480xi32, #tpu.memory_space<vmem>>, vector<16xi32>,
    %add3A_757 = arith.constant 4 : i32
    %add3A_758 = vector.broadcast %add3A_757 : i32 to vector<16xi32>
    %add3A_759 = arith.addi %mul3A_728, %add3A_758 : vector<16xi32>
    %swap3A_760 = arith.constant 2048 : index
    %swap3A_761 = tpu.vector_load %arg11[%swap3A_760] {strides = array<i32>} : memref<4480xi32, #tpu.memory_space<vmem>>, vector<16xi32>,
    %swap3A_762 = vector.shape_cast %swap3A_761 : vector<16xi32> to vector<16xi32>
    %swap3A_763 = vector.shape_cast %add3A_759 : vector<16xi32> to vector<16xi32>
    tpu.vector_store %arg11[%swap3A_760], %swap3A_763 {strides = array<i32>} : memref<4480xi32, #tpu.memory_space<vmem>>, vector<16xi32>,
    %add3A_764 = arith.constant 5 : i32
    %add3A_765 = vector.broadcast %add3A_764 : i32 to vector<16xi32>
    %add3A_766 = arith.addi %mul3A_728, %add3A_765 : vector<16xi32>
    %swap3A_767 = arith.constant 2368 : index
    %swap3A_768 = tpu.vector_load %arg11[%swap3A_767] {strides = array<i32>} : memref<4480xi32, #tpu.memory_space<vmem>>, vector<16xi32>,
    %swap3A_769 = vector.shape_cast %swap3A_768 : vector<16xi32> to vector<16xi32>
    %swap3A_770 = vector.shape_cast %add3A_766 : vector<16xi32> to vector<16xi32>
    tpu.vector_store %arg11[%swap3A_767], %swap3A_770 {strides = array<i32>} : memref<4480xi32, #tpu.memory_space<vmem>>, vector<16xi32>,
    %add3A_771 = arith.constant 6 : i32
    %add3A_772 = vector.broadcast %add3A_771 : i32 to vector<16xi32>
    %add3A_773 = arith.addi %mul3A_728, %add3A_772 : vector<16xi32>
    %swap3A_774 = arith.constant 2688 : index
    %swap3A_775 = tpu.vector_load %arg11[%swap3A_774] {strides = array<i32>} : memref<4480xi32, #tpu.memory_space<vmem>>, vector<16xi32>,
    %swap3A_776 = vector.shape_cast %swap3A_775 : vector<16xi32> to vector<16xi32>
    %swap3A_777 = vector.shape_cast %add3A_773 : vector<16xi32> to vector<16xi32>
    tpu.vector_store %arg11[%swap3A_774], %swap3A_777 {strides = array<i32>} : memref<4480xi32, #tpu.memory_space<vmem>>, vector<16xi32>,
    %add3A_778 = arith.constant 7 : i32
    %add3A_779 = vector.broadcast %add3A_778 : i32 to vector<16xi32>
    %add3A_780 = arith.addi %mul3A_728, %add3A_779 : vector<16xi32>
    %swap3A_781 = arith.constant 3008 : index
    %swap3A_782 = tpu.vector_load %arg11[%swap3A_781] {strides = array<i32>} : memref<4480xi32, #tpu.memory_space<vmem>>, vector<16xi32>,
    %swap3A_783 = vector.shape_cast %swap3A_782 : vector<16xi32> to vector<16xi32>
    %swap3A_784 = vector.shape_cast %add3A_780 : vector<16xi32> to vector<16xi32>
    tpu.vector_store %arg11[%swap3A_781], %swap3A_784 {strides = array<i32>} : memref<4480xi32, #tpu.memory_space<vmem>>, vector<16xi32>,
    %add3A_785 = arith.constant 8 : i32
    %add3A_786 = vector.broadcast %add3A_785 : i32 to vector<16xi32>
    %add3A_787 = arith.addi %mul3A_728, %add3A_786 : vector<16xi32>
    %swap3A_788 = arith.constant 3328 : index
    %swap3A_789 = tpu.vector_load %arg11[%swap3A_788] {strides = array<i32>} : memref<4480xi32, #tpu.memory_space<vmem>>, vector<16xi32>,
    %swap3A_790 = vector.shape_cast %swap3A_789 : vector<16xi32> to vector<16xi32>
    %swap3A_791 = vector.shape_cast %add3A_787 : vector<16xi32> to vector<16xi32>
    tpu.vector_store %arg11[%swap3A_788], %swap3A_791 {strides = array<i32>} : memref<4480xi32, #tpu.memory_space<vmem>>, vector<16xi32>,
    %add3A_792 = arith.constant 9 : i32
    %add3A_793 = vector.broadcast %add3A_792 : i32 to vector<16xi32>
    %add3A_794 = arith.addi %mul3A_728, %add3A_793 : vector<16xi32>
    %swap3A_795 = arith.constant 3648 : index
    %swap3A_796 = tpu.vector_load %arg11[%swap3A_795] {strides = array<i32>} : memref<4480xi32, #tpu.memory_space<vmem>>, vector<16xi32>,
    %swap3A_797 = vector.shape_cast %swap3A_796 : vector<16xi32> to vector<16xi32>
    %swap3A_798 = vector.shape_cast %add3A_794 : vector<16xi32> to vector<16xi32>
    tpu.vector_store %arg11[%swap3A_795], %swap3A_798 {strides = array<i32>} : memref<4480xi32, #tpu.memory_space<vmem>>, vector<16xi32>,
    %add3A_799 = arith.constant 10 : i32
    %add3A_800 = vector.broadcast %add3A_799 : i32 to vector<16xi32>
    %add3A_801 = arith.addi %mul3A_728, %add3A_800 : vector<16xi32>
    %swap3A_802 = arith.constant 3968 : index
    %swap3A_803 = tpu.vector_load %arg11[%swap3A_802] {strides = array<i32>} : memref<4480xi32, #tpu.memory_space<vmem>>, vector<16xi32>,
    %swap3A_804 = vector.shape_cast %swap3A_803 : vector<16xi32> to vector<16xi32>
    %swap3A_805 = vector.shape_cast %add3A_801 : vector<16xi32> to vector<16xi32>
    tpu.vector_store %arg11[%swap3A_802], %swap3A_805 {strides = array<i32>} : memref<4480xi32, #tpu.memory_space<vmem>>, vector<16xi32>,
    %add3A_806 = arith.constant 11 : i32
    %add3A_807 = vector.broadcast %add3A_806 : i32 to vector<16xi32>
    %add3A_808 = arith.addi %mul3A_728, %add3A_807 : vector<16xi32>
    %swap3A_809 = arith.constant 4288 : index
    %swap3A_810 = tpu.vector_load %arg11[%swap3A_809] {strides = array<i32>} : memref<4480xi32, #tpu.memory_space<vmem>>, vector<16xi32>,
    %swap3A_811 = vector.shape_cast %swap3A_810 : vector<16xi32> to vector<16xi32>
    %swap3A_812 = vector.shape_cast %add3A_808 : vector<16xi32> to vector<16xi32>
    tpu.vector_store %arg11[%swap3A_809], %swap3A_812 {strides = array<i32>} : memref<4480xi32, #tpu.memory_space<vmem>>, vector<16xi32>,
    %get3A_813 = arith.constant 144 : index
    %get3A_814 = tpu.vector_load %arg11[%get3A_813] {strides = array<i32>} : memref<4480xi32, #tpu.memory_space<vmem>>, vector<16xi32>,
    %get3A_815 = vector.shape_cast %get3A_814 : vector<16xi32> to vector<16xi32>
    %mul3A_816 = arith.constant 12 : i32
    %mul3A_817 = vector.broadcast %mul3A_816 : i32 to vector<16xi32>
    %mul3A_818 = arith.muli %get3A_815, %mul3A_817 : vector<16xi32>
    %add3A_819 = arith.constant 0 : i32
    %add3A_820 = vector.broadcast %add3A_819 : i32 to vector<16xi32>
    %add3A_821 = arith.addi %mul3A_818, %add3A_820 : vector<16xi32>
    %swap3A_822 = arith.constant 784 : index
    %swap3A_823 = tpu.vector_load %arg11[%swap3A_822] {strides = array<i32>} : memref<4480xi32, #tpu.memory_space<vmem>>, vector<16xi32>,
    %swap3A_824 = vector.shape_cast %swap3A_823 : vector<16xi32> to vector<16xi32>
    %swap3A_825 = vector.shape_cast %add3A_821 : vector<16xi32> to vector<16xi32>
    tpu.vector_store %arg11[%swap3A_822], %swap3A_825 {strides = array<i32>} : memref<4480xi32, #tpu.memory_space<vmem>>, vector<16xi32>,
    %add3A_826 = arith.constant 1 : i32
    %add3A_827 = vector.broadcast %add3A_826 : i32 to vector<16xi32>
    %add3A_828 = arith.addi %mul3A_818, %add3A_827 : vector<16xi32>
    %swap3A_829 = arith.constant 1104 : index
    %swap3A_830 = tpu.vector_load %arg11[%swap3A_829] {strides = array<i32>} : memref<4480xi32, #tpu.memory_space<vmem>>, vector<16xi32>,
    %swap3A_831 = vector.shape_cast %swap3A_830 : vector<16xi32> to vector<16xi32>
    %swap3A_832 = vector.shape_cast %add3A_828 : vector<16xi32> to vector<16xi32>
    tpu.vector_store %arg11[%swap3A_829], %swap3A_832 {strides = array<i32>} : memref<4480xi32, #tpu.memory_space<vmem>>, vector<16xi32>,
    %add3A_833 = arith.constant 2 : i32
    %add3A_834 = vector.broadcast %add3A_833 : i32 to vector<16xi32>
    %add3A_835 = arith.addi %mul3A_818, %add3A_834 : vector<16xi32>
    %swap3A_836 = arith.constant 1424 : index
    %swap3A_837 = tpu.vector_load %arg11[%swap3A_836] {strides = array<i32>} : memref<4480xi32, #tpu.memory_space<vmem>>, vector<16xi32>,
    %swap3A_838 = vector.shape_cast %swap3A_837 : vector<16xi32> to vector<16xi32>
    %swap3A_839 = vector.shape_cast %add3A_835 : vector<16xi32> to vector<16xi32>
    tpu.vector_store %arg11[%swap3A_836], %swap3A_839 {strides = array<i32>} : memref<4480xi32, #tpu.memory_space<vmem>>, vector<16xi32>,
    %add3A_840 = arith.constant 3 : i32
    %add3A_841 = vector.broadcast %add3A_840 : i32 to vector<16xi32>
    %add3A_842 = arith.addi %mul3A_818, %add3A_841 : vector<16xi32>
    %swap3A_843 = arith.constant 1744 : index
    %swap3A_844 = tpu.vector_load %arg11[%swap3A_843] {strides = array<i32>} : memref<4480xi32, #tpu.memory_space<vmem>>, vector<16xi32>,
    %swap3A_845 = vector.shape_cast %swap3A_844 : vector<16xi32> to vector<16xi32>
    %swap3A_846 = vector.shape_cast %add3A_842 : vector<16xi32> to vector<16xi32>
    tpu.vector_store %arg11[%swap3A_843], %swap3A_846 {strides = array<i32>} : memref<4480xi32, #tpu.memory_space<vmem>>, vector<16xi32>,
    %add3A_847 = arith.constant 4 : i32
    %add3A_848 = vector.broadcast %add3A_847 : i32 to vector<16xi32>
    %add3A_849 = arith.addi %mul3A_818, %add3A_848 : vector<16xi32>
    %swap3A_850 = arith.constant 2064 : index
    %swap3A_851 = tpu.vector_load %arg11[%swap3A_850] {strides = array<i32>} : memref<4480xi32, #tpu.memory_space<vmem>>, vector<16xi32>,
    %swap3A_852 = vector.shape_cast %swap3A_851 : vector<16xi32> to vector<16xi32>
    %swap3A_853 = vector.shape_cast %add3A_849 : vector<16xi32> to vector<16xi32>
    tpu.vector_store %arg11[%swap3A_850], %swap3A_853 {strides = array<i32>} : memref<4480xi32, #tpu.memory_space<vmem>>, vector<16xi32>,
    %add3A_854 = arith.constant 5 : i32
    %add3A_855 = vector.broadcast %add3A_854 : i32 to vector<16xi32>
    %add3A_856 = arith.addi %mul3A_818, %add3A_855 : vector<16xi32>
    %swap3A_857 = arith.constant 2384 : index
    %swap3A_858 = tpu.vector_load %arg11[%swap3A_857] {strides = array<i32>} : memref<4480xi32, #tpu.memory_space<vmem>>, vector<16xi32>,
    %swap3A_859 = vector.shape_cast %swap3A_858 : vector<16xi32> to vector<16xi32>
    %swap3A_860 = vector.shape_cast %add3A_856 : vector<16xi32> to vector<16xi32>
    tpu.vector_store %arg11[%swap3A_857], %swap3A_860 {strides = array<i32>} : memref<4480xi32, #tpu.memory_space<vmem>>, vector<16xi32>,
    %add3A_861 = arith.constant 6 : i32
    %add3A_862 = vector.broadcast %add3A_861 : i32 to vector<16xi32>
    %add3A_863 = arith.addi %mul3A_818, %add3A_862 : vector<16xi32>
    %swap3A_864 = arith.constant 2704 : index
    %swap3A_865 = tpu.vector_load %arg11[%swap3A_864] {strides = array<i32>} : memref<4480xi32, #tpu.memory_space<vmem>>, vector<16xi32>,
    %swap3A_866 = vector.shape_cast %swap3A_865 : vector<16xi32> to vector<16xi32>
    %swap3A_867 = vector.shape_cast %add3A_863 : vector<16xi32> to vector<16xi32>
    tpu.vector_store %arg11[%swap3A_864], %swap3A_867 {strides = array<i32>} : memref<4480xi32, #tpu.memory_space<vmem>>, vector<16xi32>,
    %add3A_868 = arith.constant 7 : i32
    %add3A_869 = vector.broadcast %add3A_868 : i32 to vector<16xi32>
    %add3A_870 = arith.addi %mul3A_818, %add3A_869 : vector<16xi32>
    %swap3A_871 = arith.constant 3024 : index
    %swap3A_872 = tpu.vector_load %arg11[%swap3A_871] {strides = array<i32>} : memref<4480xi32, #tpu.memory_space<vmem>>, vector<16xi32>,
    %swap3A_873 = vector.shape_cast %swap3A_872 : vector<16xi32> to vector<16xi32>
    %swap3A_874 = vector.shape_cast %add3A_870 : vector<16xi32> to vector<16xi32>
    tpu.vector_store %arg11[%swap3A_871], %swap3A_874 {strides = array<i32>} : memref<4480xi32, #tpu.memory_space<vmem>>, vector<16xi32>,
    %add3A_875 = arith.constant 8 : i32
    %add3A_876 = vector.broadcast %add3A_875 : i32 to vector<16xi32>
    %add3A_877 = arith.addi %mul3A_818, %add3A_876 : vector<16xi32>
    %swap3A_878 = arith.constant 3344 : index
    %swap3A_879 = tpu.vector_load %arg11[%swap3A_878] {strides = array<i32>} : memref<4480xi32, #tpu.memory_space<vmem>>, vector<16xi32>,
    %swap3A_880 = vector.shape_cast %swap3A_879 : vector<16xi32> to vector<16xi32>
    %swap3A_881 = vector.shape_cast %add3A_877 : vector<16xi32> to vector<16xi32>
    tpu.vector_store %arg11[%swap3A_878], %swap3A_881 {strides = array<i32>} : memref<4480xi32, #tpu.memory_space<vmem>>, vector<16xi32>,
    %add3A_882 = arith.constant 9 : i32
    %add3A_883 = vector.broadcast %add3A_882 : i32 to vector<16xi32>
    %add3A_884 = arith.addi %mul3A_818, %add3A_883 : vector<16xi32>
    %swap3A_885 = arith.constant 3664 : index
    %swap3A_886 = tpu.vector_load %arg11[%swap3A_885] {strides = array<i32>} : memref<4480xi32, #tpu.memory_space<vmem>>, vector<16xi32>,
    %swap3A_887 = vector.shape_cast %swap3A_886 : vector<16xi32> to vector<16xi32>
    %swap3A_888 = vector.shape_cast %add3A_884 : vector<16xi32> to vector<16xi32>
    tpu.vector_store %arg11[%swap3A_885], %swap3A_888 {strides = array<i32>} : memref<4480xi32, #tpu.memory_space<vmem>>, vector<16xi32>,
    %add3A_889 = arith.constant 10 : i32
    %add3A_890 = vector.broadcast %add3A_889 : i32 to vector<16xi32>
    %add3A_891 = arith.addi %mul3A_818, %add3A_890 : vector<16xi32>
    %swap3A_892 = arith.constant 3984 : index
    %swap3A_893 = tpu.vector_load %arg11[%swap3A_892] {strides = array<i32>} : memref<4480xi32, #tpu.memory_space<vmem>>, vector<16xi32>,
    %swap3A_894 = vector.shape_cast %swap3A_893 : vector<16xi32> to vector<16xi32>
    %swap3A_895 = vector.shape_cast %add3A_891 : vector<16xi32> to vector<16xi32>
    tpu.vector_store %arg11[%swap3A_892], %swap3A_895 {strides = array<i32>} : memref<4480xi32, #tpu.memory_space<vmem>>, vector<16xi32>,
    %add3A_896 = arith.constant 11 : i32
    %add3A_897 = vector.broadcast %add3A_896 : i32 to vector<16xi32>
    %add3A_898 = arith.addi %mul3A_818, %add3A_897 : vector<16xi32>
    %swap3A_899 = arith.constant 4304 : index
    %swap3A_900 = tpu.vector_load %arg11[%swap3A_899] {strides = array<i32>} : memref<4480xi32, #tpu.memory_space<vmem>>, vector<16xi32>,
    %swap3A_901 = vector.shape_cast %swap3A_900 : vector<16xi32> to vector<16xi32>
    %swap3A_902 = vector.shape_cast %add3A_898 : vector<16xi32> to vector<16xi32>
    tpu.vector_store %arg11[%swap3A_899], %swap3A_902 {strides = array<i32>} : memref<4480xi32, #tpu.memory_space<vmem>>, vector<16xi32>,
    %get3A_903 = arith.constant 160 : index
    %get3A_904 = tpu.vector_load %arg11[%get3A_903] {strides = array<i32>} : memref<4480xi32, #tpu.memory_space<vmem>>, vector<16xi32>,
    %get3A_905 = vector.shape_cast %get3A_904 : vector<16xi32> to vector<16xi32>
    %mul3A_906 = arith.constant 12 : i32
    %mul3A_907 = vector.broadcast %mul3A_906 : i32 to vector<16xi32>
    %mul3A_908 = arith.muli %get3A_905, %mul3A_907 : vector<16xi32>
    %add3A_909 = arith.constant 0 : i32
    %add3A_910 = vector.broadcast %add3A_909 : i32 to vector<16xi32>
    %add3A_911 = arith.addi %mul3A_908, %add3A_910 : vector<16xi32>
    %swap3A_912 = arith.constant 800 : index
    %swap3A_913 = tpu.vector_load %arg11[%swap3A_912] {strides = array<i32>} : memref<4480xi32, #tpu.memory_space<vmem>>, vector<16xi32>,
    %swap3A_914 = vector.shape_cast %swap3A_913 : vector<16xi32> to vector<16xi32>
    %swap3A_915 = vector.shape_cast %add3A_911 : vector<16xi32> to vector<16xi32>
    tpu.vector_store %arg11[%swap3A_912], %swap3A_915 {strides = array<i32>} : memref<4480xi32, #tpu.memory_space<vmem>>, vector<16xi32>,
    %add3A_916 = arith.constant 1 : i32
    %add3A_917 = vector.broadcast %add3A_916 : i32 to vector<16xi32>
    %add3A_918 = arith.addi %mul3A_908, %add3A_917 : vector<16xi32>
    %swap3A_919 = arith.constant 1120 : index
    %swap3A_920 = tpu.vector_load %arg11[%swap3A_919] {strides = array<i32>} : memref<4480xi32, #tpu.memory_space<vmem>>, vector<16xi32>,
    %swap3A_921 = vector.shape_cast %swap3A_920 : vector<16xi32> to vector<16xi32>
    %swap3A_922 = vector.shape_cast %add3A_918 : vector<16xi32> to vector<16xi32>
    tpu.vector_store %arg11[%swap3A_919], %swap3A_922 {strides = array<i32>} : memref<4480xi32, #tpu.memory_space<vmem>>, vector<16xi32>,
    %add3A_923 = arith.constant 2 : i32
    %add3A_924 = vector.broadcast %add3A_923 : i32 to vector<16xi32>
    %add3A_925 = arith.addi %mul3A_908, %add3A_924 : vector<16xi32>
    %swap3A_926 = arith.constant 1440 : index
    %swap3A_927 = tpu.vector_load %arg11[%swap3A_926] {strides = array<i32>} : memref<4480xi32, #tpu.memory_space<vmem>>, vector<16xi32>,
    %swap3A_928 = vector.shape_cast %swap3A_927 : vector<16xi32> to vector<16xi32>
    %swap3A_929 = vector.shape_cast %add3A_925 : vector<16xi32> to vector<16xi32>
    tpu.vector_store %arg11[%swap3A_926], %swap3A_929 {strides = array<i32>} : memref<4480xi32, #tpu.memory_space<vmem>>, vector<16xi32>,
    %add3A_930 = arith.constant 3 : i32
    %add3A_931 = vector.broadcast %add3A_930 : i32 to vector<16xi32>
    %add3A_932 = arith.addi %mul3A_908, %add3A_931 : vector<16xi32>
    %swap3A_933 = arith.constant 1760 : index
    %swap3A_934 = tpu.vector_load %arg11[%swap3A_933] {strides = array<i32>} : memref<4480xi32, #tpu.memory_space<vmem>>, vector<16xi32>,
    %swap3A_935 = vector.shape_cast %swap3A_934 : vector<16xi32> to vector<16xi32>
    %swap3A_936 = vector.shape_cast %add3A_932 : vector<16xi32> to vector<16xi32>
    tpu.vector_store %arg11[%swap3A_933], %swap3A_936 {strides = array<i32>} : memref<4480xi32, #tpu.memory_space<vmem>>, vector<16xi32>,
    %add3A_937 = arith.constant 4 : i32
    %add3A_938 = vector.broadcast %add3A_937 : i32 to vector<16xi32>
    %add3A_939 = arith.addi %mul3A_908, %add3A_938 : vector<16xi32>
    %swap3A_940 = arith.constant 2080 : index
    %swap3A_941 = tpu.vector_load %arg11[%swap3A_940] {strides = array<i32>} : memref<4480xi32, #tpu.memory_space<vmem>>, vector<16xi32>,
    %swap3A_942 = vector.shape_cast %swap3A_941 : vector<16xi32> to vector<16xi32>
    %swap3A_943 = vector.shape_cast %add3A_939 : vector<16xi32> to vector<16xi32>
    tpu.vector_store %arg11[%swap3A_940], %swap3A_943 {strides = array<i32>} : memref<4480xi32, #tpu.memory_space<vmem>>, vector<16xi32>,
    %add3A_944 = arith.constant 5 : i32
    %add3A_945 = vector.broadcast %add3A_944 : i32 to vector<16xi32>
    %add3A_946 = arith.addi %mul3A_908, %add3A_945 : vector<16xi32>
    %swap3A_947 = arith.constant 2400 : index
    %swap3A_948 = tpu.vector_load %arg11[%swap3A_947] {strides = array<i32>} : memref<4480xi32, #tpu.memory_space<vmem>>, vector<16xi32>,
    %swap3A_949 = vector.shape_cast %swap3A_948 : vector<16xi32> to vector<16xi32>
    %swap3A_950 = vector.shape_cast %add3A_946 : vector<16xi32> to vector<16xi32>
    tpu.vector_store %arg11[%swap3A_947], %swap3A_950 {strides = array<i32>} : memref<4480xi32, #tpu.memory_space<vmem>>, vector<16xi32>,
    %add3A_951 = arith.constant 6 : i32
    %add3A_952 = vector.broadcast %add3A_951 : i32 to vector<16xi32>
    %add3A_953 = arith.addi %mul3A_908, %add3A_952 : vector<16xi32>
    %swap3A_954 = arith.constant 2720 : index
    %swap3A_955 = tpu.vector_load %arg11[%swap3A_954] {strides = array<i32>} : memref<4480xi32, #tpu.memory_space<vmem>>, vector<16xi32>,
    %swap3A_956 = vector.shape_cast %swap3A_955 : vector<16xi32> to vector<16xi32>
    %swap3A_957 = vector.shape_cast %add3A_953 : vector<16xi32> to vector<16xi32>
    tpu.vector_store %arg11[%swap3A_954], %swap3A_957 {strides = array<i32>} : memref<4480xi32, #tpu.memory_space<vmem>>, vector<16xi32>,
    %add3A_958 = arith.constant 7 : i32
    %add3A_959 = vector.broadcast %add3A_958 : i32 to vector<16xi32>
    %add3A_960 = arith.addi %mul3A_908, %add3A_959 : vector<16xi32>
    %swap3A_961 = arith.constant 3040 : index
    %swap3A_962 = tpu.vector_load %arg11[%swap3A_961] {strides = array<i32>} : memref<4480xi32, #tpu.memory_space<vmem>>, vector<16xi32>,
    %swap3A_963 = vector.shape_cast %swap3A_962 : vector<16xi32> to vector<16xi32>
    %swap3A_964 = vector.shape_cast %add3A_960 : vector<16xi32> to vector<16xi32>
    tpu.vector_store %arg11[%swap3A_961], %swap3A_964 {strides = array<i32>} : memref<4480xi32, #tpu.memory_space<vmem>>, vector<16xi32>,
    %add3A_965 = arith.constant 8 : i32
    %add3A_966 = vector.broadcast %add3A_965 : i32 to vector<16xi32>
    %add3A_967 = arith.addi %mul3A_908, %add3A_966 : vector<16xi32>
    %swap3A_968 = arith.constant 3360 : index
    %swap3A_969 = tpu.vector_load %arg11[%swap3A_968] {strides = array<i32>} : memref<4480xi32, #tpu.memory_space<vmem>>, vector<16xi32>,
    %swap3A_970 = vector.shape_cast %swap3A_969 : vector<16xi32> to vector<16xi32>
    %swap3A_971 = vector.shape_cast %add3A_967 : vector<16xi32> to vector<16xi32>
    tpu.vector_store %arg11[%swap3A_968], %swap3A_971 {strides = array<i32>} : memref<4480xi32, #tpu.memory_space<vmem>>, vector<16xi32>,
    %add3A_972 = arith.constant 9 : i32
    %add3A_973 = vector.broadcast %add3A_972 : i32 to vector<16xi32>
    %add3A_974 = arith.addi %mul3A_908, %add3A_973 : vector<16xi32>
    %swap3A_975 = arith.constant 3680 : index
    %swap3A_976 = tpu.vector_load %arg11[%swap3A_975] {strides = array<i32>} : memref<4480xi32, #tpu.memory_space<vmem>>, vector<16xi32>,
    %swap3A_977 = vector.shape_cast %swap3A_976 : vector<16xi32> to vector<16xi32>
    %swap3A_978 = vector.shape_cast %add3A_974 : vector<16xi32> to vector<16xi32>
    tpu.vector_store %arg11[%swap3A_975], %swap3A_978 {strides = array<i32>} : memref<4480xi32, #tpu.memory_space<vmem>>, vector<16xi32>,
    %add3A_979 = arith.constant 10 : i32
    %add3A_980 = vector.broadcast %add3A_979 : i32 to vector<16xi32>
    %add3A_981 = arith.addi %mul3A_908, %add3A_980 : vector<16xi32>
    %swap3A_982 = arith.constant 4000 : index
    %swap3A_983 = tpu.vector_load %arg11[%swap3A_982] {strides = array<i32>} : memref<4480xi32, #tpu.memory_space<vmem>>, vector<16xi32>,
    %swap3A_984 = vector.shape_cast %swap3A_983 : vector<16xi32> to vector<16xi32>
    %swap3A_985 = vector.shape_cast %add3A_981 : vector<16xi32> to vector<16xi32>
    tpu.vector_store %arg11[%swap3A_982], %swap3A_985 {strides = array<i32>} : memref<4480xi32, #tpu.memory_space<vmem>>, vector<16xi32>,
    %add3A_986 = arith.constant 11 : i32
    %add3A_987 = vector.broadcast %add3A_986 : i32 to vector<16xi32>
    %add3A_988 = arith.addi %mul3A_908, %add3A_987 : vector<16xi32>
    %swap3A_989 = arith.constant 4320 : index
    %swap3A_990 = tpu.vector_load %arg11[%swap3A_989] {strides = array<i32>} : memref<4480xi32, #tpu.memory_space<vmem>>, vector<16xi32>,
    %swap3A_991 = vector.shape_cast %swap3A_990 : vector<16xi32> to vector<16xi32>
    %swap3A_992 = vector.shape_cast %add3A_988 : vector<16xi32> to vector<16xi32>
    tpu.vector_store %arg11[%swap3A_989], %swap3A_992 {strides = array<i32>} : memref<4480xi32, #tpu.memory_space<vmem>>, vector<16xi32>,
    %get3A_993 = arith.constant 176 : index
    %get3A_994 = tpu.vector_load %arg11[%get3A_993] {strides = array<i32>} : memref<4480xi32, #tpu.memory_space<vmem>>, vector<16xi32>,
    %get3A_995 = vector.shape_cast %get3A_994 : vector<16xi32> to vector<16xi32>
    %mul3A_996 = arith.constant 12 : i32
    %mul3A_997 = vector.broadcast %mul3A_996 : i32 to vector<16xi32>
    %mul3A_998 = arith.muli %get3A_995, %mul3A_997 : vector<16xi32>
    %add3A_999 = arith.constant 0 : i32
    %add3A_1000 = vector.broadcast %add3A_999 : i32 to vector<16xi32>
    %add3A_1001 = arith.addi %mul3A_998, %add3A_1000 : vector<16xi32>
    %swap3A_1002 = arith.constant 816 : index
    %swap3A_1003 = tpu.vector_load %arg11[%swap3A_1002] {strides = array<i32>} : memref<4480xi32, #tpu.memory_space<vmem>>, vector<16xi32>,
    %swap3A_1004 = vector.shape_cast %swap3A_1003 : vector<16xi32> to vector<16xi32>
    %swap3A_1005 = vector.shape_cast %add3A_1001 : vector<16xi32> to vector<16xi32>
    tpu.vector_store %arg11[%swap3A_1002], %swap3A_1005 {strides = array<i32>} : memref<4480xi32, #tpu.memory_space<vmem>>, vector<16xi32>,
    %add3A_1006 = arith.constant 1 : i32
    %add3A_1007 = vector.broadcast %add3A_1006 : i32 to vector<16xi32>
    %add3A_1008 = arith.addi %mul3A_998, %add3A_1007 : vector<16xi32>
    %swap3A_1009 = arith.constant 1136 : index
    %swap3A_1010 = tpu.vector_load %arg11[%swap3A_1009] {strides = array<i32>} : memref<4480xi32, #tpu.memory_space<vmem>>, vector<16xi32>,
    %swap3A_1011 = vector.shape_cast %swap3A_1010 : vector<16xi32> to vector<16xi32>
    %swap3A_1012 = vector.shape_cast %add3A_1008 : vector<16xi32> to vector<16xi32>
    tpu.vector_store %arg11[%swap3A_1009], %swap3A_1012 {strides = array<i32>} : memref<4480xi32, #tpu.memory_space<vmem>>, vector<16xi32>,
    %add3A_1013 = arith.constant 2 : i32
    %add3A_1014 = vector.broadcast %add3A_1013 : i32 to vector<16xi32>
    %add3A_1015 = arith.addi %mul3A_998, %add3A_1014 : vector<16xi32>
    %swap3A_1016 = arith.constant 1456 : index
    %swap3A_1017 = tpu.vector_load %arg11[%swap3A_1016] {strides = array<i32>} : memref<4480xi32, #tpu.memory_space<vmem>>, vector<16xi32>,
    %swap3A_1018 = vector.shape_cast %swap3A_1017 : vector<16xi32> to vector<16xi32>
    %swap3A_1019 = vector.shape_cast %add3A_1015 : vector<16xi32> to vector<16xi32>
    tpu.vector_store %arg11[%swap3A_1016], %swap3A_1019 {strides = array<i32>} : memref<4480xi32, #tpu.memory_space<vmem>>, vector<16xi32>,
    %add3A_1020 = arith.constant 3 : i32
    %add3A_1021 = vector.broadcast %add3A_1020 : i32 to vector<16xi32>
    %add3A_1022 = arith.addi %mul3A_998, %add3A_1021 : vector<16xi32>
    %swap3A_1023 = arith.constant 1776 : index
    %swap3A_1024 = tpu.vector_load %arg11[%swap3A_1023] {strides = array<i32>} : memref<4480xi32, #tpu.memory_space<vmem>>, vector<16xi32>,
    %swap3A_1025 = vector.shape_cast %swap3A_1024 : vector<16xi32> to vector<16xi32>
    %swap3A_1026 = vector.shape_cast %add3A_1022 : vector<16xi32> to vector<16xi32>
    tpu.vector_store %arg11[%swap3A_1023], %swap3A_1026 {strides = array<i32>} : memref<4480xi32, #tpu.memory_space<vmem>>, vector<16xi32>,
    %add3A_1027 = arith.constant 4 : i32
    %add3A_1028 = vector.broadcast %add3A_1027 : i32 to vector<16xi32>
    %add3A_1029 = arith.addi %mul3A_998, %add3A_1028 : vector<16xi32>
    %swap3A_1030 = arith.constant 2096 : index
    %swap3A_1031 = tpu.vector_load %arg11[%swap3A_1030] {strides = array<i32>} : memref<4480xi32, #tpu.memory_space<vmem>>, vector<16xi32>,
    %swap3A_1032 = vector.shape_cast %swap3A_1031 : vector<16xi32> to vector<16xi32>
    %swap3A_1033 = vector.shape_cast %add3A_1029 : vector<16xi32> to vector<16xi32>
    tpu.vector_store %arg11[%swap3A_1030], %swap3A_1033 {strides = array<i32>} : memref<4480xi32, #tpu.memory_space<vmem>>, vector<16xi32>,
    %add3A_1034 = arith.constant 5 : i32
    %add3A_1035 = vector.broadcast %add3A_1034 : i32 to vector<16xi32>
    %add3A_1036 = arith.addi %mul3A_998, %add3A_1035 : vector<16xi32>
    %swap3A_1037 = arith.constant 2416 : index
    %swap3A_1038 = tpu.vector_load %arg11[%swap3A_1037] {strides = array<i32>} : memref<4480xi32, #tpu.memory_space<vmem>>, vector<16xi32>,
    %swap3A_1039 = vector.shape_cast %swap3A_1038 : vector<16xi32> to vector<16xi32>
    %swap3A_1040 = vector.shape_cast %add3A_1036 : vector<16xi32> to vector<16xi32>
    tpu.vector_store %arg11[%swap3A_1037], %swap3A_1040 {strides = array<i32>} : memref<4480xi32, #tpu.memory_space<vmem>>, vector<16xi32>,
    %add3A_1041 = arith.constant 6 : i32
    %add3A_1042 = vector.broadcast %add3A_1041 : i32 to vector<16xi32>
    %add3A_1043 = arith.addi %mul3A_998, %add3A_1042 : vector<16xi32>
    %swap3A_1044 = arith.constant 2736 : index
    %swap3A_1045 = tpu.vector_load %arg11[%swap3A_1044] {strides = array<i32>} : memref<4480xi32, #tpu.memory_space<vmem>>, vector<16xi32>,
    %swap3A_1046 = vector.shape_cast %swap3A_1045 : vector<16xi32> to vector<16xi32>
    %swap3A_1047 = vector.shape_cast %add3A_1043 : vector<16xi32> to vector<16xi32>
    tpu.vector_store %arg11[%swap3A_1044], %swap3A_1047 {strides = array<i32>} : memref<4480xi32, #tpu.memory_space<vmem>>, vector<16xi32>,
    %add3A_1048 = arith.constant 7 : i32
    %add3A_1049 = vector.broadcast %add3A_1048 : i32 to vector<16xi32>
    %add3A_1050 = arith.addi %mul3A_998, %add3A_1049 : vector<16xi32>
    %swap3A_1051 = arith.constant 3056 : index
    %swap3A_1052 = tpu.vector_load %arg11[%swap3A_1051] {strides = array<i32>} : memref<4480xi32, #tpu.memory_space<vmem>>, vector<16xi32>,
    %swap3A_1053 = vector.shape_cast %swap3A_1052 : vector<16xi32> to vector<16xi32>
    %swap3A_1054 = vector.shape_cast %add3A_1050 : vector<16xi32> to vector<16xi32>
    tpu.vector_store %arg11[%swap3A_1051], %swap3A_1054 {strides = array<i32>} : memref<4480xi32, #tpu.memory_space<vmem>>, vector<16xi32>,
    %add3A_1055 = arith.constant 8 : i32
    %add3A_1056 = vector.broadcast %add3A_1055 : i32 to vector<16xi32>
    %add3A_1057 = arith.addi %mul3A_998, %add3A_1056 : vector<16xi32>
    %swap3A_1058 = arith.constant 3376 : index
    %swap3A_1059 = tpu.vector_load %arg11[%swap3A_1058] {strides = array<i32>} : memref<4480xi32, #tpu.memory_space<vmem>>, vector<16xi32>,
    %swap3A_1060 = vector.shape_cast %swap3A_1059 : vector<16xi32> to vector<16xi32>
    %swap3A_1061 = vector.shape_cast %add3A_1057 : vector<16xi32> to vector<16xi32>
    tpu.vector_store %arg11[%swap3A_1058], %swap3A_1061 {strides = array<i32>} : memref<4480xi32, #tpu.memory_space<vmem>>, vector<16xi32>,
    %add3A_1062 = arith.constant 9 : i32
    %add3A_1063 = vector.broadcast %add3A_1062 : i32 to vector<16xi32>
    %add3A_1064 = arith.addi %mul3A_998, %add3A_1063 : vector<16xi32>
    %swap3A_1065 = arith.constant 3696 : index
    %swap3A_1066 = tpu.vector_load %arg11[%swap3A_1065] {strides = array<i32>} : memref<4480xi32, #tpu.memory_space<vmem>>, vector<16xi32>,
    %swap3A_1067 = vector.shape_cast %swap3A_1066 : vector<16xi32> to vector<16xi32>
    %swap3A_1068 = vector.shape_cast %add3A_1064 : vector<16xi32> to vector<16xi32>
    tpu.vector_store %arg11[%swap3A_1065], %swap3A_1068 {strides = array<i32>} : memref<4480xi32, #tpu.memory_space<vmem>>, vector<16xi32>,
    %add3A_1069 = arith.constant 10 : i32
    %add3A_1070 = vector.broadcast %add3A_1069 : i32 to vector<16xi32>
    %add3A_1071 = arith.addi %mul3A_998, %add3A_1070 : vector<16xi32>
    %swap3A_1072 = arith.constant 4016 : index
    %swap3A_1073 = tpu.vector_load %arg11[%swap3A_1072] {strides = array<i32>} : memref<4480xi32, #tpu.memory_space<vmem>>, vector<16xi32>,
    %swap3A_1074 = vector.shape_cast %swap3A_1073 : vector<16xi32> to vector<16xi32>
    %swap3A_1075 = vector.shape_cast %add3A_1071 : vector<16xi32> to vector<16xi32>
    tpu.vector_store %arg11[%swap3A_1072], %swap3A_1075 {strides = array<i32>} : memref<4480xi32, #tpu.memory_space<vmem>>, vector<16xi32>,
    %add3A_1076 = arith.constant 11 : i32
    %add3A_1077 = vector.broadcast %add3A_1076 : i32 to vector<16xi32>
    %add3A_1078 = arith.addi %mul3A_998, %add3A_1077 : vector<16xi32>
    %swap3A_1079 = arith.constant 4336 : index
    %swap3A_1080 = tpu.vector_load %arg11[%swap3A_1079] {strides = array<i32>} : memref<4480xi32, #tpu.memory_space<vmem>>, vector<16xi32>,
    %swap3A_1081 = vector.shape_cast %swap3A_1080 : vector<16xi32> to vector<16xi32>
    %swap3A_1082 = vector.shape_cast %add3A_1078 : vector<16xi32> to vector<16xi32>
    tpu.vector_store %arg11[%swap3A_1079], %swap3A_1082 {strides = array<i32>} : memref<4480xi32, #tpu.memory_space<vmem>>, vector<16xi32>,
    %get3A_1083 = arith.constant 192 : index
    %get3A_1084 = tpu.vector_load %arg11[%get3A_1083] {strides = array<i32>} : memref<4480xi32, #tpu.memory_space<vmem>>, vector<16xi32>,
    %get3A_1085 = vector.shape_cast %get3A_1084 : vector<16xi32> to vector<16xi32>
    %mul3A_1086 = arith.constant 12 : i32
    %mul3A_1087 = vector.broadcast %mul3A_1086 : i32 to vector<16xi32>
    %mul3A_1088 = arith.muli %get3A_1085, %mul3A_1087 : vector<16xi32>
    %add3A_1089 = arith.constant 0 : i32
    %add3A_1090 = vector.broadcast %add3A_1089 : i32 to vector<16xi32>
    %add3A_1091 = arith.addi %mul3A_1088, %add3A_1090 : vector<16xi32>
    %swap3A_1092 = arith.constant 832 : index
    %swap3A_1093 = tpu.vector_load %arg11[%swap3A_1092] {strides = array<i32>} : memref<4480xi32, #tpu.memory_space<vmem>>, vector<16xi32>,
    %swap3A_1094 = vector.shape_cast %swap3A_1093 : vector<16xi32> to vector<16xi32>
    %swap3A_1095 = vector.shape_cast %add3A_1091 : vector<16xi32> to vector<16xi32>
    tpu.vector_store %arg11[%swap3A_1092], %swap3A_1095 {strides = array<i32>} : memref<4480xi32, #tpu.memory_space<vmem>>, vector<16xi32>,
    %add3A_1096 = arith.constant 1 : i32
    %add3A_1097 = vector.broadcast %add3A_1096 : i32 to vector<16xi32>
    %add3A_1098 = arith.addi %mul3A_1088, %add3A_1097 : vector<16xi32>
    %swap3A_1099 = arith.constant 1152 : index
    %swap3A_1100 = tpu.vector_load %arg11[%swap3A_1099] {strides = array<i32>} : memref<4480xi32, #tpu.memory_space<vmem>>, vector<16xi32>,
    %swap3A_1101 = vector.shape_cast %swap3A_1100 : vector<16xi32> to vector<16xi32>
    %swap3A_1102 = vector.shape_cast %add3A_1098 : vector<16xi32> to vector<16xi32>
    tpu.vector_store %arg11[%swap3A_1099], %swap3A_1102 {strides = array<i32>} : memref<4480xi32, #tpu.memory_space<vmem>>, vector<16xi32>,
    %add3A_1103 = arith.constant 2 : i32
    %add3A_1104 = vector.broadcast %add3A_1103 : i32 to vector<16xi32>
    %add3A_1105 = arith.addi %mul3A_1088, %add3A_1104 : vector<16xi32>
    %swap3A_1106 = arith.constant 1472 : index
    %swap3A_1107 = tpu.vector_load %arg11[%swap3A_1106] {strides = array<i32>} : memref<4480xi32, #tpu.memory_space<vmem>>, vector<16xi32>,
    %swap3A_1108 = vector.shape_cast %swap3A_1107 : vector<16xi32> to vector<16xi32>
    %swap3A_1109 = vector.shape_cast %add3A_1105 : vector<16xi32> to vector<16xi32>
    tpu.vector_store %arg11[%swap3A_1106], %swap3A_1109 {strides = array<i32>} : memref<4480xi32, #tpu.memory_space<vmem>>, vector<16xi32>,
    %add3A_1110 = arith.constant 3 : i32
    %add3A_1111 = vector.broadcast %add3A_1110 : i32 to vector<16xi32>
    %add3A_1112 = arith.addi %mul3A_1088, %add3A_1111 : vector<16xi32>
    %swap3A_1113 = arith.constant 1792 : index
    %swap3A_1114 = tpu.vector_load %arg11[%swap3A_1113] {strides = array<i32>} : memref<4480xi32, #tpu.memory_space<vmem>>, vector<16xi32>,
    %swap3A_1115 = vector.shape_cast %swap3A_1114 : vector<16xi32> to vector<16xi32>
    %swap3A_1116 = vector.shape_cast %add3A_1112 : vector<16xi32> to vector<16xi32>
    tpu.vector_store %arg11[%swap3A_1113], %swap3A_1116 {strides = array<i32>} : memref<4480xi32, #tpu.memory_space<vmem>>, vector<16xi32>,
    %add3A_1117 = arith.constant 4 : i32
    %add3A_1118 = vector.broadcast %add3A_1117 : i32 to vector<16xi32>
    %add3A_1119 = arith.addi %mul3A_1088, %add3A_1118 : vector<16xi32>
    %swap3A_1120 = arith.constant 2112 : index
    %swap3A_1121 = tpu.vector_load %arg11[%swap3A_1120] {strides = array<i32>} : memref<4480xi32, #tpu.memory_space<vmem>>, vector<16xi32>,
    %swap3A_1122 = vector.shape_cast %swap3A_1121 : vector<16xi32> to vector<16xi32>
    %swap3A_1123 = vector.shape_cast %add3A_1119 : vector<16xi32> to vector<16xi32>
    tpu.vector_store %arg11[%swap3A_1120], %swap3A_1123 {strides = array<i32>} : memref<4480xi32, #tpu.memory_space<vmem>>, vector<16xi32>,
    %add3A_1124 = arith.constant 5 : i32
    %add3A_1125 = vector.broadcast %add3A_1124 : i32 to vector<16xi32>
    %add3A_1126 = arith.addi %mul3A_1088, %add3A_1125 : vector<16xi32>
    %swap3A_1127 = arith.constant 2432 : index
    %swap3A_1128 = tpu.vector_load %arg11[%swap3A_1127] {strides = array<i32>} : memref<4480xi32, #tpu.memory_space<vmem>>, vector<16xi32>,
    %swap3A_1129 = vector.shape_cast %swap3A_1128 : vector<16xi32> to vector<16xi32>
    %swap3A_1130 = vector.shape_cast %add3A_1126 : vector<16xi32> to vector<16xi32>
    tpu.vector_store %arg11[%swap3A_1127], %swap3A_1130 {strides = array<i32>} : memref<4480xi32, #tpu.memory_space<vmem>>, vector<16xi32>,
    %add3A_1131 = arith.constant 6 : i32
    %add3A_1132 = vector.broadcast %add3A_1131 : i32 to vector<16xi32>
    %add3A_1133 = arith.addi %mul3A_1088, %add3A_1132 : vector<16xi32>
    %swap3A_1134 = arith.constant 2752 : index
    %swap3A_1135 = tpu.vector_load %arg11[%swap3A_1134] {strides = array<i32>} : memref<4480xi32, #tpu.memory_space<vmem>>, vector<16xi32>,
    %swap3A_1136 = vector.shape_cast %swap3A_1135 : vector<16xi32> to vector<16xi32>
    %swap3A_1137 = vector.shape_cast %add3A_1133 : vector<16xi32> to vector<16xi32>
    tpu.vector_store %arg11[%swap3A_1134], %swap3A_1137 {strides = array<i32>} : memref<4480xi32, #tpu.memory_space<vmem>>, vector<16xi32>,
    %add3A_1138 = arith.constant 7 : i32
    %add3A_1139 = vector.broadcast %add3A_1138 : i32 to vector<16xi32>
    %add3A_1140 = arith.addi %mul3A_1088, %add3A_1139 : vector<16xi32>
    %swap3A_1141 = arith.constant 3072 : index
    %swap3A_1142 = tpu.vector_load %arg11[%swap3A_1141] {strides = array<i32>} : memref<4480xi32, #tpu.memory_space<vmem>>, vector<16xi32>,
    %swap3A_1143 = vector.shape_cast %swap3A_1142 : vector<16xi32> to vector<16xi32>
    %swap3A_1144 = vector.shape_cast %add3A_1140 : vector<16xi32> to vector<16xi32>
    tpu.vector_store %arg11[%swap3A_1141], %swap3A_1144 {strides = array<i32>} : memref<4480xi32, #tpu.memory_space<vmem>>, vector<16xi32>,
    %add3A_1145 = arith.constant 8 : i32
    %add3A_1146 = vector.broadcast %add3A_1145 : i32 to vector<16xi32>
    %add3A_1147 = arith.addi %mul3A_1088, %add3A_1146 : vector<16xi32>
    %swap3A_1148 = arith.constant 3392 : index
    %swap3A_1149 = tpu.vector_load %arg11[%swap3A_1148] {strides = array<i32>} : memref<4480xi32, #tpu.memory_space<vmem>>, vector<16xi32>,
    %swap3A_1150 = vector.shape_cast %swap3A_1149 : vector<16xi32> to vector<16xi32>
    %swap3A_1151 = vector.shape_cast %add3A_1147 : vector<16xi32> to vector<16xi32>
    tpu.vector_store %arg11[%swap3A_1148], %swap3A_1151 {strides = array<i32>} : memref<4480xi32, #tpu.memory_space<vmem>>, vector<16xi32>,
    %add3A_1152 = arith.constant 9 : i32
    %add3A_1153 = vector.broadcast %add3A_1152 : i32 to vector<16xi32>
    %add3A_1154 = arith.addi %mul3A_1088, %add3A_1153 : vector<16xi32>
    %swap3A_1155 = arith.constant 3712 : index
    %swap3A_1156 = tpu.vector_load %arg11[%swap3A_1155] {strides = array<i32>} : memref<4480xi32, #tpu.memory_space<vmem>>, vector<16xi32>,
    %swap3A_1157 = vector.shape_cast %swap3A_1156 : vector<16xi32> to vector<16xi32>
    %swap3A_1158 = vector.shape_cast %add3A_1154 : vector<16xi32> to vector<16xi32>
    tpu.vector_store %arg11[%swap3A_1155], %swap3A_1158 {strides = array<i32>} : memref<4480xi32, #tpu.memory_space<vmem>>, vector<16xi32>,
    %add3A_1159 = arith.constant 10 : i32
    %add3A_1160 = vector.broadcast %add3A_1159 : i32 to vector<16xi32>
    %add3A_1161 = arith.addi %mul3A_1088, %add3A_1160 : vector<16xi32>
    %swap3A_1162 = arith.constant 4032 : index
    %swap3A_1163 = tpu.vector_load %arg11[%swap3A_1162] {strides = array<i32>} : memref<4480xi32, #tpu.memory_space<vmem>>, vector<16xi32>,
    %swap3A_1164 = vector.shape_cast %swap3A_1163 : vector<16xi32> to vector<16xi32>
    %swap3A_1165 = vector.shape_cast %add3A_1161 : vector<16xi32> to vector<16xi32>
    tpu.vector_store %arg11[%swap3A_1162], %swap3A_1165 {strides = array<i32>} : memref<4480xi32, #tpu.memory_space<vmem>>, vector<16xi32>,
    %add3A_1166 = arith.constant 11 : i32
    %add3A_1167 = vector.broadcast %add3A_1166 : i32 to vector<16xi32>
    %add3A_1168 = arith.addi %mul3A_1088, %add3A_1167 : vector<16xi32>
    %swap3A_1169 = arith.constant 4352 : index
    %swap3A_1170 = tpu.vector_load %arg11[%swap3A_1169] {strides = array<i32>} : memref<4480xi32, #tpu.memory_space<vmem>>, vector<16xi32>,
    %swap3A_1171 = vector.shape_cast %swap3A_1170 : vector<16xi32> to vector<16xi32>
    %swap3A_1172 = vector.shape_cast %add3A_1168 : vector<16xi32> to vector<16xi32>
    tpu.vector_store %arg11[%swap3A_1169], %swap3A_1172 {strides = array<i32>} : memref<4480xi32, #tpu.memory_space<vmem>>, vector<16xi32>,
    %get3A_1173 = arith.constant 208 : index
    %get3A_1174 = tpu.vector_load %arg11[%get3A_1173] {strides = array<i32>} : memref<4480xi32, #tpu.memory_space<vmem>>, vector<16xi32>,
    %get3A_1175 = vector.shape_cast %get3A_1174 : vector<16xi32> to vector<16xi32>
    %mul3A_1176 = arith.constant 12 : i32
    %mul3A_1177 = vector.broadcast %mul3A_1176 : i32 to vector<16xi32>
    %mul3A_1178 = arith.muli %get3A_1175, %mul3A_1177 : vector<16xi32>
    %add3A_1179 = arith.constant 0 : i32
    %add3A_1180 = vector.broadcast %add3A_1179 : i32 to vector<16xi32>
    %add3A_1181 = arith.addi %mul3A_1178, %add3A_1180 : vector<16xi32>
    %swap3A_1182 = arith.constant 848 : index
    %swap3A_1183 = tpu.vector_load %arg11[%swap3A_1182] {strides = array<i32>} : memref<4480xi32, #tpu.memory_space<vmem>>, vector<16xi32>,
    %swap3A_1184 = vector.shape_cast %swap3A_1183 : vector<16xi32> to vector<16xi32>
    %swap3A_1185 = vector.shape_cast %add3A_1181 : vector<16xi32> to vector<16xi32>
    tpu.vector_store %arg11[%swap3A_1182], %swap3A_1185 {strides = array<i32>} : memref<4480xi32, #tpu.memory_space<vmem>>, vector<16xi32>,
    %add3A_1186 = arith.constant 1 : i32
    %add3A_1187 = vector.broadcast %add3A_1186 : i32 to vector<16xi32>
    %add3A_1188 = arith.addi %mul3A_1178, %add3A_1187 : vector<16xi32>
    %swap3A_1189 = arith.constant 1168 : index
    %swap3A_1190 = tpu.vector_load %arg11[%swap3A_1189] {strides = array<i32>} : memref<4480xi32, #tpu.memory_space<vmem>>, vector<16xi32>,
    %swap3A_1191 = vector.shape_cast %swap3A_1190 : vector<16xi32> to vector<16xi32>
    %swap3A_1192 = vector.shape_cast %add3A_1188 : vector<16xi32> to vector<16xi32>
    tpu.vector_store %arg11[%swap3A_1189], %swap3A_1192 {strides = array<i32>} : memref<4480xi32, #tpu.memory_space<vmem>>, vector<16xi32>,
    %add3A_1193 = arith.constant 2 : i32
    %add3A_1194 = vector.broadcast %add3A_1193 : i32 to vector<16xi32>
    %add3A_1195 = arith.addi %mul3A_1178, %add3A_1194 : vector<16xi32>
    %swap3A_1196 = arith.constant 1488 : index
    %swap3A_1197 = tpu.vector_load %arg11[%swap3A_1196] {strides = array<i32>} : memref<4480xi32, #tpu.memory_space<vmem>>, vector<16xi32>,
    %swap3A_1198 = vector.shape_cast %swap3A_1197 : vector<16xi32> to vector<16xi32>
    %swap3A_1199 = vector.shape_cast %add3A_1195 : vector<16xi32> to vector<16xi32>
    tpu.vector_store %arg11[%swap3A_1196], %swap3A_1199 {strides = array<i32>} : memref<4480xi32, #tpu.memory_space<vmem>>, vector<16xi32>,
    %add3A_1200 = arith.constant 3 : i32
    %add3A_1201 = vector.broadcast %add3A_1200 : i32 to vector<16xi32>
    %add3A_1202 = arith.addi %mul3A_1178, %add3A_1201 : vector<16xi32>
    %swap3A_1203 = arith.constant 1808 : index
    %swap3A_1204 = tpu.vector_load %arg11[%swap3A_1203] {strides = array<i32>} : memref<4480xi32, #tpu.memory_space<vmem>>, vector<16xi32>,
    %swap3A_1205 = vector.shape_cast %swap3A_1204 : vector<16xi32> to vector<16xi32>
    %swap3A_1206 = vector.shape_cast %add3A_1202 : vector<16xi32> to vector<16xi32>
    tpu.vector_store %arg11[%swap3A_1203], %swap3A_1206 {strides = array<i32>} : memref<4480xi32, #tpu.memory_space<vmem>>, vector<16xi32>,
    %add3A_1207 = arith.constant 4 : i32
    %add3A_1208 = vector.broadcast %add3A_1207 : i32 to vector<16xi32>
    %add3A_1209 = arith.addi %mul3A_1178, %add3A_1208 : vector<16xi32>
    %swap3A_1210 = arith.constant 2128 : index
    %swap3A_1211 = tpu.vector_load %arg11[%swap3A_1210] {strides = array<i32>} : memref<4480xi32, #tpu.memory_space<vmem>>, vector<16xi32>,
    %swap3A_1212 = vector.shape_cast %swap3A_1211 : vector<16xi32> to vector<16xi32>
    %swap3A_1213 = vector.shape_cast %add3A_1209 : vector<16xi32> to vector<16xi32>
    tpu.vector_store %arg11[%swap3A_1210], %swap3A_1213 {strides = array<i32>} : memref<4480xi32, #tpu.memory_space<vmem>>, vector<16xi32>,
    %add3A_1214 = arith.constant 5 : i32
    %add3A_1215 = vector.broadcast %add3A_1214 : i32 to vector<16xi32>
    %add3A_1216 = arith.addi %mul3A_1178, %add3A_1215 : vector<16xi32>
    %swap3A_1217 = arith.constant 2448 : index
    %swap3A_1218 = tpu.vector_load %arg11[%swap3A_1217] {strides = array<i32>} : memref<4480xi32, #tpu.memory_space<vmem>>, vector<16xi32>,
    %swap3A_1219 = vector.shape_cast %swap3A_1218 : vector<16xi32> to vector<16xi32>
    %swap3A_1220 = vector.shape_cast %add3A_1216 : vector<16xi32> to vector<16xi32>
    tpu.vector_store %arg11[%swap3A_1217], %swap3A_1220 {strides = array<i32>} : memref<4480xi32, #tpu.memory_space<vmem>>, vector<16xi32>,
    %add3A_1221 = arith.constant 6 : i32
    %add3A_1222 = vector.broadcast %add3A_1221 : i32 to vector<16xi32>
    %add3A_1223 = arith.addi %mul3A_1178, %add3A_1222 : vector<16xi32>
    %swap3A_1224 = arith.constant 2768 : index
    %swap3A_1225 = tpu.vector_load %arg11[%swap3A_1224] {strides = array<i32>} : memref<4480xi32, #tpu.memory_space<vmem>>, vector<16xi32>,
    %swap3A_1226 = vector.shape_cast %swap3A_1225 : vector<16xi32> to vector<16xi32>
    %swap3A_1227 = vector.shape_cast %add3A_1223 : vector<16xi32> to vector<16xi32>
    tpu.vector_store %arg11[%swap3A_1224], %swap3A_1227 {strides = array<i32>} : memref<4480xi32, #tpu.memory_space<vmem>>, vector<16xi32>,
    %add3A_1228 = arith.constant 7 : i32
    %add3A_1229 = vector.broadcast %add3A_1228 : i32 to vector<16xi32>
    %add3A_1230 = arith.addi %mul3A_1178, %add3A_1229 : vector<16xi32>
    %swap3A_1231 = arith.constant 3088 : index
    %swap3A_1232 = tpu.vector_load %arg11[%swap3A_1231] {strides = array<i32>} : memref<4480xi32, #tpu.memory_space<vmem>>, vector<16xi32>,
    %swap3A_1233 = vector.shape_cast %swap3A_1232 : vector<16xi32> to vector<16xi32>
    %swap3A_1234 = vector.shape_cast %add3A_1230 : vector<16xi32> to vector<16xi32>
    tpu.vector_store %arg11[%swap3A_1231], %swap3A_1234 {strides = array<i32>} : memref<4480xi32, #tpu.memory_space<vmem>>, vector<16xi32>,
    %add3A_1235 = arith.constant 8 : i32
    %add3A_1236 = vector.broadcast %add3A_1235 : i32 to vector<16xi32>
    %add3A_1237 = arith.addi %mul3A_1178, %add3A_1236 : vector<16xi32>
    %swap3A_1238 = arith.constant 3408 : index
    %swap3A_1239 = tpu.vector_load %arg11[%swap3A_1238] {strides = array<i32>} : memref<4480xi32, #tpu.memory_space<vmem>>, vector<16xi32>,
    %swap3A_1240 = vector.shape_cast %swap3A_1239 : vector<16xi32> to vector<16xi32>
    %swap3A_1241 = vector.shape_cast %add3A_1237 : vector<16xi32> to vector<16xi32>
    tpu.vector_store %arg11[%swap3A_1238], %swap3A_1241 {strides = array<i32>} : memref<4480xi32, #tpu.memory_space<vmem>>, vector<16xi32>,
    %add3A_1242 = arith.constant 9 : i32
    %add3A_1243 = vector.broadcast %add3A_1242 : i32 to vector<16xi32>
    %add3A_1244 = arith.addi %mul3A_1178, %add3A_1243 : vector<16xi32>
    %swap3A_1245 = arith.constant 3728 : index
    %swap3A_1246 = tpu.vector_load %arg11[%swap3A_1245] {strides = array<i32>} : memref<4480xi32, #tpu.memory_space<vmem>>, vector<16xi32>,
    %swap3A_1247 = vector.shape_cast %swap3A_1246 : vector<16xi32> to vector<16xi32>
    %swap3A_1248 = vector.shape_cast %add3A_1244 : vector<16xi32> to vector<16xi32>
    tpu.vector_store %arg11[%swap3A_1245], %swap3A_1248 {strides = array<i32>} : memref<4480xi32, #tpu.memory_space<vmem>>, vector<16xi32>,
    %add3A_1249 = arith.constant 10 : i32
    %add3A_1250 = vector.broadcast %add3A_1249 : i32 to vector<16xi32>
    %add3A_1251 = arith.addi %mul3A_1178, %add3A_1250 : vector<16xi32>
    %swap3A_1252 = arith.constant 4048 : index
    %swap3A_1253 = tpu.vector_load %arg11[%swap3A_1252] {strides = array<i32>} : memref<4480xi32, #tpu.memory_space<vmem>>, vector<16xi32>,
    %swap3A_1254 = vector.shape_cast %swap3A_1253 : vector<16xi32> to vector<16xi32>
    %swap3A_1255 = vector.shape_cast %add3A_1251 : vector<16xi32> to vector<16xi32>
    tpu.vector_store %arg11[%swap3A_1252], %swap3A_1255 {strides = array<i32>} : memref<4480xi32, #tpu.memory_space<vmem>>, vector<16xi32>,
    %add3A_1256 = arith.constant 11 : i32
    %add3A_1257 = vector.broadcast %add3A_1256 : i32 to vector<16xi32>
    %add3A_1258 = arith.addi %mul3A_1178, %add3A_1257 : vector<16xi32>
    %swap3A_1259 = arith.constant 4368 : index
    %swap3A_1260 = tpu.vector_load %arg11[%swap3A_1259] {strides = array<i32>} : memref<4480xi32, #tpu.memory_space<vmem>>, vector<16xi32>,
    %swap3A_1261 = vector.shape_cast %swap3A_1260 : vector<16xi32> to vector<16xi32>
    %swap3A_1262 = vector.shape_cast %add3A_1258 : vector<16xi32> to vector<16xi32>
    tpu.vector_store %arg11[%swap3A_1259], %swap3A_1262 {strides = array<i32>} : memref<4480xi32, #tpu.memory_space<vmem>>, vector<16xi32>,
    %get3A_1263 = arith.constant 224 : index
    %get3A_1264 = tpu.vector_load %arg11[%get3A_1263] {strides = array<i32>} : memref<4480xi32, #tpu.memory_space<vmem>>, vector<16xi32>,
    %get3A_1265 = vector.shape_cast %get3A_1264 : vector<16xi32> to vector<16xi32>
    %mul3A_1266 = arith.constant 12 : i32
    %mul3A_1267 = vector.broadcast %mul3A_1266 : i32 to vector<16xi32>
    %mul3A_1268 = arith.muli %get3A_1265, %mul3A_1267 : vector<16xi32>
    %add3A_1269 = arith.constant 0 : i32
    %add3A_1270 = vector.broadcast %add3A_1269 : i32 to vector<16xi32>
    %add3A_1271 = arith.addi %mul3A_1268, %add3A_1270 : vector<16xi32>
    %swap3A_1272 = arith.constant 864 : index
    %swap3A_1273 = tpu.vector_load %arg11[%swap3A_1272] {strides = array<i32>} : memref<4480xi32, #tpu.memory_space<vmem>>, vector<16xi32>,
    %swap3A_1274 = vector.shape_cast %swap3A_1273 : vector<16xi32> to vector<16xi32>
    %swap3A_1275 = vector.shape_cast %add3A_1271 : vector<16xi32> to vector<16xi32>
    tpu.vector_store %arg11[%swap3A_1272], %swap3A_1275 {strides = array<i32>} : memref<4480xi32, #tpu.memory_space<vmem>>, vector<16xi32>,
    %add3A_1276 = arith.constant 1 : i32
    %add3A_1277 = vector.broadcast %add3A_1276 : i32 to vector<16xi32>
    %add3A_1278 = arith.addi %mul3A_1268, %add3A_1277 : vector<16xi32>
    %swap3A_1279 = arith.constant 1184 : index
    %swap3A_1280 = tpu.vector_load %arg11[%swap3A_1279] {strides = array<i32>} : memref<4480xi32, #tpu.memory_space<vmem>>, vector<16xi32>,
    %swap3A_1281 = vector.shape_cast %swap3A_1280 : vector<16xi32> to vector<16xi32>
    %swap3A_1282 = vector.shape_cast %add3A_1278 : vector<16xi32> to vector<16xi32>
    tpu.vector_store %arg11[%swap3A_1279], %swap3A_1282 {strides = array<i32>} : memref<4480xi32, #tpu.memory_space<vmem>>, vector<16xi32>,
    %add3A_1283 = arith.constant 2 : i32
    %add3A_1284 = vector.broadcast %add3A_1283 : i32 to vector<16xi32>
    %add3A_1285 = arith.addi %mul3A_1268, %add3A_1284 : vector<16xi32>
    %swap3A_1286 = arith.constant 1504 : index
    %swap3A_1287 = tpu.vector_load %arg11[%swap3A_1286] {strides = array<i32>} : memref<4480xi32, #tpu.memory_space<vmem>>, vector<16xi32>,
    %swap3A_1288 = vector.shape_cast %swap3A_1287 : vector<16xi32> to vector<16xi32>
    %swap3A_1289 = vector.shape_cast %add3A_1285 : vector<16xi32> to vector<16xi32>
    tpu.vector_store %arg11[%swap3A_1286], %swap3A_1289 {strides = array<i32>} : memref<4480xi32, #tpu.memory_space<vmem>>, vector<16xi32>,
    %add3A_1290 = arith.constant 3 : i32
    %add3A_1291 = vector.broadcast %add3A_1290 : i32 to vector<16xi32>
    %add3A_1292 = arith.addi %mul3A_1268, %add3A_1291 : vector<16xi32>
    %swap3A_1293 = arith.constant 1824 : index
    %swap3A_1294 = tpu.vector_load %arg11[%swap3A_1293] {strides = array<i32>} : memref<4480xi32, #tpu.memory_space<vmem>>, vector<16xi32>,
    %swap3A_1295 = vector.shape_cast %swap3A_1294 : vector<16xi32> to vector<16xi32>
    %swap3A_1296 = vector.shape_cast %add3A_1292 : vector<16xi32> to vector<16xi32>
    tpu.vector_store %arg11[%swap3A_1293], %swap3A_1296 {strides = array<i32>} : memref<4480xi32, #tpu.memory_space<vmem>>, vector<16xi32>,
    %add3A_1297 = arith.constant 4 : i32
    %add3A_1298 = vector.broadcast %add3A_1297 : i32 to vector<16xi32>
    %add3A_1299 = arith.addi %mul3A_1268, %add3A_1298 : vector<16xi32>
    %swap3A_1300 = arith.constant 2144 : index
    %swap3A_1301 = tpu.vector_load %arg11[%swap3A_1300] {strides = array<i32>} : memref<4480xi32, #tpu.memory_space<vmem>>, vector<16xi32>,
    %swap3A_1302 = vector.shape_cast %swap3A_1301 : vector<16xi32> to vector<16xi32>
    %swap3A_1303 = vector.shape_cast %add3A_1299 : vector<16xi32> to vector<16xi32>
    tpu.vector_store %arg11[%swap3A_1300], %swap3A_1303 {strides = array<i32>} : memref<4480xi32, #tpu.memory_space<vmem>>, vector<16xi32>,
    %add3A_1304 = arith.constant 5 : i32
    %add3A_1305 = vector.broadcast %add3A_1304 : i32 to vector<16xi32>
    %add3A_1306 = arith.addi %mul3A_1268, %add3A_1305 : vector<16xi32>
    %swap3A_1307 = arith.constant 2464 : index
    %swap3A_1308 = tpu.vector_load %arg11[%swap3A_1307] {strides = array<i32>} : memref<4480xi32, #tpu.memory_space<vmem>>, vector<16xi32>,
    %swap3A_1309 = vector.shape_cast %swap3A_1308 : vector<16xi32> to vector<16xi32>
    %swap3A_1310 = vector.shape_cast %add3A_1306 : vector<16xi32> to vector<16xi32>
    tpu.vector_store %arg11[%swap3A_1307], %swap3A_1310 {strides = array<i32>} : memref<4480xi32, #tpu.memory_space<vmem>>, vector<16xi32>,
    %add3A_1311 = arith.constant 6 : i32
    %add3A_1312 = vector.broadcast %add3A_1311 : i32 to vector<16xi32>
    %add3A_1313 = arith.addi %mul3A_1268, %add3A_1312 : vector<16xi32>
    %swap3A_1314 = arith.constant 2784 : index
    %swap3A_1315 = tpu.vector_load %arg11[%swap3A_1314] {strides = array<i32>} : memref<4480xi32, #tpu.memory_space<vmem>>, vector<16xi32>,
    %swap3A_1316 = vector.shape_cast %swap3A_1315 : vector<16xi32> to vector<16xi32>
    %swap3A_1317 = vector.shape_cast %add3A_1313 : vector<16xi32> to vector<16xi32>
    tpu.vector_store %arg11[%swap3A_1314], %swap3A_1317 {strides = array<i32>} : memref<4480xi32, #tpu.memory_space<vmem>>, vector<16xi32>,
    %add3A_1318 = arith.constant 7 : i32
    %add3A_1319 = vector.broadcast %add3A_1318 : i32 to vector<16xi32>
    %add3A_1320 = arith.addi %mul3A_1268, %add3A_1319 : vector<16xi32>
    %swap3A_1321 = arith.constant 3104 : index
    %swap3A_1322 = tpu.vector_load %arg11[%swap3A_1321] {strides = array<i32>} : memref<4480xi32, #tpu.memory_space<vmem>>, vector<16xi32>,
    %swap3A_1323 = vector.shape_cast %swap3A_1322 : vector<16xi32> to vector<16xi32>
    %swap3A_1324 = vector.shape_cast %add3A_1320 : vector<16xi32> to vector<16xi32>
    tpu.vector_store %arg11[%swap3A_1321], %swap3A_1324 {strides = array<i32>} : memref<4480xi32, #tpu.memory_space<vmem>>, vector<16xi32>,
    %add3A_1325 = arith.constant 8 : i32
    %add3A_1326 = vector.broadcast %add3A_1325 : i32 to vector<16xi32>
    %add3A_1327 = arith.addi %mul3A_1268, %add3A_1326 : vector<16xi32>
    %swap3A_1328 = arith.constant 3424 : index
    %swap3A_1329 = tpu.vector_load %arg11[%swap3A_1328] {strides = array<i32>} : memref<4480xi32, #tpu.memory_space<vmem>>, vector<16xi32>,
    %swap3A_1330 = vector.shape_cast %swap3A_1329 : vector<16xi32> to vector<16xi32>
    %swap3A_1331 = vector.shape_cast %add3A_1327 : vector<16xi32> to vector<16xi32>
    tpu.vector_store %arg11[%swap3A_1328], %swap3A_1331 {strides = array<i32>} : memref<4480xi32, #tpu.memory_space<vmem>>, vector<16xi32>,
    %add3A_1332 = arith.constant 9 : i32
    %add3A_1333 = vector.broadcast %add3A_1332 : i32 to vector<16xi32>
    %add3A_1334 = arith.addi %mul3A_1268, %add3A_1333 : vector<16xi32>
    %swap3A_1335 = arith.constant 3744 : index
    %swap3A_1336 = tpu.vector_load %arg11[%swap3A_1335] {strides = array<i32>} : memref<4480xi32, #tpu.memory_space<vmem>>, vector<16xi32>,
    %swap3A_1337 = vector.shape_cast %swap3A_1336 : vector<16xi32> to vector<16xi32>
    %swap3A_1338 = vector.shape_cast %add3A_1334 : vector<16xi32> to vector<16xi32>
    tpu.vector_store %arg11[%swap3A_1335], %swap3A_1338 {strides = array<i32>} : memref<4480xi32, #tpu.memory_space<vmem>>, vector<16xi32>,
    %add3A_1339 = arith.constant 10 : i32
    %add3A_1340 = vector.broadcast %add3A_1339 : i32 to vector<16xi32>
    %add3A_1341 = arith.addi %mul3A_1268, %add3A_1340 : vector<16xi32>
    %swap3A_1342 = arith.constant 4064 : index
    %swap3A_1343 = tpu.vector_load %arg11[%swap3A_1342] {strides = array<i32>} : memref<4480xi32, #tpu.memory_space<vmem>>, vector<16xi32>,
    %swap3A_1344 = vector.shape_cast %swap3A_1343 : vector<16xi32> to vector<16xi32>
    %swap3A_1345 = vector.shape_cast %add3A_1341 : vector<16xi32> to vector<16xi32>
    tpu.vector_store %arg11[%swap3A_1342], %swap3A_1345 {strides = array<i32>} : memref<4480xi32, #tpu.memory_space<vmem>>, vector<16xi32>,
    %add3A_1346 = arith.constant 11 : i32
    %add3A_1347 = vector.broadcast %add3A_1346 : i32 to vector<16xi32>
    %add3A_1348 = arith.addi %mul3A_1268, %add3A_1347 : vector<16xi32>
    %swap3A_1349 = arith.constant 4384 : index
    %swap3A_1350 = tpu.vector_load %arg11[%swap3A_1349] {strides = array<i32>} : memref<4480xi32, #tpu.memory_space<vmem>>, vector<16xi32>,
    %swap3A_1351 = vector.shape_cast %swap3A_1350 : vector<16xi32> to vector<16xi32>
    %swap3A_1352 = vector.shape_cast %add3A_1348 : vector<16xi32> to vector<16xi32>
    tpu.vector_store %arg11[%swap3A_1349], %swap3A_1352 {strides = array<i32>} : memref<4480xi32, #tpu.memory_space<vmem>>, vector<16xi32>,
    %get3A_1353 = arith.constant 240 : index
    %get3A_1354 = tpu.vector_load %arg11[%get3A_1353] {strides = array<i32>} : memref<4480xi32, #tpu.memory_space<vmem>>, vector<16xi32>,
    %get3A_1355 = vector.shape_cast %get3A_1354 : vector<16xi32> to vector<16xi32>
    %mul3A_1356 = arith.constant 12 : i32
    %mul3A_1357 = vector.broadcast %mul3A_1356 : i32 to vector<16xi32>
    %mul3A_1358 = arith.muli %get3A_1355, %mul3A_1357 : vector<16xi32>
    %add3A_1359 = arith.constant 0 : i32
    %add3A_1360 = vector.broadcast %add3A_1359 : i32 to vector<16xi32>
    %add3A_1361 = arith.addi %mul3A_1358, %add3A_1360 : vector<16xi32>
    %swap3A_1362 = arith.constant 880 : index
    %swap3A_1363 = tpu.vector_load %arg11[%swap3A_1362] {strides = array<i32>} : memref<4480xi32, #tpu.memory_space<vmem>>, vector<16xi32>,
    %swap3A_1364 = vector.shape_cast %swap3A_1363 : vector<16xi32> to vector<16xi32>
    %swap3A_1365 = vector.shape_cast %add3A_1361 : vector<16xi32> to vector<16xi32>
    tpu.vector_store %arg11[%swap3A_1362], %swap3A_1365 {strides = array<i32>} : memref<4480xi32, #tpu.memory_space<vmem>>, vector<16xi32>,
    %add3A_1366 = arith.constant 1 : i32
    %add3A_1367 = vector.broadcast %add3A_1366 : i32 to vector<16xi32>
    %add3A_1368 = arith.addi %mul3A_1358, %add3A_1367 : vector<16xi32>
    %swap3A_1369 = arith.constant 1200 : index
    %swap3A_1370 = tpu.vector_load %arg11[%swap3A_1369] {strides = array<i32>} : memref<4480xi32, #tpu.memory_space<vmem>>, vector<16xi32>,
    %swap3A_1371 = vector.shape_cast %swap3A_1370 : vector<16xi32> to vector<16xi32>
    %swap3A_1372 = vector.shape_cast %add3A_1368 : vector<16xi32> to vector<16xi32>
    tpu.vector_store %arg11[%swap3A_1369], %swap3A_1372 {strides = array<i32>} : memref<4480xi32, #tpu.memory_space<vmem>>, vector<16xi32>,
    %add3A_1373 = arith.constant 2 : i32
    %add3A_1374 = vector.broadcast %add3A_1373 : i32 to vector<16xi32>
    %add3A_1375 = arith.addi %mul3A_1358, %add3A_1374 : vector<16xi32>
    %swap3A_1376 = arith.constant 1520 : index
    %swap3A_1377 = tpu.vector_load %arg11[%swap3A_1376] {strides = array<i32>} : memref<4480xi32, #tpu.memory_space<vmem>>, vector<16xi32>,
    %swap3A_1378 = vector.shape_cast %swap3A_1377 : vector<16xi32> to vector<16xi32>
    %swap3A_1379 = vector.shape_cast %add3A_1375 : vector<16xi32> to vector<16xi32>
    tpu.vector_store %arg11[%swap3A_1376], %swap3A_1379 {strides = array<i32>} : memref<4480xi32, #tpu.memory_space<vmem>>, vector<16xi32>,
    %add3A_1380 = arith.constant 3 : i32
    %add3A_1381 = vector.broadcast %add3A_1380 : i32 to vector<16xi32>
    %add3A_1382 = arith.addi %mul3A_1358, %add3A_1381 : vector<16xi32>
    %swap3A_1383 = arith.constant 1840 : index
    %swap3A_1384 = tpu.vector_load %arg11[%swap3A_1383] {strides = array<i32>} : memref<4480xi32, #tpu.memory_space<vmem>>, vector<16xi32>,
    %swap3A_1385 = vector.shape_cast %swap3A_1384 : vector<16xi32> to vector<16xi32>
    %swap3A_1386 = vector.shape_cast %add3A_1382 : vector<16xi32> to vector<16xi32>
    tpu.vector_store %arg11[%swap3A_1383], %swap3A_1386 {strides = array<i32>} : memref<4480xi32, #tpu.memory_space<vmem>>, vector<16xi32>,
    %add3A_1387 = arith.constant 4 : i32
    %add3A_1388 = vector.broadcast %add3A_1387 : i32 to vector<16xi32>
    %add3A_1389 = arith.addi %mul3A_1358, %add3A_1388 : vector<16xi32>
    %swap3A_1390 = arith.constant 2160 : index
    %swap3A_1391 = tpu.vector_load %arg11[%swap3A_1390] {strides = array<i32>} : memref<4480xi32, #tpu.memory_space<vmem>>, vector<16xi32>,
    %swap3A_1392 = vector.shape_cast %swap3A_1391 : vector<16xi32> to vector<16xi32>
    %swap3A_1393 = vector.shape_cast %add3A_1389 : vector<16xi32> to vector<16xi32>
    tpu.vector_store %arg11[%swap3A_1390], %swap3A_1393 {strides = array<i32>} : memref<4480xi32, #tpu.memory_space<vmem>>, vector<16xi32>,
    %add3A_1394 = arith.constant 5 : i32
    %add3A_1395 = vector.broadcast %add3A_1394 : i32 to vector<16xi32>
    %add3A_1396 = arith.addi %mul3A_1358, %add3A_1395 : vector<16xi32>
    %swap3A_1397 = arith.constant 2480 : index
    %swap3A_1398 = tpu.vector_load %arg11[%swap3A_1397] {strides = array<i32>} : memref<4480xi32, #tpu.memory_space<vmem>>, vector<16xi32>,
    %swap3A_1399 = vector.shape_cast %swap3A_1398 : vector<16xi32> to vector<16xi32>
    %swap3A_1400 = vector.shape_cast %add3A_1396 : vector<16xi32> to vector<16xi32>
    tpu.vector_store %arg11[%swap3A_1397], %swap3A_1400 {strides = array<i32>} : memref<4480xi32, #tpu.memory_space<vmem>>, vector<16xi32>,
    %add3A_1401 = arith.constant 6 : i32
    %add3A_1402 = vector.broadcast %add3A_1401 : i32 to vector<16xi32>
    %add3A_1403 = arith.addi %mul3A_1358, %add3A_1402 : vector<16xi32>
    %swap3A_1404 = arith.constant 2800 : index
    %swap3A_1405 = tpu.vector_load %arg11[%swap3A_1404] {strides = array<i32>} : memref<4480xi32, #tpu.memory_space<vmem>>, vector<16xi32>,
    %swap3A_1406 = vector.shape_cast %swap3A_1405 : vector<16xi32> to vector<16xi32>
    %swap3A_1407 = vector.shape_cast %add3A_1403 : vector<16xi32> to vector<16xi32>
    tpu.vector_store %arg11[%swap3A_1404], %swap3A_1407 {strides = array<i32>} : memref<4480xi32, #tpu.memory_space<vmem>>, vector<16xi32>,
    %add3A_1408 = arith.constant 7 : i32
    %add3A_1409 = vector.broadcast %add3A_1408 : i32 to vector<16xi32>
    %add3A_1410 = arith.addi %mul3A_1358, %add3A_1409 : vector<16xi32>
    %swap3A_1411 = arith.constant 3120 : index
    %swap3A_1412 = tpu.vector_load %arg11[%swap3A_1411] {strides = array<i32>} : memref<4480xi32, #tpu.memory_space<vmem>>, vector<16xi32>,
    %swap3A_1413 = vector.shape_cast %swap3A_1412 : vector<16xi32> to vector<16xi32>
    %swap3A_1414 = vector.shape_cast %add3A_1410 : vector<16xi32> to vector<16xi32>
    tpu.vector_store %arg11[%swap3A_1411], %swap3A_1414 {strides = array<i32>} : memref<4480xi32, #tpu.memory_space<vmem>>, vector<16xi32>,
    %add3A_1415 = arith.constant 8 : i32
    %add3A_1416 = vector.broadcast %add3A_1415 : i32 to vector<16xi32>
    %add3A_1417 = arith.addi %mul3A_1358, %add3A_1416 : vector<16xi32>
    %swap3A_1418 = arith.constant 3440 : index
    %swap3A_1419 = tpu.vector_load %arg11[%swap3A_1418] {strides = array<i32>} : memref<4480xi32, #tpu.memory_space<vmem>>, vector<16xi32>,
    %swap3A_1420 = vector.shape_cast %swap3A_1419 : vector<16xi32> to vector<16xi32>
    %swap3A_1421 = vector.shape_cast %add3A_1417 : vector<16xi32> to vector<16xi32>
    tpu.vector_store %arg11[%swap3A_1418], %swap3A_1421 {strides = array<i32>} : memref<4480xi32, #tpu.memory_space<vmem>>, vector<16xi32>,
    %add3A_1422 = arith.constant 9 : i32
    %add3A_1423 = vector.broadcast %add3A_1422 : i32 to vector<16xi32>
    %add3A_1424 = arith.addi %mul3A_1358, %add3A_1423 : vector<16xi32>
    %swap3A_1425 = arith.constant 3760 : index
    %swap3A_1426 = tpu.vector_load %arg11[%swap3A_1425] {strides = array<i32>} : memref<4480xi32, #tpu.memory_space<vmem>>, vector<16xi32>,
    %swap3A_1427 = vector.shape_cast %swap3A_1426 : vector<16xi32> to vector<16xi32>
    %swap3A_1428 = vector.shape_cast %add3A_1424 : vector<16xi32> to vector<16xi32>
    tpu.vector_store %arg11[%swap3A_1425], %swap3A_1428 {strides = array<i32>} : memref<4480xi32, #tpu.memory_space<vmem>>, vector<16xi32>,
    %add3A_1429 = arith.constant 10 : i32
    %add3A_1430 = vector.broadcast %add3A_1429 : i32 to vector<16xi32>
    %add3A_1431 = arith.addi %mul3A_1358, %add3A_1430 : vector<16xi32>
    %swap3A_1432 = arith.constant 4080 : index
    %swap3A_1433 = tpu.vector_load %arg11[%swap3A_1432] {strides = array<i32>} : memref<4480xi32, #tpu.memory_space<vmem>>, vector<16xi32>,
    %swap3A_1434 = vector.shape_cast %swap3A_1433 : vector<16xi32> to vector<16xi32>
    %swap3A_1435 = vector.shape_cast %add3A_1431 : vector<16xi32> to vector<16xi32>
    tpu.vector_store %arg11[%swap3A_1432], %swap3A_1435 {strides = array<i32>} : memref<4480xi32, #tpu.memory_space<vmem>>, vector<16xi32>,
    %add3A_1436 = arith.constant 11 : i32
    %add3A_1437 = vector.broadcast %add3A_1436 : i32 to vector<16xi32>
    %add3A_1438 = arith.addi %mul3A_1358, %add3A_1437 : vector<16xi32>
    %swap3A_1439 = arith.constant 4400 : index
    %swap3A_1440 = tpu.vector_load %arg11[%swap3A_1439] {strides = array<i32>} : memref<4480xi32, #tpu.memory_space<vmem>>, vector<16xi32>,
    %swap3A_1441 = vector.shape_cast %swap3A_1440 : vector<16xi32> to vector<16xi32>
    %swap3A_1442 = vector.shape_cast %add3A_1438 : vector<16xi32> to vector<16xi32>
    tpu.vector_store %arg11[%swap3A_1439], %swap3A_1442 {strides = array<i32>} : memref<4480xi32, #tpu.memory_space<vmem>>, vector<16xi32>,
    %get3A_1443 = arith.constant 256 : index
    %get3A_1444 = tpu.vector_load %arg11[%get3A_1443] {strides = array<i32>} : memref<4480xi32, #tpu.memory_space<vmem>>, vector<16xi32>,
    %get3A_1445 = vector.shape_cast %get3A_1444 : vector<16xi32> to vector<16xi32>
    %mul3A_1446 = arith.constant 12 : i32
    %mul3A_1447 = vector.broadcast %mul3A_1446 : i32 to vector<16xi32>
    %mul3A_1448 = arith.muli %get3A_1445, %mul3A_1447 : vector<16xi32>
    %add3A_1449 = arith.constant 0 : i32
    %add3A_1450 = vector.broadcast %add3A_1449 : i32 to vector<16xi32>
    %add3A_1451 = arith.addi %mul3A_1448, %add3A_1450 : vector<16xi32>
    %swap3A_1452 = arith.constant 896 : index
    %swap3A_1453 = tpu.vector_load %arg11[%swap3A_1452] {strides = array<i32>} : memref<4480xi32, #tpu.memory_space<vmem>>, vector<16xi32>,
    %swap3A_1454 = vector.shape_cast %swap3A_1453 : vector<16xi32> to vector<16xi32>
    %swap3A_1455 = vector.shape_cast %add3A_1451 : vector<16xi32> to vector<16xi32>
    tpu.vector_store %arg11[%swap3A_1452], %swap3A_1455 {strides = array<i32>} : memref<4480xi32, #tpu.memory_space<vmem>>, vector<16xi32>,
    %add3A_1456 = arith.constant 1 : i32
    %add3A_1457 = vector.broadcast %add3A_1456 : i32 to vector<16xi32>
    %add3A_1458 = arith.addi %mul3A_1448, %add3A_1457 : vector<16xi32>
    %swap3A_1459 = arith.constant 1216 : index
    %swap3A_1460 = tpu.vector_load %arg11[%swap3A_1459] {strides = array<i32>} : memref<4480xi32, #tpu.memory_space<vmem>>, vector<16xi32>,
    %swap3A_1461 = vector.shape_cast %swap3A_1460 : vector<16xi32> to vector<16xi32>
    %swap3A_1462 = vector.shape_cast %add3A_1458 : vector<16xi32> to vector<16xi32>
    tpu.vector_store %arg11[%swap3A_1459], %swap3A_1462 {strides = array<i32>} : memref<4480xi32, #tpu.memory_space<vmem>>, vector<16xi32>,
    %add3A_1463 = arith.constant 2 : i32
    %add3A_1464 = vector.broadcast %add3A_1463 : i32 to vector<16xi32>
    %add3A_1465 = arith.addi %mul3A_1448, %add3A_1464 : vector<16xi32>
    %swap3A_1466 = arith.constant 1536 : index
    %swap3A_1467 = tpu.vector_load %arg11[%swap3A_1466] {strides = array<i32>} : memref<4480xi32, #tpu.memory_space<vmem>>, vector<16xi32>,
    %swap3A_1468 = vector.shape_cast %swap3A_1467 : vector<16xi32> to vector<16xi32>
    %swap3A_1469 = vector.shape_cast %add3A_1465 : vector<16xi32> to vector<16xi32>
    tpu.vector_store %arg11[%swap3A_1466], %swap3A_1469 {strides = array<i32>} : memref<4480xi32, #tpu.memory_space<vmem>>, vector<16xi32>,
    %add3A_1470 = arith.constant 3 : i32
    %add3A_1471 = vector.broadcast %add3A_1470 : i32 to vector<16xi32>
    %add3A_1472 = arith.addi %mul3A_1448, %add3A_1471 : vector<16xi32>
    %swap3A_1473 = arith.constant 1856 : index
    %swap3A_1474 = tpu.vector_load %arg11[%swap3A_1473] {strides = array<i32>} : memref<4480xi32, #tpu.memory_space<vmem>>, vector<16xi32>,
    %swap3A_1475 = vector.shape_cast %swap3A_1474 : vector<16xi32> to vector<16xi32>
    %swap3A_1476 = vector.shape_cast %add3A_1472 : vector<16xi32> to vector<16xi32>
    tpu.vector_store %arg11[%swap3A_1473], %swap3A_1476 {strides = array<i32>} : memref<4480xi32, #tpu.memory_space<vmem>>, vector<16xi32>,
    %add3A_1477 = arith.constant 4 : i32
    %add3A_1478 = vector.broadcast %add3A_1477 : i32 to vector<16xi32>
    %add3A_1479 = arith.addi %mul3A_1448, %add3A_1478 : vector<16xi32>
    %swap3A_1480 = arith.constant 2176 : index
    %swap3A_1481 = tpu.vector_load %arg11[%swap3A_1480] {strides = array<i32>} : memref<4480xi32, #tpu.memory_space<vmem>>, vector<16xi32>,
    %swap3A_1482 = vector.shape_cast %swap3A_1481 : vector<16xi32> to vector<16xi32>
    %swap3A_1483 = vector.shape_cast %add3A_1479 : vector<16xi32> to vector<16xi32>
    tpu.vector_store %arg11[%swap3A_1480], %swap3A_1483 {strides = array<i32>} : memref<4480xi32, #tpu.memory_space<vmem>>, vector<16xi32>,
    %add3A_1484 = arith.constant 5 : i32
    %add3A_1485 = vector.broadcast %add3A_1484 : i32 to vector<16xi32>
    %add3A_1486 = arith.addi %mul3A_1448, %add3A_1485 : vector<16xi32>
    %swap3A_1487 = arith.constant 2496 : index
    %swap3A_1488 = tpu.vector_load %arg11[%swap3A_1487] {strides = array<i32>} : memref<4480xi32, #tpu.memory_space<vmem>>, vector<16xi32>,
    %swap3A_1489 = vector.shape_cast %swap3A_1488 : vector<16xi32> to vector<16xi32>
    %swap3A_1490 = vector.shape_cast %add3A_1486 : vector<16xi32> to vector<16xi32>
    tpu.vector_store %arg11[%swap3A_1487], %swap3A_1490 {strides = array<i32>} : memref<4480xi32, #tpu.memory_space<vmem>>, vector<16xi32>,
    %add3A_1491 = arith.constant 6 : i32
    %add3A_1492 = vector.broadcast %add3A_1491 : i32 to vector<16xi32>
    %add3A_1493 = arith.addi %mul3A_1448, %add3A_1492 : vector<16xi32>
    %swap3A_1494 = arith.constant 2816 : index
    %swap3A_1495 = tpu.vector_load %arg11[%swap3A_1494] {strides = array<i32>} : memref<4480xi32, #tpu.memory_space<vmem>>, vector<16xi32>,
    %swap3A_1496 = vector.shape_cast %swap3A_1495 : vector<16xi32> to vector<16xi32>
    %swap3A_1497 = vector.shape_cast %add3A_1493 : vector<16xi32> to vector<16xi32>
    tpu.vector_store %arg11[%swap3A_1494], %swap3A_1497 {strides = array<i32>} : memref<4480xi32, #tpu.memory_space<vmem>>, vector<16xi32>,
    %add3A_1498 = arith.constant 7 : i32
    %add3A_1499 = vector.broadcast %add3A_1498 : i32 to vector<16xi32>
    %add3A_1500 = arith.addi %mul3A_1448, %add3A_1499 : vector<16xi32>
    %swap3A_1501 = arith.constant 3136 : index
    %swap3A_1502 = tpu.vector_load %arg11[%swap3A_1501] {strides = array<i32>} : memref<4480xi32, #tpu.memory_space<vmem>>, vector<16xi32>,
    %swap3A_1503 = vector.shape_cast %swap3A_1502 : vector<16xi32> to vector<16xi32>
    %swap3A_1504 = vector.shape_cast %add3A_1500 : vector<16xi32> to vector<16xi32>
    tpu.vector_store %arg11[%swap3A_1501], %swap3A_1504 {strides = array<i32>} : memref<4480xi32, #tpu.memory_space<vmem>>, vector<16xi32>,
    %add3A_1505 = arith.constant 8 : i32
    %add3A_1506 = vector.broadcast %add3A_1505 : i32 to vector<16xi32>
    %add3A_1507 = arith.addi %mul3A_1448, %add3A_1506 : vector<16xi32>
    %swap3A_1508 = arith.constant 3456 : index
    %swap3A_1509 = tpu.vector_load %arg11[%swap3A_1508] {strides = array<i32>} : memref<4480xi32, #tpu.memory_space<vmem>>, vector<16xi32>,
    %swap3A_1510 = vector.shape_cast %swap3A_1509 : vector<16xi32> to vector<16xi32>
    %swap3A_1511 = vector.shape_cast %add3A_1507 : vector<16xi32> to vector<16xi32>
    tpu.vector_store %arg11[%swap3A_1508], %swap3A_1511 {strides = array<i32>} : memref<4480xi32, #tpu.memory_space<vmem>>, vector<16xi32>,
    %add3A_1512 = arith.constant 9 : i32
    %add3A_1513 = vector.broadcast %add3A_1512 : i32 to vector<16xi32>
    %add3A_1514 = arith.addi %mul3A_1448, %add3A_1513 : vector<16xi32>
    %swap3A_1515 = arith.constant 3776 : index
    %swap3A_1516 = tpu.vector_load %arg11[%swap3A_1515] {strides = array<i32>} : memref<4480xi32, #tpu.memory_space<vmem>>, vector<16xi32>,
    %swap3A_1517 = vector.shape_cast %swap3A_1516 : vector<16xi32> to vector<16xi32>
    %swap3A_1518 = vector.shape_cast %add3A_1514 : vector<16xi32> to vector<16xi32>
    tpu.vector_store %arg11[%swap3A_1515], %swap3A_1518 {strides = array<i32>} : memref<4480xi32, #tpu.memory_space<vmem>>, vector<16xi32>,
    %add3A_1519 = arith.constant 10 : i32
    %add3A_1520 = vector.broadcast %add3A_1519 : i32 to vector<16xi32>
    %add3A_1521 = arith.addi %mul3A_1448, %add3A_1520 : vector<16xi32>
    %swap3A_1522 = arith.constant 4096 : index
    %swap3A_1523 = tpu.vector_load %arg11[%swap3A_1522] {strides = array<i32>} : memref<4480xi32, #tpu.memory_space<vmem>>, vector<16xi32>,
    %swap3A_1524 = vector.shape_cast %swap3A_1523 : vector<16xi32> to vector<16xi32>
    %swap3A_1525 = vector.shape_cast %add3A_1521 : vector<16xi32> to vector<16xi32>
    tpu.vector_store %arg11[%swap3A_1522], %swap3A_1525 {strides = array<i32>} : memref<4480xi32, #tpu.memory_space<vmem>>, vector<16xi32>,
    %add3A_1526 = arith.constant 11 : i32
    %add3A_1527 = vector.broadcast %add3A_1526 : i32 to vector<16xi32>
    %add3A_1528 = arith.addi %mul3A_1448, %add3A_1527 : vector<16xi32>
    %swap3A_1529 = arith.constant 4416 : index
    %swap3A_1530 = tpu.vector_load %arg11[%swap3A_1529] {strides = array<i32>} : memref<4480xi32, #tpu.memory_space<vmem>>, vector<16xi32>,
    %swap3A_1531 = vector.shape_cast %swap3A_1530 : vector<16xi32> to vector<16xi32>
    %swap3A_1532 = vector.shape_cast %add3A_1528 : vector<16xi32> to vector<16xi32>
    tpu.vector_store %arg11[%swap3A_1529], %swap3A_1532 {strides = array<i32>} : memref<4480xi32, #tpu.memory_space<vmem>>, vector<16xi32>,
    %get3A_1533 = arith.constant 272 : index
    %get3A_1534 = tpu.vector_load %arg11[%get3A_1533] {strides = array<i32>} : memref<4480xi32, #tpu.memory_space<vmem>>, vector<16xi32>,
    %get3A_1535 = vector.shape_cast %get3A_1534 : vector<16xi32> to vector<16xi32>
    %mul3A_1536 = arith.constant 12 : i32
    %mul3A_1537 = vector.broadcast %mul3A_1536 : i32 to vector<16xi32>
    %mul3A_1538 = arith.muli %get3A_1535, %mul3A_1537 : vector<16xi32>
    %add3A_1539 = arith.constant 0 : i32
    %add3A_1540 = vector.broadcast %add3A_1539 : i32 to vector<16xi32>
    %add3A_1541 = arith.addi %mul3A_1538, %add3A_1540 : vector<16xi32>
    %swap3A_1542 = arith.constant 912 : index
    %swap3A_1543 = tpu.vector_load %arg11[%swap3A_1542] {strides = array<i32>} : memref<4480xi32, #tpu.memory_space<vmem>>, vector<16xi32>,
    %swap3A_1544 = vector.shape_cast %swap3A_1543 : vector<16xi32> to vector<16xi32>
    %swap3A_1545 = vector.shape_cast %add3A_1541 : vector<16xi32> to vector<16xi32>
    tpu.vector_store %arg11[%swap3A_1542], %swap3A_1545 {strides = array<i32>} : memref<4480xi32, #tpu.memory_space<vmem>>, vector<16xi32>,
    %add3A_1546 = arith.constant 1 : i32
    %add3A_1547 = vector.broadcast %add3A_1546 : i32 to vector<16xi32>
    %add3A_1548 = arith.addi %mul3A_1538, %add3A_1547 : vector<16xi32>
    %swap3A_1549 = arith.constant 1232 : index
    %swap3A_1550 = tpu.vector_load %arg11[%swap3A_1549] {strides = array<i32>} : memref<4480xi32, #tpu.memory_space<vmem>>, vector<16xi32>,
    %swap3A_1551 = vector.shape_cast %swap3A_1550 : vector<16xi32> to vector<16xi32>
    %swap3A_1552 = vector.shape_cast %add3A_1548 : vector<16xi32> to vector<16xi32>
    tpu.vector_store %arg11[%swap3A_1549], %swap3A_1552 {strides = array<i32>} : memref<4480xi32, #tpu.memory_space<vmem>>, vector<16xi32>,
    %add3A_1553 = arith.constant 2 : i32
    %add3A_1554 = vector.broadcast %add3A_1553 : i32 to vector<16xi32>
    %add3A_1555 = arith.addi %mul3A_1538, %add3A_1554 : vector<16xi32>
    %swap3A_1556 = arith.constant 1552 : index
    %swap3A_1557 = tpu.vector_load %arg11[%swap3A_1556] {strides = array<i32>} : memref<4480xi32, #tpu.memory_space<vmem>>, vector<16xi32>,
    %swap3A_1558 = vector.shape_cast %swap3A_1557 : vector<16xi32> to vector<16xi32>
    %swap3A_1559 = vector.shape_cast %add3A_1555 : vector<16xi32> to vector<16xi32>
    tpu.vector_store %arg11[%swap3A_1556], %swap3A_1559 {strides = array<i32>} : memref<4480xi32, #tpu.memory_space<vmem>>, vector<16xi32>,
    %add3A_1560 = arith.constant 3 : i32
    %add3A_1561 = vector.broadcast %add3A_1560 : i32 to vector<16xi32>
    %add3A_1562 = arith.addi %mul3A_1538, %add3A_1561 : vector<16xi32>
    %swap3A_1563 = arith.constant 1872 : index
    %swap3A_1564 = tpu.vector_load %arg11[%swap3A_1563] {strides = array<i32>} : memref<4480xi32, #tpu.memory_space<vmem>>, vector<16xi32>,
    %swap3A_1565 = vector.shape_cast %swap3A_1564 : vector<16xi32> to vector<16xi32>
    %swap3A_1566 = vector.shape_cast %add3A_1562 : vector<16xi32> to vector<16xi32>
    tpu.vector_store %arg11[%swap3A_1563], %swap3A_1566 {strides = array<i32>} : memref<4480xi32, #tpu.memory_space<vmem>>, vector<16xi32>,
    %add3A_1567 = arith.constant 4 : i32
    %add3A_1568 = vector.broadcast %add3A_1567 : i32 to vector<16xi32>
    %add3A_1569 = arith.addi %mul3A_1538, %add3A_1568 : vector<16xi32>
    %swap3A_1570 = arith.constant 2192 : index
    %swap3A_1571 = tpu.vector_load %arg11[%swap3A_1570] {strides = array<i32>} : memref<4480xi32, #tpu.memory_space<vmem>>, vector<16xi32>,
    %swap3A_1572 = vector.shape_cast %swap3A_1571 : vector<16xi32> to vector<16xi32>
    %swap3A_1573 = vector.shape_cast %add3A_1569 : vector<16xi32> to vector<16xi32>
    tpu.vector_store %arg11[%swap3A_1570], %swap3A_1573 {strides = array<i32>} : memref<4480xi32, #tpu.memory_space<vmem>>, vector<16xi32>,
    %add3A_1574 = arith.constant 5 : i32
    %add3A_1575 = vector.broadcast %add3A_1574 : i32 to vector<16xi32>
    %add3A_1576 = arith.addi %mul3A_1538, %add3A_1575 : vector<16xi32>
    %swap3A_1577 = arith.constant 2512 : index
    %swap3A_1578 = tpu.vector_load %arg11[%swap3A_1577] {strides = array<i32>} : memref<4480xi32, #tpu.memory_space<vmem>>, vector<16xi32>,
    %swap3A_1579 = vector.shape_cast %swap3A_1578 : vector<16xi32> to vector<16xi32>
    %swap3A_1580 = vector.shape_cast %add3A_1576 : vector<16xi32> to vector<16xi32>
    tpu.vector_store %arg11[%swap3A_1577], %swap3A_1580 {strides = array<i32>} : memref<4480xi32, #tpu.memory_space<vmem>>, vector<16xi32>,
    %add3A_1581 = arith.constant 6 : i32
    %add3A_1582 = vector.broadcast %add3A_1581 : i32 to vector<16xi32>
    %add3A_1583 = arith.addi %mul3A_1538, %add3A_1582 : vector<16xi32>
    %swap3A_1584 = arith.constant 2832 : index
    %swap3A_1585 = tpu.vector_load %arg11[%swap3A_1584] {strides = array<i32>} : memref<4480xi32, #tpu.memory_space<vmem>>, vector<16xi32>,
    %swap3A_1586 = vector.shape_cast %swap3A_1585 : vector<16xi32> to vector<16xi32>
    %swap3A_1587 = vector.shape_cast %add3A_1583 : vector<16xi32> to vector<16xi32>
    tpu.vector_store %arg11[%swap3A_1584], %swap3A_1587 {strides = array<i32>} : memref<4480xi32, #tpu.memory_space<vmem>>, vector<16xi32>,
    %add3A_1588 = arith.constant 7 : i32
    %add3A_1589 = vector.broadcast %add3A_1588 : i32 to vector<16xi32>
    %add3A_1590 = arith.addi %mul3A_1538, %add3A_1589 : vector<16xi32>
    %swap3A_1591 = arith.constant 3152 : index
    %swap3A_1592 = tpu.vector_load %arg11[%swap3A_1591] {strides = array<i32>} : memref<4480xi32, #tpu.memory_space<vmem>>, vector<16xi32>,
    %swap3A_1593 = vector.shape_cast %swap3A_1592 : vector<16xi32> to vector<16xi32>
    %swap3A_1594 = vector.shape_cast %add3A_1590 : vector<16xi32> to vector<16xi32>
    tpu.vector_store %arg11[%swap3A_1591], %swap3A_1594 {strides = array<i32>} : memref<4480xi32, #tpu.memory_space<vmem>>, vector<16xi32>,
    %add3A_1595 = arith.constant 8 : i32
    %add3A_1596 = vector.broadcast %add3A_1595 : i32 to vector<16xi32>
    %add3A_1597 = arith.addi %mul3A_1538, %add3A_1596 : vector<16xi32>
    %swap3A_1598 = arith.constant 3472 : index
    %swap3A_1599 = tpu.vector_load %arg11[%swap3A_1598] {strides = array<i32>} : memref<4480xi32, #tpu.memory_space<vmem>>, vector<16xi32>,
    %swap3A_1600 = vector.shape_cast %swap3A_1599 : vector<16xi32> to vector<16xi32>
    %swap3A_1601 = vector.shape_cast %add3A_1597 : vector<16xi32> to vector<16xi32>
    tpu.vector_store %arg11[%swap3A_1598], %swap3A_1601 {strides = array<i32>} : memref<4480xi32, #tpu.memory_space<vmem>>, vector<16xi32>,
    %add3A_1602 = arith.constant 9 : i32
    %add3A_1603 = vector.broadcast %add3A_1602 : i32 to vector<16xi32>
    %add3A_1604 = arith.addi %mul3A_1538, %add3A_1603 : vector<16xi32>
    %swap3A_1605 = arith.constant 3792 : index
    %swap3A_1606 = tpu.vector_load %arg11[%swap3A_1605] {strides = array<i32>} : memref<4480xi32, #tpu.memory_space<vmem>>, vector<16xi32>,
    %swap3A_1607 = vector.shape_cast %swap3A_1606 : vector<16xi32> to vector<16xi32>
    %swap3A_1608 = vector.shape_cast %add3A_1604 : vector<16xi32> to vector<16xi32>
    tpu.vector_store %arg11[%swap3A_1605], %swap3A_1608 {strides = array<i32>} : memref<4480xi32, #tpu.memory_space<vmem>>, vector<16xi32>,
    %add3A_1609 = arith.constant 10 : i32
    %add3A_1610 = vector.broadcast %add3A_1609 : i32 to vector<16xi32>
    %add3A_1611 = arith.addi %mul3A_1538, %add3A_1610 : vector<16xi32>
    %swap3A_1612 = arith.constant 4112 : index
    %swap3A_1613 = tpu.vector_load %arg11[%swap3A_1612] {strides = array<i32>} : memref<4480xi32, #tpu.memory_space<vmem>>, vector<16xi32>,
    %swap3A_1614 = vector.shape_cast %swap3A_1613 : vector<16xi32> to vector<16xi32>
    %swap3A_1615 = vector.shape_cast %add3A_1611 : vector<16xi32> to vector<16xi32>
    tpu.vector_store %arg11[%swap3A_1612], %swap3A_1615 {strides = array<i32>} : memref<4480xi32, #tpu.memory_space<vmem>>, vector<16xi32>,
    %add3A_1616 = arith.constant 11 : i32
    %add3A_1617 = vector.broadcast %add3A_1616 : i32 to vector<16xi32>
    %add3A_1618 = arith.addi %mul3A_1538, %add3A_1617 : vector<16xi32>
    %swap3A_1619 = arith.constant 4432 : index
    %swap3A_1620 = tpu.vector_load %arg11[%swap3A_1619] {strides = array<i32>} : memref<4480xi32, #tpu.memory_space<vmem>>, vector<16xi32>,
    %swap3A_1621 = vector.shape_cast %swap3A_1620 : vector<16xi32> to vector<16xi32>
    %swap3A_1622 = vector.shape_cast %add3A_1618 : vector<16xi32> to vector<16xi32>
    tpu.vector_store %arg11[%swap3A_1619], %swap3A_1622 {strides = array<i32>} : memref<4480xi32, #tpu.memory_space<vmem>>, vector<16xi32>,
    %get3A_1623 = arith.constant 288 : index
    %get3A_1624 = tpu.vector_load %arg11[%get3A_1623] {strides = array<i32>} : memref<4480xi32, #tpu.memory_space<vmem>>, vector<16xi32>,
    %get3A_1625 = vector.shape_cast %get3A_1624 : vector<16xi32> to vector<16xi32>
    %mul3A_1626 = arith.constant 12 : i32
    %mul3A_1627 = vector.broadcast %mul3A_1626 : i32 to vector<16xi32>
    %mul3A_1628 = arith.muli %get3A_1625, %mul3A_1627 : vector<16xi32>
    %add3A_1629 = arith.constant 0 : i32
    %add3A_1630 = vector.broadcast %add3A_1629 : i32 to vector<16xi32>
    %add3A_1631 = arith.addi %mul3A_1628, %add3A_1630 : vector<16xi32>
    %swap3A_1632 = arith.constant 928 : index
    %swap3A_1633 = tpu.vector_load %arg11[%swap3A_1632] {strides = array<i32>} : memref<4480xi32, #tpu.memory_space<vmem>>, vector<16xi32>,
    %swap3A_1634 = vector.shape_cast %swap3A_1633 : vector<16xi32> to vector<16xi32>
    %swap3A_1635 = vector.shape_cast %add3A_1631 : vector<16xi32> to vector<16xi32>
    tpu.vector_store %arg11[%swap3A_1632], %swap3A_1635 {strides = array<i32>} : memref<4480xi32, #tpu.memory_space<vmem>>, vector<16xi32>,
    %add3A_1636 = arith.constant 1 : i32
    %add3A_1637 = vector.broadcast %add3A_1636 : i32 to vector<16xi32>
    %add3A_1638 = arith.addi %mul3A_1628, %add3A_1637 : vector<16xi32>
    %swap3A_1639 = arith.constant 1248 : index
    %swap3A_1640 = tpu.vector_load %arg11[%swap3A_1639] {strides = array<i32>} : memref<4480xi32, #tpu.memory_space<vmem>>, vector<16xi32>,
    %swap3A_1641 = vector.shape_cast %swap3A_1640 : vector<16xi32> to vector<16xi32>
    %swap3A_1642 = vector.shape_cast %add3A_1638 : vector<16xi32> to vector<16xi32>
    tpu.vector_store %arg11[%swap3A_1639], %swap3A_1642 {strides = array<i32>} : memref<4480xi32, #tpu.memory_space<vmem>>, vector<16xi32>,
    %add3A_1643 = arith.constant 2 : i32
    %add3A_1644 = vector.broadcast %add3A_1643 : i32 to vector<16xi32>
    %add3A_1645 = arith.addi %mul3A_1628, %add3A_1644 : vector<16xi32>
    %swap3A_1646 = arith.constant 1568 : index
    %swap3A_1647 = tpu.vector_load %arg11[%swap3A_1646] {strides = array<i32>} : memref<4480xi32, #tpu.memory_space<vmem>>, vector<16xi32>,
    %swap3A_1648 = vector.shape_cast %swap3A_1647 : vector<16xi32> to vector<16xi32>
    %swap3A_1649 = vector.shape_cast %add3A_1645 : vector<16xi32> to vector<16xi32>
    tpu.vector_store %arg11[%swap3A_1646], %swap3A_1649 {strides = array<i32>} : memref<4480xi32, #tpu.memory_space<vmem>>, vector<16xi32>,
    %add3A_1650 = arith.constant 3 : i32
    %add3A_1651 = vector.broadcast %add3A_1650 : i32 to vector<16xi32>
    %add3A_1652 = arith.addi %mul3A_1628, %add3A_1651 : vector<16xi32>
    %swap3A_1653 = arith.constant 1888 : index
    %swap3A_1654 = tpu.vector_load %arg11[%swap3A_1653] {strides = array<i32>} : memref<4480xi32, #tpu.memory_space<vmem>>, vector<16xi32>,
    %swap3A_1655 = vector.shape_cast %swap3A_1654 : vector<16xi32> to vector<16xi32>
    %swap3A_1656 = vector.shape_cast %add3A_1652 : vector<16xi32> to vector<16xi32>
    tpu.vector_store %arg11[%swap3A_1653], %swap3A_1656 {strides = array<i32>} : memref<4480xi32, #tpu.memory_space<vmem>>, vector<16xi32>,
    %add3A_1657 = arith.constant 4 : i32
    %add3A_1658 = vector.broadcast %add3A_1657 : i32 to vector<16xi32>
    %add3A_1659 = arith.addi %mul3A_1628, %add3A_1658 : vector<16xi32>
    %swap3A_1660 = arith.constant 2208 : index
    %swap3A_1661 = tpu.vector_load %arg11[%swap3A_1660] {strides = array<i32>} : memref<4480xi32, #tpu.memory_space<vmem>>, vector<16xi32>,
    %swap3A_1662 = vector.shape_cast %swap3A_1661 : vector<16xi32> to vector<16xi32>
    %swap3A_1663 = vector.shape_cast %add3A_1659 : vector<16xi32> to vector<16xi32>
    tpu.vector_store %arg11[%swap3A_1660], %swap3A_1663 {strides = array<i32>} : memref<4480xi32, #tpu.memory_space<vmem>>, vector<16xi32>,
    %add3A_1664 = arith.constant 5 : i32
    %add3A_1665 = vector.broadcast %add3A_1664 : i32 to vector<16xi32>
    %add3A_1666 = arith.addi %mul3A_1628, %add3A_1665 : vector<16xi32>
    %swap3A_1667 = arith.constant 2528 : index
    %swap3A_1668 = tpu.vector_load %arg11[%swap3A_1667] {strides = array<i32>} : memref<4480xi32, #tpu.memory_space<vmem>>, vector<16xi32>,
    %swap3A_1669 = vector.shape_cast %swap3A_1668 : vector<16xi32> to vector<16xi32>
    %swap3A_1670 = vector.shape_cast %add3A_1666 : vector<16xi32> to vector<16xi32>
    tpu.vector_store %arg11[%swap3A_1667], %swap3A_1670 {strides = array<i32>} : memref<4480xi32, #tpu.memory_space<vmem>>, vector<16xi32>,
    %add3A_1671 = arith.constant 6 : i32
    %add3A_1672 = vector.broadcast %add3A_1671 : i32 to vector<16xi32>
    %add3A_1673 = arith.addi %mul3A_1628, %add3A_1672 : vector<16xi32>
    %swap3A_1674 = arith.constant 2848 : index
    %swap3A_1675 = tpu.vector_load %arg11[%swap3A_1674] {strides = array<i32>} : memref<4480xi32, #tpu.memory_space<vmem>>, vector<16xi32>,
    %swap3A_1676 = vector.shape_cast %swap3A_1675 : vector<16xi32> to vector<16xi32>
    %swap3A_1677 = vector.shape_cast %add3A_1673 : vector<16xi32> to vector<16xi32>
    tpu.vector_store %arg11[%swap3A_1674], %swap3A_1677 {strides = array<i32>} : memref<4480xi32, #tpu.memory_space<vmem>>, vector<16xi32>,
    %add3A_1678 = arith.constant 7 : i32
    %add3A_1679 = vector.broadcast %add3A_1678 : i32 to vector<16xi32>
    %add3A_1680 = arith.addi %mul3A_1628, %add3A_1679 : vector<16xi32>
    %swap3A_1681 = arith.constant 3168 : index
    %swap3A_1682 = tpu.vector_load %arg11[%swap3A_1681] {strides = array<i32>} : memref<4480xi32, #tpu.memory_space<vmem>>, vector<16xi32>,
    %swap3A_1683 = vector.shape_cast %swap3A_1682 : vector<16xi32> to vector<16xi32>
    %swap3A_1684 = vector.shape_cast %add3A_1680 : vector<16xi32> to vector<16xi32>
    tpu.vector_store %arg11[%swap3A_1681], %swap3A_1684 {strides = array<i32>} : memref<4480xi32, #tpu.memory_space<vmem>>, vector<16xi32>,
    %add3A_1685 = arith.constant 8 : i32
    %add3A_1686 = vector.broadcast %add3A_1685 : i32 to vector<16xi32>
    %add3A_1687 = arith.addi %mul3A_1628, %add3A_1686 : vector<16xi32>
    %swap3A_1688 = arith.constant 3488 : index
    %swap3A_1689 = tpu.vector_load %arg11[%swap3A_1688] {strides = array<i32>} : memref<4480xi32, #tpu.memory_space<vmem>>, vector<16xi32>,
    %swap3A_1690 = vector.shape_cast %swap3A_1689 : vector<16xi32> to vector<16xi32>
    %swap3A_1691 = vector.shape_cast %add3A_1687 : vector<16xi32> to vector<16xi32>
    tpu.vector_store %arg11[%swap3A_1688], %swap3A_1691 {strides = array<i32>} : memref<4480xi32, #tpu.memory_space<vmem>>, vector<16xi32>,
    %add3A_1692 = arith.constant 9 : i32
    %add3A_1693 = vector.broadcast %add3A_1692 : i32 to vector<16xi32>
    %add3A_1694 = arith.addi %mul3A_1628, %add3A_1693 : vector<16xi32>
    %swap3A_1695 = arith.constant 3808 : index
    %swap3A_1696 = tpu.vector_load %arg11[%swap3A_1695] {strides = array<i32>} : memref<4480xi32, #tpu.memory_space<vmem>>, vector<16xi32>,
    %swap3A_1697 = vector.shape_cast %swap3A_1696 : vector<16xi32> to vector<16xi32>
    %swap3A_1698 = vector.shape_cast %add3A_1694 : vector<16xi32> to vector<16xi32>
    tpu.vector_store %arg11[%swap3A_1695], %swap3A_1698 {strides = array<i32>} : memref<4480xi32, #tpu.memory_space<vmem>>, vector<16xi32>,
    %add3A_1699 = arith.constant 10 : i32
    %add3A_1700 = vector.broadcast %add3A_1699 : i32 to vector<16xi32>
    %add3A_1701 = arith.addi %mul3A_1628, %add3A_1700 : vector<16xi32>
    %swap3A_1702 = arith.constant 4128 : index
    %swap3A_1703 = tpu.vector_load %arg11[%swap3A_1702] {strides = array<i32>} : memref<4480xi32, #tpu.memory_space<vmem>>, vector<16xi32>,
    %swap3A_1704 = vector.shape_cast %swap3A_1703 : vector<16xi32> to vector<16xi32>
    %swap3A_1705 = vector.shape_cast %add3A_1701 : vector<16xi32> to vector<16xi32>
    tpu.vector_store %arg11[%swap3A_1702], %swap3A_1705 {strides = array<i32>} : memref<4480xi32, #tpu.memory_space<vmem>>, vector<16xi32>,
    %add3A_1706 = arith.constant 11 : i32
    %add3A_1707 = vector.broadcast %add3A_1706 : i32 to vector<16xi32>
    %add3A_1708 = arith.addi %mul3A_1628, %add3A_1707 : vector<16xi32>
    %swap3A_1709 = arith.constant 4448 : index
    %swap3A_1710 = tpu.vector_load %arg11[%swap3A_1709] {strides = array<i32>} : memref<4480xi32, #tpu.memory_space<vmem>>, vector<16xi32>,
    %swap3A_1711 = vector.shape_cast %swap3A_1710 : vector<16xi32> to vector<16xi32>
    %swap3A_1712 = vector.shape_cast %add3A_1708 : vector<16xi32> to vector<16xi32>
    tpu.vector_store %arg11[%swap3A_1709], %swap3A_1712 {strides = array<i32>} : memref<4480xi32, #tpu.memory_space<vmem>>, vector<16xi32>,
    %get3A_1713 = arith.constant 304 : index
    %get3A_1714 = tpu.vector_load %arg11[%get3A_1713] {strides = array<i32>} : memref<4480xi32, #tpu.memory_space<vmem>>, vector<16xi32>,
    %get3A_1715 = vector.shape_cast %get3A_1714 : vector<16xi32> to vector<16xi32>
    %mul3A_1716 = arith.constant 12 : i32
    %mul3A_1717 = vector.broadcast %mul3A_1716 : i32 to vector<16xi32>
    %mul3A_1718 = arith.muli %get3A_1715, %mul3A_1717 : vector<16xi32>
    %add3A_1719 = arith.constant 0 : i32
    %add3A_1720 = vector.broadcast %add3A_1719 : i32 to vector<16xi32>
    %add3A_1721 = arith.addi %mul3A_1718, %add3A_1720 : vector<16xi32>
    %swap3A_1722 = arith.constant 944 : index
    %swap3A_1723 = tpu.vector_load %arg11[%swap3A_1722] {strides = array<i32>} : memref<4480xi32, #tpu.memory_space<vmem>>, vector<16xi32>,
    %swap3A_1724 = vector.shape_cast %swap3A_1723 : vector<16xi32> to vector<16xi32>
    %swap3A_1725 = vector.shape_cast %add3A_1721 : vector<16xi32> to vector<16xi32>
    tpu.vector_store %arg11[%swap3A_1722], %swap3A_1725 {strides = array<i32>} : memref<4480xi32, #tpu.memory_space<vmem>>, vector<16xi32>,
    %add3A_1726 = arith.constant 1 : i32
    %add3A_1727 = vector.broadcast %add3A_1726 : i32 to vector<16xi32>
    %add3A_1728 = arith.addi %mul3A_1718, %add3A_1727 : vector<16xi32>
    %swap3A_1729 = arith.constant 1264 : index
    %swap3A_1730 = tpu.vector_load %arg11[%swap3A_1729] {strides = array<i32>} : memref<4480xi32, #tpu.memory_space<vmem>>, vector<16xi32>,
    %swap3A_1731 = vector.shape_cast %swap3A_1730 : vector<16xi32> to vector<16xi32>
    %swap3A_1732 = vector.shape_cast %add3A_1728 : vector<16xi32> to vector<16xi32>
    tpu.vector_store %arg11[%swap3A_1729], %swap3A_1732 {strides = array<i32>} : memref<4480xi32, #tpu.memory_space<vmem>>, vector<16xi32>,
    %add3A_1733 = arith.constant 2 : i32
    %add3A_1734 = vector.broadcast %add3A_1733 : i32 to vector<16xi32>
    %add3A_1735 = arith.addi %mul3A_1718, %add3A_1734 : vector<16xi32>
    %swap3A_1736 = arith.constant 1584 : index
    %swap3A_1737 = tpu.vector_load %arg11[%swap3A_1736] {strides = array<i32>} : memref<4480xi32, #tpu.memory_space<vmem>>, vector<16xi32>,
    %swap3A_1738 = vector.shape_cast %swap3A_1737 : vector<16xi32> to vector<16xi32>
    %swap3A_1739 = vector.shape_cast %add3A_1735 : vector<16xi32> to vector<16xi32>
    tpu.vector_store %arg11[%swap3A_1736], %swap3A_1739 {strides = array<i32>} : memref<4480xi32, #tpu.memory_space<vmem>>, vector<16xi32>,
    %add3A_1740 = arith.constant 3 : i32
    %add3A_1741 = vector.broadcast %add3A_1740 : i32 to vector<16xi32>
    %add3A_1742 = arith.addi %mul3A_1718, %add3A_1741 : vector<16xi32>
    %swap3A_1743 = arith.constant 1904 : index
    %swap3A_1744 = tpu.vector_load %arg11[%swap3A_1743] {strides = array<i32>} : memref<4480xi32, #tpu.memory_space<vmem>>, vector<16xi32>,
    %swap3A_1745 = vector.shape_cast %swap3A_1744 : vector<16xi32> to vector<16xi32>
    %swap3A_1746 = vector.shape_cast %add3A_1742 : vector<16xi32> to vector<16xi32>
    tpu.vector_store %arg11[%swap3A_1743], %swap3A_1746 {strides = array<i32>} : memref<4480xi32, #tpu.memory_space<vmem>>, vector<16xi32>,
    %add3A_1747 = arith.constant 4 : i32
    %add3A_1748 = vector.broadcast %add3A_1747 : i32 to vector<16xi32>
    %add3A_1749 = arith.addi %mul3A_1718, %add3A_1748 : vector<16xi32>
    %swap3A_1750 = arith.constant 2224 : index
    %swap3A_1751 = tpu.vector_load %arg11[%swap3A_1750] {strides = array<i32>} : memref<4480xi32, #tpu.memory_space<vmem>>, vector<16xi32>,
    %swap3A_1752 = vector.shape_cast %swap3A_1751 : vector<16xi32> to vector<16xi32>
    %swap3A_1753 = vector.shape_cast %add3A_1749 : vector<16xi32> to vector<16xi32>
    tpu.vector_store %arg11[%swap3A_1750], %swap3A_1753 {strides = array<i32>} : memref<4480xi32, #tpu.memory_space<vmem>>, vector<16xi32>,
    %add3A_1754 = arith.constant 5 : i32
    %add3A_1755 = vector.broadcast %add3A_1754 : i32 to vector<16xi32>
    %add3A_1756 = arith.addi %mul3A_1718, %add3A_1755 : vector<16xi32>
    %swap3A_1757 = arith.constant 2544 : index
    %swap3A_1758 = tpu.vector_load %arg11[%swap3A_1757] {strides = array<i32>} : memref<4480xi32, #tpu.memory_space<vmem>>, vector<16xi32>,
    %swap3A_1759 = vector.shape_cast %swap3A_1758 : vector<16xi32> to vector<16xi32>
    %swap3A_1760 = vector.shape_cast %add3A_1756 : vector<16xi32> to vector<16xi32>
    tpu.vector_store %arg11[%swap3A_1757], %swap3A_1760 {strides = array<i32>} : memref<4480xi32, #tpu.memory_space<vmem>>, vector<16xi32>,
    %add3A_1761 = arith.constant 6 : i32
    %add3A_1762 = vector.broadcast %add3A_1761 : i32 to vector<16xi32>
    %add3A_1763 = arith.addi %mul3A_1718, %add3A_1762 : vector<16xi32>
    %swap3A_1764 = arith.constant 2864 : index
    %swap3A_1765 = tpu.vector_load %arg11[%swap3A_1764] {strides = array<i32>} : memref<4480xi32, #tpu.memory_space<vmem>>, vector<16xi32>,
    %swap3A_1766 = vector.shape_cast %swap3A_1765 : vector<16xi32> to vector<16xi32>
    %swap3A_1767 = vector.shape_cast %add3A_1763 : vector<16xi32> to vector<16xi32>
    tpu.vector_store %arg11[%swap3A_1764], %swap3A_1767 {strides = array<i32>} : memref<4480xi32, #tpu.memory_space<vmem>>, vector<16xi32>,
    %add3A_1768 = arith.constant 7 : i32
    %add3A_1769 = vector.broadcast %add3A_1768 : i32 to vector<16xi32>
    %add3A_1770 = arith.addi %mul3A_1718, %add3A_1769 : vector<16xi32>
    %swap3A_1771 = arith.constant 3184 : index
    %swap3A_1772 = tpu.vector_load %arg11[%swap3A_1771] {strides = array<i32>} : memref<4480xi32, #tpu.memory_space<vmem>>, vector<16xi32>,
    %swap3A_1773 = vector.shape_cast %swap3A_1772 : vector<16xi32> to vector<16xi32>
    %swap3A_1774 = vector.shape_cast %add3A_1770 : vector<16xi32> to vector<16xi32>
    tpu.vector_store %arg11[%swap3A_1771], %swap3A_1774 {strides = array<i32>} : memref<4480xi32, #tpu.memory_space<vmem>>, vector<16xi32>,
    %add3A_1775 = arith.constant 8 : i32
    %add3A_1776 = vector.broadcast %add3A_1775 : i32 to vector<16xi32>
    %add3A_1777 = arith.addi %mul3A_1718, %add3A_1776 : vector<16xi32>
    %swap3A_1778 = arith.constant 3504 : index
    %swap3A_1779 = tpu.vector_load %arg11[%swap3A_1778] {strides = array<i32>} : memref<4480xi32, #tpu.memory_space<vmem>>, vector<16xi32>,
    %swap3A_1780 = vector.shape_cast %swap3A_1779 : vector<16xi32> to vector<16xi32>
    %swap3A_1781 = vector.shape_cast %add3A_1777 : vector<16xi32> to vector<16xi32>
    tpu.vector_store %arg11[%swap3A_1778], %swap3A_1781 {strides = array<i32>} : memref<4480xi32, #tpu.memory_space<vmem>>, vector<16xi32>,
    %add3A_1782 = arith.constant 9 : i32
    %add3A_1783 = vector.broadcast %add3A_1782 : i32 to vector<16xi32>
    %add3A_1784 = arith.addi %mul3A_1718, %add3A_1783 : vector<16xi32>
    %swap3A_1785 = arith.constant 3824 : index
    %swap3A_1786 = tpu.vector_load %arg11[%swap3A_1785] {strides = array<i32>} : memref<4480xi32, #tpu.memory_space<vmem>>, vector<16xi32>,
    %swap3A_1787 = vector.shape_cast %swap3A_1786 : vector<16xi32> to vector<16xi32>
    %swap3A_1788 = vector.shape_cast %add3A_1784 : vector<16xi32> to vector<16xi32>
    tpu.vector_store %arg11[%swap3A_1785], %swap3A_1788 {strides = array<i32>} : memref<4480xi32, #tpu.memory_space<vmem>>, vector<16xi32>,
    %add3A_1789 = arith.constant 10 : i32
    %add3A_1790 = vector.broadcast %add3A_1789 : i32 to vector<16xi32>
    %add3A_1791 = arith.addi %mul3A_1718, %add3A_1790 : vector<16xi32>
    %swap3A_1792 = arith.constant 4144 : index
    %swap3A_1793 = tpu.vector_load %arg11[%swap3A_1792] {strides = array<i32>} : memref<4480xi32, #tpu.memory_space<vmem>>, vector<16xi32>,
    %swap3A_1794 = vector.shape_cast %swap3A_1793 : vector<16xi32> to vector<16xi32>
    %swap3A_1795 = vector.shape_cast %add3A_1791 : vector<16xi32> to vector<16xi32>
    tpu.vector_store %arg11[%swap3A_1792], %swap3A_1795 {strides = array<i32>} : memref<4480xi32, #tpu.memory_space<vmem>>, vector<16xi32>,
    %add3A_1796 = arith.constant 11 : i32
    %add3A_1797 = vector.broadcast %add3A_1796 : i32 to vector<16xi32>
    %add3A_1798 = arith.addi %mul3A_1718, %add3A_1797 : vector<16xi32>
    %swap3A_1799 = arith.constant 4464 : index
    %swap3A_1800 = tpu.vector_load %arg11[%swap3A_1799] {strides = array<i32>} : memref<4480xi32, #tpu.memory_space<vmem>>, vector<16xi32>,
    %swap3A_1801 = vector.shape_cast %swap3A_1800 : vector<16xi32> to vector<16xi32>
    %swap3A_1802 = vector.shape_cast %add3A_1798 : vector<16xi32> to vector<16xi32>
    tpu.vector_store %arg11[%swap3A_1799], %swap3A_1802 {strides = array<i32>} : memref<4480xi32, #tpu.memory_space<vmem>>, vector<16xi32>,
    %dma_start3A = arith.constant 0 : i32
    %dma_start3A_1803 = tpu.memref_slice %arg12[%dma_start3A] : memref<3840xi32, #tpu.memory_space<vmem>> -> memref<128xi32, #tpu.memory_space<vmem>>
    %dma_start3A_1804 = arith.constant 640 : i32
    %dma_start3A_1805 = tpu.memref_slice %arg11[%dma_start3A_1804] : memref<4480xi32, #tpu.memory_space<vmem>> -> memref<128xi32, #tpu.memory_space<vmem>>
    %dma_start3A_1806 = arith.constant 0 : i32
    %dma_start3A_1807 = tpu.memref_slice %arg2[%dma_start3A_1806] : memref<480000xi32, #tpu.memory_space<hbm>> -> memref<480000xi32, #tpu.memory_space<hbm>>
    tpu.enqueue_indirect_dma source(%dma_start3A_1807 : memref<480000xi32, #tpu.memory_space<hbm>>) target(%dma_start3A_1803 : memref<128xi32, #tpu.memory_space<vmem>>) offsets(%dma_start3A_1805 : memref<128xi32, #tpu.memory_space<vmem>>) semaphore(%arg17 : memref<!tpu.dma_semaphore, #tpu.memory_space<semaphore_mem>>)
    %dma_start3A_1808 = arith.constant 128 : i32
    %dma_start3A_1809 = tpu.memref_slice %arg12[%dma_start3A_1808] : memref<3840xi32, #tpu.memory_space<vmem>> -> memref<128xi32, #tpu.memory_space<vmem>>
    %dma_start3A_1810 = arith.constant 768 : i32
    %dma_start3A_1811 = tpu.memref_slice %arg11[%dma_start3A_1810] : memref<4480xi32, #tpu.memory_space<vmem>> -> memref<128xi32, #tpu.memory_space<vmem>>
    %dma_start3A_1812 = arith.constant 0 : i32
    %dma_start3A_1813 = tpu.memref_slice %arg2[%dma_start3A_1812] : memref<480000xi32, #tpu.memory_space<hbm>> -> memref<480000xi32, #tpu.memory_space<hbm>>
    tpu.enqueue_indirect_dma source(%dma_start3A_1813 : memref<480000xi32, #tpu.memory_space<hbm>>) target(%dma_start3A_1809 : memref<128xi32, #tpu.memory_space<vmem>>) offsets(%dma_start3A_1811 : memref<128xi32, #tpu.memory_space<vmem>>) semaphore(%arg17 : memref<!tpu.dma_semaphore, #tpu.memory_space<semaphore_mem>>)
    %dma_start3A_1814 = arith.constant 256 : i32
    %dma_start3A_1815 = tpu.memref_slice %arg12[%dma_start3A_1814] : memref<3840xi32, #tpu.memory_space<vmem>> -> memref<128xi32, #tpu.memory_space<vmem>>
    %dma_start3A_1816 = arith.constant 896 : i32
    %dma_start3A_1817 = tpu.memref_slice %arg11[%dma_start3A_1816] : memref<4480xi32, #tpu.memory_space<vmem>> -> memref<128xi32, #tpu.memory_space<vmem>>
    %dma_start3A_1818 = arith.constant 0 : i32
    %dma_start3A_1819 = tpu.memref_slice %arg2[%dma_start3A_1818] : memref<480000xi32, #tpu.memory_space<hbm>> -> memref<480000xi32, #tpu.memory_space<hbm>>
    tpu.enqueue_indirect_dma source(%dma_start3A_1819 : memref<480000xi32, #tpu.memory_space<hbm>>) target(%dma_start3A_1815 : memref<128xi32, #tpu.memory_space<vmem>>) offsets(%dma_start3A_1817 : memref<128xi32, #tpu.memory_space<vmem>>) semaphore(%arg17 : memref<!tpu.dma_semaphore, #tpu.memory_space<semaphore_mem>>)
    %dma_start3A_1820 = arith.constant 384 : i32
    %dma_start3A_1821 = tpu.memref_slice %arg12[%dma_start3A_1820] : memref<3840xi32, #tpu.memory_space<vmem>> -> memref<128xi32, #tpu.memory_space<vmem>>
    %dma_start3A_1822 = arith.constant 1024 : i32
    %dma_start3A_1823 = tpu.memref_slice %arg11[%dma_start3A_1822] : memref<4480xi32, #tpu.memory_space<vmem>> -> memref<128xi32, #tpu.memory_space<vmem>>
    %dma_start3A_1824 = arith.constant 0 : i32
    %dma_start3A_1825 = tpu.memref_slice %arg2[%dma_start3A_1824] : memref<480000xi32, #tpu.memory_space<hbm>> -> memref<480000xi32, #tpu.memory_space<hbm>>
    tpu.enqueue_indirect_dma source(%dma_start3A_1825 : memref<480000xi32, #tpu.memory_space<hbm>>) target(%dma_start3A_1821 : memref<128xi32, #tpu.memory_space<vmem>>) offsets(%dma_start3A_1823 : memref<128xi32, #tpu.memory_space<vmem>>) semaphore(%arg17 : memref<!tpu.dma_semaphore, #tpu.memory_space<semaphore_mem>>)
    %dma_start3A_1826 = arith.constant 512 : i32
    %dma_start3A_1827 = tpu.memref_slice %arg12[%dma_start3A_1826] : memref<3840xi32, #tpu.memory_space<vmem>> -> memref<128xi32, #tpu.memory_space<vmem>>
    %dma_start3A_1828 = arith.constant 1152 : i32
    %dma_start3A_1829 = tpu.memref_slice %arg11[%dma_start3A_1828] : memref<4480xi32, #tpu.memory_space<vmem>> -> memref<128xi32, #tpu.memory_space<vmem>>
    %dma_start3A_1830 = arith.constant 0 : i32
    %dma_start3A_1831 = tpu.memref_slice %arg2[%dma_start3A_1830] : memref<480000xi32, #tpu.memory_space<hbm>> -> memref<480000xi32, #tpu.memory_space<hbm>>
    tpu.enqueue_indirect_dma source(%dma_start3A_1831 : memref<480000xi32, #tpu.memory_space<hbm>>) target(%dma_start3A_1827 : memref<128xi32, #tpu.memory_space<vmem>>) offsets(%dma_start3A_1829 : memref<128xi32, #tpu.memory_space<vmem>>) semaphore(%arg17 : memref<!tpu.dma_semaphore, #tpu.memory_space<semaphore_mem>>)
    %dma_start3A_1832 = arith.constant 640 : i32
    %dma_start3A_1833 = tpu.memref_slice %arg12[%dma_start3A_1832] : memref<3840xi32, #tpu.memory_space<vmem>> -> memref<128xi32, #tpu.memory_space<vmem>>
    %dma_start3A_1834 = arith.constant 1280 : i32
    %dma_start3A_1835 = tpu.memref_slice %arg11[%dma_start3A_1834] : memref<4480xi32, #tpu.memory_space<vmem>> -> memref<128xi32, #tpu.memory_space<vmem>>
    %dma_start3A_1836 = arith.constant 0 : i32
    %dma_start3A_1837 = tpu.memref_slice %arg2[%dma_start3A_1836] : memref<480000xi32, #tpu.memory_space<hbm>> -> memref<480000xi32, #tpu.memory_space<hbm>>
    tpu.enqueue_indirect_dma source(%dma_start3A_1837 : memref<480000xi32, #tpu.memory_space<hbm>>) target(%dma_start3A_1833 : memref<128xi32, #tpu.memory_space<vmem>>) offsets(%dma_start3A_1835 : memref<128xi32, #tpu.memory_space<vmem>>) semaphore(%arg17 : memref<!tpu.dma_semaphore, #tpu.memory_space<semaphore_mem>>)
    %dma_start3A_1838 = arith.constant 768 : i32
    %dma_start3A_1839 = tpu.memref_slice %arg12[%dma_start3A_1838] : memref<3840xi32, #tpu.memory_space<vmem>> -> memref<128xi32, #tpu.memory_space<vmem>>
    %dma_start3A_1840 = arith.constant 1408 : i32
    %dma_start3A_1841 = tpu.memref_slice %arg11[%dma_start3A_1840] : memref<4480xi32, #tpu.memory_space<vmem>> -> memref<128xi32, #tpu.memory_space<vmem>>
    %dma_start3A_1842 = arith.constant 0 : i32
    %dma_start3A_1843 = tpu.memref_slice %arg2[%dma_start3A_1842] : memref<480000xi32, #tpu.memory_space<hbm>> -> memref<480000xi32, #tpu.memory_space<hbm>>
    tpu.enqueue_indirect_dma source(%dma_start3A_1843 : memref<480000xi32, #tpu.memory_space<hbm>>) target(%dma_start3A_1839 : memref<128xi32, #tpu.memory_space<vmem>>) offsets(%dma_start3A_1841 : memref<128xi32, #tpu.memory_space<vmem>>) semaphore(%arg17 : memref<!tpu.dma_semaphore, #tpu.memory_space<semaphore_mem>>)
    %dma_start3A_1844 = arith.constant 896 : i32
    %dma_start3A_1845 = tpu.memref_slice %arg12[%dma_start3A_1844] : memref<3840xi32, #tpu.memory_space<vmem>> -> memref<128xi32, #tpu.memory_space<vmem>>
    %dma_start3A_1846 = arith.constant 1536 : i32
    %dma_start3A_1847 = tpu.memref_slice %arg11[%dma_start3A_1846] : memref<4480xi32, #tpu.memory_space<vmem>> -> memref<128xi32, #tpu.memory_space<vmem>>
    %dma_start3A_1848 = arith.constant 0 : i32
    %dma_start3A_1849 = tpu.memref_slice %arg2[%dma_start3A_1848] : memref<480000xi32, #tpu.memory_space<hbm>> -> memref<480000xi32, #tpu.memory_space<hbm>>
    tpu.enqueue_indirect_dma source(%dma_start3A_1849 : memref<480000xi32, #tpu.memory_space<hbm>>) target(%dma_start3A_1845 : memref<128xi32, #tpu.memory_space<vmem>>) offsets(%dma_start3A_1847 : memref<128xi32, #tpu.memory_space<vmem>>) semaphore(%arg17 : memref<!tpu.dma_semaphore, #tpu.memory_space<semaphore_mem>>)
    %dma_start3A_1850 = arith.constant 1024 : i32
    %dma_start3A_1851 = tpu.memref_slice %arg12[%dma_start3A_1850] : memref<3840xi32, #tpu.memory_space<vmem>> -> memref<128xi32, #tpu.memory_space<vmem>>
    %dma_start3A_1852 = arith.constant 1664 : i32
    %dma_start3A_1853 = tpu.memref_slice %arg11[%dma_start3A_1852] : memref<4480xi32, #tpu.memory_space<vmem>> -> memref<128xi32, #tpu.memory_space<vmem>>
    %dma_start3A_1854 = arith.constant 0 : i32
    %dma_start3A_1855 = tpu.memref_slice %arg2[%dma_start3A_1854] : memref<480000xi32, #tpu.memory_space<hbm>> -> memref<480000xi32, #tpu.memory_space<hbm>>
    tpu.enqueue_indirect_dma source(%dma_start3A_1855 : memref<480000xi32, #tpu.memory_space<hbm>>) target(%dma_start3A_1851 : memref<128xi32, #tpu.memory_space<vmem>>) offsets(%dma_start3A_1853 : memref<128xi32, #tpu.memory_space<vmem>>) semaphore(%arg17 : memref<!tpu.dma_semaphore, #tpu.memory_space<semaphore_mem>>)
    %dma_start3A_1856 = arith.constant 1152 : i32
    %dma_start3A_1857 = tpu.memref_slice %arg12[%dma_start3A_1856] : memref<3840xi32, #tpu.memory_space<vmem>> -> memref<128xi32, #tpu.memory_space<vmem>>
    %dma_start3A_1858 = arith.constant 1792 : i32
    %dma_start3A_1859 = tpu.memref_slice %arg11[%dma_start3A_1858] : memref<4480xi32, #tpu.memory_space<vmem>> -> memref<128xi32, #tpu.memory_space<vmem>>
    %dma_start3A_1860 = arith.constant 0 : i32
    %dma_start3A_1861 = tpu.memref_slice %arg2[%dma_start3A_1860] : memref<480000xi32, #tpu.memory_space<hbm>> -> memref<480000xi32, #tpu.memory_space<hbm>>
    tpu.enqueue_indirect_dma source(%dma_start3A_1861 : memref<480000xi32, #tpu.memory_space<hbm>>) target(%dma_start3A_1857 : memref<128xi32, #tpu.memory_space<vmem>>) offsets(%dma_start3A_1859 : memref<128xi32, #tpu.memory_space<vmem>>) semaphore(%arg17 : memref<!tpu.dma_semaphore, #tpu.memory_space<semaphore_mem>>)
    %dma_start3A_1862 = arith.constant 1280 : i32
    %dma_start3A_1863 = tpu.memref_slice %arg12[%dma_start3A_1862] : memref<3840xi32, #tpu.memory_space<vmem>> -> memref<128xi32, #tpu.memory_space<vmem>>
    %dma_start3A_1864 = arith.constant 1920 : i32
    %dma_start3A_1865 = tpu.memref_slice %arg11[%dma_start3A_1864] : memref<4480xi32, #tpu.memory_space<vmem>> -> memref<128xi32, #tpu.memory_space<vmem>>
    %dma_start3A_1866 = arith.constant 0 : i32
    %dma_start3A_1867 = tpu.memref_slice %arg2[%dma_start3A_1866] : memref<480000xi32, #tpu.memory_space<hbm>> -> memref<480000xi32, #tpu.memory_space<hbm>>
    tpu.enqueue_indirect_dma source(%dma_start3A_1867 : memref<480000xi32, #tpu.memory_space<hbm>>) target(%dma_start3A_1863 : memref<128xi32, #tpu.memory_space<vmem>>) offsets(%dma_start3A_1865 : memref<128xi32, #tpu.memory_space<vmem>>) semaphore(%arg17 : memref<!tpu.dma_semaphore, #tpu.memory_space<semaphore_mem>>)
    %dma_start3A_1868 = arith.constant 1408 : i32
    %dma_start3A_1869 = tpu.memref_slice %arg12[%dma_start3A_1868] : memref<3840xi32, #tpu.memory_space<vmem>> -> memref<128xi32, #tpu.memory_space<vmem>>
    %dma_start3A_1870 = arith.constant 2048 : i32
    %dma_start3A_1871 = tpu.memref_slice %arg11[%dma_start3A_1870] : memref<4480xi32, #tpu.memory_space<vmem>> -> memref<128xi32, #tpu.memory_space<vmem>>
    %dma_start3A_1872 = arith.constant 0 : i32
    %dma_start3A_1873 = tpu.memref_slice %arg2[%dma_start3A_1872] : memref<480000xi32, #tpu.memory_space<hbm>> -> memref<480000xi32, #tpu.memory_space<hbm>>
    tpu.enqueue_indirect_dma source(%dma_start3A_1873 : memref<480000xi32, #tpu.memory_space<hbm>>) target(%dma_start3A_1869 : memref<128xi32, #tpu.memory_space<vmem>>) offsets(%dma_start3A_1871 : memref<128xi32, #tpu.memory_space<vmem>>) semaphore(%arg17 : memref<!tpu.dma_semaphore, #tpu.memory_space<semaphore_mem>>)
    %dma_start3A_1874 = arith.constant 1536 : i32
    %dma_start3A_1875 = tpu.memref_slice %arg12[%dma_start3A_1874] : memref<3840xi32, #tpu.memory_space<vmem>> -> memref<128xi32, #tpu.memory_space<vmem>>
    %dma_start3A_1876 = arith.constant 2176 : i32
    %dma_start3A_1877 = tpu.memref_slice %arg11[%dma_start3A_1876] : memref<4480xi32, #tpu.memory_space<vmem>> -> memref<128xi32, #tpu.memory_space<vmem>>
    %dma_start3A_1878 = arith.constant 0 : i32
    %dma_start3A_1879 = tpu.memref_slice %arg2[%dma_start3A_1878] : memref<480000xi32, #tpu.memory_space<hbm>> -> memref<480000xi32, #tpu.memory_space<hbm>>
    tpu.enqueue_indirect_dma source(%dma_start3A_1879 : memref<480000xi32, #tpu.memory_space<hbm>>) target(%dma_start3A_1875 : memref<128xi32, #tpu.memory_space<vmem>>) offsets(%dma_start3A_1877 : memref<128xi32, #tpu.memory_space<vmem>>) semaphore(%arg17 : memref<!tpu.dma_semaphore, #tpu.memory_space<semaphore_mem>>)
    %dma_start3A_1880 = arith.constant 1664 : i32
    %dma_start3A_1881 = tpu.memref_slice %arg12[%dma_start3A_1880] : memref<3840xi32, #tpu.memory_space<vmem>> -> memref<128xi32, #tpu.memory_space<vmem>>
    %dma_start3A_1882 = arith.constant 2304 : i32
    %dma_start3A_1883 = tpu.memref_slice %arg11[%dma_start3A_1882] : memref<4480xi32, #tpu.memory_space<vmem>> -> memref<128xi32, #tpu.memory_space<vmem>>
    %dma_start3A_1884 = arith.constant 0 : i32
    %dma_start3A_1885 = tpu.memref_slice %arg2[%dma_start3A_1884] : memref<480000xi32, #tpu.memory_space<hbm>> -> memref<480000xi32, #tpu.memory_space<hbm>>
    tpu.enqueue_indirect_dma source(%dma_start3A_1885 : memref<480000xi32, #tpu.memory_space<hbm>>) target(%dma_start3A_1881 : memref<128xi32, #tpu.memory_space<vmem>>) offsets(%dma_start3A_1883 : memref<128xi32, #tpu.memory_space<vmem>>) semaphore(%arg17 : memref<!tpu.dma_semaphore, #tpu.memory_space<semaphore_mem>>)
    %dma_start3A_1886 = arith.constant 1792 : i32
    %dma_start3A_1887 = tpu.memref_slice %arg12[%dma_start3A_1886] : memref<3840xi32, #tpu.memory_space<vmem>> -> memref<128xi32, #tpu.memory_space<vmem>>
    %dma_start3A_1888 = arith.constant 2432 : i32
    %dma_start3A_1889 = tpu.memref_slice %arg11[%dma_start3A_1888] : memref<4480xi32, #tpu.memory_space<vmem>> -> memref<128xi32, #tpu.memory_space<vmem>>
    %dma_start3A_1890 = arith.constant 0 : i32
    %dma_start3A_1891 = tpu.memref_slice %arg2[%dma_start3A_1890] : memref<480000xi32, #tpu.memory_space<hbm>> -> memref<480000xi32, #tpu.memory_space<hbm>>
    tpu.enqueue_indirect_dma source(%dma_start3A_1891 : memref<480000xi32, #tpu.memory_space<hbm>>) target(%dma_start3A_1887 : memref<128xi32, #tpu.memory_space<vmem>>) offsets(%dma_start3A_1889 : memref<128xi32, #tpu.memory_space<vmem>>) semaphore(%arg17 : memref<!tpu.dma_semaphore, #tpu.memory_space<semaphore_mem>>)
    %dma_start3A_1892 = arith.constant 1920 : i32
    %dma_start3A_1893 = tpu.memref_slice %arg12[%dma_start3A_1892] : memref<3840xi32, #tpu.memory_space<vmem>> -> memref<128xi32, #tpu.memory_space<vmem>>
    %dma_start3A_1894 = arith.constant 2560 : i32
    %dma_start3A_1895 = tpu.memref_slice %arg11[%dma_start3A_1894] : memref<4480xi32, #tpu.memory_space<vmem>> -> memref<128xi32, #tpu.memory_space<vmem>>
    %dma_start3A_1896 = arith.constant 0 : i32
    %dma_start3A_1897 = tpu.memref_slice %arg2[%dma_start3A_1896] : memref<480000xi32, #tpu.memory_space<hbm>> -> memref<480000xi32, #tpu.memory_space<hbm>>
    tpu.enqueue_indirect_dma source(%dma_start3A_1897 : memref<480000xi32, #tpu.memory_space<hbm>>) target(%dma_start3A_1893 : memref<128xi32, #tpu.memory_space<vmem>>) offsets(%dma_start3A_1895 : memref<128xi32, #tpu.memory_space<vmem>>) semaphore(%arg17 : memref<!tpu.dma_semaphore, #tpu.memory_space<semaphore_mem>>)
    %dma_start3A_1898 = arith.constant 2048 : i32
    %dma_start3A_1899 = tpu.memref_slice %arg12[%dma_start3A_1898] : memref<3840xi32, #tpu.memory_space<vmem>> -> memref<128xi32, #tpu.memory_space<vmem>>
    %dma_start3A_1900 = arith.constant 2688 : i32
    %dma_start3A_1901 = tpu.memref_slice %arg11[%dma_start3A_1900] : memref<4480xi32, #tpu.memory_space<vmem>> -> memref<128xi32, #tpu.memory_space<vmem>>
    %dma_start3A_1902 = arith.constant 0 : i32
    %dma_start3A_1903 = tpu.memref_slice %arg2[%dma_start3A_1902] : memref<480000xi32, #tpu.memory_space<hbm>> -> memref<480000xi32, #tpu.memory_space<hbm>>
    tpu.enqueue_indirect_dma source(%dma_start3A_1903 : memref<480000xi32, #tpu.memory_space<hbm>>) target(%dma_start3A_1899 : memref<128xi32, #tpu.memory_space<vmem>>) offsets(%dma_start3A_1901 : memref<128xi32, #tpu.memory_space<vmem>>) semaphore(%arg17 : memref<!tpu.dma_semaphore, #tpu.memory_space<semaphore_mem>>)
    %dma_start3A_1904 = arith.constant 2176 : i32
    %dma_start3A_1905 = tpu.memref_slice %arg12[%dma_start3A_1904] : memref<3840xi32, #tpu.memory_space<vmem>> -> memref<128xi32, #tpu.memory_space<vmem>>
    %dma_start3A_1906 = arith.constant 2816 : i32
    %dma_start3A_1907 = tpu.memref_slice %arg11[%dma_start3A_1906] : memref<4480xi32, #tpu.memory_space<vmem>> -> memref<128xi32, #tpu.memory_space<vmem>>
    %dma_start3A_1908 = arith.constant 0 : i32
    %dma_start3A_1909 = tpu.memref_slice %arg2[%dma_start3A_1908] : memref<480000xi32, #tpu.memory_space<hbm>> -> memref<480000xi32, #tpu.memory_space<hbm>>
    tpu.enqueue_indirect_dma source(%dma_start3A_1909 : memref<480000xi32, #tpu.memory_space<hbm>>) target(%dma_start3A_1905 : memref<128xi32, #tpu.memory_space<vmem>>) offsets(%dma_start3A_1907 : memref<128xi32, #tpu.memory_space<vmem>>) semaphore(%arg17 : memref<!tpu.dma_semaphore, #tpu.memory_space<semaphore_mem>>)
    %dma_start3A_1910 = arith.constant 2304 : i32
    %dma_start3A_1911 = tpu.memref_slice %arg12[%dma_start3A_1910] : memref<3840xi32, #tpu.memory_space<vmem>> -> memref<128xi32, #tpu.memory_space<vmem>>
    %dma_start3A_1912 = arith.constant 2944 : i32
    %dma_start3A_1913 = tpu.memref_slice %arg11[%dma_start3A_1912] : memref<4480xi32, #tpu.memory_space<vmem>> -> memref<128xi32, #tpu.memory_space<vmem>>
    %dma_start3A_1914 = arith.constant 0 : i32
    %dma_start3A_1915 = tpu.memref_slice %arg2[%dma_start3A_1914] : memref<480000xi32, #tpu.memory_space<hbm>> -> memref<480000xi32, #tpu.memory_space<hbm>>
    tpu.enqueue_indirect_dma source(%dma_start3A_1915 : memref<480000xi32, #tpu.memory_space<hbm>>) target(%dma_start3A_1911 : memref<128xi32, #tpu.memory_space<vmem>>) offsets(%dma_start3A_1913 : memref<128xi32, #tpu.memory_space<vmem>>) semaphore(%arg17 : memref<!tpu.dma_semaphore, #tpu.memory_space<semaphore_mem>>)
    %dma_start3A_1916 = arith.constant 2432 : i32
    %dma_start3A_1917 = tpu.memref_slice %arg12[%dma_start3A_1916] : memref<3840xi32, #tpu.memory_space<vmem>> -> memref<128xi32, #tpu.memory_space<vmem>>
    %dma_start3A_1918 = arith.constant 3072 : i32
    %dma_start3A_1919 = tpu.memref_slice %arg11[%dma_start3A_1918] : memref<4480xi32, #tpu.memory_space<vmem>> -> memref<128xi32, #tpu.memory_space<vmem>>
    %dma_start3A_1920 = arith.constant 0 : i32
    %dma_start3A_1921 = tpu.memref_slice %arg2[%dma_start3A_1920] : memref<480000xi32, #tpu.memory_space<hbm>> -> memref<480000xi32, #tpu.memory_space<hbm>>
    tpu.enqueue_indirect_dma source(%dma_start3A_1921 : memref<480000xi32, #tpu.memory_space<hbm>>) target(%dma_start3A_1917 : memref<128xi32, #tpu.memory_space<vmem>>) offsets(%dma_start3A_1919 : memref<128xi32, #tpu.memory_space<vmem>>) semaphore(%arg17 : memref<!tpu.dma_semaphore, #tpu.memory_space<semaphore_mem>>)
    %dma_start3A_1922 = arith.constant 2560 : i32
    %dma_start3A_1923 = tpu.memref_slice %arg12[%dma_start3A_1922] : memref<3840xi32, #tpu.memory_space<vmem>> -> memref<128xi32, #tpu.memory_space<vmem>>
    %dma_start3A_1924 = arith.constant 3200 : i32
    %dma_start3A_1925 = tpu.memref_slice %arg11[%dma_start3A_1924] : memref<4480xi32, #tpu.memory_space<vmem>> -> memref<128xi32, #tpu.memory_space<vmem>>
    %dma_start3A_1926 = arith.constant 0 : i32
    %dma_start3A_1927 = tpu.memref_slice %arg2[%dma_start3A_1926] : memref<480000xi32, #tpu.memory_space<hbm>> -> memref<480000xi32, #tpu.memory_space<hbm>>
    tpu.enqueue_indirect_dma source(%dma_start3A_1927 : memref<480000xi32, #tpu.memory_space<hbm>>) target(%dma_start3A_1923 : memref<128xi32, #tpu.memory_space<vmem>>) offsets(%dma_start3A_1925 : memref<128xi32, #tpu.memory_space<vmem>>) semaphore(%arg17 : memref<!tpu.dma_semaphore, #tpu.memory_space<semaphore_mem>>)
    %dma_start3A_1928 = arith.constant 2688 : i32
    %dma_start3A_1929 = tpu.memref_slice %arg12[%dma_start3A_1928] : memref<3840xi32, #tpu.memory_space<vmem>> -> memref<128xi32, #tpu.memory_space<vmem>>
    %dma_start3A_1930 = arith.constant 3328 : i32
    %dma_start3A_1931 = tpu.memref_slice %arg11[%dma_start3A_1930] : memref<4480xi32, #tpu.memory_space<vmem>> -> memref<128xi32, #tpu.memory_space<vmem>>
    %dma_start3A_1932 = arith.constant 0 : i32
    %dma_start3A_1933 = tpu.memref_slice %arg2[%dma_start3A_1932] : memref<480000xi32, #tpu.memory_space<hbm>> -> memref<480000xi32, #tpu.memory_space<hbm>>
    tpu.enqueue_indirect_dma source(%dma_start3A_1933 : memref<480000xi32, #tpu.memory_space<hbm>>) target(%dma_start3A_1929 : memref<128xi32, #tpu.memory_space<vmem>>) offsets(%dma_start3A_1931 : memref<128xi32, #tpu.memory_space<vmem>>) semaphore(%arg17 : memref<!tpu.dma_semaphore, #tpu.memory_space<semaphore_mem>>)
    %dma_start3A_1934 = arith.constant 2816 : i32
    %dma_start3A_1935 = tpu.memref_slice %arg12[%dma_start3A_1934] : memref<3840xi32, #tpu.memory_space<vmem>> -> memref<128xi32, #tpu.memory_space<vmem>>
    %dma_start3A_1936 = arith.constant 3456 : i32
    %dma_start3A_1937 = tpu.memref_slice %arg11[%dma_start3A_1936] : memref<4480xi32, #tpu.memory_space<vmem>> -> memref<128xi32, #tpu.memory_space<vmem>>
    %dma_start3A_1938 = arith.constant 0 : i32
    %dma_start3A_1939 = tpu.memref_slice %arg2[%dma_start3A_1938] : memref<480000xi32, #tpu.memory_space<hbm>> -> memref<480000xi32, #tpu.memory_space<hbm>>
    tpu.enqueue_indirect_dma source(%dma_start3A_1939 : memref<480000xi32, #tpu.memory_space<hbm>>) target(%dma_start3A_1935 : memref<128xi32, #tpu.memory_space<vmem>>) offsets(%dma_start3A_1937 : memref<128xi32, #tpu.memory_space<vmem>>) semaphore(%arg17 : memref<!tpu.dma_semaphore, #tpu.memory_space<semaphore_mem>>)
    %dma_start3A_1940 = arith.constant 2944 : i32
    %dma_start3A_1941 = tpu.memref_slice %arg12[%dma_start3A_1940] : memref<3840xi32, #tpu.memory_space<vmem>> -> memref<128xi32, #tpu.memory_space<vmem>>
    %dma_start3A_1942 = arith.constant 3584 : i32
    %dma_start3A_1943 = tpu.memref_slice %arg11[%dma_start3A_1942] : memref<4480xi32, #tpu.memory_space<vmem>> -> memref<128xi32, #tpu.memory_space<vmem>>
    %dma_start3A_1944 = arith.constant 0 : i32
    %dma_start3A_1945 = tpu.memref_slice %arg2[%dma_start3A_1944] : memref<480000xi32, #tpu.memory_space<hbm>> -> memref<480000xi32, #tpu.memory_space<hbm>>
    tpu.enqueue_indirect_dma source(%dma_start3A_1945 : memref<480000xi32, #tpu.memory_space<hbm>>) target(%dma_start3A_1941 : memref<128xi32, #tpu.memory_space<vmem>>) offsets(%dma_start3A_1943 : memref<128xi32, #tpu.memory_space<vmem>>) semaphore(%arg17 : memref<!tpu.dma_semaphore, #tpu.memory_space<semaphore_mem>>)
    %dma_start3A_1946 = arith.constant 3072 : i32
    %dma_start3A_1947 = tpu.memref_slice %arg12[%dma_start3A_1946] : memref<3840xi32, #tpu.memory_space<vmem>> -> memref<128xi32, #tpu.memory_space<vmem>>
    %dma_start3A_1948 = arith.constant 3712 : i32
    %dma_start3A_1949 = tpu.memref_slice %arg11[%dma_start3A_1948] : memref<4480xi32, #tpu.memory_space<vmem>> -> memref<128xi32, #tpu.memory_space<vmem>>
    %dma_start3A_1950 = arith.constant 0 : i32
    %dma_start3A_1951 = tpu.memref_slice %arg2[%dma_start3A_1950] : memref<480000xi32, #tpu.memory_space<hbm>> -> memref<480000xi32, #tpu.memory_space<hbm>>
    tpu.enqueue_indirect_dma source(%dma_start3A_1951 : memref<480000xi32, #tpu.memory_space<hbm>>) target(%dma_start3A_1947 : memref<128xi32, #tpu.memory_space<vmem>>) offsets(%dma_start3A_1949 : memref<128xi32, #tpu.memory_space<vmem>>) semaphore(%arg17 : memref<!tpu.dma_semaphore, #tpu.memory_space<semaphore_mem>>)
    %dma_start3A_1952 = arith.constant 3200 : i32
    %dma_start3A_1953 = tpu.memref_slice %arg12[%dma_start3A_1952] : memref<3840xi32, #tpu.memory_space<vmem>> -> memref<128xi32, #tpu.memory_space<vmem>>
    %dma_start3A_1954 = arith.constant 3840 : i32
    %dma_start3A_1955 = tpu.memref_slice %arg11[%dma_start3A_1954] : memref<4480xi32, #tpu.memory_space<vmem>> -> memref<128xi32, #tpu.memory_space<vmem>>
    %dma_start3A_1956 = arith.constant 0 : i32
    %dma_start3A_1957 = tpu.memref_slice %arg2[%dma_start3A_1956] : memref<480000xi32, #tpu.memory_space<hbm>> -> memref<480000xi32, #tpu.memory_space<hbm>>
    tpu.enqueue_indirect_dma source(%dma_start3A_1957 : memref<480000xi32, #tpu.memory_space<hbm>>) target(%dma_start3A_1953 : memref<128xi32, #tpu.memory_space<vmem>>) offsets(%dma_start3A_1955 : memref<128xi32, #tpu.memory_space<vmem>>) semaphore(%arg17 : memref<!tpu.dma_semaphore, #tpu.memory_space<semaphore_mem>>)
    %dma_start3A_1958 = arith.constant 3328 : i32
    %dma_start3A_1959 = tpu.memref_slice %arg12[%dma_start3A_1958] : memref<3840xi32, #tpu.memory_space<vmem>> -> memref<128xi32, #tpu.memory_space<vmem>>
    %dma_start3A_1960 = arith.constant 3968 : i32
    %dma_start3A_1961 = tpu.memref_slice %arg11[%dma_start3A_1960] : memref<4480xi32, #tpu.memory_space<vmem>> -> memref<128xi32, #tpu.memory_space<vmem>>
    %dma_start3A_1962 = arith.constant 0 : i32
    %dma_start3A_1963 = tpu.memref_slice %arg2[%dma_start3A_1962] : memref<480000xi32, #tpu.memory_space<hbm>> -> memref<480000xi32, #tpu.memory_space<hbm>>
    tpu.enqueue_indirect_dma source(%dma_start3A_1963 : memref<480000xi32, #tpu.memory_space<hbm>>) target(%dma_start3A_1959 : memref<128xi32, #tpu.memory_space<vmem>>) offsets(%dma_start3A_1961 : memref<128xi32, #tpu.memory_space<vmem>>) semaphore(%arg17 : memref<!tpu.dma_semaphore, #tpu.memory_space<semaphore_mem>>)
    %dma_start3A_1964 = arith.constant 3456 : i32
    %dma_start3A_1965 = tpu.memref_slice %arg12[%dma_start3A_1964] : memref<3840xi32, #tpu.memory_space<vmem>> -> memref<128xi32, #tpu.memory_space<vmem>>
    %dma_start3A_1966 = arith.constant 4096 : i32
    %dma_start3A_1967 = tpu.memref_slice %arg11[%dma_start3A_1966] : memref<4480xi32, #tpu.memory_space<vmem>> -> memref<128xi32, #tpu.memory_space<vmem>>
    %dma_start3A_1968 = arith.constant 0 : i32
    %dma_start3A_1969 = tpu.memref_slice %arg2[%dma_start3A_1968] : memref<480000xi32, #tpu.memory_space<hbm>> -> memref<480000xi32, #tpu.memory_space<hbm>>
    tpu.enqueue_indirect_dma source(%dma_start3A_1969 : memref<480000xi32, #tpu.memory_space<hbm>>) target(%dma_start3A_1965 : memref<128xi32, #tpu.memory_space<vmem>>) offsets(%dma_start3A_1967 : memref<128xi32, #tpu.memory_space<vmem>>) semaphore(%arg17 : memref<!tpu.dma_semaphore, #tpu.memory_space<semaphore_mem>>)
    %dma_start3A_1970 = arith.constant 3584 : i32
    %dma_start3A_1971 = tpu.memref_slice %arg12[%dma_start3A_1970] : memref<3840xi32, #tpu.memory_space<vmem>> -> memref<128xi32, #tpu.memory_space<vmem>>
    %dma_start3A_1972 = arith.constant 4224 : i32
    %dma_start3A_1973 = tpu.memref_slice %arg11[%dma_start3A_1972] : memref<4480xi32, #tpu.memory_space<vmem>> -> memref<128xi32, #tpu.memory_space<vmem>>
    %dma_start3A_1974 = arith.constant 0 : i32
    %dma_start3A_1975 = tpu.memref_slice %arg2[%dma_start3A_1974] : memref<480000xi32, #tpu.memory_space<hbm>> -> memref<480000xi32, #tpu.memory_space<hbm>>
    tpu.enqueue_indirect_dma source(%dma_start3A_1975 : memref<480000xi32, #tpu.memory_space<hbm>>) target(%dma_start3A_1971 : memref<128xi32, #tpu.memory_space<vmem>>) offsets(%dma_start3A_1973 : memref<128xi32, #tpu.memory_space<vmem>>) semaphore(%arg17 : memref<!tpu.dma_semaphore, #tpu.memory_space<semaphore_mem>>)
    %dma_start3A_1976 = arith.constant 3712 : i32
    %dma_start3A_1977 = tpu.memref_slice %arg12[%dma_start3A_1976] : memref<3840xi32, #tpu.memory_space<vmem>> -> memref<128xi32, #tpu.memory_space<vmem>>
    %dma_start3A_1978 = arith.constant 4352 : i32
    %dma_start3A_1979 = tpu.memref_slice %arg11[%dma_start3A_1978] : memref<4480xi32, #tpu.memory_space<vmem>> -> memref<128xi32, #tpu.memory_space<vmem>>
    %dma_start3A_1980 = arith.constant 0 : i32
    %dma_start3A_1981 = tpu.memref_slice %arg2[%dma_start3A_1980] : memref<480000xi32, #tpu.memory_space<hbm>> -> memref<480000xi32, #tpu.memory_space<hbm>>
    tpu.enqueue_indirect_dma source(%dma_start3A_1981 : memref<480000xi32, #tpu.memory_space<hbm>>) target(%dma_start3A_1977 : memref<128xi32, #tpu.memory_space<vmem>>) offsets(%dma_start3A_1979 : memref<128xi32, #tpu.memory_space<vmem>>) semaphore(%arg17 : memref<!tpu.dma_semaphore, #tpu.memory_space<semaphore_mem>>)
    %dma_start3A_1982 = arith.constant 0 : i32
    %dma_start3A_1983 = tpu.memref_slice %arg13[%dma_start3A_1982] : memref<3840xf32, #tpu.memory_space<vmem>> -> memref<128xf32, #tpu.memory_space<vmem>>
    %dma_start3A_1984 = arith.constant 640 : i32
    %dma_start3A_1985 = tpu.memref_slice %arg11[%dma_start3A_1984] : memref<4480xi32, #tpu.memory_space<vmem>> -> memref<128xi32, #tpu.memory_space<vmem>>
    %dma_start3A_1986 = arith.constant 0 : i32
    %dma_start3A_1987 = tpu.memref_slice %arg3[%dma_start3A_1986] : memref<480000xf32, #tpu.memory_space<hbm>> -> memref<480000xf32, #tpu.memory_space<hbm>>
    tpu.enqueue_indirect_dma source(%dma_start3A_1987 : memref<480000xf32, #tpu.memory_space<hbm>>) target(%dma_start3A_1983 : memref<128xf32, #tpu.memory_space<vmem>>) offsets(%dma_start3A_1985 : memref<128xi32, #tpu.memory_space<vmem>>) semaphore(%arg18 : memref<!tpu.dma_semaphore, #tpu.memory_space<semaphore_mem>>)
    %dma_start3A_1988 = arith.constant 128 : i32
    %dma_start3A_1989 = tpu.memref_slice %arg13[%dma_start3A_1988] : memref<3840xf32, #tpu.memory_space<vmem>> -> memref<128xf32, #tpu.memory_space<vmem>>
    %dma_start3A_1990 = arith.constant 768 : i32
    %dma_start3A_1991 = tpu.memref_slice %arg11[%dma_start3A_1990] : memref<4480xi32, #tpu.memory_space<vmem>> -> memref<128xi32, #tpu.memory_space<vmem>>
    %dma_start3A_1992 = arith.constant 0 : i32
    %dma_start3A_1993 = tpu.memref_slice %arg3[%dma_start3A_1992] : memref<480000xf32, #tpu.memory_space<hbm>> -> memref<480000xf32, #tpu.memory_space<hbm>>
    tpu.enqueue_indirect_dma source(%dma_start3A_1993 : memref<480000xf32, #tpu.memory_space<hbm>>) target(%dma_start3A_1989 : memref<128xf32, #tpu.memory_space<vmem>>) offsets(%dma_start3A_1991 : memref<128xi32, #tpu.memory_space<vmem>>) semaphore(%arg18 : memref<!tpu.dma_semaphore, #tpu.memory_space<semaphore_mem>>)
    %dma_start3A_1994 = arith.constant 256 : i32
    %dma_start3A_1995 = tpu.memref_slice %arg13[%dma_start3A_1994] : memref<3840xf32, #tpu.memory_space<vmem>> -> memref<128xf32, #tpu.memory_space<vmem>>
    %dma_start3A_1996 = arith.constant 896 : i32
    %dma_start3A_1997 = tpu.memref_slice %arg11[%dma_start3A_1996] : memref<4480xi32, #tpu.memory_space<vmem>> -> memref<128xi32, #tpu.memory_space<vmem>>
    %dma_start3A_1998 = arith.constant 0 : i32
    %dma_start3A_1999 = tpu.memref_slice %arg3[%dma_start3A_1998] : memref<480000xf32, #tpu.memory_space<hbm>> -> memref<480000xf32, #tpu.memory_space<hbm>>
    tpu.enqueue_indirect_dma source(%dma_start3A_1999 : memref<480000xf32, #tpu.memory_space<hbm>>) target(%dma_start3A_1995 : memref<128xf32, #tpu.memory_space<vmem>>) offsets(%dma_start3A_1997 : memref<128xi32, #tpu.memory_space<vmem>>) semaphore(%arg18 : memref<!tpu.dma_semaphore, #tpu.memory_space<semaphore_mem>>)
    %dma_start3A_2000 = arith.constant 384 : i32
    %dma_start3A_2001 = tpu.memref_slice %arg13[%dma_start3A_2000] : memref<3840xf32, #tpu.memory_space<vmem>> -> memref<128xf32, #tpu.memory_space<vmem>>
    %dma_start3A_2002 = arith.constant 1024 : i32
    %dma_start3A_2003 = tpu.memref_slice %arg11[%dma_start3A_2002] : memref<4480xi32, #tpu.memory_space<vmem>> -> memref<128xi32, #tpu.memory_space<vmem>>
    %dma_start3A_2004 = arith.constant 0 : i32
    %dma_start3A_2005 = tpu.memref_slice %arg3[%dma_start3A_2004] : memref<480000xf32, #tpu.memory_space<hbm>> -> memref<480000xf32, #tpu.memory_space<hbm>>
    tpu.enqueue_indirect_dma source(%dma_start3A_2005 : memref<480000xf32, #tpu.memory_space<hbm>>) target(%dma_start3A_2001 : memref<128xf32, #tpu.memory_space<vmem>>) offsets(%dma_start3A_2003 : memref<128xi32, #tpu.memory_space<vmem>>) semaphore(%arg18 : memref<!tpu.dma_semaphore, #tpu.memory_space<semaphore_mem>>)
    %dma_start3A_2006 = arith.constant 512 : i32
    %dma_start3A_2007 = tpu.memref_slice %arg13[%dma_start3A_2006] : memref<3840xf32, #tpu.memory_space<vmem>> -> memref<128xf32, #tpu.memory_space<vmem>>
    %dma_start3A_2008 = arith.constant 1152 : i32
    %dma_start3A_2009 = tpu.memref_slice %arg11[%dma_start3A_2008] : memref<4480xi32, #tpu.memory_space<vmem>> -> memref<128xi32, #tpu.memory_space<vmem>>
    %dma_start3A_2010 = arith.constant 0 : i32
    %dma_start3A_2011 = tpu.memref_slice %arg3[%dma_start3A_2010] : memref<480000xf32, #tpu.memory_space<hbm>> -> memref<480000xf32, #tpu.memory_space<hbm>>
    tpu.enqueue_indirect_dma source(%dma_start3A_2011 : memref<480000xf32, #tpu.memory_space<hbm>>) target(%dma_start3A_2007 : memref<128xf32, #tpu.memory_space<vmem>>) offsets(%dma_start3A_2009 : memref<128xi32, #tpu.memory_space<vmem>>) semaphore(%arg18 : memref<!tpu.dma_semaphore, #tpu.memory_space<semaphore_mem>>)
    %dma_start3A_2012 = arith.constant 640 : i32
    %dma_start3A_2013 = tpu.memref_slice %arg13[%dma_start3A_2012] : memref<3840xf32, #tpu.memory_space<vmem>> -> memref<128xf32, #tpu.memory_space<vmem>>
    %dma_start3A_2014 = arith.constant 1280 : i32
    %dma_start3A_2015 = tpu.memref_slice %arg11[%dma_start3A_2014] : memref<4480xi32, #tpu.memory_space<vmem>> -> memref<128xi32, #tpu.memory_space<vmem>>
    %dma_start3A_2016 = arith.constant 0 : i32
    %dma_start3A_2017 = tpu.memref_slice %arg3[%dma_start3A_2016] : memref<480000xf32, #tpu.memory_space<hbm>> -> memref<480000xf32, #tpu.memory_space<hbm>>
    tpu.enqueue_indirect_dma source(%dma_start3A_2017 : memref<480000xf32, #tpu.memory_space<hbm>>) target(%dma_start3A_2013 : memref<128xf32, #tpu.memory_space<vmem>>) offsets(%dma_start3A_2015 : memref<128xi32, #tpu.memory_space<vmem>>) semaphore(%arg18 : memref<!tpu.dma_semaphore, #tpu.memory_space<semaphore_mem>>)
    %dma_start3A_2018 = arith.constant 768 : i32
    %dma_start3A_2019 = tpu.memref_slice %arg13[%dma_start3A_2018] : memref<3840xf32, #tpu.memory_space<vmem>> -> memref<128xf32, #tpu.memory_space<vmem>>
    %dma_start3A_2020 = arith.constant 1408 : i32
    %dma_start3A_2021 = tpu.memref_slice %arg11[%dma_start3A_2020] : memref<4480xi32, #tpu.memory_space<vmem>> -> memref<128xi32, #tpu.memory_space<vmem>>
    %dma_start3A_2022 = arith.constant 0 : i32
    %dma_start3A_2023 = tpu.memref_slice %arg3[%dma_start3A_2022] : memref<480000xf32, #tpu.memory_space<hbm>> -> memref<480000xf32, #tpu.memory_space<hbm>>
    tpu.enqueue_indirect_dma source(%dma_start3A_2023 : memref<480000xf32, #tpu.memory_space<hbm>>) target(%dma_start3A_2019 : memref<128xf32, #tpu.memory_space<vmem>>) offsets(%dma_start3A_2021 : memref<128xi32, #tpu.memory_space<vmem>>) semaphore(%arg18 : memref<!tpu.dma_semaphore, #tpu.memory_space<semaphore_mem>>)
    %dma_start3A_2024 = arith.constant 896 : i32
    %dma_start3A_2025 = tpu.memref_slice %arg13[%dma_start3A_2024] : memref<3840xf32, #tpu.memory_space<vmem>> -> memref<128xf32, #tpu.memory_space<vmem>>
    %dma_start3A_2026 = arith.constant 1536 : i32
    %dma_start3A_2027 = tpu.memref_slice %arg11[%dma_start3A_2026] : memref<4480xi32, #tpu.memory_space<vmem>> -> memref<128xi32, #tpu.memory_space<vmem>>
    %dma_start3A_2028 = arith.constant 0 : i32
    %dma_start3A_2029 = tpu.memref_slice %arg3[%dma_start3A_2028] : memref<480000xf32, #tpu.memory_space<hbm>> -> memref<480000xf32, #tpu.memory_space<hbm>>
    tpu.enqueue_indirect_dma source(%dma_start3A_2029 : memref<480000xf32, #tpu.memory_space<hbm>>) target(%dma_start3A_2025 : memref<128xf32, #tpu.memory_space<vmem>>) offsets(%dma_start3A_2027 : memref<128xi32, #tpu.memory_space<vmem>>) semaphore(%arg18 : memref<!tpu.dma_semaphore, #tpu.memory_space<semaphore_mem>>)
    %dma_start3A_2030 = arith.constant 1024 : i32
    %dma_start3A_2031 = tpu.memref_slice %arg13[%dma_start3A_2030] : memref<3840xf32, #tpu.memory_space<vmem>> -> memref<128xf32, #tpu.memory_space<vmem>>
    %dma_start3A_2032 = arith.constant 1664 : i32
    %dma_start3A_2033 = tpu.memref_slice %arg11[%dma_start3A_2032] : memref<4480xi32, #tpu.memory_space<vmem>> -> memref<128xi32, #tpu.memory_space<vmem>>
    %dma_start3A_2034 = arith.constant 0 : i32
    %dma_start3A_2035 = tpu.memref_slice %arg3[%dma_start3A_2034] : memref<480000xf32, #tpu.memory_space<hbm>> -> memref<480000xf32, #tpu.memory_space<hbm>>
    tpu.enqueue_indirect_dma source(%dma_start3A_2035 : memref<480000xf32, #tpu.memory_space<hbm>>) target(%dma_start3A_2031 : memref<128xf32, #tpu.memory_space<vmem>>) offsets(%dma_start3A_2033 : memref<128xi32, #tpu.memory_space<vmem>>) semaphore(%arg18 : memref<!tpu.dma_semaphore, #tpu.memory_space<semaphore_mem>>)
    %dma_start3A_2036 = arith.constant 1152 : i32
    %dma_start3A_2037 = tpu.memref_slice %arg13[%dma_start3A_2036] : memref<3840xf32, #tpu.memory_space<vmem>> -> memref<128xf32, #tpu.memory_space<vmem>>
    %dma_start3A_2038 = arith.constant 1792 : i32
    %dma_start3A_2039 = tpu.memref_slice %arg11[%dma_start3A_2038] : memref<4480xi32, #tpu.memory_space<vmem>> -> memref<128xi32, #tpu.memory_space<vmem>>
    %dma_start3A_2040 = arith.constant 0 : i32
    %dma_start3A_2041 = tpu.memref_slice %arg3[%dma_start3A_2040] : memref<480000xf32, #tpu.memory_space<hbm>> -> memref<480000xf32, #tpu.memory_space<hbm>>
    tpu.enqueue_indirect_dma source(%dma_start3A_2041 : memref<480000xf32, #tpu.memory_space<hbm>>) target(%dma_start3A_2037 : memref<128xf32, #tpu.memory_space<vmem>>) offsets(%dma_start3A_2039 : memref<128xi32, #tpu.memory_space<vmem>>) semaphore(%arg18 : memref<!tpu.dma_semaphore, #tpu.memory_space<semaphore_mem>>)
    %dma_start3A_2042 = arith.constant 1280 : i32
    %dma_start3A_2043 = tpu.memref_slice %arg13[%dma_start3A_2042] : memref<3840xf32, #tpu.memory_space<vmem>> -> memref<128xf32, #tpu.memory_space<vmem>>
    %dma_start3A_2044 = arith.constant 1920 : i32
    %dma_start3A_2045 = tpu.memref_slice %arg11[%dma_start3A_2044] : memref<4480xi32, #tpu.memory_space<vmem>> -> memref<128xi32, #tpu.memory_space<vmem>>
    %dma_start3A_2046 = arith.constant 0 : i32
    %dma_start3A_2047 = tpu.memref_slice %arg3[%dma_start3A_2046] : memref<480000xf32, #tpu.memory_space<hbm>> -> memref<480000xf32, #tpu.memory_space<hbm>>
    tpu.enqueue_indirect_dma source(%dma_start3A_2047 : memref<480000xf32, #tpu.memory_space<hbm>>) target(%dma_start3A_2043 : memref<128xf32, #tpu.memory_space<vmem>>) offsets(%dma_start3A_2045 : memref<128xi32, #tpu.memory_space<vmem>>) semaphore(%arg18 : memref<!tpu.dma_semaphore, #tpu.memory_space<semaphore_mem>>)
    %dma_start3A_2048 = arith.constant 1408 : i32
    %dma_start3A_2049 = tpu.memref_slice %arg13[%dma_start3A_2048] : memref<3840xf32, #tpu.memory_space<vmem>> -> memref<128xf32, #tpu.memory_space<vmem>>
    %dma_start3A_2050 = arith.constant 2048 : i32
    %dma_start3A_2051 = tpu.memref_slice %arg11[%dma_start3A_2050] : memref<4480xi32, #tpu.memory_space<vmem>> -> memref<128xi32, #tpu.memory_space<vmem>>
    %dma_start3A_2052 = arith.constant 0 : i32
    %dma_start3A_2053 = tpu.memref_slice %arg3[%dma_start3A_2052] : memref<480000xf32, #tpu.memory_space<hbm>> -> memref<480000xf32, #tpu.memory_space<hbm>>
    tpu.enqueue_indirect_dma source(%dma_start3A_2053 : memref<480000xf32, #tpu.memory_space<hbm>>) target(%dma_start3A_2049 : memref<128xf32, #tpu.memory_space<vmem>>) offsets(%dma_start3A_2051 : memref<128xi32, #tpu.memory_space<vmem>>) semaphore(%arg18 : memref<!tpu.dma_semaphore, #tpu.memory_space<semaphore_mem>>)
    %dma_start3A_2054 = arith.constant 1536 : i32
    %dma_start3A_2055 = tpu.memref_slice %arg13[%dma_start3A_2054] : memref<3840xf32, #tpu.memory_space<vmem>> -> memref<128xf32, #tpu.memory_space<vmem>>
    %dma_start3A_2056 = arith.constant 2176 : i32
    %dma_start3A_2057 = tpu.memref_slice %arg11[%dma_start3A_2056] : memref<4480xi32, #tpu.memory_space<vmem>> -> memref<128xi32, #tpu.memory_space<vmem>>
    %dma_start3A_2058 = arith.constant 0 : i32
    %dma_start3A_2059 = tpu.memref_slice %arg3[%dma_start3A_2058] : memref<480000xf32, #tpu.memory_space<hbm>> -> memref<480000xf32, #tpu.memory_space<hbm>>
    tpu.enqueue_indirect_dma source(%dma_start3A_2059 : memref<480000xf32, #tpu.memory_space<hbm>>) target(%dma_start3A_2055 : memref<128xf32, #tpu.memory_space<vmem>>) offsets(%dma_start3A_2057 : memref<128xi32, #tpu.memory_space<vmem>>) semaphore(%arg18 : memref<!tpu.dma_semaphore, #tpu.memory_space<semaphore_mem>>)
    %dma_start3A_2060 = arith.constant 1664 : i32
    %dma_start3A_2061 = tpu.memref_slice %arg13[%dma_start3A_2060] : memref<3840xf32, #tpu.memory_space<vmem>> -> memref<128xf32, #tpu.memory_space<vmem>>
    %dma_start3A_2062 = arith.constant 2304 : i32
    %dma_start3A_2063 = tpu.memref_slice %arg11[%dma_start3A_2062] : memref<4480xi32, #tpu.memory_space<vmem>> -> memref<128xi32, #tpu.memory_space<vmem>>
    %dma_start3A_2064 = arith.constant 0 : i32
    %dma_start3A_2065 = tpu.memref_slice %arg3[%dma_start3A_2064] : memref<480000xf32, #tpu.memory_space<hbm>> -> memref<480000xf32, #tpu.memory_space<hbm>>
    tpu.enqueue_indirect_dma source(%dma_start3A_2065 : memref<480000xf32, #tpu.memory_space<hbm>>) target(%dma_start3A_2061 : memref<128xf32, #tpu.memory_space<vmem>>) offsets(%dma_start3A_2063 : memref<128xi32, #tpu.memory_space<vmem>>) semaphore(%arg18 : memref<!tpu.dma_semaphore, #tpu.memory_space<semaphore_mem>>)
    %dma_start3A_2066 = arith.constant 1792 : i32
    %dma_start3A_2067 = tpu.memref_slice %arg13[%dma_start3A_2066] : memref<3840xf32, #tpu.memory_space<vmem>> -> memref<128xf32, #tpu.memory_space<vmem>>
    %dma_start3A_2068 = arith.constant 2432 : i32
    %dma_start3A_2069 = tpu.memref_slice %arg11[%dma_start3A_2068] : memref<4480xi32, #tpu.memory_space<vmem>> -> memref<128xi32, #tpu.memory_space<vmem>>
    %dma_start3A_2070 = arith.constant 0 : i32
    %dma_start3A_2071 = tpu.memref_slice %arg3[%dma_start3A_2070] : memref<480000xf32, #tpu.memory_space<hbm>> -> memref<480000xf32, #tpu.memory_space<hbm>>
    tpu.enqueue_indirect_dma source(%dma_start3A_2071 : memref<480000xf32, #tpu.memory_space<hbm>>) target(%dma_start3A_2067 : memref<128xf32, #tpu.memory_space<vmem>>) offsets(%dma_start3A_2069 : memref<128xi32, #tpu.memory_space<vmem>>) semaphore(%arg18 : memref<!tpu.dma_semaphore, #tpu.memory_space<semaphore_mem>>)
    %dma_start3A_2072 = arith.constant 1920 : i32
    %dma_start3A_2073 = tpu.memref_slice %arg13[%dma_start3A_2072] : memref<3840xf32, #tpu.memory_space<vmem>> -> memref<128xf32, #tpu.memory_space<vmem>>
    %dma_start3A_2074 = arith.constant 2560 : i32
    %dma_start3A_2075 = tpu.memref_slice %arg11[%dma_start3A_2074] : memref<4480xi32, #tpu.memory_space<vmem>> -> memref<128xi32, #tpu.memory_space<vmem>>
    %dma_start3A_2076 = arith.constant 0 : i32
    %dma_start3A_2077 = tpu.memref_slice %arg3[%dma_start3A_2076] : memref<480000xf32, #tpu.memory_space<hbm>> -> memref<480000xf32, #tpu.memory_space<hbm>>
    tpu.enqueue_indirect_dma source(%dma_start3A_2077 : memref<480000xf32, #tpu.memory_space<hbm>>) target(%dma_start3A_2073 : memref<128xf32, #tpu.memory_space<vmem>>) offsets(%dma_start3A_2075 : memref<128xi32, #tpu.memory_space<vmem>>) semaphore(%arg18 : memref<!tpu.dma_semaphore, #tpu.memory_space<semaphore_mem>>)
    %dma_start3A_2078 = arith.constant 2048 : i32
    %dma_start3A_2079 = tpu.memref_slice %arg13[%dma_start3A_2078] : memref<3840xf32, #tpu.memory_space<vmem>> -> memref<128xf32, #tpu.memory_space<vmem>>
    %dma_start3A_2080 = arith.constant 2688 : i32
    %dma_start3A_2081 = tpu.memref_slice %arg11[%dma_start3A_2080] : memref<4480xi32, #tpu.memory_space<vmem>> -> memref<128xi32, #tpu.memory_space<vmem>>
    %dma_start3A_2082 = arith.constant 0 : i32
    %dma_start3A_2083 = tpu.memref_slice %arg3[%dma_start3A_2082] : memref<480000xf32, #tpu.memory_space<hbm>> -> memref<480000xf32, #tpu.memory_space<hbm>>
    tpu.enqueue_indirect_dma source(%dma_start3A_2083 : memref<480000xf32, #tpu.memory_space<hbm>>) target(%dma_start3A_2079 : memref<128xf32, #tpu.memory_space<vmem>>) offsets(%dma_start3A_2081 : memref<128xi32, #tpu.memory_space<vmem>>) semaphore(%arg18 : memref<!tpu.dma_semaphore, #tpu.memory_space<semaphore_mem>>)
    %dma_start3A_2084 = arith.constant 2176 : i32
    %dma_start3A_2085 = tpu.memref_slice %arg13[%dma_start3A_2084] : memref<3840xf32, #tpu.memory_space<vmem>> -> memref<128xf32, #tpu.memory_space<vmem>>
    %dma_start3A_2086 = arith.constant 2816 : i32
    %dma_start3A_2087 = tpu.memref_slice %arg11[%dma_start3A_2086] : memref<4480xi32, #tpu.memory_space<vmem>> -> memref<128xi32, #tpu.memory_space<vmem>>
    %dma_start3A_2088 = arith.constant 0 : i32
    %dma_start3A_2089 = tpu.memref_slice %arg3[%dma_start3A_2088] : memref<480000xf32, #tpu.memory_space<hbm>> -> memref<480000xf32, #tpu.memory_space<hbm>>
    tpu.enqueue_indirect_dma source(%dma_start3A_2089 : memref<480000xf32, #tpu.memory_space<hbm>>) target(%dma_start3A_2085 : memref<128xf32, #tpu.memory_space<vmem>>) offsets(%dma_start3A_2087 : memref<128xi32, #tpu.memory_space<vmem>>) semaphore(%arg18 : memref<!tpu.dma_semaphore, #tpu.memory_space<semaphore_mem>>)
    %dma_start3A_2090 = arith.constant 2304 : i32
    %dma_start3A_2091 = tpu.memref_slice %arg13[%dma_start3A_2090] : memref<3840xf32, #tpu.memory_space<vmem>> -> memref<128xf32, #tpu.memory_space<vmem>>
    %dma_start3A_2092 = arith.constant 2944 : i32
    %dma_start3A_2093 = tpu.memref_slice %arg11[%dma_start3A_2092] : memref<4480xi32, #tpu.memory_space<vmem>> -> memref<128xi32, #tpu.memory_space<vmem>>
    %dma_start3A_2094 = arith.constant 0 : i32
    %dma_start3A_2095 = tpu.memref_slice %arg3[%dma_start3A_2094] : memref<480000xf32, #tpu.memory_space<hbm>> -> memref<480000xf32, #tpu.memory_space<hbm>>
    tpu.enqueue_indirect_dma source(%dma_start3A_2095 : memref<480000xf32, #tpu.memory_space<hbm>>) target(%dma_start3A_2091 : memref<128xf32, #tpu.memory_space<vmem>>) offsets(%dma_start3A_2093 : memref<128xi32, #tpu.memory_space<vmem>>) semaphore(%arg18 : memref<!tpu.dma_semaphore, #tpu.memory_space<semaphore_mem>>)
    %dma_start3A_2096 = arith.constant 2432 : i32
    %dma_start3A_2097 = tpu.memref_slice %arg13[%dma_start3A_2096] : memref<3840xf32, #tpu.memory_space<vmem>> -> memref<128xf32, #tpu.memory_space<vmem>>
    %dma_start3A_2098 = arith.constant 3072 : i32
    %dma_start3A_2099 = tpu.memref_slice %arg11[%dma_start3A_2098] : memref<4480xi32, #tpu.memory_space<vmem>> -> memref<128xi32, #tpu.memory_space<vmem>>
    %dma_start3A_2100 = arith.constant 0 : i32
    %dma_start3A_2101 = tpu.memref_slice %arg3[%dma_start3A_2100] : memref<480000xf32, #tpu.memory_space<hbm>> -> memref<480000xf32, #tpu.memory_space<hbm>>
    tpu.enqueue_indirect_dma source(%dma_start3A_2101 : memref<480000xf32, #tpu.memory_space<hbm>>) target(%dma_start3A_2097 : memref<128xf32, #tpu.memory_space<vmem>>) offsets(%dma_start3A_2099 : memref<128xi32, #tpu.memory_space<vmem>>) semaphore(%arg18 : memref<!tpu.dma_semaphore, #tpu.memory_space<semaphore_mem>>)
    %dma_start3A_2102 = arith.constant 2560 : i32
    %dma_start3A_2103 = tpu.memref_slice %arg13[%dma_start3A_2102] : memref<3840xf32, #tpu.memory_space<vmem>> -> memref<128xf32, #tpu.memory_space<vmem>>
    %dma_start3A_2104 = arith.constant 3200 : i32
    %dma_start3A_2105 = tpu.memref_slice %arg11[%dma_start3A_2104] : memref<4480xi32, #tpu.memory_space<vmem>> -> memref<128xi32, #tpu.memory_space<vmem>>
    %dma_start3A_2106 = arith.constant 0 : i32
    %dma_start3A_2107 = tpu.memref_slice %arg3[%dma_start3A_2106] : memref<480000xf32, #tpu.memory_space<hbm>> -> memref<480000xf32, #tpu.memory_space<hbm>>
    tpu.enqueue_indirect_dma source(%dma_start3A_2107 : memref<480000xf32, #tpu.memory_space<hbm>>) target(%dma_start3A_2103 : memref<128xf32, #tpu.memory_space<vmem>>) offsets(%dma_start3A_2105 : memref<128xi32, #tpu.memory_space<vmem>>) semaphore(%arg18 : memref<!tpu.dma_semaphore, #tpu.memory_space<semaphore_mem>>)
    %dma_start3A_2108 = arith.constant 2688 : i32
    %dma_start3A_2109 = tpu.memref_slice %arg13[%dma_start3A_2108] : memref<3840xf32, #tpu.memory_space<vmem>> -> memref<128xf32, #tpu.memory_space<vmem>>
    %dma_start3A_2110 = arith.constant 3328 : i32
    %dma_start3A_2111 = tpu.memref_slice %arg11[%dma_start3A_2110] : memref<4480xi32, #tpu.memory_space<vmem>> -> memref<128xi32, #tpu.memory_space<vmem>>
    %dma_start3A_2112 = arith.constant 0 : i32
    %dma_start3A_2113 = tpu.memref_slice %arg3[%dma_start3A_2112] : memref<480000xf32, #tpu.memory_space<hbm>> -> memref<480000xf32, #tpu.memory_space<hbm>>
    tpu.enqueue_indirect_dma source(%dma_start3A_2113 : memref<480000xf32, #tpu.memory_space<hbm>>) target(%dma_start3A_2109 : memref<128xf32, #tpu.memory_space<vmem>>) offsets(%dma_start3A_2111 : memref<128xi32, #tpu.memory_space<vmem>>) semaphore(%arg18 : memref<!tpu.dma_semaphore, #tpu.memory_space<semaphore_mem>>)
    %dma_start3A_2114 = arith.constant 2816 : i32
    %dma_start3A_2115 = tpu.memref_slice %arg13[%dma_start3A_2114] : memref<3840xf32, #tpu.memory_space<vmem>> -> memref<128xf32, #tpu.memory_space<vmem>>
    %dma_start3A_2116 = arith.constant 3456 : i32
    %dma_start3A_2117 = tpu.memref_slice %arg11[%dma_start3A_2116] : memref<4480xi32, #tpu.memory_space<vmem>> -> memref<128xi32, #tpu.memory_space<vmem>>
    %dma_start3A_2118 = arith.constant 0 : i32
    %dma_start3A_2119 = tpu.memref_slice %arg3[%dma_start3A_2118] : memref<480000xf32, #tpu.memory_space<hbm>> -> memref<480000xf32, #tpu.memory_space<hbm>>
    tpu.enqueue_indirect_dma source(%dma_start3A_2119 : memref<480000xf32, #tpu.memory_space<hbm>>) target(%dma_start3A_2115 : memref<128xf32, #tpu.memory_space<vmem>>) offsets(%dma_start3A_2117 : memref<128xi32, #tpu.memory_space<vmem>>) semaphore(%arg18 : memref<!tpu.dma_semaphore, #tpu.memory_space<semaphore_mem>>)
    %dma_start3A_2120 = arith.constant 2944 : i32
    %dma_start3A_2121 = tpu.memref_slice %arg13[%dma_start3A_2120] : memref<3840xf32, #tpu.memory_space<vmem>> -> memref<128xf32, #tpu.memory_space<vmem>>
    %dma_start3A_2122 = arith.constant 3584 : i32
    %dma_start3A_2123 = tpu.memref_slice %arg11[%dma_start3A_2122] : memref<4480xi32, #tpu.memory_space<vmem>> -> memref<128xi32, #tpu.memory_space<vmem>>
    %dma_start3A_2124 = arith.constant 0 : i32
    %dma_start3A_2125 = tpu.memref_slice %arg3[%dma_start3A_2124] : memref<480000xf32, #tpu.memory_space<hbm>> -> memref<480000xf32, #tpu.memory_space<hbm>>
    tpu.enqueue_indirect_dma source(%dma_start3A_2125 : memref<480000xf32, #tpu.memory_space<hbm>>) target(%dma_start3A_2121 : memref<128xf32, #tpu.memory_space<vmem>>) offsets(%dma_start3A_2123 : memref<128xi32, #tpu.memory_space<vmem>>) semaphore(%arg18 : memref<!tpu.dma_semaphore, #tpu.memory_space<semaphore_mem>>)
    %dma_start3A_2126 = arith.constant 3072 : i32
    %dma_start3A_2127 = tpu.memref_slice %arg13[%dma_start3A_2126] : memref<3840xf32, #tpu.memory_space<vmem>> -> memref<128xf32, #tpu.memory_space<vmem>>
    %dma_start3A_2128 = arith.constant 3712 : i32
    %dma_start3A_2129 = tpu.memref_slice %arg11[%dma_start3A_2128] : memref<4480xi32, #tpu.memory_space<vmem>> -> memref<128xi32, #tpu.memory_space<vmem>>
    %dma_start3A_2130 = arith.constant 0 : i32
    %dma_start3A_2131 = tpu.memref_slice %arg3[%dma_start3A_2130] : memref<480000xf32, #tpu.memory_space<hbm>> -> memref<480000xf32, #tpu.memory_space<hbm>>
    tpu.enqueue_indirect_dma source(%dma_start3A_2131 : memref<480000xf32, #tpu.memory_space<hbm>>) target(%dma_start3A_2127 : memref<128xf32, #tpu.memory_space<vmem>>) offsets(%dma_start3A_2129 : memref<128xi32, #tpu.memory_space<vmem>>) semaphore(%arg18 : memref<!tpu.dma_semaphore, #tpu.memory_space<semaphore_mem>>)
    %dma_start3A_2132 = arith.constant 3200 : i32
    %dma_start3A_2133 = tpu.memref_slice %arg13[%dma_start3A_2132] : memref<3840xf32, #tpu.memory_space<vmem>> -> memref<128xf32, #tpu.memory_space<vmem>>
    %dma_start3A_2134 = arith.constant 3840 : i32
    %dma_start3A_2135 = tpu.memref_slice %arg11[%dma_start3A_2134] : memref<4480xi32, #tpu.memory_space<vmem>> -> memref<128xi32, #tpu.memory_space<vmem>>
    %dma_start3A_2136 = arith.constant 0 : i32
    %dma_start3A_2137 = tpu.memref_slice %arg3[%dma_start3A_2136] : memref<480000xf32, #tpu.memory_space<hbm>> -> memref<480000xf32, #tpu.memory_space<hbm>>
    tpu.enqueue_indirect_dma source(%dma_start3A_2137 : memref<480000xf32, #tpu.memory_space<hbm>>) target(%dma_start3A_2133 : memref<128xf32, #tpu.memory_space<vmem>>) offsets(%dma_start3A_2135 : memref<128xi32, #tpu.memory_space<vmem>>) semaphore(%arg18 : memref<!tpu.dma_semaphore, #tpu.memory_space<semaphore_mem>>)
    %dma_start3A_2138 = arith.constant 3328 : i32
    %dma_start3A_2139 = tpu.memref_slice %arg13[%dma_start3A_2138] : memref<3840xf32, #tpu.memory_space<vmem>> -> memref<128xf32, #tpu.memory_space<vmem>>
    %dma_start3A_2140 = arith.constant 3968 : i32
    %dma_start3A_2141 = tpu.memref_slice %arg11[%dma_start3A_2140] : memref<4480xi32, #tpu.memory_space<vmem>> -> memref<128xi32, #tpu.memory_space<vmem>>
    %dma_start3A_2142 = arith.constant 0 : i32
    %dma_start3A_2143 = tpu.memref_slice %arg3[%dma_start3A_2142] : memref<480000xf32, #tpu.memory_space<hbm>> -> memref<480000xf32, #tpu.memory_space<hbm>>
    tpu.enqueue_indirect_dma source(%dma_start3A_2143 : memref<480000xf32, #tpu.memory_space<hbm>>) target(%dma_start3A_2139 : memref<128xf32, #tpu.memory_space<vmem>>) offsets(%dma_start3A_2141 : memref<128xi32, #tpu.memory_space<vmem>>) semaphore(%arg18 : memref<!tpu.dma_semaphore, #tpu.memory_space<semaphore_mem>>)
    %dma_start3A_2144 = arith.constant 3456 : i32
    %dma_start3A_2145 = tpu.memref_slice %arg13[%dma_start3A_2144] : memref<3840xf32, #tpu.memory_space<vmem>> -> memref<128xf32, #tpu.memory_space<vmem>>
    %dma_start3A_2146 = arith.constant 4096 : i32
    %dma_start3A_2147 = tpu.memref_slice %arg11[%dma_start3A_2146] : memref<4480xi32, #tpu.memory_space<vmem>> -> memref<128xi32, #tpu.memory_space<vmem>>
    %dma_start3A_2148 = arith.constant 0 : i32
    %dma_start3A_2149 = tpu.memref_slice %arg3[%dma_start3A_2148] : memref<480000xf32, #tpu.memory_space<hbm>> -> memref<480000xf32, #tpu.memory_space<hbm>>
    tpu.enqueue_indirect_dma source(%dma_start3A_2149 : memref<480000xf32, #tpu.memory_space<hbm>>) target(%dma_start3A_2145 : memref<128xf32, #tpu.memory_space<vmem>>) offsets(%dma_start3A_2147 : memref<128xi32, #tpu.memory_space<vmem>>) semaphore(%arg18 : memref<!tpu.dma_semaphore, #tpu.memory_space<semaphore_mem>>)
    %dma_start3A_2150 = arith.constant 3584 : i32
    %dma_start3A_2151 = tpu.memref_slice %arg13[%dma_start3A_2150] : memref<3840xf32, #tpu.memory_space<vmem>> -> memref<128xf32, #tpu.memory_space<vmem>>
    %dma_start3A_2152 = arith.constant 4224 : i32
    %dma_start3A_2153 = tpu.memref_slice %arg11[%dma_start3A_2152] : memref<4480xi32, #tpu.memory_space<vmem>> -> memref<128xi32, #tpu.memory_space<vmem>>
    %dma_start3A_2154 = arith.constant 0 : i32
    %dma_start3A_2155 = tpu.memref_slice %arg3[%dma_start3A_2154] : memref<480000xf32, #tpu.memory_space<hbm>> -> memref<480000xf32, #tpu.memory_space<hbm>>
    tpu.enqueue_indirect_dma source(%dma_start3A_2155 : memref<480000xf32, #tpu.memory_space<hbm>>) target(%dma_start3A_2151 : memref<128xf32, #tpu.memory_space<vmem>>) offsets(%dma_start3A_2153 : memref<128xi32, #tpu.memory_space<vmem>>) semaphore(%arg18 : memref<!tpu.dma_semaphore, #tpu.memory_space<semaphore_mem>>)
    %dma_start3A_2156 = arith.constant 3712 : i32
    %dma_start3A_2157 = tpu.memref_slice %arg13[%dma_start3A_2156] : memref<3840xf32, #tpu.memory_space<vmem>> -> memref<128xf32, #tpu.memory_space<vmem>>
    %dma_start3A_2158 = arith.constant 4352 : i32
    %dma_start3A_2159 = tpu.memref_slice %arg11[%dma_start3A_2158] : memref<4480xi32, #tpu.memory_space<vmem>> -> memref<128xi32, #tpu.memory_space<vmem>>
    %dma_start3A_2160 = arith.constant 0 : i32
    %dma_start3A_2161 = tpu.memref_slice %arg3[%dma_start3A_2160] : memref<480000xf32, #tpu.memory_space<hbm>> -> memref<480000xf32, #tpu.memory_space<hbm>>
    tpu.enqueue_indirect_dma source(%dma_start3A_2161 : memref<480000xf32, #tpu.memory_space<hbm>>) target(%dma_start3A_2157 : memref<128xf32, #tpu.memory_space<vmem>>) offsets(%dma_start3A_2159 : memref<128xi32, #tpu.memory_space<vmem>>) semaphore(%arg18 : memref<!tpu.dma_semaphore, #tpu.memory_space<semaphore_mem>>)
    %dma_start3A_2162 = arith.constant 0 : i32
    %dma_start3A_2163 = arith.constant 0 : i32
    %dma_start3A_2164 = tpu.memref_slice %arg15[%dma_start3A_2162, %dma_start3A_2163] : memref<256x128xf32, #tpu.memory_space<vmem>> -> memref<128x128xf32, #tpu.memory_space<vmem>>
    %dma_start3A_2165 = arith.constant 0 : i32
    %dma_start3A_2166 = tpu.memref_slice %arg11[%dma_start3A_2165] : memref<4480xi32, #tpu.memory_space<vmem>> -> memref<128xi32, #tpu.memory_space<vmem>>
    %dma_start3A_2167 = arith.constant 0 : i32
    %dma_start3A_2168 = arith.constant 0 : i32
    %dma_start3A_2169 = tpu.memref_slice %arg4[%dma_start3A_2167, %dma_start3A_2168] : memref<40000x128xf32, #tpu.memory_space<hbm>> -> memref<40000x128xf32, #tpu.memory_space<hbm>>
    tpu.enqueue_indirect_dma source(%dma_start3A_2169 : memref<40000x128xf32, #tpu.memory_space<hbm>>) target(%dma_start3A_2164 : memref<128x128xf32, #tpu.memory_space<vmem>>) offsets(%dma_start3A_2166 : memref<128xi32, #tpu.memory_space<vmem>>) semaphore(%arg19 : memref<!tpu.dma_semaphore, #tpu.memory_space<semaphore_mem>>)
    %dma_start3A_2170 = arith.constant 128 : i32
    %dma_start3A_2171 = arith.constant 0 : i32
    %dma_start3A_2172 = tpu.memref_slice %arg15[%dma_start3A_2170, %dma_start3A_2171] : memref<256x128xf32, #tpu.memory_space<vmem>> -> memref<128x128xf32, #tpu.memory_space<vmem>>
    %dma_start3A_2173 = arith.constant 128 : i32
    %dma_start3A_2174 = tpu.memref_slice %arg11[%dma_start3A_2173] : memref<4480xi32, #tpu.memory_space<vmem>> -> memref<128xi32, #tpu.memory_space<vmem>>
    %dma_start3A_2175 = arith.constant 0 : i32
    %dma_start3A_2176 = arith.constant 0 : i32
    %dma_start3A_2177 = tpu.memref_slice %arg4[%dma_start3A_2175, %dma_start3A_2176] : memref<40000x128xf32, #tpu.memory_space<hbm>> -> memref<40000x128xf32, #tpu.memory_space<hbm>>
    tpu.enqueue_indirect_dma source(%dma_start3A_2177 : memref<40000x128xf32, #tpu.memory_space<hbm>>) target(%dma_start3A_2172 : memref<128x128xf32, #tpu.memory_space<vmem>>) offsets(%dma_start3A_2174 : memref<128xi32, #tpu.memory_space<vmem>>) semaphore(%arg19 : memref<!tpu.dma_semaphore, #tpu.memory_space<semaphore_mem>>)
    %dma_wait3A = arith.constant 0 : i32
    %dma_wait3A_2178 = arith.constant 0 : i32
    %dma_wait3A_2179 = tpu.memref_slice %arg15[%dma_wait3A, %dma_wait3A_2178] : memref<256x128xf32, #tpu.memory_space<vmem>> -> memref<128x128xf32, #tpu.memory_space<vmem>>
    %dma_wait3A_2180 = arith.constant 0 : i32
    %dma_wait3A_2181 = tpu.memref_slice %arg11[%dma_wait3A_2180] : memref<4480xi32, #tpu.memory_space<vmem>> -> memref<128xi32, #tpu.memory_space<vmem>>
    %dma_wait3A_2182 = arith.constant 0 : i32
    %dma_wait3A_2183 = arith.constant 0 : i32
    %dma_wait3A_2184 = tpu.memref_slice %arg4[%dma_wait3A_2182, %dma_wait3A_2183] : memref<40000x128xf32, #tpu.memory_space<hbm>> -> memref<40000x128xf32, #tpu.memory_space<hbm>>
    tpu.wait_indirect_dma semaphore(%arg19 : memref<!tpu.dma_semaphore, #tpu.memory_space<semaphore_mem>>) src(%dma_wait3A_2184 : memref<40000x128xf32, #tpu.memory_space<hbm>>) dst(%dma_wait3A_2179 : memref<128x128xf32, #tpu.memory_space<vmem>>)
    %dma_wait3A_2185 = arith.constant 128 : i32
    %dma_wait3A_2186 = arith.constant 0 : i32
    %dma_wait3A_2187 = tpu.memref_slice %arg15[%dma_wait3A_2185, %dma_wait3A_2186] : memref<256x128xf32, #tpu.memory_space<vmem>> -> memref<128x128xf32, #tpu.memory_space<vmem>>
    %dma_wait3A_2188 = arith.constant 128 : i32
    %dma_wait3A_2189 = tpu.memref_slice %arg11[%dma_wait3A_2188] : memref<4480xi32, #tpu.memory_space<vmem>> -> memref<128xi32, #tpu.memory_space<vmem>>
    %dma_wait3A_2190 = arith.constant 0 : i32
    %dma_wait3A_2191 = arith.constant 0 : i32
    %dma_wait3A_2192 = tpu.memref_slice %arg4[%dma_wait3A_2190, %dma_wait3A_2191] : memref<40000x128xf32, #tpu.memory_space<hbm>> -> memref<40000x128xf32, #tpu.memory_space<hbm>>
    tpu.wait_indirect_dma semaphore(%arg19 : memref<!tpu.dma_semaphore, #tpu.memory_space<semaphore_mem>>) src(%dma_wait3A_2192 : memref<40000x128xf32, #tpu.memory_space<hbm>>) dst(%dma_wait3A_2187 : memref<128x128xf32, #tpu.memory_space<vmem>>)
    %dma_start3A_2193 = arith.constant 0 : i32
    %dma_start3A_2194 = tpu.memref_slice %arg8[%mul3A_2, %dma_start3A_2193] : memref<10240x128xf32, #tpu.memory_space<hbm>> -> memref<256x128xf32, #tpu.memory_space<hbm>>
    %dma_start3A_2195 = arith.constant 0 : i32
    %dma_start3A_2196 = tpu.memref_slice %arg8[%mul3A_2, %dma_start3A_2195] : memref<10240x128xf32, #tpu.memory_space<hbm>> -> memref<256x128xf32, #tpu.memory_space<hbm>>
    tpu.enqueue_dma source(%arg15 : memref<256x128xf32, #tpu.memory_space<vmem>>) target(%dma_start3A_2196 : memref<256x128xf32, #tpu.memory_space<hbm>>) target_semaphore(%arg21 : memref<!tpu.dma_semaphore, #tpu.memory_space<semaphore_mem>>)
    %dma_start3A_2197 = arith.constant 0 : i32
    %dma_start3A_2198 = arith.constant 0 : i32
    %dma_start3A_2199 = tpu.memref_slice %arg16[%dma_start3A_2197, %dma_start3A_2198] : memref<256x128xf32, #tpu.memory_space<vmem>> -> memref<128x128xf32, #tpu.memory_space<vmem>>
    %dma_start3A_2200 = arith.constant 320 : i32
    %dma_start3A_2201 = tpu.memref_slice %arg11[%dma_start3A_2200] : memref<4480xi32, #tpu.memory_space<vmem>> -> memref<128xi32, #tpu.memory_space<vmem>>
    %dma_start3A_2202 = arith.constant 0 : i32
    %dma_start3A_2203 = arith.constant 0 : i32
    %dma_start3A_2204 = tpu.memref_slice %arg4[%dma_start3A_2202, %dma_start3A_2203] : memref<40000x128xf32, #tpu.memory_space<hbm>> -> memref<40000x128xf32, #tpu.memory_space<hbm>>
    tpu.enqueue_indirect_dma source(%dma_start3A_2204 : memref<40000x128xf32, #tpu.memory_space<hbm>>) target(%dma_start3A_2199 : memref<128x128xf32, #tpu.memory_space<vmem>>) offsets(%dma_start3A_2201 : memref<128xi32, #tpu.memory_space<vmem>>) semaphore(%arg19 : memref<!tpu.dma_semaphore, #tpu.memory_space<semaphore_mem>>)
    %dma_start3A_2205 = arith.constant 128 : i32
    %dma_start3A_2206 = arith.constant 0 : i32
    %dma_start3A_2207 = tpu.memref_slice %arg16[%dma_start3A_2205, %dma_start3A_2206] : memref<256x128xf32, #tpu.memory_space<vmem>> -> memref<128x128xf32, #tpu.memory_space<vmem>>
    %dma_start3A_2208 = arith.constant 448 : i32
    %dma_start3A_2209 = tpu.memref_slice %arg11[%dma_start3A_2208] : memref<4480xi32, #tpu.memory_space<vmem>> -> memref<128xi32, #tpu.memory_space<vmem>>
    %dma_start3A_2210 = arith.constant 0 : i32
    %dma_start3A_2211 = arith.constant 0 : i32
    %dma_start3A_2212 = tpu.memref_slice %arg4[%dma_start3A_2210, %dma_start3A_2211] : memref<40000x128xf32, #tpu.memory_space<hbm>> -> memref<40000x128xf32, #tpu.memory_space<hbm>>
    tpu.enqueue_indirect_dma source(%dma_start3A_2212 : memref<40000x128xf32, #tpu.memory_space<hbm>>) target(%dma_start3A_2207 : memref<128x128xf32, #tpu.memory_space<vmem>>) offsets(%dma_start3A_2209 : memref<128xi32, #tpu.memory_space<vmem>>) semaphore(%arg19 : memref<!tpu.dma_semaphore, #tpu.memory_space<semaphore_mem>>)
    %dma_wait3A_2213 = arith.constant 0 : i32
    %dma_wait3A_2214 = arith.constant 0 : i32
    %dma_wait3A_2215 = tpu.memref_slice %arg16[%dma_wait3A_2213, %dma_wait3A_2214] : memref<256x128xf32, #tpu.memory_space<vmem>> -> memref<128x128xf32, #tpu.memory_space<vmem>>
    %dma_wait3A_2216 = arith.constant 320 : i32
    %dma_wait3A_2217 = tpu.memref_slice %arg11[%dma_wait3A_2216] : memref<4480xi32, #tpu.memory_space<vmem>> -> memref<128xi32, #tpu.memory_space<vmem>>
    %dma_wait3A_2218 = arith.constant 0 : i32
    %dma_wait3A_2219 = arith.constant 0 : i32
    %dma_wait3A_2220 = tpu.memref_slice %arg4[%dma_wait3A_2218, %dma_wait3A_2219] : memref<40000x128xf32, #tpu.memory_space<hbm>> -> memref<40000x128xf32, #tpu.memory_space<hbm>>
    tpu.wait_indirect_dma semaphore(%arg19 : memref<!tpu.dma_semaphore, #tpu.memory_space<semaphore_mem>>) src(%dma_wait3A_2220 : memref<40000x128xf32, #tpu.memory_space<hbm>>) dst(%dma_wait3A_2215 : memref<128x128xf32, #tpu.memory_space<vmem>>)
    %dma_wait3A_2221 = arith.constant 128 : i32
    %dma_wait3A_2222 = arith.constant 0 : i32
    %dma_wait3A_2223 = tpu.memref_slice %arg16[%dma_wait3A_2221, %dma_wait3A_2222] : memref<256x128xf32, #tpu.memory_space<vmem>> -> memref<128x128xf32, #tpu.memory_space<vmem>>
    %dma_wait3A_2224 = arith.constant 448 : i32
    %dma_wait3A_2225 = tpu.memref_slice %arg11[%dma_wait3A_2224] : memref<4480xi32, #tpu.memory_space<vmem>> -> memref<128xi32, #tpu.memory_space<vmem>>
    %dma_wait3A_2226 = arith.constant 0 : i32
    %dma_wait3A_2227 = arith.constant 0 : i32
    %dma_wait3A_2228 = tpu.memref_slice %arg4[%dma_wait3A_2226, %dma_wait3A_2227] : memref<40000x128xf32, #tpu.memory_space<hbm>> -> memref<40000x128xf32, #tpu.memory_space<hbm>>
    tpu.wait_indirect_dma semaphore(%arg19 : memref<!tpu.dma_semaphore, #tpu.memory_space<semaphore_mem>>) src(%dma_wait3A_2228 : memref<40000x128xf32, #tpu.memory_space<hbm>>) dst(%dma_wait3A_2223 : memref<128x128xf32, #tpu.memory_space<vmem>>)
    %dma_start3A_2229 = arith.constant 0 : i32
    %dma_start3A_2230 = tpu.memref_slice %arg9[%mul3A_2, %dma_start3A_2229] : memref<10240x128xf32, #tpu.memory_space<hbm>> -> memref<256x128xf32, #tpu.memory_space<hbm>>
    %dma_start3A_2231 = arith.constant 0 : i32
    %dma_start3A_2232 = tpu.memref_slice %arg9[%mul3A_2, %dma_start3A_2231] : memref<10240x128xf32, #tpu.memory_space<hbm>> -> memref<256x128xf32, #tpu.memory_space<hbm>>
    tpu.enqueue_dma source(%arg16 : memref<256x128xf32, #tpu.memory_space<vmem>>) target(%dma_start3A_2232 : memref<256x128xf32, #tpu.memory_space<hbm>>) target_semaphore(%arg22 : memref<!tpu.dma_semaphore, #tpu.memory_space<semaphore_mem>>)
    %dma_wait3A_2233 = arith.constant 0 : i32
    %dma_wait3A_2234 = tpu.memref_slice %arg8[%mul3A_2, %dma_wait3A_2233] : memref<10240x128xf32, #tpu.memory_space<hbm>> -> memref<256x128xf32, #tpu.memory_space<hbm>>
    %dma_wait3A_2235 = arith.constant 0 : i32
    %dma_wait3A_2236 = tpu.memref_slice %arg8[%mul3A_2, %dma_wait3A_2235] : memref<10240x128xf32, #tpu.memory_space<hbm>> -> memref<256x128xf32, #tpu.memory_space<hbm>>
    tpu.wait_dma2 semaphore(%arg21 : memref<!tpu.dma_semaphore, #tpu.memory_space<semaphore_mem>>) src(%arg15 : memref<256x128xf32, #tpu.memory_space<vmem>>) dst(%dma_wait3A_2236 : memref<256x128xf32, #tpu.memory_space<hbm>>)
    %dma_start3A_2237 = arith.constant 0 : i32
    %dma_start3A_2238 = arith.constant 0 : i32
    %dma_start3A_2239 = tpu.memref_slice %arg15[%dma_start3A_2237, %dma_start3A_2238] : memref<256x128xf32, #tpu.memory_space<vmem>> -> memref<64x128xf32, #tpu.memory_space<vmem>>
    %dma_start3A_2240 = arith.constant 256 : i32
    %dma_start3A_2241 = tpu.memref_slice %arg11[%dma_start3A_2240] : memref<4480xi32, #tpu.memory_space<vmem>> -> memref<64xi32, #tpu.memory_space<vmem>>
    %dma_start3A_2242 = arith.constant 0 : i32
    %dma_start3A_2243 = arith.constant 0 : i32
    %dma_start3A_2244 = tpu.memref_slice %arg4[%dma_start3A_2242, %dma_start3A_2243] : memref<40000x128xf32, #tpu.memory_space<hbm>> -> memref<40000x128xf32, #tpu.memory_space<hbm>>
    tpu.enqueue_indirect_dma source(%dma_start3A_2244 : memref<40000x128xf32, #tpu.memory_space<hbm>>) target(%dma_start3A_2239 : memref<64x128xf32, #tpu.memory_space<vmem>>) offsets(%dma_start3A_2241 : memref<64xi32, #tpu.memory_space<vmem>>) semaphore(%arg19 : memref<!tpu.dma_semaphore, #tpu.memory_space<semaphore_mem>>)
    %dma_wait3A_2245 = arith.constant 0 : i32
    %dma_wait3A_2246 = arith.constant 0 : i32
    %dma_wait3A_2247 = tpu.memref_slice %arg15[%dma_wait3A_2245, %dma_wait3A_2246] : memref<256x128xf32, #tpu.memory_space<vmem>> -> memref<64x128xf32, #tpu.memory_space<vmem>>
    %dma_wait3A_2248 = arith.constant 256 : i32
    %dma_wait3A_2249 = tpu.memref_slice %arg11[%dma_wait3A_2248] : memref<4480xi32, #tpu.memory_space<vmem>> -> memref<64xi32, #tpu.memory_space<vmem>>
    %dma_wait3A_2250 = arith.constant 0 : i32
    %dma_wait3A_2251 = arith.constant 0 : i32
    %dma_wait3A_2252 = tpu.memref_slice %arg4[%dma_wait3A_2250, %dma_wait3A_2251] : memref<40000x128xf32, #tpu.memory_space<hbm>> -> memref<40000x128xf32, #tpu.memory_space<hbm>>
    tpu.wait_indirect_dma semaphore(%arg19 : memref<!tpu.dma_semaphore, #tpu.memory_space<semaphore_mem>>) src(%dma_wait3A_2252 : memref<40000x128xf32, #tpu.memory_space<hbm>>) dst(%dma_wait3A_2247 : memref<64x128xf32, #tpu.memory_space<vmem>>)
    %add3A_2253 = arith.constant 256 : i32
    %add3A_2254 = arith.addi %mul3A_2, %add3A_2253 : i32
    %dma_start3A_2255 = arith.constant 0 : i32
    %dma_start3A_2256 = arith.constant 0 : i32
    %dma_start3A_2257 = tpu.memref_slice %arg15[%dma_start3A_2255, %dma_start3A_2256] : memref<256x128xf32, #tpu.memory_space<vmem>> -> memref<64x128xf32, #tpu.memory_space<vmem>>
    %dma_start3A_2258 = arith.constant 0 : i32
    %dma_start3A_2259 = tpu.memref_slice %arg8[%add3A_2254, %dma_start3A_2258] : memref<10240x128xf32, #tpu.memory_space<hbm>> -> memref<64x128xf32, #tpu.memory_space<hbm>>
    %dma_start3A_2260 = arith.constant 0 : i32
    %dma_start3A_2261 = tpu.memref_slice %arg8[%add3A_2254, %dma_start3A_2260] : memref<10240x128xf32, #tpu.memory_space<hbm>> -> memref<64x128xf32, #tpu.memory_space<hbm>>
    %dma_start3A_2262 = arith.constant 0 : i32
    %dma_start3A_2263 = arith.constant 0 : i32
    %dma_start3A_2264 = tpu.memref_slice %arg15[%dma_start3A_2262, %dma_start3A_2263] : memref<256x128xf32, #tpu.memory_space<vmem>> -> memref<64x128xf32, #tpu.memory_space<vmem>>
    tpu.enqueue_dma source(%dma_start3A_2264 : memref<64x128xf32, #tpu.memory_space<vmem>>) target(%dma_start3A_2261 : memref<64x128xf32, #tpu.memory_space<hbm>>) target_semaphore(%arg21 : memref<!tpu.dma_semaphore, #tpu.memory_space<semaphore_mem>>)
    %dma_wait3A_2265 = arith.constant 0 : i32
    %dma_wait3A_2266 = tpu.memref_slice %arg9[%mul3A_2, %dma_wait3A_2265] : memref<10240x128xf32, #tpu.memory_space<hbm>> -> memref<256x128xf32, #tpu.memory_space<hbm>>
    %dma_wait3A_2267 = arith.constant 0 : i32
    %dma_wait3A_2268 = tpu.memref_slice %arg9[%mul3A_2, %dma_wait3A_2267] : memref<10240x128xf32, #tpu.memory_space<hbm>> -> memref<256x128xf32, #tpu.memory_space<hbm>>
    tpu.wait_dma2 semaphore(%arg22 : memref<!tpu.dma_semaphore, #tpu.memory_space<semaphore_mem>>) src(%arg16 : memref<256x128xf32, #tpu.memory_space<vmem>>) dst(%dma_wait3A_2268 : memref<256x128xf32, #tpu.memory_space<hbm>>)
    %dma_start3A_2269 = arith.constant 0 : i32
    %dma_start3A_2270 = arith.constant 0 : i32
    %dma_start3A_2271 = tpu.memref_slice %arg16[%dma_start3A_2269, %dma_start3A_2270] : memref<256x128xf32, #tpu.memory_space<vmem>> -> memref<64x128xf32, #tpu.memory_space<vmem>>
    %dma_start3A_2272 = arith.constant 576 : i32
    %dma_start3A_2273 = tpu.memref_slice %arg11[%dma_start3A_2272] : memref<4480xi32, #tpu.memory_space<vmem>> -> memref<64xi32, #tpu.memory_space<vmem>>
    %dma_start3A_2274 = arith.constant 0 : i32
    %dma_start3A_2275 = arith.constant 0 : i32
    %dma_start3A_2276 = tpu.memref_slice %arg4[%dma_start3A_2274, %dma_start3A_2275] : memref<40000x128xf32, #tpu.memory_space<hbm>> -> memref<40000x128xf32, #tpu.memory_space<hbm>>
    tpu.enqueue_indirect_dma source(%dma_start3A_2276 : memref<40000x128xf32, #tpu.memory_space<hbm>>) target(%dma_start3A_2271 : memref<64x128xf32, #tpu.memory_space<vmem>>) offsets(%dma_start3A_2273 : memref<64xi32, #tpu.memory_space<vmem>>) semaphore(%arg19 : memref<!tpu.dma_semaphore, #tpu.memory_space<semaphore_mem>>)
    %dma_wait3A_2277 = arith.constant 0 : i32
    %dma_wait3A_2278 = arith.constant 0 : i32
    %dma_wait3A_2279 = tpu.memref_slice %arg16[%dma_wait3A_2277, %dma_wait3A_2278] : memref<256x128xf32, #tpu.memory_space<vmem>> -> memref<64x128xf32, #tpu.memory_space<vmem>>
    %dma_wait3A_2280 = arith.constant 576 : i32
    %dma_wait3A_2281 = tpu.memref_slice %arg11[%dma_wait3A_2280] : memref<4480xi32, #tpu.memory_space<vmem>> -> memref<64xi32, #tpu.memory_space<vmem>>
    %dma_wait3A_2282 = arith.constant 0 : i32
    %dma_wait3A_2283 = arith.constant 0 : i32
    %dma_wait3A_2284 = tpu.memref_slice %arg4[%dma_wait3A_2282, %dma_wait3A_2283] : memref<40000x128xf32, #tpu.memory_space<hbm>> -> memref<40000x128xf32, #tpu.memory_space<hbm>>
    tpu.wait_indirect_dma semaphore(%arg19 : memref<!tpu.dma_semaphore, #tpu.memory_space<semaphore_mem>>) src(%dma_wait3A_2284 : memref<40000x128xf32, #tpu.memory_space<hbm>>) dst(%dma_wait3A_2279 : memref<64x128xf32, #tpu.memory_space<vmem>>)
    %add3A_2285 = arith.constant 256 : i32
    %add3A_2286 = arith.addi %mul3A_2, %add3A_2285 : i32
    %dma_start3A_2287 = arith.constant 0 : i32
    %dma_start3A_2288 = arith.constant 0 : i32
    %dma_start3A_2289 = tpu.memref_slice %arg16[%dma_start3A_2287, %dma_start3A_2288] : memref<256x128xf32, #tpu.memory_space<vmem>> -> memref<64x128xf32, #tpu.memory_space<vmem>>
    %dma_start3A_2290 = arith.constant 0 : i32
    %dma_start3A_2291 = tpu.memref_slice %arg9[%add3A_2286, %dma_start3A_2290] : memref<10240x128xf32, #tpu.memory_space<hbm>> -> memref<64x128xf32, #tpu.memory_space<hbm>>
    %dma_start3A_2292 = arith.constant 0 : i32
    %dma_start3A_2293 = tpu.memref_slice %arg9[%add3A_2286, %dma_start3A_2292] : memref<10240x128xf32, #tpu.memory_space<hbm>> -> memref<64x128xf32, #tpu.memory_space<hbm>>
    %dma_start3A_2294 = arith.constant 0 : i32
    %dma_start3A_2295 = arith.constant 0 : i32
    %dma_start3A_2296 = tpu.memref_slice %arg16[%dma_start3A_2294, %dma_start3A_2295] : memref<256x128xf32, #tpu.memory_space<vmem>> -> memref<64x128xf32, #tpu.memory_space<vmem>>
    tpu.enqueue_dma source(%dma_start3A_2296 : memref<64x128xf32, #tpu.memory_space<vmem>>) target(%dma_start3A_2293 : memref<64x128xf32, #tpu.memory_space<hbm>>) target_semaphore(%arg22 : memref<!tpu.dma_semaphore, #tpu.memory_space<semaphore_mem>>)
    %dma_wait3A_2297 = arith.constant 0 : i32
    %dma_wait3A_2298 = tpu.memref_slice %arg13[%dma_wait3A_2297] : memref<3840xf32, #tpu.memory_space<vmem>> -> memref<128xf32, #tpu.memory_space<vmem>>
    %dma_wait3A_2299 = arith.constant 640 : i32
    %dma_wait3A_2300 = tpu.memref_slice %arg11[%dma_wait3A_2299] : memref<4480xi32, #tpu.memory_space<vmem>> -> memref<128xi32, #tpu.memory_space<vmem>>
    %dma_wait3A_2301 = arith.constant 0 : i32
    %dma_wait3A_2302 = tpu.memref_slice %arg3[%dma_wait3A_2301] : memref<480000xf32, #tpu.memory_space<hbm>> -> memref<480000xf32, #tpu.memory_space<hbm>>
    tpu.wait_indirect_dma semaphore(%arg18 : memref<!tpu.dma_semaphore, #tpu.memory_space<semaphore_mem>>) src(%dma_wait3A_2302 : memref<480000xf32, #tpu.memory_space<hbm>>) dst(%dma_wait3A_2298 : memref<128xf32, #tpu.memory_space<vmem>>)
    %dma_wait3A_2303 = arith.constant 128 : i32
    %dma_wait3A_2304 = tpu.memref_slice %arg13[%dma_wait3A_2303] : memref<3840xf32, #tpu.memory_space<vmem>> -> memref<128xf32, #tpu.memory_space<vmem>>
    %dma_wait3A_2305 = arith.constant 768 : i32
    %dma_wait3A_2306 = tpu.memref_slice %arg11[%dma_wait3A_2305] : memref<4480xi32, #tpu.memory_space<vmem>> -> memref<128xi32, #tpu.memory_space<vmem>>
    %dma_wait3A_2307 = arith.constant 0 : i32
    %dma_wait3A_2308 = tpu.memref_slice %arg3[%dma_wait3A_2307] : memref<480000xf32, #tpu.memory_space<hbm>> -> memref<480000xf32, #tpu.memory_space<hbm>>
    tpu.wait_indirect_dma semaphore(%arg18 : memref<!tpu.dma_semaphore, #tpu.memory_space<semaphore_mem>>) src(%dma_wait3A_2308 : memref<480000xf32, #tpu.memory_space<hbm>>) dst(%dma_wait3A_2304 : memref<128xf32, #tpu.memory_space<vmem>>)
    %dma_wait3A_2309 = arith.constant 256 : i32
    %dma_wait3A_2310 = tpu.memref_slice %arg13[%dma_wait3A_2309] : memref<3840xf32, #tpu.memory_space<vmem>> -> memref<128xf32, #tpu.memory_space<vmem>>
    %dma_wait3A_2311 = arith.constant 896 : i32
    %dma_wait3A_2312 = tpu.memref_slice %arg11[%dma_wait3A_2311] : memref<4480xi32, #tpu.memory_space<vmem>> -> memref<128xi32, #tpu.memory_space<vmem>>
    %dma_wait3A_2313 = arith.constant 0 : i32
    %dma_wait3A_2314 = tpu.memref_slice %arg3[%dma_wait3A_2313] : memref<480000xf32, #tpu.memory_space<hbm>> -> memref<480000xf32, #tpu.memory_space<hbm>>
    tpu.wait_indirect_dma semaphore(%arg18 : memref<!tpu.dma_semaphore, #tpu.memory_space<semaphore_mem>>) src(%dma_wait3A_2314 : memref<480000xf32, #tpu.memory_space<hbm>>) dst(%dma_wait3A_2310 : memref<128xf32, #tpu.memory_space<vmem>>)
    %dma_wait3A_2315 = arith.constant 384 : i32
    %dma_wait3A_2316 = tpu.memref_slice %arg13[%dma_wait3A_2315] : memref<3840xf32, #tpu.memory_space<vmem>> -> memref<128xf32, #tpu.memory_space<vmem>>
    %dma_wait3A_2317 = arith.constant 1024 : i32
    %dma_wait3A_2318 = tpu.memref_slice %arg11[%dma_wait3A_2317] : memref<4480xi32, #tpu.memory_space<vmem>> -> memref<128xi32, #tpu.memory_space<vmem>>
    %dma_wait3A_2319 = arith.constant 0 : i32
    %dma_wait3A_2320 = tpu.memref_slice %arg3[%dma_wait3A_2319] : memref<480000xf32, #tpu.memory_space<hbm>> -> memref<480000xf32, #tpu.memory_space<hbm>>
    tpu.wait_indirect_dma semaphore(%arg18 : memref<!tpu.dma_semaphore, #tpu.memory_space<semaphore_mem>>) src(%dma_wait3A_2320 : memref<480000xf32, #tpu.memory_space<hbm>>) dst(%dma_wait3A_2316 : memref<128xf32, #tpu.memory_space<vmem>>)
    %dma_wait3A_2321 = arith.constant 512 : i32
    %dma_wait3A_2322 = tpu.memref_slice %arg13[%dma_wait3A_2321] : memref<3840xf32, #tpu.memory_space<vmem>> -> memref<128xf32, #tpu.memory_space<vmem>>
    %dma_wait3A_2323 = arith.constant 1152 : i32
    %dma_wait3A_2324 = tpu.memref_slice %arg11[%dma_wait3A_2323] : memref<4480xi32, #tpu.memory_space<vmem>> -> memref<128xi32, #tpu.memory_space<vmem>>
    %dma_wait3A_2325 = arith.constant 0 : i32
    %dma_wait3A_2326 = tpu.memref_slice %arg3[%dma_wait3A_2325] : memref<480000xf32, #tpu.memory_space<hbm>> -> memref<480000xf32, #tpu.memory_space<hbm>>
    tpu.wait_indirect_dma semaphore(%arg18 : memref<!tpu.dma_semaphore, #tpu.memory_space<semaphore_mem>>) src(%dma_wait3A_2326 : memref<480000xf32, #tpu.memory_space<hbm>>) dst(%dma_wait3A_2322 : memref<128xf32, #tpu.memory_space<vmem>>)
    %dma_wait3A_2327 = arith.constant 640 : i32
    %dma_wait3A_2328 = tpu.memref_slice %arg13[%dma_wait3A_2327] : memref<3840xf32, #tpu.memory_space<vmem>> -> memref<128xf32, #tpu.memory_space<vmem>>
    %dma_wait3A_2329 = arith.constant 1280 : i32
    %dma_wait3A_2330 = tpu.memref_slice %arg11[%dma_wait3A_2329] : memref<4480xi32, #tpu.memory_space<vmem>> -> memref<128xi32, #tpu.memory_space<vmem>>
    %dma_wait3A_2331 = arith.constant 0 : i32
    %dma_wait3A_2332 = tpu.memref_slice %arg3[%dma_wait3A_2331] : memref<480000xf32, #tpu.memory_space<hbm>> -> memref<480000xf32, #tpu.memory_space<hbm>>
    tpu.wait_indirect_dma semaphore(%arg18 : memref<!tpu.dma_semaphore, #tpu.memory_space<semaphore_mem>>) src(%dma_wait3A_2332 : memref<480000xf32, #tpu.memory_space<hbm>>) dst(%dma_wait3A_2328 : memref<128xf32, #tpu.memory_space<vmem>>)
    %dma_wait3A_2333 = arith.constant 768 : i32
    %dma_wait3A_2334 = tpu.memref_slice %arg13[%dma_wait3A_2333] : memref<3840xf32, #tpu.memory_space<vmem>> -> memref<128xf32, #tpu.memory_space<vmem>>
    %dma_wait3A_2335 = arith.constant 1408 : i32
    %dma_wait3A_2336 = tpu.memref_slice %arg11[%dma_wait3A_2335] : memref<4480xi32, #tpu.memory_space<vmem>> -> memref<128xi32, #tpu.memory_space<vmem>>
    %dma_wait3A_2337 = arith.constant 0 : i32
    %dma_wait3A_2338 = tpu.memref_slice %arg3[%dma_wait3A_2337] : memref<480000xf32, #tpu.memory_space<hbm>> -> memref<480000xf32, #tpu.memory_space<hbm>>
    tpu.wait_indirect_dma semaphore(%arg18 : memref<!tpu.dma_semaphore, #tpu.memory_space<semaphore_mem>>) src(%dma_wait3A_2338 : memref<480000xf32, #tpu.memory_space<hbm>>) dst(%dma_wait3A_2334 : memref<128xf32, #tpu.memory_space<vmem>>)
    %dma_wait3A_2339 = arith.constant 896 : i32
    %dma_wait3A_2340 = tpu.memref_slice %arg13[%dma_wait3A_2339] : memref<3840xf32, #tpu.memory_space<vmem>> -> memref<128xf32, #tpu.memory_space<vmem>>
    %dma_wait3A_2341 = arith.constant 1536 : i32
    %dma_wait3A_2342 = tpu.memref_slice %arg11[%dma_wait3A_2341] : memref<4480xi32, #tpu.memory_space<vmem>> -> memref<128xi32, #tpu.memory_space<vmem>>
    %dma_wait3A_2343 = arith.constant 0 : i32
    %dma_wait3A_2344 = tpu.memref_slice %arg3[%dma_wait3A_2343] : memref<480000xf32, #tpu.memory_space<hbm>> -> memref<480000xf32, #tpu.memory_space<hbm>>
    tpu.wait_indirect_dma semaphore(%arg18 : memref<!tpu.dma_semaphore, #tpu.memory_space<semaphore_mem>>) src(%dma_wait3A_2344 : memref<480000xf32, #tpu.memory_space<hbm>>) dst(%dma_wait3A_2340 : memref<128xf32, #tpu.memory_space<vmem>>)
    %dma_wait3A_2345 = arith.constant 1024 : i32
    %dma_wait3A_2346 = tpu.memref_slice %arg13[%dma_wait3A_2345] : memref<3840xf32, #tpu.memory_space<vmem>> -> memref<128xf32, #tpu.memory_space<vmem>>
    %dma_wait3A_2347 = arith.constant 1664 : i32
    %dma_wait3A_2348 = tpu.memref_slice %arg11[%dma_wait3A_2347] : memref<4480xi32, #tpu.memory_space<vmem>> -> memref<128xi32, #tpu.memory_space<vmem>>
    %dma_wait3A_2349 = arith.constant 0 : i32
    %dma_wait3A_2350 = tpu.memref_slice %arg3[%dma_wait3A_2349] : memref<480000xf32, #tpu.memory_space<hbm>> -> memref<480000xf32, #tpu.memory_space<hbm>>
    tpu.wait_indirect_dma semaphore(%arg18 : memref<!tpu.dma_semaphore, #tpu.memory_space<semaphore_mem>>) src(%dma_wait3A_2350 : memref<480000xf32, #tpu.memory_space<hbm>>) dst(%dma_wait3A_2346 : memref<128xf32, #tpu.memory_space<vmem>>)
    %dma_wait3A_2351 = arith.constant 1152 : i32
    %dma_wait3A_2352 = tpu.memref_slice %arg13[%dma_wait3A_2351] : memref<3840xf32, #tpu.memory_space<vmem>> -> memref<128xf32, #tpu.memory_space<vmem>>
    %dma_wait3A_2353 = arith.constant 1792 : i32
    %dma_wait3A_2354 = tpu.memref_slice %arg11[%dma_wait3A_2353] : memref<4480xi32, #tpu.memory_space<vmem>> -> memref<128xi32, #tpu.memory_space<vmem>>
    %dma_wait3A_2355 = arith.constant 0 : i32
    %dma_wait3A_2356 = tpu.memref_slice %arg3[%dma_wait3A_2355] : memref<480000xf32, #tpu.memory_space<hbm>> -> memref<480000xf32, #tpu.memory_space<hbm>>
    tpu.wait_indirect_dma semaphore(%arg18 : memref<!tpu.dma_semaphore, #tpu.memory_space<semaphore_mem>>) src(%dma_wait3A_2356 : memref<480000xf32, #tpu.memory_space<hbm>>) dst(%dma_wait3A_2352 : memref<128xf32, #tpu.memory_space<vmem>>)
    %dma_wait3A_2357 = arith.constant 1280 : i32
    %dma_wait3A_2358 = tpu.memref_slice %arg13[%dma_wait3A_2357] : memref<3840xf32, #tpu.memory_space<vmem>> -> memref<128xf32, #tpu.memory_space<vmem>>
    %dma_wait3A_2359 = arith.constant 1920 : i32
    %dma_wait3A_2360 = tpu.memref_slice %arg11[%dma_wait3A_2359] : memref<4480xi32, #tpu.memory_space<vmem>> -> memref<128xi32, #tpu.memory_space<vmem>>
    %dma_wait3A_2361 = arith.constant 0 : i32
    %dma_wait3A_2362 = tpu.memref_slice %arg3[%dma_wait3A_2361] : memref<480000xf32, #tpu.memory_space<hbm>> -> memref<480000xf32, #tpu.memory_space<hbm>>
    tpu.wait_indirect_dma semaphore(%arg18 : memref<!tpu.dma_semaphore, #tpu.memory_space<semaphore_mem>>) src(%dma_wait3A_2362 : memref<480000xf32, #tpu.memory_space<hbm>>) dst(%dma_wait3A_2358 : memref<128xf32, #tpu.memory_space<vmem>>)
    %dma_wait3A_2363 = arith.constant 1408 : i32
    %dma_wait3A_2364 = tpu.memref_slice %arg13[%dma_wait3A_2363] : memref<3840xf32, #tpu.memory_space<vmem>> -> memref<128xf32, #tpu.memory_space<vmem>>
    %dma_wait3A_2365 = arith.constant 2048 : i32
    %dma_wait3A_2366 = tpu.memref_slice %arg11[%dma_wait3A_2365] : memref<4480xi32, #tpu.memory_space<vmem>> -> memref<128xi32, #tpu.memory_space<vmem>>
    %dma_wait3A_2367 = arith.constant 0 : i32
    %dma_wait3A_2368 = tpu.memref_slice %arg3[%dma_wait3A_2367] : memref<480000xf32, #tpu.memory_space<hbm>> -> memref<480000xf32, #tpu.memory_space<hbm>>
    tpu.wait_indirect_dma semaphore(%arg18 : memref<!tpu.dma_semaphore, #tpu.memory_space<semaphore_mem>>) src(%dma_wait3A_2368 : memref<480000xf32, #tpu.memory_space<hbm>>) dst(%dma_wait3A_2364 : memref<128xf32, #tpu.memory_space<vmem>>)
    %dma_wait3A_2369 = arith.constant 1536 : i32
    %dma_wait3A_2370 = tpu.memref_slice %arg13[%dma_wait3A_2369] : memref<3840xf32, #tpu.memory_space<vmem>> -> memref<128xf32, #tpu.memory_space<vmem>>
    %dma_wait3A_2371 = arith.constant 2176 : i32
    %dma_wait3A_2372 = tpu.memref_slice %arg11[%dma_wait3A_2371] : memref<4480xi32, #tpu.memory_space<vmem>> -> memref<128xi32, #tpu.memory_space<vmem>>
    %dma_wait3A_2373 = arith.constant 0 : i32
    %dma_wait3A_2374 = tpu.memref_slice %arg3[%dma_wait3A_2373] : memref<480000xf32, #tpu.memory_space<hbm>> -> memref<480000xf32, #tpu.memory_space<hbm>>
    tpu.wait_indirect_dma semaphore(%arg18 : memref<!tpu.dma_semaphore, #tpu.memory_space<semaphore_mem>>) src(%dma_wait3A_2374 : memref<480000xf32, #tpu.memory_space<hbm>>) dst(%dma_wait3A_2370 : memref<128xf32, #tpu.memory_space<vmem>>)
    %dma_wait3A_2375 = arith.constant 1664 : i32
    %dma_wait3A_2376 = tpu.memref_slice %arg13[%dma_wait3A_2375] : memref<3840xf32, #tpu.memory_space<vmem>> -> memref<128xf32, #tpu.memory_space<vmem>>
    %dma_wait3A_2377 = arith.constant 2304 : i32
    %dma_wait3A_2378 = tpu.memref_slice %arg11[%dma_wait3A_2377] : memref<4480xi32, #tpu.memory_space<vmem>> -> memref<128xi32, #tpu.memory_space<vmem>>
    %dma_wait3A_2379 = arith.constant 0 : i32
    %dma_wait3A_2380 = tpu.memref_slice %arg3[%dma_wait3A_2379] : memref<480000xf32, #tpu.memory_space<hbm>> -> memref<480000xf32, #tpu.memory_space<hbm>>
    tpu.wait_indirect_dma semaphore(%arg18 : memref<!tpu.dma_semaphore, #tpu.memory_space<semaphore_mem>>) src(%dma_wait3A_2380 : memref<480000xf32, #tpu.memory_space<hbm>>) dst(%dma_wait3A_2376 : memref<128xf32, #tpu.memory_space<vmem>>)
    %dma_wait3A_2381 = arith.constant 1792 : i32
    %dma_wait3A_2382 = tpu.memref_slice %arg13[%dma_wait3A_2381] : memref<3840xf32, #tpu.memory_space<vmem>> -> memref<128xf32, #tpu.memory_space<vmem>>
    %dma_wait3A_2383 = arith.constant 2432 : i32
    %dma_wait3A_2384 = tpu.memref_slice %arg11[%dma_wait3A_2383] : memref<4480xi32, #tpu.memory_space<vmem>> -> memref<128xi32, #tpu.memory_space<vmem>>
    %dma_wait3A_2385 = arith.constant 0 : i32
    %dma_wait3A_2386 = tpu.memref_slice %arg3[%dma_wait3A_2385] : memref<480000xf32, #tpu.memory_space<hbm>> -> memref<480000xf32, #tpu.memory_space<hbm>>
    tpu.wait_indirect_dma semaphore(%arg18 : memref<!tpu.dma_semaphore, #tpu.memory_space<semaphore_mem>>) src(%dma_wait3A_2386 : memref<480000xf32, #tpu.memory_space<hbm>>) dst(%dma_wait3A_2382 : memref<128xf32, #tpu.memory_space<vmem>>)
    %dma_wait3A_2387 = arith.constant 1920 : i32
    %dma_wait3A_2388 = tpu.memref_slice %arg13[%dma_wait3A_2387] : memref<3840xf32, #tpu.memory_space<vmem>> -> memref<128xf32, #tpu.memory_space<vmem>>
    %dma_wait3A_2389 = arith.constant 2560 : i32
    %dma_wait3A_2390 = tpu.memref_slice %arg11[%dma_wait3A_2389] : memref<4480xi32, #tpu.memory_space<vmem>> -> memref<128xi32, #tpu.memory_space<vmem>>
    %dma_wait3A_2391 = arith.constant 0 : i32
    %dma_wait3A_2392 = tpu.memref_slice %arg3[%dma_wait3A_2391] : memref<480000xf32, #tpu.memory_space<hbm>> -> memref<480000xf32, #tpu.memory_space<hbm>>
    tpu.wait_indirect_dma semaphore(%arg18 : memref<!tpu.dma_semaphore, #tpu.memory_space<semaphore_mem>>) src(%dma_wait3A_2392 : memref<480000xf32, #tpu.memory_space<hbm>>) dst(%dma_wait3A_2388 : memref<128xf32, #tpu.memory_space<vmem>>)
    %dma_wait3A_2393 = arith.constant 2048 : i32
    %dma_wait3A_2394 = tpu.memref_slice %arg13[%dma_wait3A_2393] : memref<3840xf32, #tpu.memory_space<vmem>> -> memref<128xf32, #tpu.memory_space<vmem>>
    %dma_wait3A_2395 = arith.constant 2688 : i32
    %dma_wait3A_2396 = tpu.memref_slice %arg11[%dma_wait3A_2395] : memref<4480xi32, #tpu.memory_space<vmem>> -> memref<128xi32, #tpu.memory_space<vmem>>
    %dma_wait3A_2397 = arith.constant 0 : i32
    %dma_wait3A_2398 = tpu.memref_slice %arg3[%dma_wait3A_2397] : memref<480000xf32, #tpu.memory_space<hbm>> -> memref<480000xf32, #tpu.memory_space<hbm>>
    tpu.wait_indirect_dma semaphore(%arg18 : memref<!tpu.dma_semaphore, #tpu.memory_space<semaphore_mem>>) src(%dma_wait3A_2398 : memref<480000xf32, #tpu.memory_space<hbm>>) dst(%dma_wait3A_2394 : memref<128xf32, #tpu.memory_space<vmem>>)
    %dma_wait3A_2399 = arith.constant 2176 : i32
    %dma_wait3A_2400 = tpu.memref_slice %arg13[%dma_wait3A_2399] : memref<3840xf32, #tpu.memory_space<vmem>> -> memref<128xf32, #tpu.memory_space<vmem>>
    %dma_wait3A_2401 = arith.constant 2816 : i32
    %dma_wait3A_2402 = tpu.memref_slice %arg11[%dma_wait3A_2401] : memref<4480xi32, #tpu.memory_space<vmem>> -> memref<128xi32, #tpu.memory_space<vmem>>
    %dma_wait3A_2403 = arith.constant 0 : i32
    %dma_wait3A_2404 = tpu.memref_slice %arg3[%dma_wait3A_2403] : memref<480000xf32, #tpu.memory_space<hbm>> -> memref<480000xf32, #tpu.memory_space<hbm>>
    tpu.wait_indirect_dma semaphore(%arg18 : memref<!tpu.dma_semaphore, #tpu.memory_space<semaphore_mem>>) src(%dma_wait3A_2404 : memref<480000xf32, #tpu.memory_space<hbm>>) dst(%dma_wait3A_2400 : memref<128xf32, #tpu.memory_space<vmem>>)
    %dma_wait3A_2405 = arith.constant 2304 : i32
    %dma_wait3A_2406 = tpu.memref_slice %arg13[%dma_wait3A_2405] : memref<3840xf32, #tpu.memory_space<vmem>> -> memref<128xf32, #tpu.memory_space<vmem>>
    %dma_wait3A_2407 = arith.constant 2944 : i32
    %dma_wait3A_2408 = tpu.memref_slice %arg11[%dma_wait3A_2407] : memref<4480xi32, #tpu.memory_space<vmem>> -> memref<128xi32, #tpu.memory_space<vmem>>
    %dma_wait3A_2409 = arith.constant 0 : i32
    %dma_wait3A_2410 = tpu.memref_slice %arg3[%dma_wait3A_2409] : memref<480000xf32, #tpu.memory_space<hbm>> -> memref<480000xf32, #tpu.memory_space<hbm>>
    tpu.wait_indirect_dma semaphore(%arg18 : memref<!tpu.dma_semaphore, #tpu.memory_space<semaphore_mem>>) src(%dma_wait3A_2410 : memref<480000xf32, #tpu.memory_space<hbm>>) dst(%dma_wait3A_2406 : memref<128xf32, #tpu.memory_space<vmem>>)
    %dma_wait3A_2411 = arith.constant 2432 : i32
    %dma_wait3A_2412 = tpu.memref_slice %arg13[%dma_wait3A_2411] : memref<3840xf32, #tpu.memory_space<vmem>> -> memref<128xf32, #tpu.memory_space<vmem>>
    %dma_wait3A_2413 = arith.constant 3072 : i32
    %dma_wait3A_2414 = tpu.memref_slice %arg11[%dma_wait3A_2413] : memref<4480xi32, #tpu.memory_space<vmem>> -> memref<128xi32, #tpu.memory_space<vmem>>
    %dma_wait3A_2415 = arith.constant 0 : i32
    %dma_wait3A_2416 = tpu.memref_slice %arg3[%dma_wait3A_2415] : memref<480000xf32, #tpu.memory_space<hbm>> -> memref<480000xf32, #tpu.memory_space<hbm>>
    tpu.wait_indirect_dma semaphore(%arg18 : memref<!tpu.dma_semaphore, #tpu.memory_space<semaphore_mem>>) src(%dma_wait3A_2416 : memref<480000xf32, #tpu.memory_space<hbm>>) dst(%dma_wait3A_2412 : memref<128xf32, #tpu.memory_space<vmem>>)
    %dma_wait3A_2417 = arith.constant 2560 : i32
    %dma_wait3A_2418 = tpu.memref_slice %arg13[%dma_wait3A_2417] : memref<3840xf32, #tpu.memory_space<vmem>> -> memref<128xf32, #tpu.memory_space<vmem>>
    %dma_wait3A_2419 = arith.constant 3200 : i32
    %dma_wait3A_2420 = tpu.memref_slice %arg11[%dma_wait3A_2419] : memref<4480xi32, #tpu.memory_space<vmem>> -> memref<128xi32, #tpu.memory_space<vmem>>
    %dma_wait3A_2421 = arith.constant 0 : i32
    %dma_wait3A_2422 = tpu.memref_slice %arg3[%dma_wait3A_2421] : memref<480000xf32, #tpu.memory_space<hbm>> -> memref<480000xf32, #tpu.memory_space<hbm>>
    tpu.wait_indirect_dma semaphore(%arg18 : memref<!tpu.dma_semaphore, #tpu.memory_space<semaphore_mem>>) src(%dma_wait3A_2422 : memref<480000xf32, #tpu.memory_space<hbm>>) dst(%dma_wait3A_2418 : memref<128xf32, #tpu.memory_space<vmem>>)
    %dma_wait3A_2423 = arith.constant 2688 : i32
    %dma_wait3A_2424 = tpu.memref_slice %arg13[%dma_wait3A_2423] : memref<3840xf32, #tpu.memory_space<vmem>> -> memref<128xf32, #tpu.memory_space<vmem>>
    %dma_wait3A_2425 = arith.constant 3328 : i32
    %dma_wait3A_2426 = tpu.memref_slice %arg11[%dma_wait3A_2425] : memref<4480xi32, #tpu.memory_space<vmem>> -> memref<128xi32, #tpu.memory_space<vmem>>
    %dma_wait3A_2427 = arith.constant 0 : i32
    %dma_wait3A_2428 = tpu.memref_slice %arg3[%dma_wait3A_2427] : memref<480000xf32, #tpu.memory_space<hbm>> -> memref<480000xf32, #tpu.memory_space<hbm>>
    tpu.wait_indirect_dma semaphore(%arg18 : memref<!tpu.dma_semaphore, #tpu.memory_space<semaphore_mem>>) src(%dma_wait3A_2428 : memref<480000xf32, #tpu.memory_space<hbm>>) dst(%dma_wait3A_2424 : memref<128xf32, #tpu.memory_space<vmem>>)
    %dma_wait3A_2429 = arith.constant 2816 : i32
    %dma_wait3A_2430 = tpu.memref_slice %arg13[%dma_wait3A_2429] : memref<3840xf32, #tpu.memory_space<vmem>> -> memref<128xf32, #tpu.memory_space<vmem>>
    %dma_wait3A_2431 = arith.constant 3456 : i32
    %dma_wait3A_2432 = tpu.memref_slice %arg11[%dma_wait3A_2431] : memref<4480xi32, #tpu.memory_space<vmem>> -> memref<128xi32, #tpu.memory_space<vmem>>
    %dma_wait3A_2433 = arith.constant 0 : i32
    %dma_wait3A_2434 = tpu.memref_slice %arg3[%dma_wait3A_2433] : memref<480000xf32, #tpu.memory_space<hbm>> -> memref<480000xf32, #tpu.memory_space<hbm>>
    tpu.wait_indirect_dma semaphore(%arg18 : memref<!tpu.dma_semaphore, #tpu.memory_space<semaphore_mem>>) src(%dma_wait3A_2434 : memref<480000xf32, #tpu.memory_space<hbm>>) dst(%dma_wait3A_2430 : memref<128xf32, #tpu.memory_space<vmem>>)
    %dma_wait3A_2435 = arith.constant 2944 : i32
    %dma_wait3A_2436 = tpu.memref_slice %arg13[%dma_wait3A_2435] : memref<3840xf32, #tpu.memory_space<vmem>> -> memref<128xf32, #tpu.memory_space<vmem>>
    %dma_wait3A_2437 = arith.constant 3584 : i32
    %dma_wait3A_2438 = tpu.memref_slice %arg11[%dma_wait3A_2437] : memref<4480xi32, #tpu.memory_space<vmem>> -> memref<128xi32, #tpu.memory_space<vmem>>
    %dma_wait3A_2439 = arith.constant 0 : i32
    %dma_wait3A_2440 = tpu.memref_slice %arg3[%dma_wait3A_2439] : memref<480000xf32, #tpu.memory_space<hbm>> -> memref<480000xf32, #tpu.memory_space<hbm>>
    tpu.wait_indirect_dma semaphore(%arg18 : memref<!tpu.dma_semaphore, #tpu.memory_space<semaphore_mem>>) src(%dma_wait3A_2440 : memref<480000xf32, #tpu.memory_space<hbm>>) dst(%dma_wait3A_2436 : memref<128xf32, #tpu.memory_space<vmem>>)
    %dma_wait3A_2441 = arith.constant 3072 : i32
    %dma_wait3A_2442 = tpu.memref_slice %arg13[%dma_wait3A_2441] : memref<3840xf32, #tpu.memory_space<vmem>> -> memref<128xf32, #tpu.memory_space<vmem>>
    %dma_wait3A_2443 = arith.constant 3712 : i32
    %dma_wait3A_2444 = tpu.memref_slice %arg11[%dma_wait3A_2443] : memref<4480xi32, #tpu.memory_space<vmem>> -> memref<128xi32, #tpu.memory_space<vmem>>
    %dma_wait3A_2445 = arith.constant 0 : i32
    %dma_wait3A_2446 = tpu.memref_slice %arg3[%dma_wait3A_2445] : memref<480000xf32, #tpu.memory_space<hbm>> -> memref<480000xf32, #tpu.memory_space<hbm>>
    tpu.wait_indirect_dma semaphore(%arg18 : memref<!tpu.dma_semaphore, #tpu.memory_space<semaphore_mem>>) src(%dma_wait3A_2446 : memref<480000xf32, #tpu.memory_space<hbm>>) dst(%dma_wait3A_2442 : memref<128xf32, #tpu.memory_space<vmem>>)
    %dma_wait3A_2447 = arith.constant 3200 : i32
    %dma_wait3A_2448 = tpu.memref_slice %arg13[%dma_wait3A_2447] : memref<3840xf32, #tpu.memory_space<vmem>> -> memref<128xf32, #tpu.memory_space<vmem>>
    %dma_wait3A_2449 = arith.constant 3840 : i32
    %dma_wait3A_2450 = tpu.memref_slice %arg11[%dma_wait3A_2449] : memref<4480xi32, #tpu.memory_space<vmem>> -> memref<128xi32, #tpu.memory_space<vmem>>
    %dma_wait3A_2451 = arith.constant 0 : i32
    %dma_wait3A_2452 = tpu.memref_slice %arg3[%dma_wait3A_2451] : memref<480000xf32, #tpu.memory_space<hbm>> -> memref<480000xf32, #tpu.memory_space<hbm>>
    tpu.wait_indirect_dma semaphore(%arg18 : memref<!tpu.dma_semaphore, #tpu.memory_space<semaphore_mem>>) src(%dma_wait3A_2452 : memref<480000xf32, #tpu.memory_space<hbm>>) dst(%dma_wait3A_2448 : memref<128xf32, #tpu.memory_space<vmem>>)
    %dma_wait3A_2453 = arith.constant 3328 : i32
    %dma_wait3A_2454 = tpu.memref_slice %arg13[%dma_wait3A_2453] : memref<3840xf32, #tpu.memory_space<vmem>> -> memref<128xf32, #tpu.memory_space<vmem>>
    %dma_wait3A_2455 = arith.constant 3968 : i32
    %dma_wait3A_2456 = tpu.memref_slice %arg11[%dma_wait3A_2455] : memref<4480xi32, #tpu.memory_space<vmem>> -> memref<128xi32, #tpu.memory_space<vmem>>
    %dma_wait3A_2457 = arith.constant 0 : i32
    %dma_wait3A_2458 = tpu.memref_slice %arg3[%dma_wait3A_2457] : memref<480000xf32, #tpu.memory_space<hbm>> -> memref<480000xf32, #tpu.memory_space<hbm>>
    tpu.wait_indirect_dma semaphore(%arg18 : memref<!tpu.dma_semaphore, #tpu.memory_space<semaphore_mem>>) src(%dma_wait3A_2458 : memref<480000xf32, #tpu.memory_space<hbm>>) dst(%dma_wait3A_2454 : memref<128xf32, #tpu.memory_space<vmem>>)
    %dma_wait3A_2459 = arith.constant 3456 : i32
    %dma_wait3A_2460 = tpu.memref_slice %arg13[%dma_wait3A_2459] : memref<3840xf32, #tpu.memory_space<vmem>> -> memref<128xf32, #tpu.memory_space<vmem>>
    %dma_wait3A_2461 = arith.constant 4096 : i32
    %dma_wait3A_2462 = tpu.memref_slice %arg11[%dma_wait3A_2461] : memref<4480xi32, #tpu.memory_space<vmem>> -> memref<128xi32, #tpu.memory_space<vmem>>
    %dma_wait3A_2463 = arith.constant 0 : i32
    %dma_wait3A_2464 = tpu.memref_slice %arg3[%dma_wait3A_2463] : memref<480000xf32, #tpu.memory_space<hbm>> -> memref<480000xf32, #tpu.memory_space<hbm>>
    tpu.wait_indirect_dma semaphore(%arg18 : memref<!tpu.dma_semaphore, #tpu.memory_space<semaphore_mem>>) src(%dma_wait3A_2464 : memref<480000xf32, #tpu.memory_space<hbm>>) dst(%dma_wait3A_2460 : memref<128xf32, #tpu.memory_space<vmem>>)
    %dma_wait3A_2465 = arith.constant 3584 : i32
    %dma_wait3A_2466 = tpu.memref_slice %arg13[%dma_wait3A_2465] : memref<3840xf32, #tpu.memory_space<vmem>> -> memref<128xf32, #tpu.memory_space<vmem>>
    %dma_wait3A_2467 = arith.constant 4224 : i32
    %dma_wait3A_2468 = tpu.memref_slice %arg11[%dma_wait3A_2467] : memref<4480xi32, #tpu.memory_space<vmem>> -> memref<128xi32, #tpu.memory_space<vmem>>
    %dma_wait3A_2469 = arith.constant 0 : i32
    %dma_wait3A_2470 = tpu.memref_slice %arg3[%dma_wait3A_2469] : memref<480000xf32, #tpu.memory_space<hbm>> -> memref<480000xf32, #tpu.memory_space<hbm>>
    tpu.wait_indirect_dma semaphore(%arg18 : memref<!tpu.dma_semaphore, #tpu.memory_space<semaphore_mem>>) src(%dma_wait3A_2470 : memref<480000xf32, #tpu.memory_space<hbm>>) dst(%dma_wait3A_2466 : memref<128xf32, #tpu.memory_space<vmem>>)
    %dma_wait3A_2471 = arith.constant 3712 : i32
    %dma_wait3A_2472 = tpu.memref_slice %arg13[%dma_wait3A_2471] : memref<3840xf32, #tpu.memory_space<vmem>> -> memref<128xf32, #tpu.memory_space<vmem>>
    %dma_wait3A_2473 = arith.constant 4352 : i32
    %dma_wait3A_2474 = tpu.memref_slice %arg11[%dma_wait3A_2473] : memref<4480xi32, #tpu.memory_space<vmem>> -> memref<128xi32, #tpu.memory_space<vmem>>
    %dma_wait3A_2475 = arith.constant 0 : i32
    %dma_wait3A_2476 = tpu.memref_slice %arg3[%dma_wait3A_2475] : memref<480000xf32, #tpu.memory_space<hbm>> -> memref<480000xf32, #tpu.memory_space<hbm>>
    tpu.wait_indirect_dma semaphore(%arg18 : memref<!tpu.dma_semaphore, #tpu.memory_space<semaphore_mem>>) src(%dma_wait3A_2476 : memref<480000xf32, #tpu.memory_space<hbm>>) dst(%dma_wait3A_2472 : memref<128xf32, #tpu.memory_space<vmem>>)
    %dma_start3A_2477 = tpu.memref_slice %arg7[%mul3A_4] : memref<122880xf32, #tpu.memory_space<hbm>> -> memref<3840xf32, #tpu.memory_space<hbm>>
    %dma_start3A_2478 = tpu.memref_slice %arg7[%mul3A_4] : memref<122880xf32, #tpu.memory_space<hbm>> -> memref<3840xf32, #tpu.memory_space<hbm>>
    tpu.enqueue_dma source(%arg13 : memref<3840xf32, #tpu.memory_space<vmem>>) target(%dma_start3A_2478 : memref<3840xf32, #tpu.memory_space<hbm>>) target_semaphore(%arg20 : memref<!tpu.dma_semaphore, #tpu.memory_space<semaphore_mem>>)
    %dma_wait3A_2479 = arith.constant 0 : i32
    %dma_wait3A_2480 = tpu.memref_slice %arg12[%dma_wait3A_2479] : memref<3840xi32, #tpu.memory_space<vmem>> -> memref<128xi32, #tpu.memory_space<vmem>>
    %dma_wait3A_2481 = arith.constant 640 : i32
    %dma_wait3A_2482 = tpu.memref_slice %arg11[%dma_wait3A_2481] : memref<4480xi32, #tpu.memory_space<vmem>> -> memref<128xi32, #tpu.memory_space<vmem>>
    %dma_wait3A_2483 = arith.constant 0 : i32
    %dma_wait3A_2484 = tpu.memref_slice %arg2[%dma_wait3A_2483] : memref<480000xi32, #tpu.memory_space<hbm>> -> memref<480000xi32, #tpu.memory_space<hbm>>
    tpu.wait_indirect_dma semaphore(%arg17 : memref<!tpu.dma_semaphore, #tpu.memory_space<semaphore_mem>>) src(%dma_wait3A_2484 : memref<480000xi32, #tpu.memory_space<hbm>>) dst(%dma_wait3A_2480 : memref<128xi32, #tpu.memory_space<vmem>>)
    %dma_wait3A_2485 = arith.constant 128 : i32
    %dma_wait3A_2486 = tpu.memref_slice %arg12[%dma_wait3A_2485] : memref<3840xi32, #tpu.memory_space<vmem>> -> memref<128xi32, #tpu.memory_space<vmem>>
    %dma_wait3A_2487 = arith.constant 768 : i32
    %dma_wait3A_2488 = tpu.memref_slice %arg11[%dma_wait3A_2487] : memref<4480xi32, #tpu.memory_space<vmem>> -> memref<128xi32, #tpu.memory_space<vmem>>
    %dma_wait3A_2489 = arith.constant 0 : i32
    %dma_wait3A_2490 = tpu.memref_slice %arg2[%dma_wait3A_2489] : memref<480000xi32, #tpu.memory_space<hbm>> -> memref<480000xi32, #tpu.memory_space<hbm>>
    tpu.wait_indirect_dma semaphore(%arg17 : memref<!tpu.dma_semaphore, #tpu.memory_space<semaphore_mem>>) src(%dma_wait3A_2490 : memref<480000xi32, #tpu.memory_space<hbm>>) dst(%dma_wait3A_2486 : memref<128xi32, #tpu.memory_space<vmem>>)
    %dma_wait3A_2491 = arith.constant 256 : i32
    %dma_wait3A_2492 = tpu.memref_slice %arg12[%dma_wait3A_2491] : memref<3840xi32, #tpu.memory_space<vmem>> -> memref<128xi32, #tpu.memory_space<vmem>>
    %dma_wait3A_2493 = arith.constant 896 : i32
    %dma_wait3A_2494 = tpu.memref_slice %arg11[%dma_wait3A_2493] : memref<4480xi32, #tpu.memory_space<vmem>> -> memref<128xi32, #tpu.memory_space<vmem>>
    %dma_wait3A_2495 = arith.constant 0 : i32
    %dma_wait3A_2496 = tpu.memref_slice %arg2[%dma_wait3A_2495] : memref<480000xi32, #tpu.memory_space<hbm>> -> memref<480000xi32, #tpu.memory_space<hbm>>
    tpu.wait_indirect_dma semaphore(%arg17 : memref<!tpu.dma_semaphore, #tpu.memory_space<semaphore_mem>>) src(%dma_wait3A_2496 : memref<480000xi32, #tpu.memory_space<hbm>>) dst(%dma_wait3A_2492 : memref<128xi32, #tpu.memory_space<vmem>>)
    %dma_wait3A_2497 = arith.constant 384 : i32
    %dma_wait3A_2498 = tpu.memref_slice %arg12[%dma_wait3A_2497] : memref<3840xi32, #tpu.memory_space<vmem>> -> memref<128xi32, #tpu.memory_space<vmem>>
    %dma_wait3A_2499 = arith.constant 1024 : i32
    %dma_wait3A_2500 = tpu.memref_slice %arg11[%dma_wait3A_2499] : memref<4480xi32, #tpu.memory_space<vmem>> -> memref<128xi32, #tpu.memory_space<vmem>>
    %dma_wait3A_2501 = arith.constant 0 : i32
    %dma_wait3A_2502 = tpu.memref_slice %arg2[%dma_wait3A_2501] : memref<480000xi32, #tpu.memory_space<hbm>> -> memref<480000xi32, #tpu.memory_space<hbm>>
    tpu.wait_indirect_dma semaphore(%arg17 : memref<!tpu.dma_semaphore, #tpu.memory_space<semaphore_mem>>) src(%dma_wait3A_2502 : memref<480000xi32, #tpu.memory_space<hbm>>) dst(%dma_wait3A_2498 : memref<128xi32, #tpu.memory_space<vmem>>)
    %dma_wait3A_2503 = arith.constant 512 : i32
    %dma_wait3A_2504 = tpu.memref_slice %arg12[%dma_wait3A_2503] : memref<3840xi32, #tpu.memory_space<vmem>> -> memref<128xi32, #tpu.memory_space<vmem>>
    %dma_wait3A_2505 = arith.constant 1152 : i32
    %dma_wait3A_2506 = tpu.memref_slice %arg11[%dma_wait3A_2505] : memref<4480xi32, #tpu.memory_space<vmem>> -> memref<128xi32, #tpu.memory_space<vmem>>
    %dma_wait3A_2507 = arith.constant 0 : i32
    %dma_wait3A_2508 = tpu.memref_slice %arg2[%dma_wait3A_2507] : memref<480000xi32, #tpu.memory_space<hbm>> -> memref<480000xi32, #tpu.memory_space<hbm>>
    tpu.wait_indirect_dma semaphore(%arg17 : memref<!tpu.dma_semaphore, #tpu.memory_space<semaphore_mem>>) src(%dma_wait3A_2508 : memref<480000xi32, #tpu.memory_space<hbm>>) dst(%dma_wait3A_2504 : memref<128xi32, #tpu.memory_space<vmem>>)
    %dma_wait3A_2509 = arith.constant 640 : i32
    %dma_wait3A_2510 = tpu.memref_slice %arg12[%dma_wait3A_2509] : memref<3840xi32, #tpu.memory_space<vmem>> -> memref<128xi32, #tpu.memory_space<vmem>>
    %dma_wait3A_2511 = arith.constant 1280 : i32
    %dma_wait3A_2512 = tpu.memref_slice %arg11[%dma_wait3A_2511] : memref<4480xi32, #tpu.memory_space<vmem>> -> memref<128xi32, #tpu.memory_space<vmem>>
    %dma_wait3A_2513 = arith.constant 0 : i32
    %dma_wait3A_2514 = tpu.memref_slice %arg2[%dma_wait3A_2513] : memref<480000xi32, #tpu.memory_space<hbm>> -> memref<480000xi32, #tpu.memory_space<hbm>>
    tpu.wait_indirect_dma semaphore(%arg17 : memref<!tpu.dma_semaphore, #tpu.memory_space<semaphore_mem>>) src(%dma_wait3A_2514 : memref<480000xi32, #tpu.memory_space<hbm>>) dst(%dma_wait3A_2510 : memref<128xi32, #tpu.memory_space<vmem>>)
    %dma_wait3A_2515 = arith.constant 768 : i32
    %dma_wait3A_2516 = tpu.memref_slice %arg12[%dma_wait3A_2515] : memref<3840xi32, #tpu.memory_space<vmem>> -> memref<128xi32, #tpu.memory_space<vmem>>
    %dma_wait3A_2517 = arith.constant 1408 : i32
    %dma_wait3A_2518 = tpu.memref_slice %arg11[%dma_wait3A_2517] : memref<4480xi32, #tpu.memory_space<vmem>> -> memref<128xi32, #tpu.memory_space<vmem>>
    %dma_wait3A_2519 = arith.constant 0 : i32
    %dma_wait3A_2520 = tpu.memref_slice %arg2[%dma_wait3A_2519] : memref<480000xi32, #tpu.memory_space<hbm>> -> memref<480000xi32, #tpu.memory_space<hbm>>
    tpu.wait_indirect_dma semaphore(%arg17 : memref<!tpu.dma_semaphore, #tpu.memory_space<semaphore_mem>>) src(%dma_wait3A_2520 : memref<480000xi32, #tpu.memory_space<hbm>>) dst(%dma_wait3A_2516 : memref<128xi32, #tpu.memory_space<vmem>>)
    %dma_wait3A_2521 = arith.constant 896 : i32
    %dma_wait3A_2522 = tpu.memref_slice %arg12[%dma_wait3A_2521] : memref<3840xi32, #tpu.memory_space<vmem>> -> memref<128xi32, #tpu.memory_space<vmem>>
    %dma_wait3A_2523 = arith.constant 1536 : i32
    %dma_wait3A_2524 = tpu.memref_slice %arg11[%dma_wait3A_2523] : memref<4480xi32, #tpu.memory_space<vmem>> -> memref<128xi32, #tpu.memory_space<vmem>>
    %dma_wait3A_2525 = arith.constant 0 : i32
    %dma_wait3A_2526 = tpu.memref_slice %arg2[%dma_wait3A_2525] : memref<480000xi32, #tpu.memory_space<hbm>> -> memref<480000xi32, #tpu.memory_space<hbm>>
    tpu.wait_indirect_dma semaphore(%arg17 : memref<!tpu.dma_semaphore, #tpu.memory_space<semaphore_mem>>) src(%dma_wait3A_2526 : memref<480000xi32, #tpu.memory_space<hbm>>) dst(%dma_wait3A_2522 : memref<128xi32, #tpu.memory_space<vmem>>)
    %dma_wait3A_2527 = arith.constant 1024 : i32
    %dma_wait3A_2528 = tpu.memref_slice %arg12[%dma_wait3A_2527] : memref<3840xi32, #tpu.memory_space<vmem>> -> memref<128xi32, #tpu.memory_space<vmem>>
    %dma_wait3A_2529 = arith.constant 1664 : i32
    %dma_wait3A_2530 = tpu.memref_slice %arg11[%dma_wait3A_2529] : memref<4480xi32, #tpu.memory_space<vmem>> -> memref<128xi32, #tpu.memory_space<vmem>>
    %dma_wait3A_2531 = arith.constant 0 : i32
    %dma_wait3A_2532 = tpu.memref_slice %arg2[%dma_wait3A_2531] : memref<480000xi32, #tpu.memory_space<hbm>> -> memref<480000xi32, #tpu.memory_space<hbm>>
    tpu.wait_indirect_dma semaphore(%arg17 : memref<!tpu.dma_semaphore, #tpu.memory_space<semaphore_mem>>) src(%dma_wait3A_2532 : memref<480000xi32, #tpu.memory_space<hbm>>) dst(%dma_wait3A_2528 : memref<128xi32, #tpu.memory_space<vmem>>)
    %dma_wait3A_2533 = arith.constant 1152 : i32
    %dma_wait3A_2534 = tpu.memref_slice %arg12[%dma_wait3A_2533] : memref<3840xi32, #tpu.memory_space<vmem>> -> memref<128xi32, #tpu.memory_space<vmem>>
    %dma_wait3A_2535 = arith.constant 1792 : i32
    %dma_wait3A_2536 = tpu.memref_slice %arg11[%dma_wait3A_2535] : memref<4480xi32, #tpu.memory_space<vmem>> -> memref<128xi32, #tpu.memory_space<vmem>>
    %dma_wait3A_2537 = arith.constant 0 : i32
    %dma_wait3A_2538 = tpu.memref_slice %arg2[%dma_wait3A_2537] : memref<480000xi32, #tpu.memory_space<hbm>> -> memref<480000xi32, #tpu.memory_space<hbm>>
    tpu.wait_indirect_dma semaphore(%arg17 : memref<!tpu.dma_semaphore, #tpu.memory_space<semaphore_mem>>) src(%dma_wait3A_2538 : memref<480000xi32, #tpu.memory_space<hbm>>) dst(%dma_wait3A_2534 : memref<128xi32, #tpu.memory_space<vmem>>)
    %dma_wait3A_2539 = arith.constant 1280 : i32
    %dma_wait3A_2540 = tpu.memref_slice %arg12[%dma_wait3A_2539] : memref<3840xi32, #tpu.memory_space<vmem>> -> memref<128xi32, #tpu.memory_space<vmem>>
    %dma_wait3A_2541 = arith.constant 1920 : i32
    %dma_wait3A_2542 = tpu.memref_slice %arg11[%dma_wait3A_2541] : memref<4480xi32, #tpu.memory_space<vmem>> -> memref<128xi32, #tpu.memory_space<vmem>>
    %dma_wait3A_2543 = arith.constant 0 : i32
    %dma_wait3A_2544 = tpu.memref_slice %arg2[%dma_wait3A_2543] : memref<480000xi32, #tpu.memory_space<hbm>> -> memref<480000xi32, #tpu.memory_space<hbm>>
    tpu.wait_indirect_dma semaphore(%arg17 : memref<!tpu.dma_semaphore, #tpu.memory_space<semaphore_mem>>) src(%dma_wait3A_2544 : memref<480000xi32, #tpu.memory_space<hbm>>) dst(%dma_wait3A_2540 : memref<128xi32, #tpu.memory_space<vmem>>)
    %dma_wait3A_2545 = arith.constant 1408 : i32
    %dma_wait3A_2546 = tpu.memref_slice %arg12[%dma_wait3A_2545] : memref<3840xi32, #tpu.memory_space<vmem>> -> memref<128xi32, #tpu.memory_space<vmem>>
    %dma_wait3A_2547 = arith.constant 2048 : i32
    %dma_wait3A_2548 = tpu.memref_slice %arg11[%dma_wait3A_2547] : memref<4480xi32, #tpu.memory_space<vmem>> -> memref<128xi32, #tpu.memory_space<vmem>>
    %dma_wait3A_2549 = arith.constant 0 : i32
    %dma_wait3A_2550 = tpu.memref_slice %arg2[%dma_wait3A_2549] : memref<480000xi32, #tpu.memory_space<hbm>> -> memref<480000xi32, #tpu.memory_space<hbm>>
    tpu.wait_indirect_dma semaphore(%arg17 : memref<!tpu.dma_semaphore, #tpu.memory_space<semaphore_mem>>) src(%dma_wait3A_2550 : memref<480000xi32, #tpu.memory_space<hbm>>) dst(%dma_wait3A_2546 : memref<128xi32, #tpu.memory_space<vmem>>)
    %dma_wait3A_2551 = arith.constant 1536 : i32
    %dma_wait3A_2552 = tpu.memref_slice %arg12[%dma_wait3A_2551] : memref<3840xi32, #tpu.memory_space<vmem>> -> memref<128xi32, #tpu.memory_space<vmem>>
    %dma_wait3A_2553 = arith.constant 2176 : i32
    %dma_wait3A_2554 = tpu.memref_slice %arg11[%dma_wait3A_2553] : memref<4480xi32, #tpu.memory_space<vmem>> -> memref<128xi32, #tpu.memory_space<vmem>>
    %dma_wait3A_2555 = arith.constant 0 : i32
    %dma_wait3A_2556 = tpu.memref_slice %arg2[%dma_wait3A_2555] : memref<480000xi32, #tpu.memory_space<hbm>> -> memref<480000xi32, #tpu.memory_space<hbm>>
    tpu.wait_indirect_dma semaphore(%arg17 : memref<!tpu.dma_semaphore, #tpu.memory_space<semaphore_mem>>) src(%dma_wait3A_2556 : memref<480000xi32, #tpu.memory_space<hbm>>) dst(%dma_wait3A_2552 : memref<128xi32, #tpu.memory_space<vmem>>)
    %dma_wait3A_2557 = arith.constant 1664 : i32
    %dma_wait3A_2558 = tpu.memref_slice %arg12[%dma_wait3A_2557] : memref<3840xi32, #tpu.memory_space<vmem>> -> memref<128xi32, #tpu.memory_space<vmem>>
    %dma_wait3A_2559 = arith.constant 2304 : i32
    %dma_wait3A_2560 = tpu.memref_slice %arg11[%dma_wait3A_2559] : memref<4480xi32, #tpu.memory_space<vmem>> -> memref<128xi32, #tpu.memory_space<vmem>>
    %dma_wait3A_2561 = arith.constant 0 : i32
    %dma_wait3A_2562 = tpu.memref_slice %arg2[%dma_wait3A_2561] : memref<480000xi32, #tpu.memory_space<hbm>> -> memref<480000xi32, #tpu.memory_space<hbm>>
    tpu.wait_indirect_dma semaphore(%arg17 : memref<!tpu.dma_semaphore, #tpu.memory_space<semaphore_mem>>) src(%dma_wait3A_2562 : memref<480000xi32, #tpu.memory_space<hbm>>) dst(%dma_wait3A_2558 : memref<128xi32, #tpu.memory_space<vmem>>)
    %dma_wait3A_2563 = arith.constant 1792 : i32
    %dma_wait3A_2564 = tpu.memref_slice %arg12[%dma_wait3A_2563] : memref<3840xi32, #tpu.memory_space<vmem>> -> memref<128xi32, #tpu.memory_space<vmem>>
    %dma_wait3A_2565 = arith.constant 2432 : i32
    %dma_wait3A_2566 = tpu.memref_slice %arg11[%dma_wait3A_2565] : memref<4480xi32, #tpu.memory_space<vmem>> -> memref<128xi32, #tpu.memory_space<vmem>>
    %dma_wait3A_2567 = arith.constant 0 : i32
    %dma_wait3A_2568 = tpu.memref_slice %arg2[%dma_wait3A_2567] : memref<480000xi32, #tpu.memory_space<hbm>> -> memref<480000xi32, #tpu.memory_space<hbm>>
    tpu.wait_indirect_dma semaphore(%arg17 : memref<!tpu.dma_semaphore, #tpu.memory_space<semaphore_mem>>) src(%dma_wait3A_2568 : memref<480000xi32, #tpu.memory_space<hbm>>) dst(%dma_wait3A_2564 : memref<128xi32, #tpu.memory_space<vmem>>)
    %dma_wait3A_2569 = arith.constant 1920 : i32
    %dma_wait3A_2570 = tpu.memref_slice %arg12[%dma_wait3A_2569] : memref<3840xi32, #tpu.memory_space<vmem>> -> memref<128xi32, #tpu.memory_space<vmem>>
    %dma_wait3A_2571 = arith.constant 2560 : i32
    %dma_wait3A_2572 = tpu.memref_slice %arg11[%dma_wait3A_2571] : memref<4480xi32, #tpu.memory_space<vmem>> -> memref<128xi32, #tpu.memory_space<vmem>>
    %dma_wait3A_2573 = arith.constant 0 : i32
    %dma_wait3A_2574 = tpu.memref_slice %arg2[%dma_wait3A_2573] : memref<480000xi32, #tpu.memory_space<hbm>> -> memref<480000xi32, #tpu.memory_space<hbm>>
    tpu.wait_indirect_dma semaphore(%arg17 : memref<!tpu.dma_semaphore, #tpu.memory_space<semaphore_mem>>) src(%dma_wait3A_2574 : memref<480000xi32, #tpu.memory_space<hbm>>) dst(%dma_wait3A_2570 : memref<128xi32, #tpu.memory_space<vmem>>)
    %dma_wait3A_2575 = arith.constant 2048 : i32
    %dma_wait3A_2576 = tpu.memref_slice %arg12[%dma_wait3A_2575] : memref<3840xi32, #tpu.memory_space<vmem>> -> memref<128xi32, #tpu.memory_space<vmem>>
    %dma_wait3A_2577 = arith.constant 2688 : i32
    %dma_wait3A_2578 = tpu.memref_slice %arg11[%dma_wait3A_2577] : memref<4480xi32, #tpu.memory_space<vmem>> -> memref<128xi32, #tpu.memory_space<vmem>>
    %dma_wait3A_2579 = arith.constant 0 : i32
    %dma_wait3A_2580 = tpu.memref_slice %arg2[%dma_wait3A_2579] : memref<480000xi32, #tpu.memory_space<hbm>> -> memref<480000xi32, #tpu.memory_space<hbm>>
    tpu.wait_indirect_dma semaphore(%arg17 : memref<!tpu.dma_semaphore, #tpu.memory_space<semaphore_mem>>) src(%dma_wait3A_2580 : memref<480000xi32, #tpu.memory_space<hbm>>) dst(%dma_wait3A_2576 : memref<128xi32, #tpu.memory_space<vmem>>)
    %dma_wait3A_2581 = arith.constant 2176 : i32
    %dma_wait3A_2582 = tpu.memref_slice %arg12[%dma_wait3A_2581] : memref<3840xi32, #tpu.memory_space<vmem>> -> memref<128xi32, #tpu.memory_space<vmem>>
    %dma_wait3A_2583 = arith.constant 2816 : i32
    %dma_wait3A_2584 = tpu.memref_slice %arg11[%dma_wait3A_2583] : memref<4480xi32, #tpu.memory_space<vmem>> -> memref<128xi32, #tpu.memory_space<vmem>>
    %dma_wait3A_2585 = arith.constant 0 : i32
    %dma_wait3A_2586 = tpu.memref_slice %arg2[%dma_wait3A_2585] : memref<480000xi32, #tpu.memory_space<hbm>> -> memref<480000xi32, #tpu.memory_space<hbm>>
    tpu.wait_indirect_dma semaphore(%arg17 : memref<!tpu.dma_semaphore, #tpu.memory_space<semaphore_mem>>) src(%dma_wait3A_2586 : memref<480000xi32, #tpu.memory_space<hbm>>) dst(%dma_wait3A_2582 : memref<128xi32, #tpu.memory_space<vmem>>)
    %dma_wait3A_2587 = arith.constant 2304 : i32
    %dma_wait3A_2588 = tpu.memref_slice %arg12[%dma_wait3A_2587] : memref<3840xi32, #tpu.memory_space<vmem>> -> memref<128xi32, #tpu.memory_space<vmem>>
    %dma_wait3A_2589 = arith.constant 2944 : i32
    %dma_wait3A_2590 = tpu.memref_slice %arg11[%dma_wait3A_2589] : memref<4480xi32, #tpu.memory_space<vmem>> -> memref<128xi32, #tpu.memory_space<vmem>>
    %dma_wait3A_2591 = arith.constant 0 : i32
    %dma_wait3A_2592 = tpu.memref_slice %arg2[%dma_wait3A_2591] : memref<480000xi32, #tpu.memory_space<hbm>> -> memref<480000xi32, #tpu.memory_space<hbm>>
    tpu.wait_indirect_dma semaphore(%arg17 : memref<!tpu.dma_semaphore, #tpu.memory_space<semaphore_mem>>) src(%dma_wait3A_2592 : memref<480000xi32, #tpu.memory_space<hbm>>) dst(%dma_wait3A_2588 : memref<128xi32, #tpu.memory_space<vmem>>)
    %dma_wait3A_2593 = arith.constant 2432 : i32
    %dma_wait3A_2594 = tpu.memref_slice %arg12[%dma_wait3A_2593] : memref<3840xi32, #tpu.memory_space<vmem>> -> memref<128xi32, #tpu.memory_space<vmem>>
    %dma_wait3A_2595 = arith.constant 3072 : i32
    %dma_wait3A_2596 = tpu.memref_slice %arg11[%dma_wait3A_2595] : memref<4480xi32, #tpu.memory_space<vmem>> -> memref<128xi32, #tpu.memory_space<vmem>>
    %dma_wait3A_2597 = arith.constant 0 : i32
    %dma_wait3A_2598 = tpu.memref_slice %arg2[%dma_wait3A_2597] : memref<480000xi32, #tpu.memory_space<hbm>> -> memref<480000xi32, #tpu.memory_space<hbm>>
    tpu.wait_indirect_dma semaphore(%arg17 : memref<!tpu.dma_semaphore, #tpu.memory_space<semaphore_mem>>) src(%dma_wait3A_2598 : memref<480000xi32, #tpu.memory_space<hbm>>) dst(%dma_wait3A_2594 : memref<128xi32, #tpu.memory_space<vmem>>)
    %dma_wait3A_2599 = arith.constant 2560 : i32
    %dma_wait3A_2600 = tpu.memref_slice %arg12[%dma_wait3A_2599] : memref<3840xi32, #tpu.memory_space<vmem>> -> memref<128xi32, #tpu.memory_space<vmem>>
    %dma_wait3A_2601 = arith.constant 3200 : i32
    %dma_wait3A_2602 = tpu.memref_slice %arg11[%dma_wait3A_2601] : memref<4480xi32, #tpu.memory_space<vmem>> -> memref<128xi32, #tpu.memory_space<vmem>>
    %dma_wait3A_2603 = arith.constant 0 : i32
    %dma_wait3A_2604 = tpu.memref_slice %arg2[%dma_wait3A_2603] : memref<480000xi32, #tpu.memory_space<hbm>> -> memref<480000xi32, #tpu.memory_space<hbm>>
    tpu.wait_indirect_dma semaphore(%arg17 : memref<!tpu.dma_semaphore, #tpu.memory_space<semaphore_mem>>) src(%dma_wait3A_2604 : memref<480000xi32, #tpu.memory_space<hbm>>) dst(%dma_wait3A_2600 : memref<128xi32, #tpu.memory_space<vmem>>)
    %dma_wait3A_2605 = arith.constant 2688 : i32
    %dma_wait3A_2606 = tpu.memref_slice %arg12[%dma_wait3A_2605] : memref<3840xi32, #tpu.memory_space<vmem>> -> memref<128xi32, #tpu.memory_space<vmem>>
    %dma_wait3A_2607 = arith.constant 3328 : i32
    %dma_wait3A_2608 = tpu.memref_slice %arg11[%dma_wait3A_2607] : memref<4480xi32, #tpu.memory_space<vmem>> -> memref<128xi32, #tpu.memory_space<vmem>>
    %dma_wait3A_2609 = arith.constant 0 : i32
    %dma_wait3A_2610 = tpu.memref_slice %arg2[%dma_wait3A_2609] : memref<480000xi32, #tpu.memory_space<hbm>> -> memref<480000xi32, #tpu.memory_space<hbm>>
    tpu.wait_indirect_dma semaphore(%arg17 : memref<!tpu.dma_semaphore, #tpu.memory_space<semaphore_mem>>) src(%dma_wait3A_2610 : memref<480000xi32, #tpu.memory_space<hbm>>) dst(%dma_wait3A_2606 : memref<128xi32, #tpu.memory_space<vmem>>)
    %dma_wait3A_2611 = arith.constant 2816 : i32
    %dma_wait3A_2612 = tpu.memref_slice %arg12[%dma_wait3A_2611] : memref<3840xi32, #tpu.memory_space<vmem>> -> memref<128xi32, #tpu.memory_space<vmem>>
    %dma_wait3A_2613 = arith.constant 3456 : i32
    %dma_wait3A_2614 = tpu.memref_slice %arg11[%dma_wait3A_2613] : memref<4480xi32, #tpu.memory_space<vmem>> -> memref<128xi32, #tpu.memory_space<vmem>>
    %dma_wait3A_2615 = arith.constant 0 : i32
    %dma_wait3A_2616 = tpu.memref_slice %arg2[%dma_wait3A_2615] : memref<480000xi32, #tpu.memory_space<hbm>> -> memref<480000xi32, #tpu.memory_space<hbm>>
    tpu.wait_indirect_dma semaphore(%arg17 : memref<!tpu.dma_semaphore, #tpu.memory_space<semaphore_mem>>) src(%dma_wait3A_2616 : memref<480000xi32, #tpu.memory_space<hbm>>) dst(%dma_wait3A_2612 : memref<128xi32, #tpu.memory_space<vmem>>)
    %dma_wait3A_2617 = arith.constant 2944 : i32
    %dma_wait3A_2618 = tpu.memref_slice %arg12[%dma_wait3A_2617] : memref<3840xi32, #tpu.memory_space<vmem>> -> memref<128xi32, #tpu.memory_space<vmem>>
    %dma_wait3A_2619 = arith.constant 3584 : i32
    %dma_wait3A_2620 = tpu.memref_slice %arg11[%dma_wait3A_2619] : memref<4480xi32, #tpu.memory_space<vmem>> -> memref<128xi32, #tpu.memory_space<vmem>>
    %dma_wait3A_2621 = arith.constant 0 : i32
    %dma_wait3A_2622 = tpu.memref_slice %arg2[%dma_wait3A_2621] : memref<480000xi32, #tpu.memory_space<hbm>> -> memref<480000xi32, #tpu.memory_space<hbm>>
    tpu.wait_indirect_dma semaphore(%arg17 : memref<!tpu.dma_semaphore, #tpu.memory_space<semaphore_mem>>) src(%dma_wait3A_2622 : memref<480000xi32, #tpu.memory_space<hbm>>) dst(%dma_wait3A_2618 : memref<128xi32, #tpu.memory_space<vmem>>)
    %dma_wait3A_2623 = arith.constant 3072 : i32
    %dma_wait3A_2624 = tpu.memref_slice %arg12[%dma_wait3A_2623] : memref<3840xi32, #tpu.memory_space<vmem>> -> memref<128xi32, #tpu.memory_space<vmem>>
    %dma_wait3A_2625 = arith.constant 3712 : i32
    %dma_wait3A_2626 = tpu.memref_slice %arg11[%dma_wait3A_2625] : memref<4480xi32, #tpu.memory_space<vmem>> -> memref<128xi32, #tpu.memory_space<vmem>>
    %dma_wait3A_2627 = arith.constant 0 : i32
    %dma_wait3A_2628 = tpu.memref_slice %arg2[%dma_wait3A_2627] : memref<480000xi32, #tpu.memory_space<hbm>> -> memref<480000xi32, #tpu.memory_space<hbm>>
    tpu.wait_indirect_dma semaphore(%arg17 : memref<!tpu.dma_semaphore, #tpu.memory_space<semaphore_mem>>) src(%dma_wait3A_2628 : memref<480000xi32, #tpu.memory_space<hbm>>) dst(%dma_wait3A_2624 : memref<128xi32, #tpu.memory_space<vmem>>)
    %dma_wait3A_2629 = arith.constant 3200 : i32
    %dma_wait3A_2630 = tpu.memref_slice %arg12[%dma_wait3A_2629] : memref<3840xi32, #tpu.memory_space<vmem>> -> memref<128xi32, #tpu.memory_space<vmem>>
    %dma_wait3A_2631 = arith.constant 3840 : i32
    %dma_wait3A_2632 = tpu.memref_slice %arg11[%dma_wait3A_2631] : memref<4480xi32, #tpu.memory_space<vmem>> -> memref<128xi32, #tpu.memory_space<vmem>>
    %dma_wait3A_2633 = arith.constant 0 : i32
    %dma_wait3A_2634 = tpu.memref_slice %arg2[%dma_wait3A_2633] : memref<480000xi32, #tpu.memory_space<hbm>> -> memref<480000xi32, #tpu.memory_space<hbm>>
    tpu.wait_indirect_dma semaphore(%arg17 : memref<!tpu.dma_semaphore, #tpu.memory_space<semaphore_mem>>) src(%dma_wait3A_2634 : memref<480000xi32, #tpu.memory_space<hbm>>) dst(%dma_wait3A_2630 : memref<128xi32, #tpu.memory_space<vmem>>)
    %dma_wait3A_2635 = arith.constant 3328 : i32
    %dma_wait3A_2636 = tpu.memref_slice %arg12[%dma_wait3A_2635] : memref<3840xi32, #tpu.memory_space<vmem>> -> memref<128xi32, #tpu.memory_space<vmem>>
    %dma_wait3A_2637 = arith.constant 3968 : i32
    %dma_wait3A_2638 = tpu.memref_slice %arg11[%dma_wait3A_2637] : memref<4480xi32, #tpu.memory_space<vmem>> -> memref<128xi32, #tpu.memory_space<vmem>>
    %dma_wait3A_2639 = arith.constant 0 : i32
    %dma_wait3A_2640 = tpu.memref_slice %arg2[%dma_wait3A_2639] : memref<480000xi32, #tpu.memory_space<hbm>> -> memref<480000xi32, #tpu.memory_space<hbm>>
    tpu.wait_indirect_dma semaphore(%arg17 : memref<!tpu.dma_semaphore, #tpu.memory_space<semaphore_mem>>) src(%dma_wait3A_2640 : memref<480000xi32, #tpu.memory_space<hbm>>) dst(%dma_wait3A_2636 : memref<128xi32, #tpu.memory_space<vmem>>)
    %dma_wait3A_2641 = arith.constant 3456 : i32
    %dma_wait3A_2642 = tpu.memref_slice %arg12[%dma_wait3A_2641] : memref<3840xi32, #tpu.memory_space<vmem>> -> memref<128xi32, #tpu.memory_space<vmem>>
    %dma_wait3A_2643 = arith.constant 4096 : i32
    %dma_wait3A_2644 = tpu.memref_slice %arg11[%dma_wait3A_2643] : memref<4480xi32, #tpu.memory_space<vmem>> -> memref<128xi32, #tpu.memory_space<vmem>>
    %dma_wait3A_2645 = arith.constant 0 : i32
    %dma_wait3A_2646 = tpu.memref_slice %arg2[%dma_wait3A_2645] : memref<480000xi32, #tpu.memory_space<hbm>> -> memref<480000xi32, #tpu.memory_space<hbm>>
    tpu.wait_indirect_dma semaphore(%arg17 : memref<!tpu.dma_semaphore, #tpu.memory_space<semaphore_mem>>) src(%dma_wait3A_2646 : memref<480000xi32, #tpu.memory_space<hbm>>) dst(%dma_wait3A_2642 : memref<128xi32, #tpu.memory_space<vmem>>)
    %dma_wait3A_2647 = arith.constant 3584 : i32
    %dma_wait3A_2648 = tpu.memref_slice %arg12[%dma_wait3A_2647] : memref<3840xi32, #tpu.memory_space<vmem>> -> memref<128xi32, #tpu.memory_space<vmem>>
    %dma_wait3A_2649 = arith.constant 4224 : i32
    %dma_wait3A_2650 = tpu.memref_slice %arg11[%dma_wait3A_2649] : memref<4480xi32, #tpu.memory_space<vmem>> -> memref<128xi32, #tpu.memory_space<vmem>>
    %dma_wait3A_2651 = arith.constant 0 : i32
    %dma_wait3A_2652 = tpu.memref_slice %arg2[%dma_wait3A_2651] : memref<480000xi32, #tpu.memory_space<hbm>> -> memref<480000xi32, #tpu.memory_space<hbm>>
    tpu.wait_indirect_dma semaphore(%arg17 : memref<!tpu.dma_semaphore, #tpu.memory_space<semaphore_mem>>) src(%dma_wait3A_2652 : memref<480000xi32, #tpu.memory_space<hbm>>) dst(%dma_wait3A_2648 : memref<128xi32, #tpu.memory_space<vmem>>)
    %dma_wait3A_2653 = arith.constant 3712 : i32
    %dma_wait3A_2654 = tpu.memref_slice %arg12[%dma_wait3A_2653] : memref<3840xi32, #tpu.memory_space<vmem>> -> memref<128xi32, #tpu.memory_space<vmem>>
    %dma_wait3A_2655 = arith.constant 4352 : i32
    %dma_wait3A_2656 = tpu.memref_slice %arg11[%dma_wait3A_2655] : memref<4480xi32, #tpu.memory_space<vmem>> -> memref<128xi32, #tpu.memory_space<vmem>>
    %dma_wait3A_2657 = arith.constant 0 : i32
    %dma_wait3A_2658 = tpu.memref_slice %arg2[%dma_wait3A_2657] : memref<480000xi32, #tpu.memory_space<hbm>> -> memref<480000xi32, #tpu.memory_space<hbm>>
    tpu.wait_indirect_dma semaphore(%arg17 : memref<!tpu.dma_semaphore, #tpu.memory_space<semaphore_mem>>) src(%dma_wait3A_2658 : memref<480000xi32, #tpu.memory_space<hbm>>) dst(%dma_wait3A_2654 : memref<128xi32, #tpu.memory_space<vmem>>)
    %dma_wait3A_2659 = arith.constant 0 : i32
    %dma_wait3A_2660 = arith.constant 0 : i32
    %dma_wait3A_2661 = tpu.memref_slice %arg15[%dma_wait3A_2659, %dma_wait3A_2660] : memref<256x128xf32, #tpu.memory_space<vmem>> -> memref<64x128xf32, #tpu.memory_space<vmem>>
    %dma_wait3A_2662 = arith.constant 0 : i32
    %dma_wait3A_2663 = tpu.memref_slice %arg8[%add3A_2254, %dma_wait3A_2662] : memref<10240x128xf32, #tpu.memory_space<hbm>> -> memref<64x128xf32, #tpu.memory_space<hbm>>
    %dma_wait3A_2664 = arith.constant 0 : i32
    %dma_wait3A_2665 = tpu.memref_slice %arg8[%add3A_2254, %dma_wait3A_2664] : memref<10240x128xf32, #tpu.memory_space<hbm>> -> memref<64x128xf32, #tpu.memory_space<hbm>>
    %dma_wait3A_2666 = arith.constant 0 : i32
    %dma_wait3A_2667 = arith.constant 0 : i32
    %dma_wait3A_2668 = tpu.memref_slice %arg15[%dma_wait3A_2666, %dma_wait3A_2667] : memref<256x128xf32, #tpu.memory_space<vmem>> -> memref<64x128xf32, #tpu.memory_space<vmem>>
    tpu.wait_dma2 semaphore(%arg21 : memref<!tpu.dma_semaphore, #tpu.memory_space<semaphore_mem>>) src(%dma_wait3A_2668 : memref<64x128xf32, #tpu.memory_space<vmem>>) dst(%dma_wait3A_2665 : memref<64x128xf32, #tpu.memory_space<hbm>>)
    %dma_wait3A_2669 = arith.constant 0 : i32
    %dma_wait3A_2670 = arith.constant 0 : i32
    %dma_wait3A_2671 = tpu.memref_slice %arg16[%dma_wait3A_2669, %dma_wait3A_2670] : memref<256x128xf32, #tpu.memory_space<vmem>> -> memref<64x128xf32, #tpu.memory_space<vmem>>
    %dma_wait3A_2672 = arith.constant 0 : i32
    %dma_wait3A_2673 = tpu.memref_slice %arg9[%add3A_2286, %dma_wait3A_2672] : memref<10240x128xf32, #tpu.memory_space<hbm>> -> memref<64x128xf32, #tpu.memory_space<hbm>>
    %dma_wait3A_2674 = arith.constant 0 : i32
    %dma_wait3A_2675 = tpu.memref_slice %arg9[%add3A_2286, %dma_wait3A_2674] : memref<10240x128xf32, #tpu.memory_space<hbm>> -> memref<64x128xf32, #tpu.memory_space<hbm>>
    %dma_wait3A_2676 = arith.constant 0 : i32
    %dma_wait3A_2677 = arith.constant 0 : i32
    %dma_wait3A_2678 = tpu.memref_slice %arg16[%dma_wait3A_2676, %dma_wait3A_2677] : memref<256x128xf32, #tpu.memory_space<vmem>> -> memref<64x128xf32, #tpu.memory_space<vmem>>
    tpu.wait_dma2 semaphore(%arg22 : memref<!tpu.dma_semaphore, #tpu.memory_space<semaphore_mem>>) src(%dma_wait3A_2678 : memref<64x128xf32, #tpu.memory_space<vmem>>) dst(%dma_wait3A_2675 : memref<64x128xf32, #tpu.memory_space<hbm>>)
    %dma_wait3A_2679 = tpu.memref_slice %arg7[%mul3A_4] : memref<122880xf32, #tpu.memory_space<hbm>> -> memref<3840xf32, #tpu.memory_space<hbm>>
    %dma_wait3A_2680 = tpu.memref_slice %arg7[%mul3A_4] : memref<122880xf32, #tpu.memory_space<hbm>> -> memref<3840xf32, #tpu.memory_space<hbm>>
    tpu.wait_dma2 semaphore(%arg20 : memref<!tpu.dma_semaphore, #tpu.memory_space<semaphore_mem>>) src(%arg13 : memref<3840xf32, #tpu.memory_space<vmem>>) dst(%dma_wait3A_2680 : memref<3840xf32, #tpu.memory_space<hbm>>)
    %dma_start3A_2681 = arith.constant 0 : i32
    %dma_start3A_2682 = arith.constant 0 : i32
    %dma_start3A_2683 = tpu.memref_slice %arg14[%dma_start3A_2681, %dma_start3A_2682] : memref<256x128xf32, #tpu.memory_space<vmem>> -> memref<128x128xf32, #tpu.memory_space<vmem>>
    %dma_start3A_2684 = arith.constant 0 : i32
    %dma_start3A_2685 = tpu.memref_slice %arg12[%dma_start3A_2684] : memref<3840xi32, #tpu.memory_space<vmem>> -> memref<128xi32, #tpu.memory_space<vmem>>
    %dma_start3A_2686 = arith.constant 0 : i32
    %dma_start3A_2687 = arith.constant 0 : i32
    %dma_start3A_2688 = tpu.memref_slice %arg4[%dma_start3A_2686, %dma_start3A_2687] : memref<40000x128xf32, #tpu.memory_space<hbm>> -> memref<40000x128xf32, #tpu.memory_space<hbm>>
    tpu.enqueue_indirect_dma source(%dma_start3A_2688 : memref<40000x128xf32, #tpu.memory_space<hbm>>) target(%dma_start3A_2683 : memref<128x128xf32, #tpu.memory_space<vmem>>) offsets(%dma_start3A_2685 : memref<128xi32, #tpu.memory_space<vmem>>) semaphore(%arg17 : memref<!tpu.dma_semaphore, #tpu.memory_space<semaphore_mem>>)
    %dma_start3A_2689 = arith.constant 128 : i32
    %dma_start3A_2690 = arith.constant 0 : i32
    %dma_start3A_2691 = tpu.memref_slice %arg14[%dma_start3A_2689, %dma_start3A_2690] : memref<256x128xf32, #tpu.memory_space<vmem>> -> memref<128x128xf32, #tpu.memory_space<vmem>>
    %dma_start3A_2692 = arith.constant 128 : i32
    %dma_start3A_2693 = tpu.memref_slice %arg12[%dma_start3A_2692] : memref<3840xi32, #tpu.memory_space<vmem>> -> memref<128xi32, #tpu.memory_space<vmem>>
    %dma_start3A_2694 = arith.constant 0 : i32
    %dma_start3A_2695 = arith.constant 0 : i32
    %dma_start3A_2696 = tpu.memref_slice %arg4[%dma_start3A_2694, %dma_start3A_2695] : memref<40000x128xf32, #tpu.memory_space<hbm>> -> memref<40000x128xf32, #tpu.memory_space<hbm>>
    tpu.enqueue_indirect_dma source(%dma_start3A_2696 : memref<40000x128xf32, #tpu.memory_space<hbm>>) target(%dma_start3A_2691 : memref<128x128xf32, #tpu.memory_space<vmem>>) offsets(%dma_start3A_2693 : memref<128xi32, #tpu.memory_space<vmem>>) semaphore(%arg17 : memref<!tpu.dma_semaphore, #tpu.memory_space<semaphore_mem>>)
    %dma_start3A_2697 = arith.constant 0 : i32
    %dma_start3A_2698 = arith.constant 0 : i32
    %dma_start3A_2699 = tpu.memref_slice %arg15[%dma_start3A_2697, %dma_start3A_2698] : memref<256x128xf32, #tpu.memory_space<vmem>> -> memref<128x128xf32, #tpu.memory_space<vmem>>
    %dma_start3A_2700 = arith.constant 256 : i32
    %dma_start3A_2701 = tpu.memref_slice %arg12[%dma_start3A_2700] : memref<3840xi32, #tpu.memory_space<vmem>> -> memref<128xi32, #tpu.memory_space<vmem>>
    %dma_start3A_2702 = arith.constant 0 : i32
    %dma_start3A_2703 = arith.constant 0 : i32
    %dma_start3A_2704 = tpu.memref_slice %arg4[%dma_start3A_2702, %dma_start3A_2703] : memref<40000x128xf32, #tpu.memory_space<hbm>> -> memref<40000x128xf32, #tpu.memory_space<hbm>>
    tpu.enqueue_indirect_dma source(%dma_start3A_2704 : memref<40000x128xf32, #tpu.memory_space<hbm>>) target(%dma_start3A_2699 : memref<128x128xf32, #tpu.memory_space<vmem>>) offsets(%dma_start3A_2701 : memref<128xi32, #tpu.memory_space<vmem>>) semaphore(%arg18 : memref<!tpu.dma_semaphore, #tpu.memory_space<semaphore_mem>>)
    %dma_start3A_2705 = arith.constant 128 : i32
    %dma_start3A_2706 = arith.constant 0 : i32
    %dma_start3A_2707 = tpu.memref_slice %arg15[%dma_start3A_2705, %dma_start3A_2706] : memref<256x128xf32, #tpu.memory_space<vmem>> -> memref<128x128xf32, #tpu.memory_space<vmem>>
    %dma_start3A_2708 = arith.constant 384 : i32
    %dma_start3A_2709 = tpu.memref_slice %arg12[%dma_start3A_2708] : memref<3840xi32, #tpu.memory_space<vmem>> -> memref<128xi32, #tpu.memory_space<vmem>>
    %dma_start3A_2710 = arith.constant 0 : i32
    %dma_start3A_2711 = arith.constant 0 : i32
    %dma_start3A_2712 = tpu.memref_slice %arg4[%dma_start3A_2710, %dma_start3A_2711] : memref<40000x128xf32, #tpu.memory_space<hbm>> -> memref<40000x128xf32, #tpu.memory_space<hbm>>
    tpu.enqueue_indirect_dma source(%dma_start3A_2712 : memref<40000x128xf32, #tpu.memory_space<hbm>>) target(%dma_start3A_2707 : memref<128x128xf32, #tpu.memory_space<vmem>>) offsets(%dma_start3A_2709 : memref<128xi32, #tpu.memory_space<vmem>>) semaphore(%arg18 : memref<!tpu.dma_semaphore, #tpu.memory_space<semaphore_mem>>)
    %dma_start3A_2713 = arith.constant 0 : i32
    %dma_start3A_2714 = arith.constant 0 : i32
    %dma_start3A_2715 = tpu.memref_slice %arg16[%dma_start3A_2713, %dma_start3A_2714] : memref<256x128xf32, #tpu.memory_space<vmem>> -> memref<128x128xf32, #tpu.memory_space<vmem>>
    %dma_start3A_2716 = arith.constant 512 : i32
    %dma_start3A_2717 = tpu.memref_slice %arg12[%dma_start3A_2716] : memref<3840xi32, #tpu.memory_space<vmem>> -> memref<128xi32, #tpu.memory_space<vmem>>
    %dma_start3A_2718 = arith.constant 0 : i32
    %dma_start3A_2719 = arith.constant 0 : i32
    %dma_start3A_2720 = tpu.memref_slice %arg4[%dma_start3A_2718, %dma_start3A_2719] : memref<40000x128xf32, #tpu.memory_space<hbm>> -> memref<40000x128xf32, #tpu.memory_space<hbm>>
    tpu.enqueue_indirect_dma source(%dma_start3A_2720 : memref<40000x128xf32, #tpu.memory_space<hbm>>) target(%dma_start3A_2715 : memref<128x128xf32, #tpu.memory_space<vmem>>) offsets(%dma_start3A_2717 : memref<128xi32, #tpu.memory_space<vmem>>) semaphore(%arg19 : memref<!tpu.dma_semaphore, #tpu.memory_space<semaphore_mem>>)
    %dma_start3A_2721 = arith.constant 128 : i32
    %dma_start3A_2722 = arith.constant 0 : i32
    %dma_start3A_2723 = tpu.memref_slice %arg16[%dma_start3A_2721, %dma_start3A_2722] : memref<256x128xf32, #tpu.memory_space<vmem>> -> memref<128x128xf32, #tpu.memory_space<vmem>>
    %dma_start3A_2724 = arith.constant 640 : i32
    %dma_start3A_2725 = tpu.memref_slice %arg12[%dma_start3A_2724] : memref<3840xi32, #tpu.memory_space<vmem>> -> memref<128xi32, #tpu.memory_space<vmem>>
    %dma_start3A_2726 = arith.constant 0 : i32
    %dma_start3A_2727 = arith.constant 0 : i32
    %dma_start3A_2728 = tpu.memref_slice %arg4[%dma_start3A_2726, %dma_start3A_2727] : memref<40000x128xf32, #tpu.memory_space<hbm>> -> memref<40000x128xf32, #tpu.memory_space<hbm>>
    tpu.enqueue_indirect_dma source(%dma_start3A_2728 : memref<40000x128xf32, #tpu.memory_space<hbm>>) target(%dma_start3A_2723 : memref<128x128xf32, #tpu.memory_space<vmem>>) offsets(%dma_start3A_2725 : memref<128xi32, #tpu.memory_space<vmem>>) semaphore(%arg19 : memref<!tpu.dma_semaphore, #tpu.memory_space<semaphore_mem>>)
    %dma_wait3A_2729 = arith.constant 0 : i32
    %dma_wait3A_2730 = arith.constant 0 : i32
    %dma_wait3A_2731 = tpu.memref_slice %arg14[%dma_wait3A_2729, %dma_wait3A_2730] : memref<256x128xf32, #tpu.memory_space<vmem>> -> memref<128x128xf32, #tpu.memory_space<vmem>>
    %dma_wait3A_2732 = arith.constant 0 : i32
    %dma_wait3A_2733 = tpu.memref_slice %arg12[%dma_wait3A_2732] : memref<3840xi32, #tpu.memory_space<vmem>> -> memref<128xi32, #tpu.memory_space<vmem>>
    %dma_wait3A_2734 = arith.constant 0 : i32
    %dma_wait3A_2735 = arith.constant 0 : i32
    %dma_wait3A_2736 = tpu.memref_slice %arg4[%dma_wait3A_2734, %dma_wait3A_2735] : memref<40000x128xf32, #tpu.memory_space<hbm>> -> memref<40000x128xf32, #tpu.memory_space<hbm>>
    tpu.wait_indirect_dma semaphore(%arg17 : memref<!tpu.dma_semaphore, #tpu.memory_space<semaphore_mem>>) src(%dma_wait3A_2736 : memref<40000x128xf32, #tpu.memory_space<hbm>>) dst(%dma_wait3A_2731 : memref<128x128xf32, #tpu.memory_space<vmem>>)
    %dma_wait3A_2737 = arith.constant 128 : i32
    %dma_wait3A_2738 = arith.constant 0 : i32
    %dma_wait3A_2739 = tpu.memref_slice %arg14[%dma_wait3A_2737, %dma_wait3A_2738] : memref<256x128xf32, #tpu.memory_space<vmem>> -> memref<128x128xf32, #tpu.memory_space<vmem>>
    %dma_wait3A_2740 = arith.constant 128 : i32
    %dma_wait3A_2741 = tpu.memref_slice %arg12[%dma_wait3A_2740] : memref<3840xi32, #tpu.memory_space<vmem>> -> memref<128xi32, #tpu.memory_space<vmem>>
    %dma_wait3A_2742 = arith.constant 0 : i32
    %dma_wait3A_2743 = arith.constant 0 : i32
    %dma_wait3A_2744 = tpu.memref_slice %arg4[%dma_wait3A_2742, %dma_wait3A_2743] : memref<40000x128xf32, #tpu.memory_space<hbm>> -> memref<40000x128xf32, #tpu.memory_space<hbm>>
    tpu.wait_indirect_dma semaphore(%arg17 : memref<!tpu.dma_semaphore, #tpu.memory_space<semaphore_mem>>) src(%dma_wait3A_2744 : memref<40000x128xf32, #tpu.memory_space<hbm>>) dst(%dma_wait3A_2739 : memref<128x128xf32, #tpu.memory_space<vmem>>)
    %add3A_2745 = arith.constant 0 : i32
    %add3A_2746 = arith.addi %mul3A_4, %add3A_2745 : i32
    %dma_start3A_2747 = arith.constant 0 : i32
    %dma_start3A_2748 = arith.constant 0 : i32
    %dma_start3A_2749 = tpu.memref_slice %arg14[%dma_start3A_2747, %dma_start3A_2748] : memref<256x128xf32, #tpu.memory_space<vmem>> -> memref<256x128xf32, #tpu.memory_space<vmem>>
    %dma_start3A_2750 = arith.constant 0 : i32
    %dma_start3A_2751 = tpu.memref_slice %arg10[%add3A_2746, %dma_start3A_2750] : memref<122880x128xf32, #tpu.memory_space<hbm>> -> memref<256x128xf32, #tpu.memory_space<hbm>>
    %dma_start3A_2752 = arith.constant 0 : i32
    %dma_start3A_2753 = tpu.memref_slice %arg10[%add3A_2746, %dma_start3A_2752] : memref<122880x128xf32, #tpu.memory_space<hbm>> -> memref<256x128xf32, #tpu.memory_space<hbm>>
    %dma_start3A_2754 = arith.constant 0 : i32
    %dma_start3A_2755 = arith.constant 0 : i32
    %dma_start3A_2756 = tpu.memref_slice %arg14[%dma_start3A_2754, %dma_start3A_2755] : memref<256x128xf32, #tpu.memory_space<vmem>> -> memref<256x128xf32, #tpu.memory_space<vmem>>
    tpu.enqueue_dma source(%dma_start3A_2756 : memref<256x128xf32, #tpu.memory_space<vmem>>) target(%dma_start3A_2753 : memref<256x128xf32, #tpu.memory_space<hbm>>) target_semaphore(%arg20 : memref<!tpu.dma_semaphore, #tpu.memory_space<semaphore_mem>>)
    %dma_wait3A_2757 = arith.constant 0 : i32
    %dma_wait3A_2758 = arith.constant 0 : i32
    %dma_wait3A_2759 = tpu.memref_slice %arg14[%dma_wait3A_2757, %dma_wait3A_2758] : memref<256x128xf32, #tpu.memory_space<vmem>> -> memref<256x128xf32, #tpu.memory_space<vmem>>
    %dma_wait3A_2760 = arith.constant 0 : i32
    %dma_wait3A_2761 = tpu.memref_slice %arg10[%add3A_2746, %dma_wait3A_2760] : memref<122880x128xf32, #tpu.memory_space<hbm>> -> memref<256x128xf32, #tpu.memory_space<hbm>>
    %dma_wait3A_2762 = arith.constant 0 : i32
    %dma_wait3A_2763 = tpu.memref_slice %arg10[%add3A_2746, %dma_wait3A_2762] : memref<122880x128xf32, #tpu.memory_space<hbm>> -> memref<256x128xf32, #tpu.memory_space<hbm>>
    %dma_wait3A_2764 = arith.constant 0 : i32
    %dma_wait3A_2765 = arith.constant 0 : i32
    %dma_wait3A_2766 = tpu.memref_slice %arg14[%dma_wait3A_2764, %dma_wait3A_2765] : memref<256x128xf32, #tpu.memory_space<vmem>> -> memref<256x128xf32, #tpu.memory_space<vmem>>
    tpu.wait_dma2 semaphore(%arg20 : memref<!tpu.dma_semaphore, #tpu.memory_space<semaphore_mem>>) src(%dma_wait3A_2766 : memref<256x128xf32, #tpu.memory_space<vmem>>) dst(%dma_wait3A_2763 : memref<256x128xf32, #tpu.memory_space<hbm>>)
    %dma_start3A_2767 = arith.constant 0 : i32
    %dma_start3A_2768 = arith.constant 0 : i32
    %dma_start3A_2769 = tpu.memref_slice %arg14[%dma_start3A_2767, %dma_start3A_2768] : memref<256x128xf32, #tpu.memory_space<vmem>> -> memref<128x128xf32, #tpu.memory_space<vmem>>
    %dma_start3A_2770 = arith.constant 768 : i32
    %dma_start3A_2771 = tpu.memref_slice %arg12[%dma_start3A_2770] : memref<3840xi32, #tpu.memory_space<vmem>> -> memref<128xi32, #tpu.memory_space<vmem>>
    %dma_start3A_2772 = arith.constant 0 : i32
    %dma_start3A_2773 = arith.constant 0 : i32
    %dma_start3A_2774 = tpu.memref_slice %arg4[%dma_start3A_2772, %dma_start3A_2773] : memref<40000x128xf32, #tpu.memory_space<hbm>> -> memref<40000x128xf32, #tpu.memory_space<hbm>>
    tpu.enqueue_indirect_dma source(%dma_start3A_2774 : memref<40000x128xf32, #tpu.memory_space<hbm>>) target(%dma_start3A_2769 : memref<128x128xf32, #tpu.memory_space<vmem>>) offsets(%dma_start3A_2771 : memref<128xi32, #tpu.memory_space<vmem>>) semaphore(%arg17 : memref<!tpu.dma_semaphore, #tpu.memory_space<semaphore_mem>>)
    %dma_start3A_2775 = arith.constant 128 : i32
    %dma_start3A_2776 = arith.constant 0 : i32
    %dma_start3A_2777 = tpu.memref_slice %arg14[%dma_start3A_2775, %dma_start3A_2776] : memref<256x128xf32, #tpu.memory_space<vmem>> -> memref<128x128xf32, #tpu.memory_space<vmem>>
    %dma_start3A_2778 = arith.constant 896 : i32
    %dma_start3A_2779 = tpu.memref_slice %arg12[%dma_start3A_2778] : memref<3840xi32, #tpu.memory_space<vmem>> -> memref<128xi32, #tpu.memory_space<vmem>>
    %dma_start3A_2780 = arith.constant 0 : i32
    %dma_start3A_2781 = arith.constant 0 : i32
    %dma_start3A_2782 = tpu.memref_slice %arg4[%dma_start3A_2780, %dma_start3A_2781] : memref<40000x128xf32, #tpu.memory_space<hbm>> -> memref<40000x128xf32, #tpu.memory_space<hbm>>
    tpu.enqueue_indirect_dma source(%dma_start3A_2782 : memref<40000x128xf32, #tpu.memory_space<hbm>>) target(%dma_start3A_2777 : memref<128x128xf32, #tpu.memory_space<vmem>>) offsets(%dma_start3A_2779 : memref<128xi32, #tpu.memory_space<vmem>>) semaphore(%arg17 : memref<!tpu.dma_semaphore, #tpu.memory_space<semaphore_mem>>)
    %dma_wait3A_2783 = arith.constant 0 : i32
    %dma_wait3A_2784 = arith.constant 0 : i32
    %dma_wait3A_2785 = tpu.memref_slice %arg15[%dma_wait3A_2783, %dma_wait3A_2784] : memref<256x128xf32, #tpu.memory_space<vmem>> -> memref<128x128xf32, #tpu.memory_space<vmem>>
    %dma_wait3A_2786 = arith.constant 256 : i32
    %dma_wait3A_2787 = tpu.memref_slice %arg12[%dma_wait3A_2786] : memref<3840xi32, #tpu.memory_space<vmem>> -> memref<128xi32, #tpu.memory_space<vmem>>
    %dma_wait3A_2788 = arith.constant 0 : i32
    %dma_wait3A_2789 = arith.constant 0 : i32
    %dma_wait3A_2790 = tpu.memref_slice %arg4[%dma_wait3A_2788, %dma_wait3A_2789] : memref<40000x128xf32, #tpu.memory_space<hbm>> -> memref<40000x128xf32, #tpu.memory_space<hbm>>
    tpu.wait_indirect_dma semaphore(%arg18 : memref<!tpu.dma_semaphore, #tpu.memory_space<semaphore_mem>>) src(%dma_wait3A_2790 : memref<40000x128xf32, #tpu.memory_space<hbm>>) dst(%dma_wait3A_2785 : memref<128x128xf32, #tpu.memory_space<vmem>>)
    %dma_wait3A_2791 = arith.constant 128 : i32
    %dma_wait3A_2792 = arith.constant 0 : i32
    %dma_wait3A_2793 = tpu.memref_slice %arg15[%dma_wait3A_2791, %dma_wait3A_2792] : memref<256x128xf32, #tpu.memory_space<vmem>> -> memref<128x128xf32, #tpu.memory_space<vmem>>
    %dma_wait3A_2794 = arith.constant 384 : i32
    %dma_wait3A_2795 = tpu.memref_slice %arg12[%dma_wait3A_2794] : memref<3840xi32, #tpu.memory_space<vmem>> -> memref<128xi32, #tpu.memory_space<vmem>>
    %dma_wait3A_2796 = arith.constant 0 : i32
    %dma_wait3A_2797 = arith.constant 0 : i32
    %dma_wait3A_2798 = tpu.memref_slice %arg4[%dma_wait3A_2796, %dma_wait3A_2797] : memref<40000x128xf32, #tpu.memory_space<hbm>> -> memref<40000x128xf32, #tpu.memory_space<hbm>>
    tpu.wait_indirect_dma semaphore(%arg18 : memref<!tpu.dma_semaphore, #tpu.memory_space<semaphore_mem>>) src(%dma_wait3A_2798 : memref<40000x128xf32, #tpu.memory_space<hbm>>) dst(%dma_wait3A_2793 : memref<128x128xf32, #tpu.memory_space<vmem>>)
    %add3A_2799 = arith.constant 256 : i32
    %add3A_2800 = arith.addi %mul3A_4, %add3A_2799 : i32
    %dma_start3A_2801 = arith.constant 0 : i32
    %dma_start3A_2802 = arith.constant 0 : i32
    %dma_start3A_2803 = tpu.memref_slice %arg15[%dma_start3A_2801, %dma_start3A_2802] : memref<256x128xf32, #tpu.memory_space<vmem>> -> memref<256x128xf32, #tpu.memory_space<vmem>>
    %dma_start3A_2804 = arith.constant 0 : i32
    %dma_start3A_2805 = tpu.memref_slice %arg10[%add3A_2800, %dma_start3A_2804] : memref<122880x128xf32, #tpu.memory_space<hbm>> -> memref<256x128xf32, #tpu.memory_space<hbm>>
    %dma_start3A_2806 = arith.constant 0 : i32
    %dma_start3A_2807 = tpu.memref_slice %arg10[%add3A_2800, %dma_start3A_2806] : memref<122880x128xf32, #tpu.memory_space<hbm>> -> memref<256x128xf32, #tpu.memory_space<hbm>>
    %dma_start3A_2808 = arith.constant 0 : i32
    %dma_start3A_2809 = arith.constant 0 : i32
    %dma_start3A_2810 = tpu.memref_slice %arg15[%dma_start3A_2808, %dma_start3A_2809] : memref<256x128xf32, #tpu.memory_space<vmem>> -> memref<256x128xf32, #tpu.memory_space<vmem>>
    tpu.enqueue_dma source(%dma_start3A_2810 : memref<256x128xf32, #tpu.memory_space<vmem>>) target(%dma_start3A_2807 : memref<256x128xf32, #tpu.memory_space<hbm>>) target_semaphore(%arg21 : memref<!tpu.dma_semaphore, #tpu.memory_space<semaphore_mem>>)
    %dma_wait3A_2811 = arith.constant 0 : i32
    %dma_wait3A_2812 = arith.constant 0 : i32
    %dma_wait3A_2813 = tpu.memref_slice %arg15[%dma_wait3A_2811, %dma_wait3A_2812] : memref<256x128xf32, #tpu.memory_space<vmem>> -> memref<256x128xf32, #tpu.memory_space<vmem>>
    %dma_wait3A_2814 = arith.constant 0 : i32
    %dma_wait3A_2815 = tpu.memref_slice %arg10[%add3A_2800, %dma_wait3A_2814] : memref<122880x128xf32, #tpu.memory_space<hbm>> -> memref<256x128xf32, #tpu.memory_space<hbm>>
    %dma_wait3A_2816 = arith.constant 0 : i32
    %dma_wait3A_2817 = tpu.memref_slice %arg10[%add3A_2800, %dma_wait3A_2816] : memref<122880x128xf32, #tpu.memory_space<hbm>> -> memref<256x128xf32, #tpu.memory_space<hbm>>
    %dma_wait3A_2818 = arith.constant 0 : i32
    %dma_wait3A_2819 = arith.constant 0 : i32
    %dma_wait3A_2820 = tpu.memref_slice %arg15[%dma_wait3A_2818, %dma_wait3A_2819] : memref<256x128xf32, #tpu.memory_space<vmem>> -> memref<256x128xf32, #tpu.memory_space<vmem>>
    tpu.wait_dma2 semaphore(%arg21 : memref<!tpu.dma_semaphore, #tpu.memory_space<semaphore_mem>>) src(%dma_wait3A_2820 : memref<256x128xf32, #tpu.memory_space<vmem>>) dst(%dma_wait3A_2817 : memref<256x128xf32, #tpu.memory_space<hbm>>)
    %dma_start3A_2821 = arith.constant 0 : i32
    %dma_start3A_2822 = arith.constant 0 : i32
    %dma_start3A_2823 = tpu.memref_slice %arg15[%dma_start3A_2821, %dma_start3A_2822] : memref<256x128xf32, #tpu.memory_space<vmem>> -> memref<128x128xf32, #tpu.memory_space<vmem>>
    %dma_start3A_2824 = arith.constant 1024 : i32
    %dma_start3A_2825 = tpu.memref_slice %arg12[%dma_start3A_2824] : memref<3840xi32, #tpu.memory_space<vmem>> -> memref<128xi32, #tpu.memory_space<vmem>>
    %dma_start3A_2826 = arith.constant 0 : i32
    %dma_start3A_2827 = arith.constant 0 : i32
    %dma_start3A_2828 = tpu.memref_slice %arg4[%dma_start3A_2826, %dma_start3A_2827] : memref<40000x128xf32, #tpu.memory_space<hbm>> -> memref<40000x128xf32, #tpu.memory_space<hbm>>
    tpu.enqueue_indirect_dma source(%dma_start3A_2828 : memref<40000x128xf32, #tpu.memory_space<hbm>>) target(%dma_start3A_2823 : memref<128x128xf32, #tpu.memory_space<vmem>>) offsets(%dma_start3A_2825 : memref<128xi32, #tpu.memory_space<vmem>>) semaphore(%arg18 : memref<!tpu.dma_semaphore, #tpu.memory_space<semaphore_mem>>)
    %dma_start3A_2829 = arith.constant 128 : i32
    %dma_start3A_2830 = arith.constant 0 : i32
    %dma_start3A_2831 = tpu.memref_slice %arg15[%dma_start3A_2829, %dma_start3A_2830] : memref<256x128xf32, #tpu.memory_space<vmem>> -> memref<128x128xf32, #tpu.memory_space<vmem>>
    %dma_start3A_2832 = arith.constant 1152 : i32
    %dma_start3A_2833 = tpu.memref_slice %arg12[%dma_start3A_2832] : memref<3840xi32, #tpu.memory_space<vmem>> -> memref<128xi32, #tpu.memory_space<vmem>>
    %dma_start3A_2834 = arith.constant 0 : i32
    %dma_start3A_2835 = arith.constant 0 : i32
    %dma_start3A_2836 = tpu.memref_slice %arg4[%dma_start3A_2834, %dma_start3A_2835] : memref<40000x128xf32, #tpu.memory_space<hbm>> -> memref<40000x128xf32, #tpu.memory_space<hbm>>
    tpu.enqueue_indirect_dma source(%dma_start3A_2836 : memref<40000x128xf32, #tpu.memory_space<hbm>>) target(%dma_start3A_2831 : memref<128x128xf32, #tpu.memory_space<vmem>>) offsets(%dma_start3A_2833 : memref<128xi32, #tpu.memory_space<vmem>>) semaphore(%arg18 : memref<!tpu.dma_semaphore, #tpu.memory_space<semaphore_mem>>)
    %dma_wait3A_2837 = arith.constant 0 : i32
    %dma_wait3A_2838 = arith.constant 0 : i32
    %dma_wait3A_2839 = tpu.memref_slice %arg16[%dma_wait3A_2837, %dma_wait3A_2838] : memref<256x128xf32, #tpu.memory_space<vmem>> -> memref<128x128xf32, #tpu.memory_space<vmem>>
    %dma_wait3A_2840 = arith.constant 512 : i32
    %dma_wait3A_2841 = tpu.memref_slice %arg12[%dma_wait3A_2840] : memref<3840xi32, #tpu.memory_space<vmem>> -> memref<128xi32, #tpu.memory_space<vmem>>
    %dma_wait3A_2842 = arith.constant 0 : i32
    %dma_wait3A_2843 = arith.constant 0 : i32
    %dma_wait3A_2844 = tpu.memref_slice %arg4[%dma_wait3A_2842, %dma_wait3A_2843] : memref<40000x128xf32, #tpu.memory_space<hbm>> -> memref<40000x128xf32, #tpu.memory_space<hbm>>
    tpu.wait_indirect_dma semaphore(%arg19 : memref<!tpu.dma_semaphore, #tpu.memory_space<semaphore_mem>>) src(%dma_wait3A_2844 : memref<40000x128xf32, #tpu.memory_space<hbm>>) dst(%dma_wait3A_2839 : memref<128x128xf32, #tpu.memory_space<vmem>>)
    %dma_wait3A_2845 = arith.constant 128 : i32
    %dma_wait3A_2846 = arith.constant 0 : i32
    %dma_wait3A_2847 = tpu.memref_slice %arg16[%dma_wait3A_2845, %dma_wait3A_2846] : memref<256x128xf32, #tpu.memory_space<vmem>> -> memref<128x128xf32, #tpu.memory_space<vmem>>
    %dma_wait3A_2848 = arith.constant 640 : i32
    %dma_wait3A_2849 = tpu.memref_slice %arg12[%dma_wait3A_2848] : memref<3840xi32, #tpu.memory_space<vmem>> -> memref<128xi32, #tpu.memory_space<vmem>>
    %dma_wait3A_2850 = arith.constant 0 : i32
    %dma_wait3A_2851 = arith.constant 0 : i32
    %dma_wait3A_2852 = tpu.memref_slice %arg4[%dma_wait3A_2850, %dma_wait3A_2851] : memref<40000x128xf32, #tpu.memory_space<hbm>> -> memref<40000x128xf32, #tpu.memory_space<hbm>>
    tpu.wait_indirect_dma semaphore(%arg19 : memref<!tpu.dma_semaphore, #tpu.memory_space<semaphore_mem>>) src(%dma_wait3A_2852 : memref<40000x128xf32, #tpu.memory_space<hbm>>) dst(%dma_wait3A_2847 : memref<128x128xf32, #tpu.memory_space<vmem>>)
    %add3A_2853 = arith.constant 512 : i32
    %add3A_2854 = arith.addi %mul3A_4, %add3A_2853 : i32
    %dma_start3A_2855 = arith.constant 0 : i32
    %dma_start3A_2856 = arith.constant 0 : i32
    %dma_start3A_2857 = tpu.memref_slice %arg16[%dma_start3A_2855, %dma_start3A_2856] : memref<256x128xf32, #tpu.memory_space<vmem>> -> memref<256x128xf32, #tpu.memory_space<vmem>>
    %dma_start3A_2858 = arith.constant 0 : i32
    %dma_start3A_2859 = tpu.memref_slice %arg10[%add3A_2854, %dma_start3A_2858] : memref<122880x128xf32, #tpu.memory_space<hbm>> -> memref<256x128xf32, #tpu.memory_space<hbm>>
    %dma_start3A_2860 = arith.constant 0 : i32
    %dma_start3A_2861 = tpu.memref_slice %arg10[%add3A_2854, %dma_start3A_2860] : memref<122880x128xf32, #tpu.memory_space<hbm>> -> memref<256x128xf32, #tpu.memory_space<hbm>>
    %dma_start3A_2862 = arith.constant 0 : i32
    %dma_start3A_2863 = arith.constant 0 : i32
    %dma_start3A_2864 = tpu.memref_slice %arg16[%dma_start3A_2862, %dma_start3A_2863] : memref<256x128xf32, #tpu.memory_space<vmem>> -> memref<256x128xf32, #tpu.memory_space<vmem>>
    tpu.enqueue_dma source(%dma_start3A_2864 : memref<256x128xf32, #tpu.memory_space<vmem>>) target(%dma_start3A_2861 : memref<256x128xf32, #tpu.memory_space<hbm>>) target_semaphore(%arg22 : memref<!tpu.dma_semaphore, #tpu.memory_space<semaphore_mem>>)
    %dma_wait3A_2865 = arith.constant 0 : i32
    %dma_wait3A_2866 = arith.constant 0 : i32
    %dma_wait3A_2867 = tpu.memref_slice %arg16[%dma_wait3A_2865, %dma_wait3A_2866] : memref<256x128xf32, #tpu.memory_space<vmem>> -> memref<256x128xf32, #tpu.memory_space<vmem>>
    %dma_wait3A_2868 = arith.constant 0 : i32
    %dma_wait3A_2869 = tpu.memref_slice %arg10[%add3A_2854, %dma_wait3A_2868] : memref<122880x128xf32, #tpu.memory_space<hbm>> -> memref<256x128xf32, #tpu.memory_space<hbm>>
    %dma_wait3A_2870 = arith.constant 0 : i32
    %dma_wait3A_2871 = tpu.memref_slice %arg10[%add3A_2854, %dma_wait3A_2870] : memref<122880x128xf32, #tpu.memory_space<hbm>> -> memref<256x128xf32, #tpu.memory_space<hbm>>
    %dma_wait3A_2872 = arith.constant 0 : i32
    %dma_wait3A_2873 = arith.constant 0 : i32
    %dma_wait3A_2874 = tpu.memref_slice %arg16[%dma_wait3A_2872, %dma_wait3A_2873] : memref<256x128xf32, #tpu.memory_space<vmem>> -> memref<256x128xf32, #tpu.memory_space<vmem>>
    tpu.wait_dma2 semaphore(%arg22 : memref<!tpu.dma_semaphore, #tpu.memory_space<semaphore_mem>>) src(%dma_wait3A_2874 : memref<256x128xf32, #tpu.memory_space<vmem>>) dst(%dma_wait3A_2871 : memref<256x128xf32, #tpu.memory_space<hbm>>)
    %dma_start3A_2875 = arith.constant 0 : i32
    %dma_start3A_2876 = arith.constant 0 : i32
    %dma_start3A_2877 = tpu.memref_slice %arg16[%dma_start3A_2875, %dma_start3A_2876] : memref<256x128xf32, #tpu.memory_space<vmem>> -> memref<128x128xf32, #tpu.memory_space<vmem>>
    %dma_start3A_2878 = arith.constant 1280 : i32
    %dma_start3A_2879 = tpu.memref_slice %arg12[%dma_start3A_2878] : memref<3840xi32, #tpu.memory_space<vmem>> -> memref<128xi32, #tpu.memory_space<vmem>>
    %dma_start3A_2880 = arith.constant 0 : i32
    %dma_start3A_2881 = arith.constant 0 : i32
    %dma_start3A_2882 = tpu.memref_slice %arg4[%dma_start3A_2880, %dma_start3A_2881] : memref<40000x128xf32, #tpu.memory_space<hbm>> -> memref<40000x128xf32, #tpu.memory_space<hbm>>
    tpu.enqueue_indirect_dma source(%dma_start3A_2882 : memref<40000x128xf32, #tpu.memory_space<hbm>>) target(%dma_start3A_2877 : memref<128x128xf32, #tpu.memory_space<vmem>>) offsets(%dma_start3A_2879 : memref<128xi32, #tpu.memory_space<vmem>>) semaphore(%arg19 : memref<!tpu.dma_semaphore, #tpu.memory_space<semaphore_mem>>)
    %dma_start3A_2883 = arith.constant 128 : i32
    %dma_start3A_2884 = arith.constant 0 : i32
    %dma_start3A_2885 = tpu.memref_slice %arg16[%dma_start3A_2883, %dma_start3A_2884] : memref<256x128xf32, #tpu.memory_space<vmem>> -> memref<128x128xf32, #tpu.memory_space<vmem>>
    %dma_start3A_2886 = arith.constant 1408 : i32
    %dma_start3A_2887 = tpu.memref_slice %arg12[%dma_start3A_2886] : memref<3840xi32, #tpu.memory_space<vmem>> -> memref<128xi32, #tpu.memory_space<vmem>>
    %dma_start3A_2888 = arith.constant 0 : i32
    %dma_start3A_2889 = arith.constant 0 : i32
    %dma_start3A_2890 = tpu.memref_slice %arg4[%dma_start3A_2888, %dma_start3A_2889] : memref<40000x128xf32, #tpu.memory_space<hbm>> -> memref<40000x128xf32, #tpu.memory_space<hbm>>
    tpu.enqueue_indirect_dma source(%dma_start3A_2890 : memref<40000x128xf32, #tpu.memory_space<hbm>>) target(%dma_start3A_2885 : memref<128x128xf32, #tpu.memory_space<vmem>>) offsets(%dma_start3A_2887 : memref<128xi32, #tpu.memory_space<vmem>>) semaphore(%arg19 : memref<!tpu.dma_semaphore, #tpu.memory_space<semaphore_mem>>)
    %dma_wait3A_2891 = arith.constant 0 : i32
    %dma_wait3A_2892 = arith.constant 0 : i32
    %dma_wait3A_2893 = tpu.memref_slice %arg14[%dma_wait3A_2891, %dma_wait3A_2892] : memref<256x128xf32, #tpu.memory_space<vmem>> -> memref<128x128xf32, #tpu.memory_space<vmem>>
    %dma_wait3A_2894 = arith.constant 768 : i32
    %dma_wait3A_2895 = tpu.memref_slice %arg12[%dma_wait3A_2894] : memref<3840xi32, #tpu.memory_space<vmem>> -> memref<128xi32, #tpu.memory_space<vmem>>
    %dma_wait3A_2896 = arith.constant 0 : i32
    %dma_wait3A_2897 = arith.constant 0 : i32
    %dma_wait3A_2898 = tpu.memref_slice %arg4[%dma_wait3A_2896, %dma_wait3A_2897] : memref<40000x128xf32, #tpu.memory_space<hbm>> -> memref<40000x128xf32, #tpu.memory_space<hbm>>
    tpu.wait_indirect_dma semaphore(%arg17 : memref<!tpu.dma_semaphore, #tpu.memory_space<semaphore_mem>>) src(%dma_wait3A_2898 : memref<40000x128xf32, #tpu.memory_space<hbm>>) dst(%dma_wait3A_2893 : memref<128x128xf32, #tpu.memory_space<vmem>>)
    %dma_wait3A_2899 = arith.constant 128 : i32
    %dma_wait3A_2900 = arith.constant 0 : i32
    %dma_wait3A_2901 = tpu.memref_slice %arg14[%dma_wait3A_2899, %dma_wait3A_2900] : memref<256x128xf32, #tpu.memory_space<vmem>> -> memref<128x128xf32, #tpu.memory_space<vmem>>
    %dma_wait3A_2902 = arith.constant 896 : i32
    %dma_wait3A_2903 = tpu.memref_slice %arg12[%dma_wait3A_2902] : memref<3840xi32, #tpu.memory_space<vmem>> -> memref<128xi32, #tpu.memory_space<vmem>>
    %dma_wait3A_2904 = arith.constant 0 : i32
    %dma_wait3A_2905 = arith.constant 0 : i32
    %dma_wait3A_2906 = tpu.memref_slice %arg4[%dma_wait3A_2904, %dma_wait3A_2905] : memref<40000x128xf32, #tpu.memory_space<hbm>> -> memref<40000x128xf32, #tpu.memory_space<hbm>>
    tpu.wait_indirect_dma semaphore(%arg17 : memref<!tpu.dma_semaphore, #tpu.memory_space<semaphore_mem>>) src(%dma_wait3A_2906 : memref<40000x128xf32, #tpu.memory_space<hbm>>) dst(%dma_wait3A_2901 : memref<128x128xf32, #tpu.memory_space<vmem>>)
    %add3A_2907 = arith.constant 768 : i32
    %add3A_2908 = arith.addi %mul3A_4, %add3A_2907 : i32
    %dma_start3A_2909 = arith.constant 0 : i32
    %dma_start3A_2910 = arith.constant 0 : i32
    %dma_start3A_2911 = tpu.memref_slice %arg14[%dma_start3A_2909, %dma_start3A_2910] : memref<256x128xf32, #tpu.memory_space<vmem>> -> memref<256x128xf32, #tpu.memory_space<vmem>>
    %dma_start3A_2912 = arith.constant 0 : i32
    %dma_start3A_2913 = tpu.memref_slice %arg10[%add3A_2908, %dma_start3A_2912] : memref<122880x128xf32, #tpu.memory_space<hbm>> -> memref<256x128xf32, #tpu.memory_space<hbm>>
    %dma_start3A_2914 = arith.constant 0 : i32
    %dma_start3A_2915 = tpu.memref_slice %arg10[%add3A_2908, %dma_start3A_2914] : memref<122880x128xf32, #tpu.memory_space<hbm>> -> memref<256x128xf32, #tpu.memory_space<hbm>>
    %dma_start3A_2916 = arith.constant 0 : i32
    %dma_start3A_2917 = arith.constant 0 : i32
    %dma_start3A_2918 = tpu.memref_slice %arg14[%dma_start3A_2916, %dma_start3A_2917] : memref<256x128xf32, #tpu.memory_space<vmem>> -> memref<256x128xf32, #tpu.memory_space<vmem>>
    tpu.enqueue_dma source(%dma_start3A_2918 : memref<256x128xf32, #tpu.memory_space<vmem>>) target(%dma_start3A_2915 : memref<256x128xf32, #tpu.memory_space<hbm>>) target_semaphore(%arg20 : memref<!tpu.dma_semaphore, #tpu.memory_space<semaphore_mem>>)
    %dma_wait3A_2919 = arith.constant 0 : i32
    %dma_wait3A_2920 = arith.constant 0 : i32
    %dma_wait3A_2921 = tpu.memref_slice %arg14[%dma_wait3A_2919, %dma_wait3A_2920] : memref<256x128xf32, #tpu.memory_space<vmem>> -> memref<256x128xf32, #tpu.memory_space<vmem>>
    %dma_wait3A_2922 = arith.constant 0 : i32
    %dma_wait3A_2923 = tpu.memref_slice %arg10[%add3A_2908, %dma_wait3A_2922] : memref<122880x128xf32, #tpu.memory_space<hbm>> -> memref<256x128xf32, #tpu.memory_space<hbm>>
    %dma_wait3A_2924 = arith.constant 0 : i32
    %dma_wait3A_2925 = tpu.memref_slice %arg10[%add3A_2908, %dma_wait3A_2924] : memref<122880x128xf32, #tpu.memory_space<hbm>> -> memref<256x128xf32, #tpu.memory_space<hbm>>
    %dma_wait3A_2926 = arith.constant 0 : i32
    %dma_wait3A_2927 = arith.constant 0 : i32
    %dma_wait3A_2928 = tpu.memref_slice %arg14[%dma_wait3A_2926, %dma_wait3A_2927] : memref<256x128xf32, #tpu.memory_space<vmem>> -> memref<256x128xf32, #tpu.memory_space<vmem>>
    tpu.wait_dma2 semaphore(%arg20 : memref<!tpu.dma_semaphore, #tpu.memory_space<semaphore_mem>>) src(%dma_wait3A_2928 : memref<256x128xf32, #tpu.memory_space<vmem>>) dst(%dma_wait3A_2925 : memref<256x128xf32, #tpu.memory_space<hbm>>)
    %dma_start3A_2929 = arith.constant 0 : i32
    %dma_start3A_2930 = arith.constant 0 : i32
    %dma_start3A_2931 = tpu.memref_slice %arg14[%dma_start3A_2929, %dma_start3A_2930] : memref<256x128xf32, #tpu.memory_space<vmem>> -> memref<128x128xf32, #tpu.memory_space<vmem>>
    %dma_start3A_2932 = arith.constant 1536 : i32
    %dma_start3A_2933 = tpu.memref_slice %arg12[%dma_start3A_2932] : memref<3840xi32, #tpu.memory_space<vmem>> -> memref<128xi32, #tpu.memory_space<vmem>>
    %dma_start3A_2934 = arith.constant 0 : i32
    %dma_start3A_2935 = arith.constant 0 : i32
    %dma_start3A_2936 = tpu.memref_slice %arg4[%dma_start3A_2934, %dma_start3A_2935] : memref<40000x128xf32, #tpu.memory_space<hbm>> -> memref<40000x128xf32, #tpu.memory_space<hbm>>
    tpu.enqueue_indirect_dma source(%dma_start3A_2936 : memref<40000x128xf32, #tpu.memory_space<hbm>>) target(%dma_start3A_2931 : memref<128x128xf32, #tpu.memory_space<vmem>>) offsets(%dma_start3A_2933 : memref<128xi32, #tpu.memory_space<vmem>>) semaphore(%arg17 : memref<!tpu.dma_semaphore, #tpu.memory_space<semaphore_mem>>)
    %dma_start3A_2937 = arith.constant 128 : i32
    %dma_start3A_2938 = arith.constant 0 : i32
    %dma_start3A_2939 = tpu.memref_slice %arg14[%dma_start3A_2937, %dma_start3A_2938] : memref<256x128xf32, #tpu.memory_space<vmem>> -> memref<128x128xf32, #tpu.memory_space<vmem>>
    %dma_start3A_2940 = arith.constant 1664 : i32
    %dma_start3A_2941 = tpu.memref_slice %arg12[%dma_start3A_2940] : memref<3840xi32, #tpu.memory_space<vmem>> -> memref<128xi32, #tpu.memory_space<vmem>>
    %dma_start3A_2942 = arith.constant 0 : i32
    %dma_start3A_2943 = arith.constant 0 : i32
    %dma_start3A_2944 = tpu.memref_slice %arg4[%dma_start3A_2942, %dma_start3A_2943] : memref<40000x128xf32, #tpu.memory_space<hbm>> -> memref<40000x128xf32, #tpu.memory_space<hbm>>
    tpu.enqueue_indirect_dma source(%dma_start3A_2944 : memref<40000x128xf32, #tpu.memory_space<hbm>>) target(%dma_start3A_2939 : memref<128x128xf32, #tpu.memory_space<vmem>>) offsets(%dma_start3A_2941 : memref<128xi32, #tpu.memory_space<vmem>>) semaphore(%arg17 : memref<!tpu.dma_semaphore, #tpu.memory_space<semaphore_mem>>)
    %dma_wait3A_2945 = arith.constant 0 : i32
    %dma_wait3A_2946 = arith.constant 0 : i32
    %dma_wait3A_2947 = tpu.memref_slice %arg15[%dma_wait3A_2945, %dma_wait3A_2946] : memref<256x128xf32, #tpu.memory_space<vmem>> -> memref<128x128xf32, #tpu.memory_space<vmem>>
    %dma_wait3A_2948 = arith.constant 1024 : i32
    %dma_wait3A_2949 = tpu.memref_slice %arg12[%dma_wait3A_2948] : memref<3840xi32, #tpu.memory_space<vmem>> -> memref<128xi32, #tpu.memory_space<vmem>>
    %dma_wait3A_2950 = arith.constant 0 : i32
    %dma_wait3A_2951 = arith.constant 0 : i32
    %dma_wait3A_2952 = tpu.memref_slice %arg4[%dma_wait3A_2950, %dma_wait3A_2951] : memref<40000x128xf32, #tpu.memory_space<hbm>> -> memref<40000x128xf32, #tpu.memory_space<hbm>>
    tpu.wait_indirect_dma semaphore(%arg18 : memref<!tpu.dma_semaphore, #tpu.memory_space<semaphore_mem>>) src(%dma_wait3A_2952 : memref<40000x128xf32, #tpu.memory_space<hbm>>) dst(%dma_wait3A_2947 : memref<128x128xf32, #tpu.memory_space<vmem>>)
    %dma_wait3A_2953 = arith.constant 128 : i32
    %dma_wait3A_2954 = arith.constant 0 : i32
    %dma_wait3A_2955 = tpu.memref_slice %arg15[%dma_wait3A_2953, %dma_wait3A_2954] : memref<256x128xf32, #tpu.memory_space<vmem>> -> memref<128x128xf32, #tpu.memory_space<vmem>>
    %dma_wait3A_2956 = arith.constant 1152 : i32
    %dma_wait3A_2957 = tpu.memref_slice %arg12[%dma_wait3A_2956] : memref<3840xi32, #tpu.memory_space<vmem>> -> memref<128xi32, #tpu.memory_space<vmem>>
    %dma_wait3A_2958 = arith.constant 0 : i32
    %dma_wait3A_2959 = arith.constant 0 : i32
    %dma_wait3A_2960 = tpu.memref_slice %arg4[%dma_wait3A_2958, %dma_wait3A_2959] : memref<40000x128xf32, #tpu.memory_space<hbm>> -> memref<40000x128xf32, #tpu.memory_space<hbm>>
    tpu.wait_indirect_dma semaphore(%arg18 : memref<!tpu.dma_semaphore, #tpu.memory_space<semaphore_mem>>) src(%dma_wait3A_2960 : memref<40000x128xf32, #tpu.memory_space<hbm>>) dst(%dma_wait3A_2955 : memref<128x128xf32, #tpu.memory_space<vmem>>)
    %add3A_2961 = arith.constant 1024 : i32
    %add3A_2962 = arith.addi %mul3A_4, %add3A_2961 : i32
    %dma_start3A_2963 = arith.constant 0 : i32
    %dma_start3A_2964 = arith.constant 0 : i32
    %dma_start3A_2965 = tpu.memref_slice %arg15[%dma_start3A_2963, %dma_start3A_2964] : memref<256x128xf32, #tpu.memory_space<vmem>> -> memref<256x128xf32, #tpu.memory_space<vmem>>
    %dma_start3A_2966 = arith.constant 0 : i32
    %dma_start3A_2967 = tpu.memref_slice %arg10[%add3A_2962, %dma_start3A_2966] : memref<122880x128xf32, #tpu.memory_space<hbm>> -> memref<256x128xf32, #tpu.memory_space<hbm>>
    %dma_start3A_2968 = arith.constant 0 : i32
    %dma_start3A_2969 = tpu.memref_slice %arg10[%add3A_2962, %dma_start3A_2968] : memref<122880x128xf32, #tpu.memory_space<hbm>> -> memref<256x128xf32, #tpu.memory_space<hbm>>
    %dma_start3A_2970 = arith.constant 0 : i32
    %dma_start3A_2971 = arith.constant 0 : i32
    %dma_start3A_2972 = tpu.memref_slice %arg15[%dma_start3A_2970, %dma_start3A_2971] : memref<256x128xf32, #tpu.memory_space<vmem>> -> memref<256x128xf32, #tpu.memory_space<vmem>>
    tpu.enqueue_dma source(%dma_start3A_2972 : memref<256x128xf32, #tpu.memory_space<vmem>>) target(%dma_start3A_2969 : memref<256x128xf32, #tpu.memory_space<hbm>>) target_semaphore(%arg21 : memref<!tpu.dma_semaphore, #tpu.memory_space<semaphore_mem>>)
    %dma_wait3A_2973 = arith.constant 0 : i32
    %dma_wait3A_2974 = arith.constant 0 : i32
    %dma_wait3A_2975 = tpu.memref_slice %arg15[%dma_wait3A_2973, %dma_wait3A_2974] : memref<256x128xf32, #tpu.memory_space<vmem>> -> memref<256x128xf32, #tpu.memory_space<vmem>>
    %dma_wait3A_2976 = arith.constant 0 : i32
    %dma_wait3A_2977 = tpu.memref_slice %arg10[%add3A_2962, %dma_wait3A_2976] : memref<122880x128xf32, #tpu.memory_space<hbm>> -> memref<256x128xf32, #tpu.memory_space<hbm>>
    %dma_wait3A_2978 = arith.constant 0 : i32
    %dma_wait3A_2979 = tpu.memref_slice %arg10[%add3A_2962, %dma_wait3A_2978] : memref<122880x128xf32, #tpu.memory_space<hbm>> -> memref<256x128xf32, #tpu.memory_space<hbm>>
    %dma_wait3A_2980 = arith.constant 0 : i32
    %dma_wait3A_2981 = arith.constant 0 : i32
    %dma_wait3A_2982 = tpu.memref_slice %arg15[%dma_wait3A_2980, %dma_wait3A_2981] : memref<256x128xf32, #tpu.memory_space<vmem>> -> memref<256x128xf32, #tpu.memory_space<vmem>>
    tpu.wait_dma2 semaphore(%arg21 : memref<!tpu.dma_semaphore, #tpu.memory_space<semaphore_mem>>) src(%dma_wait3A_2982 : memref<256x128xf32, #tpu.memory_space<vmem>>) dst(%dma_wait3A_2979 : memref<256x128xf32, #tpu.memory_space<hbm>>)
    %dma_start3A_2983 = arith.constant 0 : i32
    %dma_start3A_2984 = arith.constant 0 : i32
    %dma_start3A_2985 = tpu.memref_slice %arg15[%dma_start3A_2983, %dma_start3A_2984] : memref<256x128xf32, #tpu.memory_space<vmem>> -> memref<128x128xf32, #tpu.memory_space<vmem>>
    %dma_start3A_2986 = arith.constant 1792 : i32
    %dma_start3A_2987 = tpu.memref_slice %arg12[%dma_start3A_2986] : memref<3840xi32, #tpu.memory_space<vmem>> -> memref<128xi32, #tpu.memory_space<vmem>>
    %dma_start3A_2988 = arith.constant 0 : i32
    %dma_start3A_2989 = arith.constant 0 : i32
    %dma_start3A_2990 = tpu.memref_slice %arg4[%dma_start3A_2988, %dma_start3A_2989] : memref<40000x128xf32, #tpu.memory_space<hbm>> -> memref<40000x128xf32, #tpu.memory_space<hbm>>
    tpu.enqueue_indirect_dma source(%dma_start3A_2990 : memref<40000x128xf32, #tpu.memory_space<hbm>>) target(%dma_start3A_2985 : memref<128x128xf32, #tpu.memory_space<vmem>>) offsets(%dma_start3A_2987 : memref<128xi32, #tpu.memory_space<vmem>>) semaphore(%arg18 : memref<!tpu.dma_semaphore, #tpu.memory_space<semaphore_mem>>)
    %dma_start3A_2991 = arith.constant 128 : i32
    %dma_start3A_2992 = arith.constant 0 : i32
    %dma_start3A_2993 = tpu.memref_slice %arg15[%dma_start3A_2991, %dma_start3A_2992] : memref<256x128xf32, #tpu.memory_space<vmem>> -> memref<128x128xf32, #tpu.memory_space<vmem>>
    %dma_start3A_2994 = arith.constant 1920 : i32
    %dma_start3A_2995 = tpu.memref_slice %arg12[%dma_start3A_2994] : memref<3840xi32, #tpu.memory_space<vmem>> -> memref<128xi32, #tpu.memory_space<vmem>>
    %dma_start3A_2996 = arith.constant 0 : i32
    %dma_start3A_2997 = arith.constant 0 : i32
    %dma_start3A_2998 = tpu.memref_slice %arg4[%dma_start3A_2996, %dma_start3A_2997] : memref<40000x128xf32, #tpu.memory_space<hbm>> -> memref<40000x128xf32, #tpu.memory_space<hbm>>
    tpu.enqueue_indirect_dma source(%dma_start3A_2998 : memref<40000x128xf32, #tpu.memory_space<hbm>>) target(%dma_start3A_2993 : memref<128x128xf32, #tpu.memory_space<vmem>>) offsets(%dma_start3A_2995 : memref<128xi32, #tpu.memory_space<vmem>>) semaphore(%arg18 : memref<!tpu.dma_semaphore, #tpu.memory_space<semaphore_mem>>)
    %dma_wait3A_2999 = arith.constant 0 : i32
    %dma_wait3A_3000 = arith.constant 0 : i32
    %dma_wait3A_3001 = tpu.memref_slice %arg16[%dma_wait3A_2999, %dma_wait3A_3000] : memref<256x128xf32, #tpu.memory_space<vmem>> -> memref<128x128xf32, #tpu.memory_space<vmem>>
    %dma_wait3A_3002 = arith.constant 1280 : i32
    %dma_wait3A_3003 = tpu.memref_slice %arg12[%dma_wait3A_3002] : memref<3840xi32, #tpu.memory_space<vmem>> -> memref<128xi32, #tpu.memory_space<vmem>>
    %dma_wait3A_3004 = arith.constant 0 : i32
    %dma_wait3A_3005 = arith.constant 0 : i32
    %dma_wait3A_3006 = tpu.memref_slice %arg4[%dma_wait3A_3004, %dma_wait3A_3005] : memref<40000x128xf32, #tpu.memory_space<hbm>> -> memref<40000x128xf32, #tpu.memory_space<hbm>>
    tpu.wait_indirect_dma semaphore(%arg19 : memref<!tpu.dma_semaphore, #tpu.memory_space<semaphore_mem>>) src(%dma_wait3A_3006 : memref<40000x128xf32, #tpu.memory_space<hbm>>) dst(%dma_wait3A_3001 : memref<128x128xf32, #tpu.memory_space<vmem>>)
    %dma_wait3A_3007 = arith.constant 128 : i32
    %dma_wait3A_3008 = arith.constant 0 : i32
    %dma_wait3A_3009 = tpu.memref_slice %arg16[%dma_wait3A_3007, %dma_wait3A_3008] : memref<256x128xf32, #tpu.memory_space<vmem>> -> memref<128x128xf32, #tpu.memory_space<vmem>>
    %dma_wait3A_3010 = arith.constant 1408 : i32
    %dma_wait3A_3011 = tpu.memref_slice %arg12[%dma_wait3A_3010] : memref<3840xi32, #tpu.memory_space<vmem>> -> memref<128xi32, #tpu.memory_space<vmem>>
    %dma_wait3A_3012 = arith.constant 0 : i32
    %dma_wait3A_3013 = arith.constant 0 : i32
    %dma_wait3A_3014 = tpu.memref_slice %arg4[%dma_wait3A_3012, %dma_wait3A_3013] : memref<40000x128xf32, #tpu.memory_space<hbm>> -> memref<40000x128xf32, #tpu.memory_space<hbm>>
    tpu.wait_indirect_dma semaphore(%arg19 : memref<!tpu.dma_semaphore, #tpu.memory_space<semaphore_mem>>) src(%dma_wait3A_3014 : memref<40000x128xf32, #tpu.memory_space<hbm>>) dst(%dma_wait3A_3009 : memref<128x128xf32, #tpu.memory_space<vmem>>)
    %add3A_3015 = arith.constant 1280 : i32
    %add3A_3016 = arith.addi %mul3A_4, %add3A_3015 : i32
    %dma_start3A_3017 = arith.constant 0 : i32
    %dma_start3A_3018 = arith.constant 0 : i32
    %dma_start3A_3019 = tpu.memref_slice %arg16[%dma_start3A_3017, %dma_start3A_3018] : memref<256x128xf32, #tpu.memory_space<vmem>> -> memref<256x128xf32, #tpu.memory_space<vmem>>
    %dma_start3A_3020 = arith.constant 0 : i32
    %dma_start3A_3021 = tpu.memref_slice %arg10[%add3A_3016, %dma_start3A_3020] : memref<122880x128xf32, #tpu.memory_space<hbm>> -> memref<256x128xf32, #tpu.memory_space<hbm>>
    %dma_start3A_3022 = arith.constant 0 : i32
    %dma_start3A_3023 = tpu.memref_slice %arg10[%add3A_3016, %dma_start3A_3022] : memref<122880x128xf32, #tpu.memory_space<hbm>> -> memref<256x128xf32, #tpu.memory_space<hbm>>
    %dma_start3A_3024 = arith.constant 0 : i32
    %dma_start3A_3025 = arith.constant 0 : i32
    %dma_start3A_3026 = tpu.memref_slice %arg16[%dma_start3A_3024, %dma_start3A_3025] : memref<256x128xf32, #tpu.memory_space<vmem>> -> memref<256x128xf32, #tpu.memory_space<vmem>>
    tpu.enqueue_dma source(%dma_start3A_3026 : memref<256x128xf32, #tpu.memory_space<vmem>>) target(%dma_start3A_3023 : memref<256x128xf32, #tpu.memory_space<hbm>>) target_semaphore(%arg22 : memref<!tpu.dma_semaphore, #tpu.memory_space<semaphore_mem>>)
    %dma_wait3A_3027 = arith.constant 0 : i32
    %dma_wait3A_3028 = arith.constant 0 : i32
    %dma_wait3A_3029 = tpu.memref_slice %arg16[%dma_wait3A_3027, %dma_wait3A_3028] : memref<256x128xf32, #tpu.memory_space<vmem>> -> memref<256x128xf32, #tpu.memory_space<vmem>>
    %dma_wait3A_3030 = arith.constant 0 : i32
    %dma_wait3A_3031 = tpu.memref_slice %arg10[%add3A_3016, %dma_wait3A_3030] : memref<122880x128xf32, #tpu.memory_space<hbm>> -> memref<256x128xf32, #tpu.memory_space<hbm>>
    %dma_wait3A_3032 = arith.constant 0 : i32
    %dma_wait3A_3033 = tpu.memref_slice %arg10[%add3A_3016, %dma_wait3A_3032] : memref<122880x128xf32, #tpu.memory_space<hbm>> -> memref<256x128xf32, #tpu.memory_space<hbm>>
    %dma_wait3A_3034 = arith.constant 0 : i32
    %dma_wait3A_3035 = arith.constant 0 : i32
    %dma_wait3A_3036 = tpu.memref_slice %arg16[%dma_wait3A_3034, %dma_wait3A_3035] : memref<256x128xf32, #tpu.memory_space<vmem>> -> memref<256x128xf32, #tpu.memory_space<vmem>>
    tpu.wait_dma2 semaphore(%arg22 : memref<!tpu.dma_semaphore, #tpu.memory_space<semaphore_mem>>) src(%dma_wait3A_3036 : memref<256x128xf32, #tpu.memory_space<vmem>>) dst(%dma_wait3A_3033 : memref<256x128xf32, #tpu.memory_space<hbm>>)
    %dma_start3A_3037 = arith.constant 0 : i32
    %dma_start3A_3038 = arith.constant 0 : i32
    %dma_start3A_3039 = tpu.memref_slice %arg16[%dma_start3A_3037, %dma_start3A_3038] : memref<256x128xf32, #tpu.memory_space<vmem>> -> memref<128x128xf32, #tpu.memory_space<vmem>>
    %dma_start3A_3040 = arith.constant 2048 : i32
    %dma_start3A_3041 = tpu.memref_slice %arg12[%dma_start3A_3040] : memref<3840xi32, #tpu.memory_space<vmem>> -> memref<128xi32, #tpu.memory_space<vmem>>
    %dma_start3A_3042 = arith.constant 0 : i32
    %dma_start3A_3043 = arith.constant 0 : i32
    %dma_start3A_3044 = tpu.memref_slice %arg4[%dma_start3A_3042, %dma_start3A_3043] : memref<40000x128xf32, #tpu.memory_space<hbm>> -> memref<40000x128xf32, #tpu.memory_space<hbm>>
    tpu.enqueue_indirect_dma source(%dma_start3A_3044 : memref<40000x128xf32, #tpu.memory_space<hbm>>) target(%dma_start3A_3039 : memref<128x128xf32, #tpu.memory_space<vmem>>) offsets(%dma_start3A_3041 : memref<128xi32, #tpu.memory_space<vmem>>) semaphore(%arg19 : memref<!tpu.dma_semaphore, #tpu.memory_space<semaphore_mem>>)
    %dma_start3A_3045 = arith.constant 128 : i32
    %dma_start3A_3046 = arith.constant 0 : i32
    %dma_start3A_3047 = tpu.memref_slice %arg16[%dma_start3A_3045, %dma_start3A_3046] : memref<256x128xf32, #tpu.memory_space<vmem>> -> memref<128x128xf32, #tpu.memory_space<vmem>>
    %dma_start3A_3048 = arith.constant 2176 : i32
    %dma_start3A_3049 = tpu.memref_slice %arg12[%dma_start3A_3048] : memref<3840xi32, #tpu.memory_space<vmem>> -> memref<128xi32, #tpu.memory_space<vmem>>
    %dma_start3A_3050 = arith.constant 0 : i32
    %dma_start3A_3051 = arith.constant 0 : i32
    %dma_start3A_3052 = tpu.memref_slice %arg4[%dma_start3A_3050, %dma_start3A_3051] : memref<40000x128xf32, #tpu.memory_space<hbm>> -> memref<40000x128xf32, #tpu.memory_space<hbm>>
    tpu.enqueue_indirect_dma source(%dma_start3A_3052 : memref<40000x128xf32, #tpu.memory_space<hbm>>) target(%dma_start3A_3047 : memref<128x128xf32, #tpu.memory_space<vmem>>) offsets(%dma_start3A_3049 : memref<128xi32, #tpu.memory_space<vmem>>) semaphore(%arg19 : memref<!tpu.dma_semaphore, #tpu.memory_space<semaphore_mem>>)
    %dma_wait3A_3053 = arith.constant 0 : i32
    %dma_wait3A_3054 = arith.constant 0 : i32
    %dma_wait3A_3055 = tpu.memref_slice %arg14[%dma_wait3A_3053, %dma_wait3A_3054] : memref<256x128xf32, #tpu.memory_space<vmem>> -> memref<128x128xf32, #tpu.memory_space<vmem>>
    %dma_wait3A_3056 = arith.constant 1536 : i32
    %dma_wait3A_3057 = tpu.memref_slice %arg12[%dma_wait3A_3056] : memref<3840xi32, #tpu.memory_space<vmem>> -> memref<128xi32, #tpu.memory_space<vmem>>
    %dma_wait3A_3058 = arith.constant 0 : i32
    %dma_wait3A_3059 = arith.constant 0 : i32
    %dma_wait3A_3060 = tpu.memref_slice %arg4[%dma_wait3A_3058, %dma_wait3A_3059] : memref<40000x128xf32, #tpu.memory_space<hbm>> -> memref<40000x128xf32, #tpu.memory_space<hbm>>
    tpu.wait_indirect_dma semaphore(%arg17 : memref<!tpu.dma_semaphore, #tpu.memory_space<semaphore_mem>>) src(%dma_wait3A_3060 : memref<40000x128xf32, #tpu.memory_space<hbm>>) dst(%dma_wait3A_3055 : memref<128x128xf32, #tpu.memory_space<vmem>>)
    %dma_wait3A_3061 = arith.constant 128 : i32
    %dma_wait3A_3062 = arith.constant 0 : i32
    %dma_wait3A_3063 = tpu.memref_slice %arg14[%dma_wait3A_3061, %dma_wait3A_3062] : memref<256x128xf32, #tpu.memory_space<vmem>> -> memref<128x128xf32, #tpu.memory_space<vmem>>
    %dma_wait3A_3064 = arith.constant 1664 : i32
    %dma_wait3A_3065 = tpu.memref_slice %arg12[%dma_wait3A_3064] : memref<3840xi32, #tpu.memory_space<vmem>> -> memref<128xi32, #tpu.memory_space<vmem>>
    %dma_wait3A_3066 = arith.constant 0 : i32
    %dma_wait3A_3067 = arith.constant 0 : i32
    %dma_wait3A_3068 = tpu.memref_slice %arg4[%dma_wait3A_3066, %dma_wait3A_3067] : memref<40000x128xf32, #tpu.memory_space<hbm>> -> memref<40000x128xf32, #tpu.memory_space<hbm>>
    tpu.wait_indirect_dma semaphore(%arg17 : memref<!tpu.dma_semaphore, #tpu.memory_space<semaphore_mem>>) src(%dma_wait3A_3068 : memref<40000x128xf32, #tpu.memory_space<hbm>>) dst(%dma_wait3A_3063 : memref<128x128xf32, #tpu.memory_space<vmem>>)
    %add3A_3069 = arith.constant 1536 : i32
    %add3A_3070 = arith.addi %mul3A_4, %add3A_3069 : i32
    %dma_start3A_3071 = arith.constant 0 : i32
    %dma_start3A_3072 = arith.constant 0 : i32
    %dma_start3A_3073 = tpu.memref_slice %arg14[%dma_start3A_3071, %dma_start3A_3072] : memref<256x128xf32, #tpu.memory_space<vmem>> -> memref<256x128xf32, #tpu.memory_space<vmem>>
    %dma_start3A_3074 = arith.constant 0 : i32
    %dma_start3A_3075 = tpu.memref_slice %arg10[%add3A_3070, %dma_start3A_3074] : memref<122880x128xf32, #tpu.memory_space<hbm>> -> memref<256x128xf32, #tpu.memory_space<hbm>>
    %dma_start3A_3076 = arith.constant 0 : i32
    %dma_start3A_3077 = tpu.memref_slice %arg10[%add3A_3070, %dma_start3A_3076] : memref<122880x128xf32, #tpu.memory_space<hbm>> -> memref<256x128xf32, #tpu.memory_space<hbm>>
    %dma_start3A_3078 = arith.constant 0 : i32
    %dma_start3A_3079 = arith.constant 0 : i32
    %dma_start3A_3080 = tpu.memref_slice %arg14[%dma_start3A_3078, %dma_start3A_3079] : memref<256x128xf32, #tpu.memory_space<vmem>> -> memref<256x128xf32, #tpu.memory_space<vmem>>
    tpu.enqueue_dma source(%dma_start3A_3080 : memref<256x128xf32, #tpu.memory_space<vmem>>) target(%dma_start3A_3077 : memref<256x128xf32, #tpu.memory_space<hbm>>) target_semaphore(%arg20 : memref<!tpu.dma_semaphore, #tpu.memory_space<semaphore_mem>>)
    %dma_wait3A_3081 = arith.constant 0 : i32
    %dma_wait3A_3082 = arith.constant 0 : i32
    %dma_wait3A_3083 = tpu.memref_slice %arg14[%dma_wait3A_3081, %dma_wait3A_3082] : memref<256x128xf32, #tpu.memory_space<vmem>> -> memref<256x128xf32, #tpu.memory_space<vmem>>
    %dma_wait3A_3084 = arith.constant 0 : i32
    %dma_wait3A_3085 = tpu.memref_slice %arg10[%add3A_3070, %dma_wait3A_3084] : memref<122880x128xf32, #tpu.memory_space<hbm>> -> memref<256x128xf32, #tpu.memory_space<hbm>>
    %dma_wait3A_3086 = arith.constant 0 : i32
    %dma_wait3A_3087 = tpu.memref_slice %arg10[%add3A_3070, %dma_wait3A_3086] : memref<122880x128xf32, #tpu.memory_space<hbm>> -> memref<256x128xf32, #tpu.memory_space<hbm>>
    %dma_wait3A_3088 = arith.constant 0 : i32
    %dma_wait3A_3089 = arith.constant 0 : i32
    %dma_wait3A_3090 = tpu.memref_slice %arg14[%dma_wait3A_3088, %dma_wait3A_3089] : memref<256x128xf32, #tpu.memory_space<vmem>> -> memref<256x128xf32, #tpu.memory_space<vmem>>
    tpu.wait_dma2 semaphore(%arg20 : memref<!tpu.dma_semaphore, #tpu.memory_space<semaphore_mem>>) src(%dma_wait3A_3090 : memref<256x128xf32, #tpu.memory_space<vmem>>) dst(%dma_wait3A_3087 : memref<256x128xf32, #tpu.memory_space<hbm>>)
    %dma_start3A_3091 = arith.constant 0 : i32
    %dma_start3A_3092 = arith.constant 0 : i32
    %dma_start3A_3093 = tpu.memref_slice %arg14[%dma_start3A_3091, %dma_start3A_3092] : memref<256x128xf32, #tpu.memory_space<vmem>> -> memref<128x128xf32, #tpu.memory_space<vmem>>
    %dma_start3A_3094 = arith.constant 2304 : i32
    %dma_start3A_3095 = tpu.memref_slice %arg12[%dma_start3A_3094] : memref<3840xi32, #tpu.memory_space<vmem>> -> memref<128xi32, #tpu.memory_space<vmem>>
    %dma_start3A_3096 = arith.constant 0 : i32
    %dma_start3A_3097 = arith.constant 0 : i32
    %dma_start3A_3098 = tpu.memref_slice %arg4[%dma_start3A_3096, %dma_start3A_3097] : memref<40000x128xf32, #tpu.memory_space<hbm>> -> memref<40000x128xf32, #tpu.memory_space<hbm>>
    tpu.enqueue_indirect_dma source(%dma_start3A_3098 : memref<40000x128xf32, #tpu.memory_space<hbm>>) target(%dma_start3A_3093 : memref<128x128xf32, #tpu.memory_space<vmem>>) offsets(%dma_start3A_3095 : memref<128xi32, #tpu.memory_space<vmem>>) semaphore(%arg17 : memref<!tpu.dma_semaphore, #tpu.memory_space<semaphore_mem>>)
    %dma_start3A_3099 = arith.constant 128 : i32
    %dma_start3A_3100 = arith.constant 0 : i32
    %dma_start3A_3101 = tpu.memref_slice %arg14[%dma_start3A_3099, %dma_start3A_3100] : memref<256x128xf32, #tpu.memory_space<vmem>> -> memref<128x128xf32, #tpu.memory_space<vmem>>
    %dma_start3A_3102 = arith.constant 2432 : i32
    %dma_start3A_3103 = tpu.memref_slice %arg12[%dma_start3A_3102] : memref<3840xi32, #tpu.memory_space<vmem>> -> memref<128xi32, #tpu.memory_space<vmem>>
    %dma_start3A_3104 = arith.constant 0 : i32
    %dma_start3A_3105 = arith.constant 0 : i32
    %dma_start3A_3106 = tpu.memref_slice %arg4[%dma_start3A_3104, %dma_start3A_3105] : memref<40000x128xf32, #tpu.memory_space<hbm>> -> memref<40000x128xf32, #tpu.memory_space<hbm>>
    tpu.enqueue_indirect_dma source(%dma_start3A_3106 : memref<40000x128xf32, #tpu.memory_space<hbm>>) target(%dma_start3A_3101 : memref<128x128xf32, #tpu.memory_space<vmem>>) offsets(%dma_start3A_3103 : memref<128xi32, #tpu.memory_space<vmem>>) semaphore(%arg17 : memref<!tpu.dma_semaphore, #tpu.memory_space<semaphore_mem>>)
    %dma_wait3A_3107 = arith.constant 0 : i32
    %dma_wait3A_3108 = arith.constant 0 : i32
    %dma_wait3A_3109 = tpu.memref_slice %arg15[%dma_wait3A_3107, %dma_wait3A_3108] : memref<256x128xf32, #tpu.memory_space<vmem>> -> memref<128x128xf32, #tpu.memory_space<vmem>>
    %dma_wait3A_3110 = arith.constant 1792 : i32
    %dma_wait3A_3111 = tpu.memref_slice %arg12[%dma_wait3A_3110] : memref<3840xi32, #tpu.memory_space<vmem>> -> memref<128xi32, #tpu.memory_space<vmem>>
    %dma_wait3A_3112 = arith.constant 0 : i32
    %dma_wait3A_3113 = arith.constant 0 : i32
    %dma_wait3A_3114 = tpu.memref_slice %arg4[%dma_wait3A_3112, %dma_wait3A_3113] : memref<40000x128xf32, #tpu.memory_space<hbm>> -> memref<40000x128xf32, #tpu.memory_space<hbm>>
    tpu.wait_indirect_dma semaphore(%arg18 : memref<!tpu.dma_semaphore, #tpu.memory_space<semaphore_mem>>) src(%dma_wait3A_3114 : memref<40000x128xf32, #tpu.memory_space<hbm>>) dst(%dma_wait3A_3109 : memref<128x128xf32, #tpu.memory_space<vmem>>)
    %dma_wait3A_3115 = arith.constant 128 : i32
    %dma_wait3A_3116 = arith.constant 0 : i32
    %dma_wait3A_3117 = tpu.memref_slice %arg15[%dma_wait3A_3115, %dma_wait3A_3116] : memref<256x128xf32, #tpu.memory_space<vmem>> -> memref<128x128xf32, #tpu.memory_space<vmem>>
    %dma_wait3A_3118 = arith.constant 1920 : i32
    %dma_wait3A_3119 = tpu.memref_slice %arg12[%dma_wait3A_3118] : memref<3840xi32, #tpu.memory_space<vmem>> -> memref<128xi32, #tpu.memory_space<vmem>>
    %dma_wait3A_3120 = arith.constant 0 : i32
    %dma_wait3A_3121 = arith.constant 0 : i32
    %dma_wait3A_3122 = tpu.memref_slice %arg4[%dma_wait3A_3120, %dma_wait3A_3121] : memref<40000x128xf32, #tpu.memory_space<hbm>> -> memref<40000x128xf32, #tpu.memory_space<hbm>>
    tpu.wait_indirect_dma semaphore(%arg18 : memref<!tpu.dma_semaphore, #tpu.memory_space<semaphore_mem>>) src(%dma_wait3A_3122 : memref<40000x128xf32, #tpu.memory_space<hbm>>) dst(%dma_wait3A_3117 : memref<128x128xf32, #tpu.memory_space<vmem>>)
    %add3A_3123 = arith.constant 1792 : i32
    %add3A_3124 = arith.addi %mul3A_4, %add3A_3123 : i32
    %dma_start3A_3125 = arith.constant 0 : i32
    %dma_start3A_3126 = arith.constant 0 : i32
    %dma_start3A_3127 = tpu.memref_slice %arg15[%dma_start3A_3125, %dma_start3A_3126] : memref<256x128xf32, #tpu.memory_space<vmem>> -> memref<256x128xf32, #tpu.memory_space<vmem>>
    %dma_start3A_3128 = arith.constant 0 : i32
    %dma_start3A_3129 = tpu.memref_slice %arg10[%add3A_3124, %dma_start3A_3128] : memref<122880x128xf32, #tpu.memory_space<hbm>> -> memref<256x128xf32, #tpu.memory_space<hbm>>
    %dma_start3A_3130 = arith.constant 0 : i32
    %dma_start3A_3131 = tpu.memref_slice %arg10[%add3A_3124, %dma_start3A_3130] : memref<122880x128xf32, #tpu.memory_space<hbm>> -> memref<256x128xf32, #tpu.memory_space<hbm>>
    %dma_start3A_3132 = arith.constant 0 : i32
    %dma_start3A_3133 = arith.constant 0 : i32
    %dma_start3A_3134 = tpu.memref_slice %arg15[%dma_start3A_3132, %dma_start3A_3133] : memref<256x128xf32, #tpu.memory_space<vmem>> -> memref<256x128xf32, #tpu.memory_space<vmem>>
    tpu.enqueue_dma source(%dma_start3A_3134 : memref<256x128xf32, #tpu.memory_space<vmem>>) target(%dma_start3A_3131 : memref<256x128xf32, #tpu.memory_space<hbm>>) target_semaphore(%arg21 : memref<!tpu.dma_semaphore, #tpu.memory_space<semaphore_mem>>)
    %dma_wait3A_3135 = arith.constant 0 : i32
    %dma_wait3A_3136 = arith.constant 0 : i32
    %dma_wait3A_3137 = tpu.memref_slice %arg15[%dma_wait3A_3135, %dma_wait3A_3136] : memref<256x128xf32, #tpu.memory_space<vmem>> -> memref<256x128xf32, #tpu.memory_space<vmem>>
    %dma_wait3A_3138 = arith.constant 0 : i32
    %dma_wait3A_3139 = tpu.memref_slice %arg10[%add3A_3124, %dma_wait3A_3138] : memref<122880x128xf32, #tpu.memory_space<hbm>> -> memref<256x128xf32, #tpu.memory_space<hbm>>
    %dma_wait3A_3140 = arith.constant 0 : i32
    %dma_wait3A_3141 = tpu.memref_slice %arg10[%add3A_3124, %dma_wait3A_3140] : memref<122880x128xf32, #tpu.memory_space<hbm>> -> memref<256x128xf32, #tpu.memory_space<hbm>>
    %dma_wait3A_3142 = arith.constant 0 : i32
    %dma_wait3A_3143 = arith.constant 0 : i32
    %dma_wait3A_3144 = tpu.memref_slice %arg15[%dma_wait3A_3142, %dma_wait3A_3143] : memref<256x128xf32, #tpu.memory_space<vmem>> -> memref<256x128xf32, #tpu.memory_space<vmem>>
    tpu.wait_dma2 semaphore(%arg21 : memref<!tpu.dma_semaphore, #tpu.memory_space<semaphore_mem>>) src(%dma_wait3A_3144 : memref<256x128xf32, #tpu.memory_space<vmem>>) dst(%dma_wait3A_3141 : memref<256x128xf32, #tpu.memory_space<hbm>>)
    %dma_start3A_3145 = arith.constant 0 : i32
    %dma_start3A_3146 = arith.constant 0 : i32
    %dma_start3A_3147 = tpu.memref_slice %arg15[%dma_start3A_3145, %dma_start3A_3146] : memref<256x128xf32, #tpu.memory_space<vmem>> -> memref<128x128xf32, #tpu.memory_space<vmem>>
    %dma_start3A_3148 = arith.constant 2560 : i32
    %dma_start3A_3149 = tpu.memref_slice %arg12[%dma_start3A_3148] : memref<3840xi32, #tpu.memory_space<vmem>> -> memref<128xi32, #tpu.memory_space<vmem>>
    %dma_start3A_3150 = arith.constant 0 : i32
    %dma_start3A_3151 = arith.constant 0 : i32
    %dma_start3A_3152 = tpu.memref_slice %arg4[%dma_start3A_3150, %dma_start3A_3151] : memref<40000x128xf32, #tpu.memory_space<hbm>> -> memref<40000x128xf32, #tpu.memory_space<hbm>>
    tpu.enqueue_indirect_dma source(%dma_start3A_3152 : memref<40000x128xf32, #tpu.memory_space<hbm>>) target(%dma_start3A_3147 : memref<128x128xf32, #tpu.memory_space<vmem>>) offsets(%dma_start3A_3149 : memref<128xi32, #tpu.memory_space<vmem>>) semaphore(%arg18 : memref<!tpu.dma_semaphore, #tpu.memory_space<semaphore_mem>>)
    %dma_start3A_3153 = arith.constant 128 : i32
    %dma_start3A_3154 = arith.constant 0 : i32
    %dma_start3A_3155 = tpu.memref_slice %arg15[%dma_start3A_3153, %dma_start3A_3154] : memref<256x128xf32, #tpu.memory_space<vmem>> -> memref<128x128xf32, #tpu.memory_space<vmem>>
    %dma_start3A_3156 = arith.constant 2688 : i32
    %dma_start3A_3157 = tpu.memref_slice %arg12[%dma_start3A_3156] : memref<3840xi32, #tpu.memory_space<vmem>> -> memref<128xi32, #tpu.memory_space<vmem>>
    %dma_start3A_3158 = arith.constant 0 : i32
    %dma_start3A_3159 = arith.constant 0 : i32
    %dma_start3A_3160 = tpu.memref_slice %arg4[%dma_start3A_3158, %dma_start3A_3159] : memref<40000x128xf32, #tpu.memory_space<hbm>> -> memref<40000x128xf32, #tpu.memory_space<hbm>>
    tpu.enqueue_indirect_dma source(%dma_start3A_3160 : memref<40000x128xf32, #tpu.memory_space<hbm>>) target(%dma_start3A_3155 : memref<128x128xf32, #tpu.memory_space<vmem>>) offsets(%dma_start3A_3157 : memref<128xi32, #tpu.memory_space<vmem>>) semaphore(%arg18 : memref<!tpu.dma_semaphore, #tpu.memory_space<semaphore_mem>>)
    %dma_wait3A_3161 = arith.constant 0 : i32
    %dma_wait3A_3162 = arith.constant 0 : i32
    %dma_wait3A_3163 = tpu.memref_slice %arg16[%dma_wait3A_3161, %dma_wait3A_3162] : memref<256x128xf32, #tpu.memory_space<vmem>> -> memref<128x128xf32, #tpu.memory_space<vmem>>
    %dma_wait3A_3164 = arith.constant 2048 : i32
    %dma_wait3A_3165 = tpu.memref_slice %arg12[%dma_wait3A_3164] : memref<3840xi32, #tpu.memory_space<vmem>> -> memref<128xi32, #tpu.memory_space<vmem>>
    %dma_wait3A_3166 = arith.constant 0 : i32
    %dma_wait3A_3167 = arith.constant 0 : i32
    %dma_wait3A_3168 = tpu.memref_slice %arg4[%dma_wait3A_3166, %dma_wait3A_3167] : memref<40000x128xf32, #tpu.memory_space<hbm>> -> memref<40000x128xf32, #tpu.memory_space<hbm>>
    tpu.wait_indirect_dma semaphore(%arg19 : memref<!tpu.dma_semaphore, #tpu.memory_space<semaphore_mem>>) src(%dma_wait3A_3168 : memref<40000x128xf32, #tpu.memory_space<hbm>>) dst(%dma_wait3A_3163 : memref<128x128xf32, #tpu.memory_space<vmem>>)
    %dma_wait3A_3169 = arith.constant 128 : i32
    %dma_wait3A_3170 = arith.constant 0 : i32
    %dma_wait3A_3171 = tpu.memref_slice %arg16[%dma_wait3A_3169, %dma_wait3A_3170] : memref<256x128xf32, #tpu.memory_space<vmem>> -> memref<128x128xf32, #tpu.memory_space<vmem>>
    %dma_wait3A_3172 = arith.constant 2176 : i32
    %dma_wait3A_3173 = tpu.memref_slice %arg12[%dma_wait3A_3172] : memref<3840xi32, #tpu.memory_space<vmem>> -> memref<128xi32, #tpu.memory_space<vmem>>
    %dma_wait3A_3174 = arith.constant 0 : i32
    %dma_wait3A_3175 = arith.constant 0 : i32
    %dma_wait3A_3176 = tpu.memref_slice %arg4[%dma_wait3A_3174, %dma_wait3A_3175] : memref<40000x128xf32, #tpu.memory_space<hbm>> -> memref<40000x128xf32, #tpu.memory_space<hbm>>
    tpu.wait_indirect_dma semaphore(%arg19 : memref<!tpu.dma_semaphore, #tpu.memory_space<semaphore_mem>>) src(%dma_wait3A_3176 : memref<40000x128xf32, #tpu.memory_space<hbm>>) dst(%dma_wait3A_3171 : memref<128x128xf32, #tpu.memory_space<vmem>>)
    %add3A_3177 = arith.constant 2048 : i32
    %add3A_3178 = arith.addi %mul3A_4, %add3A_3177 : i32
    %dma_start3A_3179 = arith.constant 0 : i32
    %dma_start3A_3180 = arith.constant 0 : i32
    %dma_start3A_3181 = tpu.memref_slice %arg16[%dma_start3A_3179, %dma_start3A_3180] : memref<256x128xf32, #tpu.memory_space<vmem>> -> memref<256x128xf32, #tpu.memory_space<vmem>>
    %dma_start3A_3182 = arith.constant 0 : i32
    %dma_start3A_3183 = tpu.memref_slice %arg10[%add3A_3178, %dma_start3A_3182] : memref<122880x128xf32, #tpu.memory_space<hbm>> -> memref<256x128xf32, #tpu.memory_space<hbm>>
    %dma_start3A_3184 = arith.constant 0 : i32
    %dma_start3A_3185 = tpu.memref_slice %arg10[%add3A_3178, %dma_start3A_3184] : memref<122880x128xf32, #tpu.memory_space<hbm>> -> memref<256x128xf32, #tpu.memory_space<hbm>>
    %dma_start3A_3186 = arith.constant 0 : i32
    %dma_start3A_3187 = arith.constant 0 : i32
    %dma_start3A_3188 = tpu.memref_slice %arg16[%dma_start3A_3186, %dma_start3A_3187] : memref<256x128xf32, #tpu.memory_space<vmem>> -> memref<256x128xf32, #tpu.memory_space<vmem>>
    tpu.enqueue_dma source(%dma_start3A_3188 : memref<256x128xf32, #tpu.memory_space<vmem>>) target(%dma_start3A_3185 : memref<256x128xf32, #tpu.memory_space<hbm>>) target_semaphore(%arg22 : memref<!tpu.dma_semaphore, #tpu.memory_space<semaphore_mem>>)
    %dma_wait3A_3189 = arith.constant 0 : i32
    %dma_wait3A_3190 = arith.constant 0 : i32
    %dma_wait3A_3191 = tpu.memref_slice %arg16[%dma_wait3A_3189, %dma_wait3A_3190] : memref<256x128xf32, #tpu.memory_space<vmem>> -> memref<256x128xf32, #tpu.memory_space<vmem>>
    %dma_wait3A_3192 = arith.constant 0 : i32
    %dma_wait3A_3193 = tpu.memref_slice %arg10[%add3A_3178, %dma_wait3A_3192] : memref<122880x128xf32, #tpu.memory_space<hbm>> -> memref<256x128xf32, #tpu.memory_space<hbm>>
    %dma_wait3A_3194 = arith.constant 0 : i32
    %dma_wait3A_3195 = tpu.memref_slice %arg10[%add3A_3178, %dma_wait3A_3194] : memref<122880x128xf32, #tpu.memory_space<hbm>> -> memref<256x128xf32, #tpu.memory_space<hbm>>
    %dma_wait3A_3196 = arith.constant 0 : i32
    %dma_wait3A_3197 = arith.constant 0 : i32
    %dma_wait3A_3198 = tpu.memref_slice %arg16[%dma_wait3A_3196, %dma_wait3A_3197] : memref<256x128xf32, #tpu.memory_space<vmem>> -> memref<256x128xf32, #tpu.memory_space<vmem>>
    tpu.wait_dma2 semaphore(%arg22 : memref<!tpu.dma_semaphore, #tpu.memory_space<semaphore_mem>>) src(%dma_wait3A_3198 : memref<256x128xf32, #tpu.memory_space<vmem>>) dst(%dma_wait3A_3195 : memref<256x128xf32, #tpu.memory_space<hbm>>)
    %dma_start3A_3199 = arith.constant 0 : i32
    %dma_start3A_3200 = arith.constant 0 : i32
    %dma_start3A_3201 = tpu.memref_slice %arg16[%dma_start3A_3199, %dma_start3A_3200] : memref<256x128xf32, #tpu.memory_space<vmem>> -> memref<128x128xf32, #tpu.memory_space<vmem>>
    %dma_start3A_3202 = arith.constant 2816 : i32
    %dma_start3A_3203 = tpu.memref_slice %arg12[%dma_start3A_3202] : memref<3840xi32, #tpu.memory_space<vmem>> -> memref<128xi32, #tpu.memory_space<vmem>>
    %dma_start3A_3204 = arith.constant 0 : i32
    %dma_start3A_3205 = arith.constant 0 : i32
    %dma_start3A_3206 = tpu.memref_slice %arg4[%dma_start3A_3204, %dma_start3A_3205] : memref<40000x128xf32, #tpu.memory_space<hbm>> -> memref<40000x128xf32, #tpu.memory_space<hbm>>
    tpu.enqueue_indirect_dma source(%dma_start3A_3206 : memref<40000x128xf32, #tpu.memory_space<hbm>>) target(%dma_start3A_3201 : memref<128x128xf32, #tpu.memory_space<vmem>>) offsets(%dma_start3A_3203 : memref<128xi32, #tpu.memory_space<vmem>>) semaphore(%arg19 : memref<!tpu.dma_semaphore, #tpu.memory_space<semaphore_mem>>)
    %dma_start3A_3207 = arith.constant 128 : i32
    %dma_start3A_3208 = arith.constant 0 : i32
    %dma_start3A_3209 = tpu.memref_slice %arg16[%dma_start3A_3207, %dma_start3A_3208] : memref<256x128xf32, #tpu.memory_space<vmem>> -> memref<128x128xf32, #tpu.memory_space<vmem>>
    %dma_start3A_3210 = arith.constant 2944 : i32
    %dma_start3A_3211 = tpu.memref_slice %arg12[%dma_start3A_3210] : memref<3840xi32, #tpu.memory_space<vmem>> -> memref<128xi32, #tpu.memory_space<vmem>>
    %dma_start3A_3212 = arith.constant 0 : i32
    %dma_start3A_3213 = arith.constant 0 : i32
    %dma_start3A_3214 = tpu.memref_slice %arg4[%dma_start3A_3212, %dma_start3A_3213] : memref<40000x128xf32, #tpu.memory_space<hbm>> -> memref<40000x128xf32, #tpu.memory_space<hbm>>
    tpu.enqueue_indirect_dma source(%dma_start3A_3214 : memref<40000x128xf32, #tpu.memory_space<hbm>>) target(%dma_start3A_3209 : memref<128x128xf32, #tpu.memory_space<vmem>>) offsets(%dma_start3A_3211 : memref<128xi32, #tpu.memory_space<vmem>>) semaphore(%arg19 : memref<!tpu.dma_semaphore, #tpu.memory_space<semaphore_mem>>)
    %dma_wait3A_3215 = arith.constant 0 : i32
    %dma_wait3A_3216 = arith.constant 0 : i32
    %dma_wait3A_3217 = tpu.memref_slice %arg14[%dma_wait3A_3215, %dma_wait3A_3216] : memref<256x128xf32, #tpu.memory_space<vmem>> -> memref<128x128xf32, #tpu.memory_space<vmem>>
    %dma_wait3A_3218 = arith.constant 2304 : i32
    %dma_wait3A_3219 = tpu.memref_slice %arg12[%dma_wait3A_3218] : memref<3840xi32, #tpu.memory_space<vmem>> -> memref<128xi32, #tpu.memory_space<vmem>>
    %dma_wait3A_3220 = arith.constant 0 : i32
    %dma_wait3A_3221 = arith.constant 0 : i32
    %dma_wait3A_3222 = tpu.memref_slice %arg4[%dma_wait3A_3220, %dma_wait3A_3221] : memref<40000x128xf32, #tpu.memory_space<hbm>> -> memref<40000x128xf32, #tpu.memory_space<hbm>>
    tpu.wait_indirect_dma semaphore(%arg17 : memref<!tpu.dma_semaphore, #tpu.memory_space<semaphore_mem>>) src(%dma_wait3A_3222 : memref<40000x128xf32, #tpu.memory_space<hbm>>) dst(%dma_wait3A_3217 : memref<128x128xf32, #tpu.memory_space<vmem>>)
    %dma_wait3A_3223 = arith.constant 128 : i32
    %dma_wait3A_3224 = arith.constant 0 : i32
    %dma_wait3A_3225 = tpu.memref_slice %arg14[%dma_wait3A_3223, %dma_wait3A_3224] : memref<256x128xf32, #tpu.memory_space<vmem>> -> memref<128x128xf32, #tpu.memory_space<vmem>>
    %dma_wait3A_3226 = arith.constant 2432 : i32
    %dma_wait3A_3227 = tpu.memref_slice %arg12[%dma_wait3A_3226] : memref<3840xi32, #tpu.memory_space<vmem>> -> memref<128xi32, #tpu.memory_space<vmem>>
    %dma_wait3A_3228 = arith.constant 0 : i32
    %dma_wait3A_3229 = arith.constant 0 : i32
    %dma_wait3A_3230 = tpu.memref_slice %arg4[%dma_wait3A_3228, %dma_wait3A_3229] : memref<40000x128xf32, #tpu.memory_space<hbm>> -> memref<40000x128xf32, #tpu.memory_space<hbm>>
    tpu.wait_indirect_dma semaphore(%arg17 : memref<!tpu.dma_semaphore, #tpu.memory_space<semaphore_mem>>) src(%dma_wait3A_3230 : memref<40000x128xf32, #tpu.memory_space<hbm>>) dst(%dma_wait3A_3225 : memref<128x128xf32, #tpu.memory_space<vmem>>)
    %add3A_3231 = arith.constant 2304 : i32
    %add3A_3232 = arith.addi %mul3A_4, %add3A_3231 : i32
    %dma_start3A_3233 = arith.constant 0 : i32
    %dma_start3A_3234 = arith.constant 0 : i32
    %dma_start3A_3235 = tpu.memref_slice %arg14[%dma_start3A_3233, %dma_start3A_3234] : memref<256x128xf32, #tpu.memory_space<vmem>> -> memref<256x128xf32, #tpu.memory_space<vmem>>
    %dma_start3A_3236 = arith.constant 0 : i32
    %dma_start3A_3237 = tpu.memref_slice %arg10[%add3A_3232, %dma_start3A_3236] : memref<122880x128xf32, #tpu.memory_space<hbm>> -> memref<256x128xf32, #tpu.memory_space<hbm>>
    %dma_start3A_3238 = arith.constant 0 : i32
    %dma_start3A_3239 = tpu.memref_slice %arg10[%add3A_3232, %dma_start3A_3238] : memref<122880x128xf32, #tpu.memory_space<hbm>> -> memref<256x128xf32, #tpu.memory_space<hbm>>
    %dma_start3A_3240 = arith.constant 0 : i32
    %dma_start3A_3241 = arith.constant 0 : i32
    %dma_start3A_3242 = tpu.memref_slice %arg14[%dma_start3A_3240, %dma_start3A_3241] : memref<256x128xf32, #tpu.memory_space<vmem>> -> memref<256x128xf32, #tpu.memory_space<vmem>>
    tpu.enqueue_dma source(%dma_start3A_3242 : memref<256x128xf32, #tpu.memory_space<vmem>>) target(%dma_start3A_3239 : memref<256x128xf32, #tpu.memory_space<hbm>>) target_semaphore(%arg20 : memref<!tpu.dma_semaphore, #tpu.memory_space<semaphore_mem>>)
    %dma_wait3A_3243 = arith.constant 0 : i32
    %dma_wait3A_3244 = arith.constant 0 : i32
    %dma_wait3A_3245 = tpu.memref_slice %arg14[%dma_wait3A_3243, %dma_wait3A_3244] : memref<256x128xf32, #tpu.memory_space<vmem>> -> memref<256x128xf32, #tpu.memory_space<vmem>>
    %dma_wait3A_3246 = arith.constant 0 : i32
    %dma_wait3A_3247 = tpu.memref_slice %arg10[%add3A_3232, %dma_wait3A_3246] : memref<122880x128xf32, #tpu.memory_space<hbm>> -> memref<256x128xf32, #tpu.memory_space<hbm>>
    %dma_wait3A_3248 = arith.constant 0 : i32
    %dma_wait3A_3249 = tpu.memref_slice %arg10[%add3A_3232, %dma_wait3A_3248] : memref<122880x128xf32, #tpu.memory_space<hbm>> -> memref<256x128xf32, #tpu.memory_space<hbm>>
    %dma_wait3A_3250 = arith.constant 0 : i32
    %dma_wait3A_3251 = arith.constant 0 : i32
    %dma_wait3A_3252 = tpu.memref_slice %arg14[%dma_wait3A_3250, %dma_wait3A_3251] : memref<256x128xf32, #tpu.memory_space<vmem>> -> memref<256x128xf32, #tpu.memory_space<vmem>>
    tpu.wait_dma2 semaphore(%arg20 : memref<!tpu.dma_semaphore, #tpu.memory_space<semaphore_mem>>) src(%dma_wait3A_3252 : memref<256x128xf32, #tpu.memory_space<vmem>>) dst(%dma_wait3A_3249 : memref<256x128xf32, #tpu.memory_space<hbm>>)
    %dma_start3A_3253 = arith.constant 0 : i32
    %dma_start3A_3254 = arith.constant 0 : i32
    %dma_start3A_3255 = tpu.memref_slice %arg14[%dma_start3A_3253, %dma_start3A_3254] : memref<256x128xf32, #tpu.memory_space<vmem>> -> memref<128x128xf32, #tpu.memory_space<vmem>>
    %dma_start3A_3256 = arith.constant 3072 : i32
    %dma_start3A_3257 = tpu.memref_slice %arg12[%dma_start3A_3256] : memref<3840xi32, #tpu.memory_space<vmem>> -> memref<128xi32, #tpu.memory_space<vmem>>
    %dma_start3A_3258 = arith.constant 0 : i32
    %dma_start3A_3259 = arith.constant 0 : i32
    %dma_start3A_3260 = tpu.memref_slice %arg4[%dma_start3A_3258, %dma_start3A_3259] : memref<40000x128xf32, #tpu.memory_space<hbm>> -> memref<40000x128xf32, #tpu.memory_space<hbm>>
    tpu.enqueue_indirect_dma source(%dma_start3A_3260 : memref<40000x128xf32, #tpu.memory_space<hbm>>) target(%dma_start3A_3255 : memref<128x128xf32, #tpu.memory_space<vmem>>) offsets(%dma_start3A_3257 : memref<128xi32, #tpu.memory_space<vmem>>) semaphore(%arg17 : memref<!tpu.dma_semaphore, #tpu.memory_space<semaphore_mem>>)
    %dma_start3A_3261 = arith.constant 128 : i32
    %dma_start3A_3262 = arith.constant 0 : i32
    %dma_start3A_3263 = tpu.memref_slice %arg14[%dma_start3A_3261, %dma_start3A_3262] : memref<256x128xf32, #tpu.memory_space<vmem>> -> memref<128x128xf32, #tpu.memory_space<vmem>>
    %dma_start3A_3264 = arith.constant 3200 : i32
    %dma_start3A_3265 = tpu.memref_slice %arg12[%dma_start3A_3264] : memref<3840xi32, #tpu.memory_space<vmem>> -> memref<128xi32, #tpu.memory_space<vmem>>
    %dma_start3A_3266 = arith.constant 0 : i32
    %dma_start3A_3267 = arith.constant 0 : i32
    %dma_start3A_3268 = tpu.memref_slice %arg4[%dma_start3A_3266, %dma_start3A_3267] : memref<40000x128xf32, #tpu.memory_space<hbm>> -> memref<40000x128xf32, #tpu.memory_space<hbm>>
    tpu.enqueue_indirect_dma source(%dma_start3A_3268 : memref<40000x128xf32, #tpu.memory_space<hbm>>) target(%dma_start3A_3263 : memref<128x128xf32, #tpu.memory_space<vmem>>) offsets(%dma_start3A_3265 : memref<128xi32, #tpu.memory_space<vmem>>) semaphore(%arg17 : memref<!tpu.dma_semaphore, #tpu.memory_space<semaphore_mem>>)
    %dma_wait3A_3269 = arith.constant 0 : i32
    %dma_wait3A_3270 = arith.constant 0 : i32
    %dma_wait3A_3271 = tpu.memref_slice %arg15[%dma_wait3A_3269, %dma_wait3A_3270] : memref<256x128xf32, #tpu.memory_space<vmem>> -> memref<128x128xf32, #tpu.memory_space<vmem>>
    %dma_wait3A_3272 = arith.constant 2560 : i32
    %dma_wait3A_3273 = tpu.memref_slice %arg12[%dma_wait3A_3272] : memref<3840xi32, #tpu.memory_space<vmem>> -> memref<128xi32, #tpu.memory_space<vmem>>
    %dma_wait3A_3274 = arith.constant 0 : i32
    %dma_wait3A_3275 = arith.constant 0 : i32
    %dma_wait3A_3276 = tpu.memref_slice %arg4[%dma_wait3A_3274, %dma_wait3A_3275] : memref<40000x128xf32, #tpu.memory_space<hbm>> -> memref<40000x128xf32, #tpu.memory_space<hbm>>
    tpu.wait_indirect_dma semaphore(%arg18 : memref<!tpu.dma_semaphore, #tpu.memory_space<semaphore_mem>>) src(%dma_wait3A_3276 : memref<40000x128xf32, #tpu.memory_space<hbm>>) dst(%dma_wait3A_3271 : memref<128x128xf32, #tpu.memory_space<vmem>>)
    %dma_wait3A_3277 = arith.constant 128 : i32
    %dma_wait3A_3278 = arith.constant 0 : i32
    %dma_wait3A_3279 = tpu.memref_slice %arg15[%dma_wait3A_3277, %dma_wait3A_3278] : memref<256x128xf32, #tpu.memory_space<vmem>> -> memref<128x128xf32, #tpu.memory_space<vmem>>
    %dma_wait3A_3280 = arith.constant 2688 : i32
    %dma_wait3A_3281 = tpu.memref_slice %arg12[%dma_wait3A_3280] : memref<3840xi32, #tpu.memory_space<vmem>> -> memref<128xi32, #tpu.memory_space<vmem>>
    %dma_wait3A_3282 = arith.constant 0 : i32
    %dma_wait3A_3283 = arith.constant 0 : i32
    %dma_wait3A_3284 = tpu.memref_slice %arg4[%dma_wait3A_3282, %dma_wait3A_3283] : memref<40000x128xf32, #tpu.memory_space<hbm>> -> memref<40000x128xf32, #tpu.memory_space<hbm>>
    tpu.wait_indirect_dma semaphore(%arg18 : memref<!tpu.dma_semaphore, #tpu.memory_space<semaphore_mem>>) src(%dma_wait3A_3284 : memref<40000x128xf32, #tpu.memory_space<hbm>>) dst(%dma_wait3A_3279 : memref<128x128xf32, #tpu.memory_space<vmem>>)
    %add3A_3285 = arith.constant 2560 : i32
    %add3A_3286 = arith.addi %mul3A_4, %add3A_3285 : i32
    %dma_start3A_3287 = arith.constant 0 : i32
    %dma_start3A_3288 = arith.constant 0 : i32
    %dma_start3A_3289 = tpu.memref_slice %arg15[%dma_start3A_3287, %dma_start3A_3288] : memref<256x128xf32, #tpu.memory_space<vmem>> -> memref<256x128xf32, #tpu.memory_space<vmem>>
    %dma_start3A_3290 = arith.constant 0 : i32
    %dma_start3A_3291 = tpu.memref_slice %arg10[%add3A_3286, %dma_start3A_3290] : memref<122880x128xf32, #tpu.memory_space<hbm>> -> memref<256x128xf32, #tpu.memory_space<hbm>>
    %dma_start3A_3292 = arith.constant 0 : i32
    %dma_start3A_3293 = tpu.memref_slice %arg10[%add3A_3286, %dma_start3A_3292] : memref<122880x128xf32, #tpu.memory_space<hbm>> -> memref<256x128xf32, #tpu.memory_space<hbm>>
    %dma_start3A_3294 = arith.constant 0 : i32
    %dma_start3A_3295 = arith.constant 0 : i32
    %dma_start3A_3296 = tpu.memref_slice %arg15[%dma_start3A_3294, %dma_start3A_3295] : memref<256x128xf32, #tpu.memory_space<vmem>> -> memref<256x128xf32, #tpu.memory_space<vmem>>
    tpu.enqueue_dma source(%dma_start3A_3296 : memref<256x128xf32, #tpu.memory_space<vmem>>) target(%dma_start3A_3293 : memref<256x128xf32, #tpu.memory_space<hbm>>) target_semaphore(%arg21 : memref<!tpu.dma_semaphore, #tpu.memory_space<semaphore_mem>>)
    %dma_wait3A_3297 = arith.constant 0 : i32
    %dma_wait3A_3298 = arith.constant 0 : i32
    %dma_wait3A_3299 = tpu.memref_slice %arg15[%dma_wait3A_3297, %dma_wait3A_3298] : memref<256x128xf32, #tpu.memory_space<vmem>> -> memref<256x128xf32, #tpu.memory_space<vmem>>
    %dma_wait3A_3300 = arith.constant 0 : i32
    %dma_wait3A_3301 = tpu.memref_slice %arg10[%add3A_3286, %dma_wait3A_3300] : memref<122880x128xf32, #tpu.memory_space<hbm>> -> memref<256x128xf32, #tpu.memory_space<hbm>>
    %dma_wait3A_3302 = arith.constant 0 : i32
    %dma_wait3A_3303 = tpu.memref_slice %arg10[%add3A_3286, %dma_wait3A_3302] : memref<122880x128xf32, #tpu.memory_space<hbm>> -> memref<256x128xf32, #tpu.memory_space<hbm>>
    %dma_wait3A_3304 = arith.constant 0 : i32
    %dma_wait3A_3305 = arith.constant 0 : i32
    %dma_wait3A_3306 = tpu.memref_slice %arg15[%dma_wait3A_3304, %dma_wait3A_3305] : memref<256x128xf32, #tpu.memory_space<vmem>> -> memref<256x128xf32, #tpu.memory_space<vmem>>
    tpu.wait_dma2 semaphore(%arg21 : memref<!tpu.dma_semaphore, #tpu.memory_space<semaphore_mem>>) src(%dma_wait3A_3306 : memref<256x128xf32, #tpu.memory_space<vmem>>) dst(%dma_wait3A_3303 : memref<256x128xf32, #tpu.memory_space<hbm>>)
    %dma_start3A_3307 = arith.constant 0 : i32
    %dma_start3A_3308 = arith.constant 0 : i32
    %dma_start3A_3309 = tpu.memref_slice %arg15[%dma_start3A_3307, %dma_start3A_3308] : memref<256x128xf32, #tpu.memory_space<vmem>> -> memref<128x128xf32, #tpu.memory_space<vmem>>
    %dma_start3A_3310 = arith.constant 3328 : i32
    %dma_start3A_3311 = tpu.memref_slice %arg12[%dma_start3A_3310] : memref<3840xi32, #tpu.memory_space<vmem>> -> memref<128xi32, #tpu.memory_space<vmem>>
    %dma_start3A_3312 = arith.constant 0 : i32
    %dma_start3A_3313 = arith.constant 0 : i32
    %dma_start3A_3314 = tpu.memref_slice %arg4[%dma_start3A_3312, %dma_start3A_3313] : memref<40000x128xf32, #tpu.memory_space<hbm>> -> memref<40000x128xf32, #tpu.memory_space<hbm>>
    tpu.enqueue_indirect_dma source(%dma_start3A_3314 : memref<40000x128xf32, #tpu.memory_space<hbm>>) target(%dma_start3A_3309 : memref<128x128xf32, #tpu.memory_space<vmem>>) offsets(%dma_start3A_3311 : memref<128xi32, #tpu.memory_space<vmem>>) semaphore(%arg18 : memref<!tpu.dma_semaphore, #tpu.memory_space<semaphore_mem>>)
    %dma_start3A_3315 = arith.constant 128 : i32
    %dma_start3A_3316 = arith.constant 0 : i32
    %dma_start3A_3317 = tpu.memref_slice %arg15[%dma_start3A_3315, %dma_start3A_3316] : memref<256x128xf32, #tpu.memory_space<vmem>> -> memref<128x128xf32, #tpu.memory_space<vmem>>
    %dma_start3A_3318 = arith.constant 3456 : i32
    %dma_start3A_3319 = tpu.memref_slice %arg12[%dma_start3A_3318] : memref<3840xi32, #tpu.memory_space<vmem>> -> memref<128xi32, #tpu.memory_space<vmem>>
    %dma_start3A_3320 = arith.constant 0 : i32
    %dma_start3A_3321 = arith.constant 0 : i32
    %dma_start3A_3322 = tpu.memref_slice %arg4[%dma_start3A_3320, %dma_start3A_3321] : memref<40000x128xf32, #tpu.memory_space<hbm>> -> memref<40000x128xf32, #tpu.memory_space<hbm>>
    tpu.enqueue_indirect_dma source(%dma_start3A_3322 : memref<40000x128xf32, #tpu.memory_space<hbm>>) target(%dma_start3A_3317 : memref<128x128xf32, #tpu.memory_space<vmem>>) offsets(%dma_start3A_3319 : memref<128xi32, #tpu.memory_space<vmem>>) semaphore(%arg18 : memref<!tpu.dma_semaphore, #tpu.memory_space<semaphore_mem>>)
    %dma_wait3A_3323 = arith.constant 0 : i32
    %dma_wait3A_3324 = arith.constant 0 : i32
    %dma_wait3A_3325 = tpu.memref_slice %arg16[%dma_wait3A_3323, %dma_wait3A_3324] : memref<256x128xf32, #tpu.memory_space<vmem>> -> memref<128x128xf32, #tpu.memory_space<vmem>>
    %dma_wait3A_3326 = arith.constant 2816 : i32
    %dma_wait3A_3327 = tpu.memref_slice %arg12[%dma_wait3A_3326] : memref<3840xi32, #tpu.memory_space<vmem>> -> memref<128xi32, #tpu.memory_space<vmem>>
    %dma_wait3A_3328 = arith.constant 0 : i32
    %dma_wait3A_3329 = arith.constant 0 : i32
    %dma_wait3A_3330 = tpu.memref_slice %arg4[%dma_wait3A_3328, %dma_wait3A_3329] : memref<40000x128xf32, #tpu.memory_space<hbm>> -> memref<40000x128xf32, #tpu.memory_space<hbm>>
    tpu.wait_indirect_dma semaphore(%arg19 : memref<!tpu.dma_semaphore, #tpu.memory_space<semaphore_mem>>) src(%dma_wait3A_3330 : memref<40000x128xf32, #tpu.memory_space<hbm>>) dst(%dma_wait3A_3325 : memref<128x128xf32, #tpu.memory_space<vmem>>)
    %dma_wait3A_3331 = arith.constant 128 : i32
    %dma_wait3A_3332 = arith.constant 0 : i32
    %dma_wait3A_3333 = tpu.memref_slice %arg16[%dma_wait3A_3331, %dma_wait3A_3332] : memref<256x128xf32, #tpu.memory_space<vmem>> -> memref<128x128xf32, #tpu.memory_space<vmem>>
    %dma_wait3A_3334 = arith.constant 2944 : i32
    %dma_wait3A_3335 = tpu.memref_slice %arg12[%dma_wait3A_3334] : memref<3840xi32, #tpu.memory_space<vmem>> -> memref<128xi32, #tpu.memory_space<vmem>>
    %dma_wait3A_3336 = arith.constant 0 : i32
    %dma_wait3A_3337 = arith.constant 0 : i32
    %dma_wait3A_3338 = tpu.memref_slice %arg4[%dma_wait3A_3336, %dma_wait3A_3337] : memref<40000x128xf32, #tpu.memory_space<hbm>> -> memref<40000x128xf32, #tpu.memory_space<hbm>>
    tpu.wait_indirect_dma semaphore(%arg19 : memref<!tpu.dma_semaphore, #tpu.memory_space<semaphore_mem>>) src(%dma_wait3A_3338 : memref<40000x128xf32, #tpu.memory_space<hbm>>) dst(%dma_wait3A_3333 : memref<128x128xf32, #tpu.memory_space<vmem>>)
    %add3A_3339 = arith.constant 2816 : i32
    %add3A_3340 = arith.addi %mul3A_4, %add3A_3339 : i32
    %dma_start3A_3341 = arith.constant 0 : i32
    %dma_start3A_3342 = arith.constant 0 : i32
    %dma_start3A_3343 = tpu.memref_slice %arg16[%dma_start3A_3341, %dma_start3A_3342] : memref<256x128xf32, #tpu.memory_space<vmem>> -> memref<256x128xf32, #tpu.memory_space<vmem>>
    %dma_start3A_3344 = arith.constant 0 : i32
    %dma_start3A_3345 = tpu.memref_slice %arg10[%add3A_3340, %dma_start3A_3344] : memref<122880x128xf32, #tpu.memory_space<hbm>> -> memref<256x128xf32, #tpu.memory_space<hbm>>
    %dma_start3A_3346 = arith.constant 0 : i32
    %dma_start3A_3347 = tpu.memref_slice %arg10[%add3A_3340, %dma_start3A_3346] : memref<122880x128xf32, #tpu.memory_space<hbm>> -> memref<256x128xf32, #tpu.memory_space<hbm>>
    %dma_start3A_3348 = arith.constant 0 : i32
    %dma_start3A_3349 = arith.constant 0 : i32
    %dma_start3A_3350 = tpu.memref_slice %arg16[%dma_start3A_3348, %dma_start3A_3349] : memref<256x128xf32, #tpu.memory_space<vmem>> -> memref<256x128xf32, #tpu.memory_space<vmem>>
    tpu.enqueue_dma source(%dma_start3A_3350 : memref<256x128xf32, #tpu.memory_space<vmem>>) target(%dma_start3A_3347 : memref<256x128xf32, #tpu.memory_space<hbm>>) target_semaphore(%arg22 : memref<!tpu.dma_semaphore, #tpu.memory_space<semaphore_mem>>)
    %dma_wait3A_3351 = arith.constant 0 : i32
    %dma_wait3A_3352 = arith.constant 0 : i32
    %dma_wait3A_3353 = tpu.memref_slice %arg16[%dma_wait3A_3351, %dma_wait3A_3352] : memref<256x128xf32, #tpu.memory_space<vmem>> -> memref<256x128xf32, #tpu.memory_space<vmem>>
    %dma_wait3A_3354 = arith.constant 0 : i32
    %dma_wait3A_3355 = tpu.memref_slice %arg10[%add3A_3340, %dma_wait3A_3354] : memref<122880x128xf32, #tpu.memory_space<hbm>> -> memref<256x128xf32, #tpu.memory_space<hbm>>
    %dma_wait3A_3356 = arith.constant 0 : i32
    %dma_wait3A_3357 = tpu.memref_slice %arg10[%add3A_3340, %dma_wait3A_3356] : memref<122880x128xf32, #tpu.memory_space<hbm>> -> memref<256x128xf32, #tpu.memory_space<hbm>>
    %dma_wait3A_3358 = arith.constant 0 : i32
    %dma_wait3A_3359 = arith.constant 0 : i32
    %dma_wait3A_3360 = tpu.memref_slice %arg16[%dma_wait3A_3358, %dma_wait3A_3359] : memref<256x128xf32, #tpu.memory_space<vmem>> -> memref<256x128xf32, #tpu.memory_space<vmem>>
    tpu.wait_dma2 semaphore(%arg22 : memref<!tpu.dma_semaphore, #tpu.memory_space<semaphore_mem>>) src(%dma_wait3A_3360 : memref<256x128xf32, #tpu.memory_space<vmem>>) dst(%dma_wait3A_3357 : memref<256x128xf32, #tpu.memory_space<hbm>>)
    %dma_start3A_3361 = arith.constant 0 : i32
    %dma_start3A_3362 = arith.constant 0 : i32
    %dma_start3A_3363 = tpu.memref_slice %arg16[%dma_start3A_3361, %dma_start3A_3362] : memref<256x128xf32, #tpu.memory_space<vmem>> -> memref<128x128xf32, #tpu.memory_space<vmem>>
    %dma_start3A_3364 = arith.constant 3584 : i32
    %dma_start3A_3365 = tpu.memref_slice %arg12[%dma_start3A_3364] : memref<3840xi32, #tpu.memory_space<vmem>> -> memref<128xi32, #tpu.memory_space<vmem>>
    %dma_start3A_3366 = arith.constant 0 : i32
    %dma_start3A_3367 = arith.constant 0 : i32
    %dma_start3A_3368 = tpu.memref_slice %arg4[%dma_start3A_3366, %dma_start3A_3367] : memref<40000x128xf32, #tpu.memory_space<hbm>> -> memref<40000x128xf32, #tpu.memory_space<hbm>>
    tpu.enqueue_indirect_dma source(%dma_start3A_3368 : memref<40000x128xf32, #tpu.memory_space<hbm>>) target(%dma_start3A_3363 : memref<128x128xf32, #tpu.memory_space<vmem>>) offsets(%dma_start3A_3365 : memref<128xi32, #tpu.memory_space<vmem>>) semaphore(%arg19 : memref<!tpu.dma_semaphore, #tpu.memory_space<semaphore_mem>>)
    %dma_start3A_3369 = arith.constant 128 : i32
    %dma_start3A_3370 = arith.constant 0 : i32
    %dma_start3A_3371 = tpu.memref_slice %arg16[%dma_start3A_3369, %dma_start3A_3370] : memref<256x128xf32, #tpu.memory_space<vmem>> -> memref<128x128xf32, #tpu.memory_space<vmem>>
    %dma_start3A_3372 = arith.constant 3712 : i32
    %dma_start3A_3373 = tpu.memref_slice %arg12[%dma_start3A_3372] : memref<3840xi32, #tpu.memory_space<vmem>> -> memref<128xi32, #tpu.memory_space<vmem>>
    %dma_start3A_3374 = arith.constant 0 : i32
    %dma_start3A_3375 = arith.constant 0 : i32
    %dma_start3A_3376 = tpu.memref_slice %arg4[%dma_start3A_3374, %dma_start3A_3375] : memref<40000x128xf32, #tpu.memory_space<hbm>> -> memref<40000x128xf32, #tpu.memory_space<hbm>>
    tpu.enqueue_indirect_dma source(%dma_start3A_3376 : memref<40000x128xf32, #tpu.memory_space<hbm>>) target(%dma_start3A_3371 : memref<128x128xf32, #tpu.memory_space<vmem>>) offsets(%dma_start3A_3373 : memref<128xi32, #tpu.memory_space<vmem>>) semaphore(%arg19 : memref<!tpu.dma_semaphore, #tpu.memory_space<semaphore_mem>>)
    %dma_wait3A_3377 = arith.constant 0 : i32
    %dma_wait3A_3378 = arith.constant 0 : i32
    %dma_wait3A_3379 = tpu.memref_slice %arg14[%dma_wait3A_3377, %dma_wait3A_3378] : memref<256x128xf32, #tpu.memory_space<vmem>> -> memref<128x128xf32, #tpu.memory_space<vmem>>
    %dma_wait3A_3380 = arith.constant 3072 : i32
    %dma_wait3A_3381 = tpu.memref_slice %arg12[%dma_wait3A_3380] : memref<3840xi32, #tpu.memory_space<vmem>> -> memref<128xi32, #tpu.memory_space<vmem>>
    %dma_wait3A_3382 = arith.constant 0 : i32
    %dma_wait3A_3383 = arith.constant 0 : i32
    %dma_wait3A_3384 = tpu.memref_slice %arg4[%dma_wait3A_3382, %dma_wait3A_3383] : memref<40000x128xf32, #tpu.memory_space<hbm>> -> memref<40000x128xf32, #tpu.memory_space<hbm>>
    tpu.wait_indirect_dma semaphore(%arg17 : memref<!tpu.dma_semaphore, #tpu.memory_space<semaphore_mem>>) src(%dma_wait3A_3384 : memref<40000x128xf32, #tpu.memory_space<hbm>>) dst(%dma_wait3A_3379 : memref<128x128xf32, #tpu.memory_space<vmem>>)
    %dma_wait3A_3385 = arith.constant 128 : i32
    %dma_wait3A_3386 = arith.constant 0 : i32
    %dma_wait3A_3387 = tpu.memref_slice %arg14[%dma_wait3A_3385, %dma_wait3A_3386] : memref<256x128xf32, #tpu.memory_space<vmem>> -> memref<128x128xf32, #tpu.memory_space<vmem>>
    %dma_wait3A_3388 = arith.constant 3200 : i32
    %dma_wait3A_3389 = tpu.memref_slice %arg12[%dma_wait3A_3388] : memref<3840xi32, #tpu.memory_space<vmem>> -> memref<128xi32, #tpu.memory_space<vmem>>
    %dma_wait3A_3390 = arith.constant 0 : i32
    %dma_wait3A_3391 = arith.constant 0 : i32
    %dma_wait3A_3392 = tpu.memref_slice %arg4[%dma_wait3A_3390, %dma_wait3A_3391] : memref<40000x128xf32, #tpu.memory_space<hbm>> -> memref<40000x128xf32, #tpu.memory_space<hbm>>
    tpu.wait_indirect_dma semaphore(%arg17 : memref<!tpu.dma_semaphore, #tpu.memory_space<semaphore_mem>>) src(%dma_wait3A_3392 : memref<40000x128xf32, #tpu.memory_space<hbm>>) dst(%dma_wait3A_3387 : memref<128x128xf32, #tpu.memory_space<vmem>>)
    %add3A_3393 = arith.constant 3072 : i32
    %add3A_3394 = arith.addi %mul3A_4, %add3A_3393 : i32
    %dma_start3A_3395 = arith.constant 0 : i32
    %dma_start3A_3396 = arith.constant 0 : i32
    %dma_start3A_3397 = tpu.memref_slice %arg14[%dma_start3A_3395, %dma_start3A_3396] : memref<256x128xf32, #tpu.memory_space<vmem>> -> memref<256x128xf32, #tpu.memory_space<vmem>>
    %dma_start3A_3398 = arith.constant 0 : i32
    %dma_start3A_3399 = tpu.memref_slice %arg10[%add3A_3394, %dma_start3A_3398] : memref<122880x128xf32, #tpu.memory_space<hbm>> -> memref<256x128xf32, #tpu.memory_space<hbm>>
    %dma_start3A_3400 = arith.constant 0 : i32
    %dma_start3A_3401 = tpu.memref_slice %arg10[%add3A_3394, %dma_start3A_3400] : memref<122880x128xf32, #tpu.memory_space<hbm>> -> memref<256x128xf32, #tpu.memory_space<hbm>>
    %dma_start3A_3402 = arith.constant 0 : i32
    %dma_start3A_3403 = arith.constant 0 : i32
    %dma_start3A_3404 = tpu.memref_slice %arg14[%dma_start3A_3402, %dma_start3A_3403] : memref<256x128xf32, #tpu.memory_space<vmem>> -> memref<256x128xf32, #tpu.memory_space<vmem>>
    tpu.enqueue_dma source(%dma_start3A_3404 : memref<256x128xf32, #tpu.memory_space<vmem>>) target(%dma_start3A_3401 : memref<256x128xf32, #tpu.memory_space<hbm>>) target_semaphore(%arg20 : memref<!tpu.dma_semaphore, #tpu.memory_space<semaphore_mem>>)
    %dma_wait3A_3405 = arith.constant 0 : i32
    %dma_wait3A_3406 = arith.constant 0 : i32
    %dma_wait3A_3407 = tpu.memref_slice %arg15[%dma_wait3A_3405, %dma_wait3A_3406] : memref<256x128xf32, #tpu.memory_space<vmem>> -> memref<128x128xf32, #tpu.memory_space<vmem>>
    %dma_wait3A_3408 = arith.constant 3328 : i32
    %dma_wait3A_3409 = tpu.memref_slice %arg12[%dma_wait3A_3408] : memref<3840xi32, #tpu.memory_space<vmem>> -> memref<128xi32, #tpu.memory_space<vmem>>
    %dma_wait3A_3410 = arith.constant 0 : i32
    %dma_wait3A_3411 = arith.constant 0 : i32
    %dma_wait3A_3412 = tpu.memref_slice %arg4[%dma_wait3A_3410, %dma_wait3A_3411] : memref<40000x128xf32, #tpu.memory_space<hbm>> -> memref<40000x128xf32, #tpu.memory_space<hbm>>
    tpu.wait_indirect_dma semaphore(%arg18 : memref<!tpu.dma_semaphore, #tpu.memory_space<semaphore_mem>>) src(%dma_wait3A_3412 : memref<40000x128xf32, #tpu.memory_space<hbm>>) dst(%dma_wait3A_3407 : memref<128x128xf32, #tpu.memory_space<vmem>>)
    %dma_wait3A_3413 = arith.constant 128 : i32
    %dma_wait3A_3414 = arith.constant 0 : i32
    %dma_wait3A_3415 = tpu.memref_slice %arg15[%dma_wait3A_3413, %dma_wait3A_3414] : memref<256x128xf32, #tpu.memory_space<vmem>> -> memref<128x128xf32, #tpu.memory_space<vmem>>
    %dma_wait3A_3416 = arith.constant 3456 : i32
    %dma_wait3A_3417 = tpu.memref_slice %arg12[%dma_wait3A_3416] : memref<3840xi32, #tpu.memory_space<vmem>> -> memref<128xi32, #tpu.memory_space<vmem>>
    %dma_wait3A_3418 = arith.constant 0 : i32
    %dma_wait3A_3419 = arith.constant 0 : i32
    %dma_wait3A_3420 = tpu.memref_slice %arg4[%dma_wait3A_3418, %dma_wait3A_3419] : memref<40000x128xf32, #tpu.memory_space<hbm>> -> memref<40000x128xf32, #tpu.memory_space<hbm>>
    tpu.wait_indirect_dma semaphore(%arg18 : memref<!tpu.dma_semaphore, #tpu.memory_space<semaphore_mem>>) src(%dma_wait3A_3420 : memref<40000x128xf32, #tpu.memory_space<hbm>>) dst(%dma_wait3A_3415 : memref<128x128xf32, #tpu.memory_space<vmem>>)
    %add3A_3421 = arith.constant 3328 : i32
    %add3A_3422 = arith.addi %mul3A_4, %add3A_3421 : i32
    %dma_start3A_3423 = arith.constant 0 : i32
    %dma_start3A_3424 = arith.constant 0 : i32
    %dma_start3A_3425 = tpu.memref_slice %arg15[%dma_start3A_3423, %dma_start3A_3424] : memref<256x128xf32, #tpu.memory_space<vmem>> -> memref<256x128xf32, #tpu.memory_space<vmem>>
    %dma_start3A_3426 = arith.constant 0 : i32
    %dma_start3A_3427 = tpu.memref_slice %arg10[%add3A_3422, %dma_start3A_3426] : memref<122880x128xf32, #tpu.memory_space<hbm>> -> memref<256x128xf32, #tpu.memory_space<hbm>>
    %dma_start3A_3428 = arith.constant 0 : i32
    %dma_start3A_3429 = tpu.memref_slice %arg10[%add3A_3422, %dma_start3A_3428] : memref<122880x128xf32, #tpu.memory_space<hbm>> -> memref<256x128xf32, #tpu.memory_space<hbm>>
    %dma_start3A_3430 = arith.constant 0 : i32
    %dma_start3A_3431 = arith.constant 0 : i32
    %dma_start3A_3432 = tpu.memref_slice %arg15[%dma_start3A_3430, %dma_start3A_3431] : memref<256x128xf32, #tpu.memory_space<vmem>> -> memref<256x128xf32, #tpu.memory_space<vmem>>
    tpu.enqueue_dma source(%dma_start3A_3432 : memref<256x128xf32, #tpu.memory_space<vmem>>) target(%dma_start3A_3429 : memref<256x128xf32, #tpu.memory_space<hbm>>) target_semaphore(%arg21 : memref<!tpu.dma_semaphore, #tpu.memory_space<semaphore_mem>>)
    %dma_wait3A_3433 = arith.constant 0 : i32
    %dma_wait3A_3434 = arith.constant 0 : i32
    %dma_wait3A_3435 = tpu.memref_slice %arg16[%dma_wait3A_3433, %dma_wait3A_3434] : memref<256x128xf32, #tpu.memory_space<vmem>> -> memref<128x128xf32, #tpu.memory_space<vmem>>
    %dma_wait3A_3436 = arith.constant 3584 : i32
    %dma_wait3A_3437 = tpu.memref_slice %arg12[%dma_wait3A_3436] : memref<3840xi32, #tpu.memory_space<vmem>> -> memref<128xi32, #tpu.memory_space<vmem>>
    %dma_wait3A_3438 = arith.constant 0 : i32
    %dma_wait3A_3439 = arith.constant 0 : i32
    %dma_wait3A_3440 = tpu.memref_slice %arg4[%dma_wait3A_3438, %dma_wait3A_3439] : memref<40000x128xf32, #tpu.memory_space<hbm>> -> memref<40000x128xf32, #tpu.memory_space<hbm>>
    tpu.wait_indirect_dma semaphore(%arg19 : memref<!tpu.dma_semaphore, #tpu.memory_space<semaphore_mem>>) src(%dma_wait3A_3440 : memref<40000x128xf32, #tpu.memory_space<hbm>>) dst(%dma_wait3A_3435 : memref<128x128xf32, #tpu.memory_space<vmem>>)
    %dma_wait3A_3441 = arith.constant 128 : i32
    %dma_wait3A_3442 = arith.constant 0 : i32
    %dma_wait3A_3443 = tpu.memref_slice %arg16[%dma_wait3A_3441, %dma_wait3A_3442] : memref<256x128xf32, #tpu.memory_space<vmem>> -> memref<128x128xf32, #tpu.memory_space<vmem>>
    %dma_wait3A_3444 = arith.constant 3712 : i32
    %dma_wait3A_3445 = tpu.memref_slice %arg12[%dma_wait3A_3444] : memref<3840xi32, #tpu.memory_space<vmem>> -> memref<128xi32, #tpu.memory_space<vmem>>
    %dma_wait3A_3446 = arith.constant 0 : i32
    %dma_wait3A_3447 = arith.constant 0 : i32
    %dma_wait3A_3448 = tpu.memref_slice %arg4[%dma_wait3A_3446, %dma_wait3A_3447] : memref<40000x128xf32, #tpu.memory_space<hbm>> -> memref<40000x128xf32, #tpu.memory_space<hbm>>
    tpu.wait_indirect_dma semaphore(%arg19 : memref<!tpu.dma_semaphore, #tpu.memory_space<semaphore_mem>>) src(%dma_wait3A_3448 : memref<40000x128xf32, #tpu.memory_space<hbm>>) dst(%dma_wait3A_3443 : memref<128x128xf32, #tpu.memory_space<vmem>>)
    %add3A_3449 = arith.constant 3584 : i32
    %add3A_3450 = arith.addi %mul3A_4, %add3A_3449 : i32
    %dma_start3A_3451 = arith.constant 0 : i32
    %dma_start3A_3452 = arith.constant 0 : i32
    %dma_start3A_3453 = tpu.memref_slice %arg16[%dma_start3A_3451, %dma_start3A_3452] : memref<256x128xf32, #tpu.memory_space<vmem>> -> memref<256x128xf32, #tpu.memory_space<vmem>>
    %dma_start3A_3454 = arith.constant 0 : i32
    %dma_start3A_3455 = tpu.memref_slice %arg10[%add3A_3450, %dma_start3A_3454] : memref<122880x128xf32, #tpu.memory_space<hbm>> -> memref<256x128xf32, #tpu.memory_space<hbm>>
    %dma_start3A_3456 = arith.constant 0 : i32
    %dma_start3A_3457 = tpu.memref_slice %arg10[%add3A_3450, %dma_start3A_3456] : memref<122880x128xf32, #tpu.memory_space<hbm>> -> memref<256x128xf32, #tpu.memory_space<hbm>>
    %dma_start3A_3458 = arith.constant 0 : i32
    %dma_start3A_3459 = arith.constant 0 : i32
    %dma_start3A_3460 = tpu.memref_slice %arg16[%dma_start3A_3458, %dma_start3A_3459] : memref<256x128xf32, #tpu.memory_space<vmem>> -> memref<256x128xf32, #tpu.memory_space<vmem>>
    tpu.enqueue_dma source(%dma_start3A_3460 : memref<256x128xf32, #tpu.memory_space<vmem>>) target(%dma_start3A_3457 : memref<256x128xf32, #tpu.memory_space<hbm>>) target_semaphore(%arg22 : memref<!tpu.dma_semaphore, #tpu.memory_space<semaphore_mem>>)
    %dma_wait3A_3461 = arith.constant 0 : i32
    %dma_wait3A_3462 = arith.constant 0 : i32
    %dma_wait3A_3463 = tpu.memref_slice %arg14[%dma_wait3A_3461, %dma_wait3A_3462] : memref<256x128xf32, #tpu.memory_space<vmem>> -> memref<256x128xf32, #tpu.memory_space<vmem>>
    %dma_wait3A_3464 = arith.constant 0 : i32
    %dma_wait3A_3465 = tpu.memref_slice %arg10[%add3A_3394, %dma_wait3A_3464] : memref<122880x128xf32, #tpu.memory_space<hbm>> -> memref<256x128xf32, #tpu.memory_space<hbm>>
    %dma_wait3A_3466 = arith.constant 0 : i32
    %dma_wait3A_3467 = tpu.memref_slice %arg10[%add3A_3394, %dma_wait3A_3466] : memref<122880x128xf32, #tpu.memory_space<hbm>> -> memref<256x128xf32, #tpu.memory_space<hbm>>
    %dma_wait3A_3468 = arith.constant 0 : i32
    %dma_wait3A_3469 = arith.constant 0 : i32
    %dma_wait3A_3470 = tpu.memref_slice %arg14[%dma_wait3A_3468, %dma_wait3A_3469] : memref<256x128xf32, #tpu.memory_space<vmem>> -> memref<256x128xf32, #tpu.memory_space<vmem>>
    tpu.wait_dma2 semaphore(%arg20 : memref<!tpu.dma_semaphore, #tpu.memory_space<semaphore_mem>>) src(%dma_wait3A_3470 : memref<256x128xf32, #tpu.memory_space<vmem>>) dst(%dma_wait3A_3467 : memref<256x128xf32, #tpu.memory_space<hbm>>)
    %dma_wait3A_3471 = arith.constant 0 : i32
    %dma_wait3A_3472 = arith.constant 0 : i32
    %dma_wait3A_3473 = tpu.memref_slice %arg15[%dma_wait3A_3471, %dma_wait3A_3472] : memref<256x128xf32, #tpu.memory_space<vmem>> -> memref<256x128xf32, #tpu.memory_space<vmem>>
    %dma_wait3A_3474 = arith.constant 0 : i32
    %dma_wait3A_3475 = tpu.memref_slice %arg10[%add3A_3422, %dma_wait3A_3474] : memref<122880x128xf32, #tpu.memory_space<hbm>> -> memref<256x128xf32, #tpu.memory_space<hbm>>
    %dma_wait3A_3476 = arith.constant 0 : i32
    %dma_wait3A_3477 = tpu.memref_slice %arg10[%add3A_3422, %dma_wait3A_3476] : memref<122880x128xf32, #tpu.memory_space<hbm>> -> memref<256x128xf32, #tpu.memory_space<hbm>>
    %dma_wait3A_3478 = arith.constant 0 : i32
    %dma_wait3A_3479 = arith.constant 0 : i32
    %dma_wait3A_3480 = tpu.memref_slice %arg15[%dma_wait3A_3478, %dma_wait3A_3479] : memref<256x128xf32, #tpu.memory_space<vmem>> -> memref<256x128xf32, #tpu.memory_space<vmem>>
    tpu.wait_dma2 semaphore(%arg21 : memref<!tpu.dma_semaphore, #tpu.memory_space<semaphore_mem>>) src(%dma_wait3A_3480 : memref<256x128xf32, #tpu.memory_space<vmem>>) dst(%dma_wait3A_3477 : memref<256x128xf32, #tpu.memory_space<hbm>>)
    %dma_wait3A_3481 = arith.constant 0 : i32
    %dma_wait3A_3482 = arith.constant 0 : i32
    %dma_wait3A_3483 = tpu.memref_slice %arg16[%dma_wait3A_3481, %dma_wait3A_3482] : memref<256x128xf32, #tpu.memory_space<vmem>> -> memref<256x128xf32, #tpu.memory_space<vmem>>
    %dma_wait3A_3484 = arith.constant 0 : i32
    %dma_wait3A_3485 = tpu.memref_slice %arg10[%add3A_3450, %dma_wait3A_3484] : memref<122880x128xf32, #tpu.memory_space<hbm>> -> memref<256x128xf32, #tpu.memory_space<hbm>>
    %dma_wait3A_3486 = arith.constant 0 : i32
    %dma_wait3A_3487 = tpu.memref_slice %arg10[%add3A_3450, %dma_wait3A_3486] : memref<122880x128xf32, #tpu.memory_space<hbm>> -> memref<256x128xf32, #tpu.memory_space<hbm>>
    %dma_wait3A_3488 = arith.constant 0 : i32
    %dma_wait3A_3489 = arith.constant 0 : i32
    %dma_wait3A_3490 = tpu.memref_slice %arg16[%dma_wait3A_3488, %dma_wait3A_3489] : memref<256x128xf32, #tpu.memory_space<vmem>> -> memref<256x128xf32, #tpu.memory_space<vmem>>
    tpu.wait_dma2 semaphore(%arg22 : memref<!tpu.dma_semaphore, #tpu.memory_space<semaphore_mem>>) src(%dma_wait3A_3490 : memref<256x128xf32, #tpu.memory_space<vmem>>) dst(%dma_wait3A_3487 : memref<256x128xf32, #tpu.memory_space<hbm>>)
    return
  }
}

module attributes {stable_mosaic.version = 14 : i64} {
  func.func @_tc_body(%arg0: i32, %arg1: memref<64x20x128xf32, #tpu.memory_space<vmem>>, %arg2: memref<64x20x128xf32, #tpu.memory_space<vmem>>, %arg3: memref<64x20xf32, #tpu.memory_space<vmem>>, %arg4: memref<64x20x20xi32, #tpu.memory_space<vmem>>, %arg5: memref<4x12x320x128xf32, #tpu.memory_space<vmem>>, %arg6: memref<4x12x320xf32, #tpu.memory_space<vmem>>, %arg7: memref<4x128xf32, #tpu.memory_space<vmem>>, %arg8: memref<128x128xf32, #tpu.memory_space<vmem>>, %arg9: memref<1x128xf32, #tpu.memory_space<vmem>>, %arg10: memref<128x128xf32, #tpu.memory_space<vmem>>, %arg11: memref<128x128xf32, #tpu.memory_space<vmem>>, %arg12: memref<128x128xf32, #tpu.memory_space<vmem>>, %arg13: memref<1x128xf32, #tpu.memory_space<vmem>>, %arg14: memref<128x128xf32, #tpu.memory_space<vmem>>, %arg15: memref<128x128xf32, #tpu.memory_space<vmem>>, %arg16: memref<1x128xf32, #tpu.memory_space<vmem>>, %arg17: memref<64x20x128xf32, #tpu.memory_space<vmem>>) attributes {dimension_semantics = [#tpu.dimension_semantics<parallel>], iteration_bounds = array<i64: 8>, scalar_prefetch = 0 : i64, scratch_operands = 0 : i64, tpu.core_type = #tpu.core_type<tc>, window_params = [{transform_indices = @transform_0, window_bounds = array<i64: 64, 20, 128>}, {transform_indices = @transform_1, window_bounds = array<i64: 64, 20, 128>}, {transform_indices = @transform_2, window_bounds = array<i64: 64, 20>}, {transform_indices = @transform_3, window_bounds = array<i64: 64, 20, 20>}, {transform_indices = @transform_4, window_bounds = array<i64: 4, 12, 320, 128>}, {transform_indices = @transform_5, window_bounds = array<i64: 4, 12, 320>}, {pipeline_mode = #tpu.pipeline_mode<synchronous>, transform_indices = @transform_6, window_bounds = array<i64: 4, 128>}, {pipeline_mode = #tpu.pipeline_mode<synchronous>, transform_indices = @transform_7, window_bounds = array<i64: 128, 128>}, {pipeline_mode = #tpu.pipeline_mode<synchronous>, transform_indices = @transform_8, window_bounds = array<i64: 1, 128>}, {pipeline_mode = #tpu.pipeline_mode<synchronous>, transform_indices = @transform_9, window_bounds = array<i64: 128, 128>}, {pipeline_mode = #tpu.pipeline_mode<synchronous>, transform_indices = @transform_10, window_bounds = array<i64: 128, 128>}, {pipeline_mode = #tpu.pipeline_mode<synchronous>, transform_indices = @transform_11, window_bounds = array<i64: 128, 128>}, {pipeline_mode = #tpu.pipeline_mode<synchronous>, transform_indices = @transform_12, window_bounds = array<i64: 1, 128>}, {pipeline_mode = #tpu.pipeline_mode<synchronous>, transform_indices = @transform_13, window_bounds = array<i64: 128, 128>}, {pipeline_mode = #tpu.pipeline_mode<synchronous>, transform_indices = @transform_14, window_bounds = array<i64: 128, 128>}, {pipeline_mode = #tpu.pipeline_mode<synchronous>, transform_indices = @transform_15, window_bounds = array<i64: 1, 128>}, {transform_indices = @transform_16, window_bounds = array<i64: 64, 20, 128>}]} {
    %get3A = arith.constant 0 : index
    %get3A_0 = arith.constant 0 : index
    %get3A_1 = arith.constant 0 : index
    %get3A_2 = vector.load %arg1[%get3A, %get3A_0, %get3A_1] : memref<64x20x128xf32, #tpu.memory_space<vmem>>, vector<64x20x128xf32>
    %get3A_3 = arith.constant 0 : index
    %get3A_4 = arith.constant 0 : index
    %get3A_5 = vector.load %arg7[%get3A_3, %get3A_4] : memref<4x128xf32, #tpu.memory_space<vmem>>, vector<4x128xf32>
    %slice3A = vector.extract_strided_slice %get3A_5 {offsets = [0, 0], sizes = [1, 128], strides = [1, 1]} : vector<4x128xf32> to vector<1x128xf32>
    %squeeze3A = vector.shape_cast %slice3A : vector<1x128xf32> to vector<128xf32>
    %broadcast_in_dim3A = vector.shape_cast %squeeze3A : vector<128xf32> to vector<1x1x128xf32>
    %mul3A = vector.broadcast %broadcast_in_dim3A : vector<1x1x128xf32> to vector<64x20x128xf32>
    %mul3A_6 = arith.mulf %get3A_2, %mul3A : vector<64x20x128xf32>
    %slice3A_7 = vector.extract_strided_slice %get3A_5 {offsets = [1, 0], sizes = [1, 128], strides = [1, 1]} : vector<4x128xf32> to vector<1x128xf32>
    %squeeze3A_8 = vector.shape_cast %slice3A_7 : vector<1x128xf32> to vector<128xf32>
    %broadcast_in_dim3A_9 = vector.shape_cast %squeeze3A_8 : vector<128xf32> to vector<1x1x128xf32>
    %mul3A_10 = vector.broadcast %broadcast_in_dim3A_9 : vector<1x1x128xf32> to vector<64x20x128xf32>
    %mul3A_11 = arith.mulf %get3A_2, %mul3A_10 : vector<64x20x128xf32>
    %slice3A_12 = vector.extract_strided_slice %get3A_5 {offsets = [2, 0], sizes = [1, 128], strides = [1, 1]} : vector<4x128xf32> to vector<1x128xf32>
    %squeeze3A_13 = vector.shape_cast %slice3A_12 : vector<1x128xf32> to vector<128xf32>
    %broadcast_in_dim3A_14 = vector.shape_cast %squeeze3A_13 : vector<128xf32> to vector<1x1x128xf32>
    %mul3A_15 = vector.broadcast %broadcast_in_dim3A_14 : vector<1x1x128xf32> to vector<64x20x128xf32>
    %mul3A_16 = arith.mulf %get3A_2, %mul3A_15 : vector<64x20x128xf32>
    %slice3A_17 = vector.extract_strided_slice %get3A_5 {offsets = [3, 0], sizes = [1, 128], strides = [1, 1]} : vector<4x128xf32> to vector<1x128xf32>
    %squeeze3A_18 = vector.shape_cast %slice3A_17 : vector<1x128xf32> to vector<128xf32>
    %broadcast_in_dim3A_19 = vector.shape_cast %squeeze3A_18 : vector<128xf32> to vector<1x1x128xf32>
    %mul3A_20 = vector.broadcast %broadcast_in_dim3A_19 : vector<1x1x128xf32> to vector<64x20x128xf32>
    %mul3A_21 = arith.mulf %get3A_2, %mul3A_20 : vector<64x20x128xf32>
    %concatenate3A = tpu.concatenate %mul3A_6, %mul3A_11, %mul3A_16, %mul3A_21 in 1 : vector<64x20x128xf32>, vector<64x20x128xf32>, vector<64x20x128xf32>, vector<64x20x128xf32> -> vector<64x80x128xf32>
    %dot_general3A = arith.constant dense<0.000000e+00> : vector<64x80x20xf32>
    %dot_general3A_22 = tpu.matmul %concatenate3A, %get3A_2, %dot_general3A {dimension_numbers = #tpu.dot_dimension_numbers<[2], [2], [1], [1], [0, 0, 0, 1, 1, 1], [0], [0]>, transpose_lhs_hint = false} : vector<64x80x128xf32>, vector<64x20x128xf32>, vector<64x80x20xf32> -> vector<64x80x20xf32>
    %ge3A = arith.constant 0.000000e+00 : f32
    %ge3A_23 = vector.broadcast %ge3A : f32 to vector<64x80x20xf32>
    %ge3A_24 = arith.cmpf oge, %dot_general3A_22, %ge3A_23 : vector<64x80x20xf32>
    %mul3A_25 = arith.constant 2.000000e-01 : f32
    %mul3A_26 = vector.broadcast %mul3A_25 : f32 to vector<64x80x20xf32>
    %mul3A_27 = arith.mulf %mul3A_26, %dot_general3A_22 : vector<64x80x20xf32>
    %select_n3A = arith.select %ge3A_24, %dot_general3A_22, %mul3A_27 : vector<64x80x20xi1>, vector<64x80x20xf32>
    %get3A_28 = arith.constant 0 : index
    %get3A_29 = arith.constant 0 : index
    %get3A_30 = arith.constant 0 : index
    %get3A_31 = vector.load %arg4[%get3A_28, %get3A_29, %get3A_30] : memref<64x20x20xi32, #tpu.memory_space<vmem>>, vector<64x20x20xi32>
    %eq3A = arith.constant 1 : i32
    %eq3A_32 = vector.broadcast %eq3A : i32 to vector<64x20x20xi32>
    %eq3A_33 = arith.cmpi eq, %get3A_31, %eq3A_32 : vector<64x20x20xi32>
    %slice3A_34 = vector.extract_strided_slice %select_n3A {offsets = [0, 0, 0], sizes = [64, 20, 20], strides = [1, 1, 1]} : vector<64x80x20xf32> to vector<64x20x20xf32>
    %jit3A = arith.constant -9.000000e+15 : f32
    %broadcast_in_dim3A_35 = vector.broadcast %jit3A : f32 to vector<64x20x20xf32>
    %select_n3A_36 = arith.select %eq3A_33, %slice3A_34, %broadcast_in_dim3A_35 : vector<64x20x20xi1>, vector<64x20x20xf32>
    %eq3A_37 = arith.constant 2 : i32
    %eq3A_38 = vector.broadcast %eq3A_37 : i32 to vector<64x20x20xi32>
    %eq3A_39 = arith.cmpi eq, %get3A_31, %eq3A_38 : vector<64x20x20xi32>
    %slice3A_40 = vector.extract_strided_slice %select_n3A {offsets = [0, 20, 0], sizes = [64, 20, 20], strides = [1, 1, 1]} : vector<64x80x20xf32> to vector<64x20x20xf32>
    %select_n3A_41 = arith.select %eq3A_39, %slice3A_40, %select_n3A_36 : vector<64x20x20xi1>, vector<64x20x20xf32>
    %eq3A_42 = arith.constant 3 : i32
    %eq3A_43 = vector.broadcast %eq3A_42 : i32 to vector<64x20x20xi32>
    %eq3A_44 = arith.cmpi eq, %get3A_31, %eq3A_43 : vector<64x20x20xi32>
    %slice3A_45 = vector.extract_strided_slice %select_n3A {offsets = [0, 40, 0], sizes = [64, 20, 20], strides = [1, 1, 1]} : vector<64x80x20xf32> to vector<64x20x20xf32>
    %select_n3A_46 = arith.select %eq3A_44, %slice3A_45, %select_n3A_41 : vector<64x20x20xi1>, vector<64x20x20xf32>
    %eq3A_47 = arith.constant 4 : i32
    %eq3A_48 = vector.broadcast %eq3A_47 : i32 to vector<64x20x20xi32>
    %eq3A_49 = arith.cmpi eq, %get3A_31, %eq3A_48 : vector<64x20x20xi32>
    %slice3A_50 = vector.extract_strided_slice %select_n3A {offsets = [0, 60, 0], sizes = [64, 20, 20], strides = [1, 1, 1]} : vector<64x80x20xf32> to vector<64x20x20xf32>
    %select_n3A_51 = arith.select %eq3A_49, %slice3A_50, %select_n3A_46 : vector<64x20x20xi1>, vector<64x20x20xf32>
    %reduce_max3A = arith.constant dense<0xFF800000> : vector<64x20xf32>
    %reduce_max3A_52 = vector.multi_reduction <maximumf>, %select_n3A_51, %reduce_max3A [2] : vector<64x20x20xf32> to vector<64x20xf32>
    %broadcast_in_dim3A_53 = vector.shape_cast %reduce_max3A_52 : vector<64x20xf32> to vector<64x20x1xf32>
    %sub3A = vector.broadcast %broadcast_in_dim3A_53 : vector<64x20x1xf32> to vector<64x20x20xf32>
    %sub3A_54 = arith.subf %select_n3A_51, %sub3A : vector<64x20x20xf32>
    %exp3A = math.exp %sub3A_54 : vector<64x20x20xf32>
    %reduce_sum3A = arith.constant dense<0.000000e+00> : vector<64x20xf32>
    %reduce_sum3A_55 = vector.multi_reduction <add>, %exp3A, %reduce_sum3A [2] : vector<64x20x20xf32> to vector<64x20xf32>
    %broadcast_in_dim3A_56 = vector.shape_cast %reduce_sum3A_55 : vector<64x20xf32> to vector<64x20x1xf32>
    %div3A = vector.broadcast %broadcast_in_dim3A_56 : vector<64x20x1xf32> to vector<64x20x20xf32>
    %div3A_57 = arith.divf %exp3A, %div3A : vector<64x20x20xf32>
    %dot_general3A_58 = arith.constant dense<0.000000e+00> : vector<64x20x128xf32>
    %dot_general3A_59 = tpu.matmul %div3A_57, %get3A_2, %dot_general3A_58 {dimension_numbers = #tpu.dot_dimension_numbers<[2], [1], [1], [2], [0, 0, 0, 1, 1, 2], [0], [0]>, transpose_lhs_hint = false} : vector<64x20x20xf32>, vector<64x20x128xf32>, vector<64x20x128xf32> -> vector<64x20x128xf32>
    %get3A_60 = arith.constant 0 : index
    %get3A_61 = arith.constant 0 : index
    %get3A_62 = vector.load %arg3[%get3A_60, %get3A_61] : memref<64x20xf32, #tpu.memory_space<vmem>>, vector<64x20xf32>
    %get3A_63 = arith.constant 0 : index
    %get3A_64 = arith.constant 0 : index
    %get3A_65 = arith.constant 0 : index
    %get3A_66 = vector.load %arg2[%get3A_63, %get3A_64, %get3A_65] : memref<64x20x128xf32, #tpu.memory_space<vmem>>, vector<64x20x128xf32>
    %broadcast_in_dim3A_67 = vector.shape_cast %get3A_62 : vector<64x20xf32> to vector<64x20x1xf32>
    %mul3A_68 = vector.broadcast %broadcast_in_dim3A_67 : vector<64x20x1xf32> to vector<64x20x128xf32>
    %mul3A_69 = arith.mulf %get3A_66, %mul3A_68 : vector<64x20x128xf32>
    %reduce_sum3A_70 = arith.constant dense<0.000000e+00> : vector<64x128xf32>
    %reduce_sum3A_71 = vector.multi_reduction <add>, %mul3A_69, %reduce_sum3A_70 [1] : vector<64x20x128xf32> to vector<64x128xf32>
    %reduce_sum3A_72 = arith.constant dense<0.000000e+00> : vector<64xf32>
    %reduce_sum3A_73 = vector.multi_reduction <add>, %get3A_62, %reduce_sum3A_72 [1] : vector<64x20xf32> to vector<64xf32>
    %broadcast_in_dim3A_74 = vector.shape_cast %reduce_sum3A_73 : vector<64xf32> to vector<64x1xf32>
    %div3A_75 = vector.broadcast %broadcast_in_dim3A_74 : vector<64x1xf32> to vector<64x128xf32>
    %div3A_76 = arith.divf %reduce_sum3A_71, %div3A_75 : vector<64x128xf32>
    %get3A_77 = arith.constant 0 : index
    %get3A_78 = arith.constant 0 : index
    %get3A_79 = arith.constant 0 : index
    %get3A_80 = arith.constant 0 : index
    %get3A_81 = vector.load %arg5[%get3A_77, %get3A_78, %get3A_79, %get3A_80] : memref<4x12x320x128xf32, #tpu.memory_space<vmem>>, vector<4x12x320x128xf32>
    %reshape3A = vector.shape_cast %div3A_76 : vector<64x128xf32> to vector<4x16x1x128xf32>
    %broadcast_in_dim3A_82 = vector.shape_cast %reshape3A : vector<4x16x1x128xf32> to vector<4x16x1x128xf32>
    %broadcast_in_dim3A_83 = vector.broadcast %broadcast_in_dim3A_82 : vector<4x16x1x128xf32> to vector<4x16x20x128xf32>
    %reshape3A_84 = vector.shape_cast %broadcast_in_dim3A_83 : vector<4x16x20x128xf32> to vector<4x320x128xf32>
    %broadcast_in_dim3A_85 = vector.shape_cast %reshape3A_84 : vector<4x320x128xf32> to vector<4x1x320x128xf32>
    %mul3A_86 = vector.broadcast %broadcast_in_dim3A_85 : vector<4x1x320x128xf32> to vector<4x12x320x128xf32>
    %mul3A_87 = arith.mulf %get3A_81, %mul3A_86 : vector<4x12x320x128xf32>
    %reshape3A_88 = vector.shape_cast %mul3A_87 : vector<4x12x320x128xf32> to vector<15360x128xf32>
    %get3A_89 = arith.constant 0 : index
    %get3A_90 = arith.constant 0 : index
    %get3A_91 = vector.load %arg8[%get3A_89, %get3A_90] : memref<128x128xf32, #tpu.memory_space<vmem>>, vector<128x128xf32>
    %dot_general3A_92 = arith.constant dense<0.000000e+00> : vector<15360x128xf32>
    %dot_general3A_93 = tpu.matmul %reshape3A_88, %get3A_91, %dot_general3A_92 {dimension_numbers = #tpu.dot_dimension_numbers<[1], [0], [0], [1], [0, 0, 1, 1], [], []>, transpose_lhs_hint = false} : vector<15360x128xf32>, vector<128x128xf32>, vector<15360x128xf32> -> vector<15360x128xf32>
    %reshape3A_94 = vector.shape_cast %dot_general3A_93 : vector<15360x128xf32> to vector<4x12x320x128xf32>
    %get3A_95 = arith.constant 0 : index
    %get3A_96 = arith.constant 0 : index
    %get3A_97 = arith.constant 0 : index
    %get3A_98 = vector.load %arg6[%get3A_95, %get3A_96, %get3A_97] : memref<4x12x320xf32, #tpu.memory_space<vmem>>, vector<4x12x320xf32>
    %broadcast_in_dim3A_99 = vector.shape_cast %get3A_98 : vector<4x12x320xf32> to vector<4x12x320x1xf32>
    %get3A_100 = arith.constant 0 : index
    %get3A_101 = arith.constant 0 : index
    %get3A_102 = vector.load %arg9[%get3A_100, %get3A_101] : memref<1x128xf32, #tpu.memory_space<vmem>>, vector<1x128xf32>
    %broadcast_in_dim3A_103 = vector.shape_cast %get3A_102 : vector<1x128xf32> to vector<1x1x1x128xf32>
    %mul3A_104 = vector.broadcast %broadcast_in_dim3A_99 : vector<4x12x320x1xf32> to vector<4x12x320x128xf32>
    %mul3A_105 = vector.broadcast %broadcast_in_dim3A_103 : vector<1x1x1x128xf32> to vector<4x12x320x128xf32>
    %mul3A_106 = arith.mulf %mul3A_104, %mul3A_105 : vector<4x12x320x128xf32>
    %add3A = arith.addf %reshape3A_94, %mul3A_106 : vector<4x12x320x128xf32>
    %ge3A_107 = arith.constant 0.000000e+00 : f32
    %ge3A_108 = vector.broadcast %ge3A_107 : f32 to vector<4x12x320x128xf32>
    %ge3A_109 = arith.cmpf oge, %add3A, %ge3A_108 : vector<4x12x320x128xf32>
    %mul3A_110 = arith.constant 2.000000e-01 : f32
    %mul3A_111 = vector.broadcast %mul3A_110 : f32 to vector<4x12x320x128xf32>
    %mul3A_112 = arith.mulf %mul3A_111, %add3A : vector<4x12x320x128xf32>
    %select_n3A_113 = arith.select %ge3A_109, %add3A, %mul3A_112 : vector<4x12x320x128xi1>, vector<4x12x320x128xf32>
    %reshape3A_114 = vector.shape_cast %select_n3A_113 : vector<4x12x320x128xf32> to vector<15360x128xf32>
    %get3A_115 = arith.constant 0 : index
    %get3A_116 = arith.constant 0 : index
    %get3A_117 = vector.load %arg10[%get3A_115, %get3A_116] : memref<128x128xf32, #tpu.memory_space<vmem>>, vector<128x128xf32>
    %dot_general3A_118 = arith.constant dense<0.000000e+00> : vector<15360x128xf32>
    %dot_general3A_119 = tpu.matmul %reshape3A_114, %get3A_117, %dot_general3A_118 {dimension_numbers = #tpu.dot_dimension_numbers<[1], [0], [0], [1], [0, 0, 1, 1], [], []>, transpose_lhs_hint = false} : vector<15360x128xf32>, vector<128x128xf32>, vector<15360x128xf32> -> vector<15360x128xf32>
    %reshape3A_120 = vector.shape_cast %dot_general3A_119 : vector<15360x128xf32> to vector<4x12x320x128xf32>
    %exp3A_121 = math.exp %reshape3A_120 : vector<4x12x320x128xf32>
    %mul3A_122 = arith.mulf %exp3A_121, %get3A_81 : vector<4x12x320x128xf32>
    %reduce_sum3A_123 = arith.constant dense<0.000000e+00> : vector<4x320x128xf32>
    %reduce_sum3A_124 = vector.multi_reduction <add>, %mul3A_122, %reduce_sum3A_123 [1] : vector<4x12x320x128xf32> to vector<4x320x128xf32>
    %reduce_sum3A_125 = arith.constant dense<0.000000e+00> : vector<4x320x128xf32>
    %reduce_sum3A_126 = vector.multi_reduction <add>, %exp3A_121, %reduce_sum3A_125 [1] : vector<4x12x320x128xf32> to vector<4x320x128xf32>
    %div3A_127 = arith.divf %reduce_sum3A_124, %reduce_sum3A_126 : vector<4x320x128xf32>
    %reshape3A_128 = vector.shape_cast %div3A_127 : vector<4x320x128xf32> to vector<1280x128xf32>
    %reshape3A_129 = vector.shape_cast %get3A_2 : vector<64x20x128xf32> to vector<1280x128xf32>
    %get3A_130 = arith.constant 0 : index
    %get3A_131 = arith.constant 0 : index
    %get3A_132 = vector.load %arg11[%get3A_130, %get3A_131] : memref<128x128xf32, #tpu.memory_space<vmem>>, vector<128x128xf32>
    %dot_general3A_133 = arith.constant dense<0.000000e+00> : vector<1280x128xf32>
    %dot_general3A_134 = tpu.matmul %reshape3A_129, %get3A_132, %dot_general3A_133 {dimension_numbers = #tpu.dot_dimension_numbers<[1], [0], [0], [1], [0, 0, 1, 1], [], []>, transpose_lhs_hint = false} : vector<1280x128xf32>, vector<128x128xf32>, vector<1280x128xf32> -> vector<1280x128xf32>
    %get3A_135 = arith.constant 0 : index
    %get3A_136 = arith.constant 0 : index
    %get3A_137 = vector.load %arg12[%get3A_135, %get3A_136] : memref<128x128xf32, #tpu.memory_space<vmem>>, vector<128x128xf32>
    %dot_general3A_138 = arith.constant dense<0.000000e+00> : vector<1280x128xf32>
    %dot_general3A_139 = tpu.matmul %reshape3A_128, %get3A_137, %dot_general3A_138 {dimension_numbers = #tpu.dot_dimension_numbers<[1], [0], [0], [1], [0, 0, 1, 1], [], []>, transpose_lhs_hint = false} : vector<1280x128xf32>, vector<128x128xf32>, vector<1280x128xf32> -> vector<1280x128xf32>
    %add3A_140 = arith.addf %dot_general3A_134, %dot_general3A_139 : vector<1280x128xf32>
    %get3A_141 = arith.constant 0 : index
    %get3A_142 = arith.constant 0 : index
    %get3A_143 = vector.load %arg13[%get3A_141, %get3A_142] : memref<1x128xf32, #tpu.memory_space<vmem>>, vector<1x128xf32>
    %add3A_144 = vector.broadcast %get3A_143 : vector<1x128xf32> to vector<1280x128xf32>
    %add3A_145 = arith.addf %add3A_140, %add3A_144 : vector<1280x128xf32>
    %max3A = arith.constant 0.000000e+00 : f32
    %max3A_146 = vector.broadcast %max3A : f32 to vector<1280x128xf32>
    %max3A_147 = arith.maximumf %add3A_145, %max3A_146 : vector<1280x128xf32>
    %reshape3A_148 = vector.shape_cast %dot_general3A_59 : vector<64x20x128xf32> to vector<1280x128xf32>
    %get3A_149 = arith.constant 0 : index
    %get3A_150 = arith.constant 0 : index
    %get3A_151 = vector.load %arg14[%get3A_149, %get3A_150] : memref<128x128xf32, #tpu.memory_space<vmem>>, vector<128x128xf32>
    %dot_general3A_152 = arith.constant dense<0.000000e+00> : vector<1280x128xf32>
    %dot_general3A_153 = tpu.matmul %reshape3A_148, %get3A_151, %dot_general3A_152 {dimension_numbers = #tpu.dot_dimension_numbers<[1], [0], [0], [1], [0, 0, 1, 1], [], []>, transpose_lhs_hint = false} : vector<1280x128xf32>, vector<128x128xf32>, vector<1280x128xf32> -> vector<1280x128xf32>
    %get3A_154 = arith.constant 0 : index
    %get3A_155 = arith.constant 0 : index
    %get3A_156 = vector.load %arg15[%get3A_154, %get3A_155] : memref<128x128xf32, #tpu.memory_space<vmem>>, vector<128x128xf32>
    %dot_general3A_157 = arith.constant dense<0.000000e+00> : vector<1280x128xf32>
    %dot_general3A_158 = tpu.matmul %max3A_147, %get3A_156, %dot_general3A_157 {dimension_numbers = #tpu.dot_dimension_numbers<[1], [0], [0], [1], [0, 0, 1, 1], [], []>, transpose_lhs_hint = false} : vector<1280x128xf32>, vector<128x128xf32>, vector<1280x128xf32> -> vector<1280x128xf32>
    %add3A_159 = arith.addf %dot_general3A_153, %dot_general3A_158 : vector<1280x128xf32>
    %get3A_160 = arith.constant 0 : index
    %get3A_161 = arith.constant 0 : index
    %get3A_162 = vector.load %arg16[%get3A_160, %get3A_161] : memref<1x128xf32, #tpu.memory_space<vmem>>, vector<1x128xf32>
    %add3A_163 = vector.broadcast %get3A_162 : vector<1x128xf32> to vector<1280x128xf32>
    %add3A_164 = arith.addf %add3A_159, %add3A_163 : vector<1280x128xf32>
    %neg3A = arith.constant 0.000000e+00 : f32
    %neg3A_165 = vector.broadcast %neg3A : f32 to vector<1280x128xf32>
    %neg3A_166 = arith.subf %neg3A_165, %add3A_164 : vector<1280x128xf32>
    %exp3A_167 = math.exp %neg3A_166 : vector<1280x128xf32>
    %add3A_168 = arith.constant 1.000000e+00 : f32
    %add3A_169 = vector.broadcast %add3A_168 : f32 to vector<1280x128xf32>
    %add3A_170 = arith.addf %add3A_169, %exp3A_167 : vector<1280x128xf32>
    %div3A_171 = arith.constant 1.000000e+00 : f32
    %div3A_172 = vector.broadcast %div3A_171 : f32 to vector<1280x128xf32>
    %div3A_173 = arith.divf %div3A_172, %add3A_170 : vector<1280x128xf32>
    %mul3A_174 = arith.mulf %div3A_173, %max3A_147 : vector<1280x128xf32>
    %sub3A_175 = arith.constant 1.000000e+00 : f32
    %sub3A_176 = vector.broadcast %sub3A_175 : f32 to vector<1280x128xf32>
    %sub3A_177 = arith.subf %sub3A_176, %div3A_173 : vector<1280x128xf32>
    %mul3A_178 = arith.mulf %sub3A_177, %reshape3A_148 : vector<1280x128xf32>
    %add3A_179 = arith.addf %mul3A_174, %mul3A_178 : vector<1280x128xf32>
    %reshape3A_180 = vector.shape_cast %add3A_179 : vector<1280x128xf32> to vector<64x20x128xf32>
    %swap3A = arith.constant 0 : index
    %swap3A_181 = arith.constant 0 : index
    %swap3A_182 = arith.constant 0 : index
    %swap3A_183 = vector.load %arg17[%swap3A, %swap3A_181, %swap3A_182] : memref<64x20x128xf32, #tpu.memory_space<vmem>>, vector<64x20x128xf32>
    tpu.vector_store %arg17[%swap3A, %swap3A_181, %swap3A_182], %reshape3A_180 {strides = array<i32>} : memref<64x20x128xf32, #tpu.memory_space<vmem>>, vector<64x20x128xf32>,
    return
  }
  func.func @transform_0(%arg0: i32) -> (i32, i32, i32) {
    %c0_i32 = arith.constant 0 : i32
    %c0_i32_0 = arith.constant 0 : i32
    %c0_i32_1 = arith.constant 0 : i32
    return %arg0, %c0_i32, %c0_i32_0 : i32, i32, i32
  }
  func.func @transform_1(%arg0: i32) -> (i32, i32, i32) {
    %c0_i32 = arith.constant 0 : i32
    %c0_i32_0 = arith.constant 0 : i32
    %c0_i32_1 = arith.constant 0 : i32
    return %arg0, %c0_i32, %c0_i32_0 : i32, i32, i32
  }
  func.func @transform_2(%arg0: i32) -> (i32, i32) {
    %c0_i32 = arith.constant 0 : i32
    %c0_i32_0 = arith.constant 0 : i32
    return %arg0, %c0_i32 : i32, i32
  }
  func.func @transform_3(%arg0: i32) -> (i32, i32, i32) {
    %c0_i32 = arith.constant 0 : i32
    %c0_i32_0 = arith.constant 0 : i32
    %c0_i32_1 = arith.constant 0 : i32
    return %arg0, %c0_i32, %c0_i32_0 : i32, i32, i32
  }
  func.func @transform_4(%arg0: i32) -> (i32, i32, i32, i32) {
    %c0_i32 = arith.constant 0 : i32
    %c0_i32_0 = arith.constant 0 : i32
    %c0_i32_1 = arith.constant 0 : i32
    %c0_i32_2 = arith.constant 0 : i32
    return %arg0, %c0_i32, %c0_i32_0, %c0_i32_1 : i32, i32, i32, i32
  }
  func.func @transform_5(%arg0: i32) -> (i32, i32, i32) {
    %c0_i32 = arith.constant 0 : i32
    %c0_i32_0 = arith.constant 0 : i32
    %c0_i32_1 = arith.constant 0 : i32
    return %arg0, %c0_i32, %c0_i32_0 : i32, i32, i32
  }
  func.func @transform_6(%arg0: i32) -> (i32, i32) {
    %c0_i32 = arith.constant 0 : i32
    %c0_i32_0 = arith.constant 0 : i32
    %c0_i32_1 = arith.constant 0 : i32
    return %c0_i32, %c0_i32_0 : i32, i32
  }
  func.func @transform_7(%arg0: i32) -> (i32, i32) {
    %c0_i32 = arith.constant 0 : i32
    %c0_i32_0 = arith.constant 0 : i32
    %c0_i32_1 = arith.constant 0 : i32
    return %c0_i32, %c0_i32_0 : i32, i32
  }
  func.func @transform_8(%arg0: i32) -> (i32, i32) {
    %c0_i32 = arith.constant 0 : i32
    %c0_i32_0 = arith.constant 0 : i32
    %c0_i32_1 = arith.constant 0 : i32
    return %c0_i32, %c0_i32_0 : i32, i32
  }
  func.func @transform_9(%arg0: i32) -> (i32, i32) {
    %c0_i32 = arith.constant 0 : i32
    %c0_i32_0 = arith.constant 0 : i32
    %c0_i32_1 = arith.constant 0 : i32
    return %c0_i32, %c0_i32_0 : i32, i32
  }
  func.func @transform_10(%arg0: i32) -> (i32, i32) {
    %c0_i32 = arith.constant 0 : i32
    %c0_i32_0 = arith.constant 0 : i32
    %c0_i32_1 = arith.constant 0 : i32
    return %c0_i32, %c0_i32_0 : i32, i32
  }
  func.func @transform_11(%arg0: i32) -> (i32, i32) {
    %c0_i32 = arith.constant 0 : i32
    %c0_i32_0 = arith.constant 0 : i32
    %c0_i32_1 = arith.constant 0 : i32
    return %c0_i32, %c0_i32_0 : i32, i32
  }
  func.func @transform_12(%arg0: i32) -> (i32, i32) {
    %c0_i32 = arith.constant 0 : i32
    %c0_i32_0 = arith.constant 0 : i32
    %c0_i32_1 = arith.constant 0 : i32
    return %c0_i32, %c0_i32_0 : i32, i32
  }
  func.func @transform_13(%arg0: i32) -> (i32, i32) {
    %c0_i32 = arith.constant 0 : i32
    %c0_i32_0 = arith.constant 0 : i32
    %c0_i32_1 = arith.constant 0 : i32
    return %c0_i32, %c0_i32_0 : i32, i32
  }
  func.func @transform_14(%arg0: i32) -> (i32, i32) {
    %c0_i32 = arith.constant 0 : i32
    %c0_i32_0 = arith.constant 0 : i32
    %c0_i32_1 = arith.constant 0 : i32
    return %c0_i32, %c0_i32_0 : i32, i32
  }
  func.func @transform_15(%arg0: i32) -> (i32, i32) {
    %c0_i32 = arith.constant 0 : i32
    %c0_i32_0 = arith.constant 0 : i32
    %c0_i32_1 = arith.constant 0 : i32
    return %c0_i32, %c0_i32_0 : i32, i32
  }
  func.func @transform_16(%arg0: i32) -> (i32, i32, i32) {
    %c0_i32 = arith.constant 0 : i32
    %c0_i32_0 = arith.constant 0 : i32
    %c0_i32_1 = arith.constant 0 : i32
    return %arg0, %c0_i32, %c0_i32_0 : i32, i32, i32
  }
}

</mosaic_0001>

<sc_bundles>
// kernel: kernel.4.cloned.1.call-start
scs
__scs_entry_jumppad:
0x0: {  	(pc) =	sbr.rel $0x88, $3  }
0x1: {  	(tag) =	ssettag $0x0;
	lr =	simm.s32 $0x1  }
0x2: {  	[smem:$0x3F90] =	sst lr;
	_ =	strace $0xD0000000  }
0x3: {  	_ = 	snop  }
0x4: {  	_ = 	snop  }
0x5: {  	_ = 	snop  }
0x6: {  	_ = 	snop  }
0x7: {  	_ = 	snop  }
__scs_overlays_trampoline_lowered:
0x8: {  	[smem:$0x3F9F] =	sst s0  }
0x9: {  	[smem:$0x3FA0] =	sst s1  }
0xa: {  	[smem:$0x3FA1] =	sst s2  }
0xb: {  	[smem:$0x3FA2] =	sst s3  }
0xc: {  	[smem:$0x3FA3] =	sst s4  }
0xd: {  	[smem:$0x3FA4] =	sst s5  }
0xe: {  	[smem:$0x3FA5] =	sst s6  }
0xf: {  	[smem:$0x3FA6] =	sst s7  }
0x10: {  	[smem:$0x3FA7] =	sst s8  }
0x11: {  	[smem:$0x3FA8] =	sst s9;
	s0 =	simm.s32 @!p0 $0x0  }
0x12: {  	s1 =	sld [smem:$0x3F8E];
	s0 =	simm.s32 @p0 $0x1  }
0x13: {  	[smem:$0x3FA9] =	sst s0;
	s0 =	simm.s32 @!p1 $0x0  }
0x14: {  	s2 =	sld [smem:$0x3F8D];
	s0 =	simm.s32 @p1 $0x1  }
0x15: {  	[smem:$0x3FAA] =	sst s0;
	s0 =	simm.s32 @!p2 $0x0  }
0x16: {  	s3 =	sld [smem:$0x3FDB];
	s0 =	simm.s32 @p2 $0x1  }
0x17: {  	s4 =	simm.s32 $0x1BF5;
	[smem:$0x3FAC] =	sst s0  }
0x18: {  	s0 =	sld [smem:$0x3F8F];
	_ =	swait.ge [sflag:s4], $0x0  }
0x19: {  	s7 =	sld [smem:$0x3F90]  }
0x1a: {  	s8 =	sadd.s32 $0xFFFFE003, lr  }
0x1b: {  	s9 =	sadd.s32 $0xFFFFFEF7, lr;
	s5 =	simm.s32 $0xFFFFFFFF;
	p2 =	slt.u32 s8, $0xFFFFF086  }
0x1c: {  	p1 =	slt.u32 s9, $0xF7A;
	s5 =	simm.s32 @!p2 $0x0  }
0x1d: {  	s5 =	simm.s32 @p1 $0x1;
	p0 =	seq.s32 s7, s2  }
0x1e: {  	s7 =	smul.u32 @!p0 $0xF7A, s2;
	p2 =	seq.s32 @!p0 s5, $0x0  }
0x1f: {  	s9 =	smul.u32 $0xF7A, s1;
	s8 =	simm.s32 @!p0 $0x1BF5;
	p2 =	por !p2, p0  }
0x20: {  	[sflag:s8] =	ssyncset.s32 @!p0 $0xFFFFF086;
	s6 =	sadd.s32 @!p0 s3, s7;
	s7 =	simm.s32 @!p0 $0x108  }
0x21: {  	s3 =	sadd.s32 s3, s9;
	s6 =	sadd.s32 @!p0 $0x88, s6;
	s7 =	simm.s32 @p2 $0x1082  }
0x22: {  	[simem:s7], [sflag:s8] =	dma.local @!p0 [hbm:s6], $0xF7A  }
0x23: {  	s9 =	sor.u32 $0xD0000000, s2;
	s6 =	simm.s32 $0x108;
	_ =	swait.ge @!p0 [sflag:s8], $0x0  }
0x24: {  	s3 =	sadd.s32 $0x88, s3;
	s6 =	simm.s32 @!p1 $0x1082;
	[sflag:s4] =	ssyncset.s32 $0xFFFFF086  }
0x25: {  	[simem:s6], [sflag:s4] =	dma.local [hbm:s3], $0xF7A  }
0x26: {  	[smem:$0x3F90] =	sst s1;
	(tag) =	ssettag s2;
	_ =	strace s9  }
0x27: {  	s1 =	sld [smem:$0x3FA0]  }
0x28: {  	s2 =	sld [smem:$0x3FA1]  }
0x29: {  	s4 =	sld [smem:$0x3FA3]  }
0x2a: {  	p0 =	seq.s32 s5, $0x0;
	s5 =	sld [smem:$0x3FA4]  }
0x2b: {  	s6 =	sld [smem:$0x3FA5]  }
0x2c: {  	s7 =	sld [smem:$0x3FA6]  }
0x2d: {  	s3 =	simm.s32 $0x108;
	s8 =	sld [smem:$0x3FA7]  }
0x2e: {  	s3 =	simm.s32 @!p0 $0x1082;
	s9 =	sld [smem:$0x3FA8]  }
0x2f: {  	lr =	sadd.s32 s0, s3;
	s0 =	sld [smem:$0x3F9F]  }
0x30: {  	s3 =	sld [smem:$0x3FA2]  }
0x31: {  	[smem:$0x3FAB] =	sst s10  }
0x32: {  	s10 =	sld [smem:$0x3FA9];
	_ =	sdelay $0x3  }
0x33: {  	p0 =	seq.s32 s10, $0x1;
	s10 =	sld [smem:$0x3FAB];
	_ =	sdelay $0x3  }
0x34: {  	[smem:$0x3FAB] =	sst s10  }
0x35: {  	s10 =	sld [smem:$0x3FAA];
	_ =	sdelay $0x3  }
0x36: {  	p1 =	seq.s32 s10, $0x1;
	s10 =	sld [smem:$0x3FAB];
	_ =	sdelay $0x3  }
0x37: {  	[smem:$0x3FAB] =	sst s10  }
0x38: {  	s10 =	sld [smem:$0x3FAC]  }
0x39: {  	_ = 	snop;
	(pc) =	sbr.ind lr, $3  }
0x3a: {  	_ = 	snop  }
0x3b: {  	_ = 	snop  }
0x3c: {  	p2 =	seq.s32 s10, $0x1;
	s10 =	sld [smem:$0x3FAB]  }
0x3d: {  	_ =	shalt  }
0x3e: {  	_ =	shalt  }
0x3f: {  	_ =	shalt  }
0x40: {  	_ =	shalt  }
0x41: {  	_ =	shalt  }
0x42: {  	_ =	shalt  }
0x43: {  	_ =	shalt  }
0x44: {  	_ =	shalt  }
0x45: {  	_ =	shalt  }
0x46: {  	_ =	shalt  }
0x47: {  	_ =	shalt  }
0x48: {  	_ =	shalt  }
0x49: {  	_ =	shalt  }
0x4a: {  	_ =	shalt  }
0x4b: {  	_ =	shalt  }
0x4c: {  	_ =	shalt  }
0x4d: {  	_ =	shalt  }
0x4e: {  	_ =	shalt  }
0x4f: {  	_ =	shalt  }
0x50: {  	_ =	shalt  }
0x51: {  	_ =	shalt  }
0x52: {  	_ =	shalt  }
0x53: {  	_ =	shalt  }
0x54: {  	_ =	shalt  }
0x55: {  	_ =	shalt  }
0x56: {  	_ =	shalt  }
0x57: {  	_ =	shalt  }
0x58: {  	_ =	shalt  }
0x59: {  	_ =	shalt  }
0x5a: {  	_ =	shalt  }
0x5b: {  	_ =	shalt  }
0x5c: {  	_ =	shalt  }
0x5d: {  	_ =	shalt  }
0x5e: {  	_ =	shalt  }
0x5f: {  	_ =	shalt  }
0x60: {  	_ =	shalt  }
0x61: {  	_ =	shalt  }
0x62: {  	_ =	shalt  }
0x63: {  	_ =	shalt  }
0x64: {  	_ =	shalt  }
0x65: {  	_ =	shalt  }
0x66: {  	_ =	shalt  }
0x67: {  	_ =	shalt  }
0x68: {  	_ =	shalt  }
0x69: {  	_ =	shalt  }
0x6a: {  	_ =	shalt  }
0x6b: {  	_ =	shalt  }
0x6c: {  	_ =	shalt  }
0x6d: {  	_ =	shalt  }
0x6e: {  	_ =	shalt  }
0x6f: {  	_ =	shalt  }
0x70: {  	_ =	shalt  }
0x71: {  	_ =	shalt  }
0x72: {  	_ =	shalt  }
0x73: {  	_ =	shalt  }
0x74: {  	_ =	shalt  }
0x75: {  	_ =	shalt  }
0x76: {  	_ =	shalt  }
0x77: {  	_ =	shalt  }
0x78: {  	_ =	shalt  }
0x79: {  	_ =	shalt  }
0x7a: {  	_ =	shalt  }
0x7b: {  	_ =	shalt  }
0x7c: {  	_ =	shalt  }
0x7d: {  	_ =	shalt  }
0x7e: {  	_ =	shalt  }
0x7f: {  	_ =	shalt  }
0x80: {  	_ =	shalt  }
0x81: {  	_ =	shalt  }
0x82: {  	_ =	shalt  }
0x83: {  	_ =	shalt  }
0x84: {  	_ =	shalt  }
0x85: {  	_ =	shalt  }
0x86: {  	_ =	shalt  }
0x87: {  	_ =	shalt  }
.Lfunc_end0:
.L_simem_size_0:
called_computation_lowered:
.L_overlay_start_0:
0x88: {  	s2 =	sld [smem:$0x3FD9]  }
0x89: {  	s3 =	sld [smem:$0x3FFE];
	_ =	sdelay $0x1  }
0x8a: {  	s1 =	srdreg.scid  }
0x8b: {  	s0 =	sand.u32 $0x1, s1  }
0x8c: {  	s17 =	sshll.u32 s0, $0xA;
	s2 =	sadd.s32 s3, s2  }
0x8d: {  	s2 =	sadd.s32 s2, s17  }
0x8e: {  	[smem:$0x3FB7] =	sst s2  }
0x8f: {  	_ = 	snop  }
0x90: {  	s2 =	sld [smem:$0x3FC5]  }
0x91: {  	s18 =	sld [smem:$0x3FD0];
	(tm) =	ssettm $0x1  }
0x92: {  	s4 =	sld [smem:$0x3FFB];
	_ =	sdelay $0x3  }
0x93: {  	_ =	strace s4  }
0x94: {  	s4 =	sld [smem:$0x3FFC];
	_ =	sdelay $0x3  }
0x95: {  	_ =	strace s4  }
0x96: {  	s4 =	sld [smem:$0x3FFD];
	_ =	sdelay $0x3  }
0x97: {  	_ =	strace s4  }
0x98: {  	_ =	strace $0x8FFFFFFF  }
0x99: {  	s19 =	sld [smem:$0x3FDB];
	_ =	sdelay $0x1  }
0x9a: {  	s5 =	simm.s32 $_scs_section_size  }
0x9b: {  	s6 =	simm.s32 $_size__tile_overlayer_lowered;
	s7 =	simm.s32 $_tile_overlayer_lowered  }
0x9c: {  	s22 =	simm.s32 $0x1BFF;
	s21 =	sshll.u32 s7, $0x1;
	s4 =	sadd.s32 s5, s19  }
0x9d: {  	s8 =	simm.s32 $0x0;
	s20 =	sshll.u32 s6, $0x1;
	s6 =	sadd.s32 s21, s4  }
0x9e: {  	[timem:s8], [sflag:s22] =	dma.local [hbm:s6], s20  }
0x9f: {  	_ =	swait.ge [sflag:s22], s20  }
0xa0: {  	s5 =	ssub.s32 $0x0, s20;
	[sflag:s22] =	ssyncset.done $0x0  }
0xa1: {  	[sflag:s22] =	ssyncadd.s32 s5;
	_ =	sdelay $0x1  }
0xa2: {  	s23 =	simm.s32 $0x1B8B  }
0xa3: {  	_ =	swait.ge [sflag:s23], $0x1  }
0xa4: {  	[sflag:s23] =	ssyncset.done $0x0  }
0xa5: {  	s25 =	simm.s32 $0x1B8E;
	s24 =	sld [smem:$0x3FFE];
	[sflag:s23] =	ssyncadd.s32 $0xFFFFFFFF  }
0xa6: {  	s26 =	simm.s32 $execute0_lowered;
	[smem:$0x3FD2] =	sst s25  }
0xa7: {  	s6 =	sshll.u32 s26, $0x1;
	_ =	strace $0x80000046;
	[dreg:$0x1] =	wrdreg $0xFFFFFFFF  }
0xa8: {  	s28 =	simm.s32 $_size_execute0_lowered;
	s4 =	sadd.s32 s4, s6;
	[dreg:$0x0] =	wrdreg $0x0  }
0xa9: {  	s6 =	sshll.u32 s28, $0x1;
	[dreg:$0x2] =	wrdreg s4  }
0xaa: {  	[dreg:$0x3] =	wrdreg s6  }
0xab: {  	[dreg:$0x4] =	wrdreg $0xC0  }
0xac: {  	_ =	task [dreg:s8], $0x5FFFF  }
0xad: {  	[dreg:$0x1] =	wrdreg $0xFFFFFFFF  }
0xae: {  	[dreg:$0x0] =	wrdreg $0x60  }
0xaf: {  	[dreg:$0x2] =	wrdreg s24  }
0xb0: {  	[dreg:$0x3] =	wrdreg s2  }
0xb1: {  	[dreg:$0x4] =	wrdreg s18  }
0xb2: {  	[dreg:$0x5] =	wrdreg $0x9  }
0xb3: {  	_ =	task.clear_ibuf [dreg:s8], $0x6FFFF;
	_ =	strace $0x90000046  }
0xb4: {  	s29 =	simm.s32 $0x9;
	_ =	strace $0x80000048  }
0xb5: {  	_ =	swait.ge [sflag:s29], $0x1  }
0xb6: {  	[sflag:s29] =	ssyncadd.s32 $0xFFFFFFFF  }
0xb7: {  	_ =	strace $0x90000048  }
0xb8: {  	_ =	sfence  }
0xb9: {  	s30 =	sld [smem:$0x0];
	_ =	sdelay $0x2  }
0xba: {  	s31 =	sshll.u32 s1, $0xD;
	s1 =	sshrl.u32 s1, $0x2  }
0xbb: {  	s3 =	sand.u32 $0x4000, s31;
	s1 =	sadd.s32 s1, s30  }
0xbc: {  	s0 =	sor.u32 s3, s0;
	s1 =	sshll.u32 s1, $0x11  }
0xbd: {  	s0 =	sor.u32 s1, s0  }
0xbe: {  	s0 =	sadd.s32 $0x8F2B, s0  }
0xbf: {  	[sflag:s0] =	ssyncadd.remote.s32 $0x1  }
0xc0: {  	_ =	sfence.sel $0xFFFF  }
0xc1: {  	[dreg:$0x0] =	wrdreg $0xFFFFFFFF;
	(pc) =	sbr.abs _section_cstart, $3  }
0xc2: {  	[dreg:$0x1] =	wrdreg $0xFFFFFFFF  }
0xc3: {  	_ =	task.clear_ibuf [dreg:s8], $0x2FFFF;
	_ =	strace $0x9FFFFFFF  }
0xc4: {  	(tm) =	ssettm $0x7FFFFFFF  }
0xc5: {  	_ =	shalt  }
tec
execute0_lowered:
.L_overlay_start_1:
0x0: {  	(tag) =	ssettag $0x1  }
0x1: {  	s1 =	srdreg.scid;
	s3 =	stileid.u32  }
0x2: {  	s1 =	sand.u32 $0x1, s1;
	s3 =	sshll.u32 s3, $0x1  }
0x3: {  	s5 =	sor.u32 s1, s3  }
0x4: {  	s0 =	rddreg [dreg:$0x0];
	s6 =	smul.u32 $0x28, s5  }
0x5: {  	s4 =	rddreg [dreg:$0x2];
	s18 =	simm.s32 $0x0;
	s7 =	smul.u32 $0x1E0, s5  }
0x6: {  	[smem:$0x7FF] =	sst s18;
	s9 =	sadd.s32 $0x24C00, s0;
	s8 =	smul.u32 $0x1400, s5  }
0x7: {  	s18 =	simm.s32 $0x2100;
	_ =	strace $0x80000047;
	s11 =	smul.u32 $0xA000, s5  }
0x8: {  	[dreg:$0x1a] =	wrdreg s18;
	s18 =	simm.s32 $0x2C00;
	s23 =	smul.u32 $0x78000, s5  }
0x9: {  	s5 =	smul.u32 $0xF000, s5;
	[smem:$0x7F4] =	sst s18;
	s19 =	sadd.s32 s4, s8  }
0xa: {  	s12 =	sadd.s32 $0x4CC00, s0;
	s21 =	sadd.s32 s9, s8;
	[dreg:$0x6] =	wrdreg s19  }
0xb: {  	s6 =	sadd.s32 s6, s0;
	s26 =	sadd.s32 s12, s5;
	[dreg:$0x7] =	wrdreg s21  }
0xc: {  	s10 =	sadd.s32 $0x2C00, s6;
	[dreg:$0xb] =	wrdreg s26  }
0xd: {  	s7 =	sadd.s32 s7, s0;
	s6 =	sadd.s32 $0x3200, s6;
	[dreg:$0x4] =	wrdreg s10  }
0xe: {  	s25 =	sadd.s32 $0x21000, s7;
	[dreg:$0x5] =	wrdreg s6  }
0xf: {  	s20 =	sshrl.u32 s11, $0x3;
	s19 =	simm.s32 $0x2180;
	[dreg:$0xa] =	wrdreg s25  }
0x10: {  	s22 =	sadd.s32 $0x1000, s20;
	s20 =	simm.s32 $0x2200;
	[dreg:$0x1b] =	wrdreg s19  }
0x11: {  	s21 =	simm.s32 $0x2280;
	[dreg:$0x1c] =	wrdreg s20  }
0x12: {  	s26 =	simm.s32 $0x2500;
	[dreg:$0x1d] =	wrdreg s21  }
0x13: {  	s4 =	sadd.s32 s4, s22;
	[smem:$0x7E6] =	sst s26  }
0x14: {  	s24 =	sadd.s32 s9, s22;
	[dreg:$0x8] =	wrdreg s4  }
0x15: {  	s22 =	simm.s32 $0x2300;
	[dreg:$0x9] =	wrdreg s24  }
0x16: {  	s6 =	sshrl.u32 s23, $0x3;
	s23 =	simm.s32 $0x2380;
	[dreg:$0x1e] =	wrdreg s22  }
0x17: {  	s25 =	simm.s32 $0x2480;
	[dreg:$0x1f] =	wrdreg s23  }
0x18: {  	s19 =	simm.s32 $0x2C80;
	[smem:$0x7E5] =	sst s25  }
0x19: {  	s20 =	simm.s32 $0x2D00;
	[smem:$0x7F5] =	sst s19  }
0x1a: {  	s21 =	simm.s32 $0x2D80;
	[smem:$0x7F6] =	sst s20  }
0x1b: {  	s26 =	simm.s32 $0x100;
	[smem:$0x7F7] =	sst s21  }
0x1c: {  	s24 =	simm.s32 $0x2400;
	[smem:$0x7FC] =	sst s26  }
0x1d: {  	s22 =	simm.s32 $0x2E00;
	[smem:$0x7E4] =	sst s24  }
0x1e: {  	s23 =	simm.s32 $0x2E80;
	[smem:$0x7F8] =	sst s22  }
0x1f: {  	s29 =	sadd.s32 s12, s6;
	s25 =	simm.s32 $0x1C0;
	[smem:$0x7F9] =	sst s23  }
0x20: {  	s2 =	sadd.s32 $0x1000, s29;
	[smem:$0x7FB] =	sst s25  }
0x21: {  	s3 =	sadd.s32 $0x2000, s29;
	[dreg:$0xc] =	wrdreg s2  }
0x22: {  	s6 =	sadd.s32 $0x3000, s29;
	[dreg:$0xd] =	wrdreg s3  }
0x23: {  	s7 =	sadd.s32 $0x4000, s29;
	[dreg:$0xe] =	wrdreg s6  }
0x24: {  	s8 =	sadd.s32 $0x5000, s29;
	[dreg:$0xf] =	wrdreg s7  }
0x25: {  	s9 =	sadd.s32 $0x6000, s29;
	[dreg:$0x10] =	wrdreg s8  }
0x26: {  	s10 =	sadd.s32 $0x7000, s29;
	[dreg:$0x11] =	wrdreg s9  }
0x27: {  	s11 =	sadd.s32 $0x8000, s29;
	[dreg:$0x12] =	wrdreg s10  }
0x28: {  	s12 =	sadd.s32 $0x9000, s29;
	[dreg:$0x13] =	wrdreg s11  }
0x29: {  	s13 =	sadd.s32 $0xA000, s29;
	[dreg:$0x14] =	wrdreg s12  }
0x2a: {  	s28 =	simm.s32 $0x600;
	s14 =	sadd.s32 $0xB000, s29;
	[dreg:$0x15] =	wrdreg s13  }
0x2b: {  	s30 =	simm.s32 $0x980;
	s15 =	sadd.s32 $0xC000, s29;
	[dreg:$0x16] =	wrdreg s14  }
0x2c: {  	s31 =	simm.s32 $0xC00;
	s16 =	sadd.s32 $0xD000, s29;
	[dreg:$0x17] =	wrdreg s15  }
0x2d: {  	s1 =	ssub.s32 $0x2, s1;
	s17 =	sadd.s32 $0xE000, s29;
	[dreg:$0x18] =	wrdreg s16  }
0x2e: {  	s18 =	simm.s32 $0x380;
	s29 =	simm.s32 $0x2580;
	[dreg:$0x19] =	wrdreg s17  }
0x2f: {  	s5 =	sadd.s32 $0x12400, s0;
	s24 =	simm.s32 $0x2F00;
	[smem:$0x7E7] =	sst s29  }
0x30: {  	s4 =	sadd.s32 $0x3800, s0;
	s2 =	simm.s32 $0x2600;
	[smem:$0x7FA] =	sst s24  }
0x31: {  	s0 =	simm.s32 $0x1;
	s7 =	simm.s32 $0x2680;
	[smem:$0x7E8] =	sst s2  }
0x32: {  	s20 =	simm.s32 $0x400;
	s8 =	simm.s32 $0x2700;
	[smem:$0x7E9] =	sst s7  }
0x33: {  	s19 =	simm.s32 $0x880;
	s9 =	simm.s32 $0x2780;
	[smem:$0x7EA] =	sst s8  }
0x34: {  	s21 =	simm.s32 $0x900;
	s10 =	simm.s32 $0x2800;
	[smem:$0x7EB] =	sst s9  }
0x35: {  	s26 =	simm.s32 $0xA80;
	s11 =	simm.s32 $0x2880;
	[smem:$0x7EC] =	sst s10  }
0x36: {  	s25 =	simm.s32 $0x3;
	s12 =	simm.s32 $0x2900;
	[smem:$0x7ED] =	sst s11  }
0x37: {  	s22 =	simm.s32 $0x480;
	s13 =	simm.s32 $0x2980;
	[smem:$0x7EE] =	sst s12  }
0x38: {  	s23 =	simm.s32 $0xA00;
	s14 =	simm.s32 $0x2A00;
	[smem:$0x7EF] =	sst s13  }
0x39: {  	s3 =	sshrl.u32 s1, $0x1;
	s15 =	simm.s32 $0x2A80;
	[smem:$0x7F0] =	sst s14  }
0x3a: {  	s16 =	simm.s32 $0x2B00;
	s17 =	simm.s32 $0x2B80;
	[smem:$0x7F1] =	sst s15  }
0x3b: {  	s29 =	simm.s32 $0x240;
	s24 =	simm.s32 $0x700;
	[smem:$0x7F2] =	sst s16  }
0x3c: {  	s1 =	ssub.s32 s1, s3;
	s9 =	simm.s32 $0x80;
	[smem:$0x7F3] =	sst s17  }
0x3d: {  	[smem:$0x7FD] =	sst s29;
	s6 =	smax.u32 s1, $0x1;
	s1 =	simm.s32 $0x2  }
.LBB2_1:
0x3e: {  	s12 =	rddreg [dreg:$0x4];
	s2 =	simm.s32 $0x0;
	s7 =	simm.s32 $0x7  }
0x3f: {  	[tilespmem:s2], [sflag:$0x7] =	stream.linear.gather [hbm4b:s12+s2], $0x140, $0x38;
	[tilespmem:$0x1AF80] =	vst v63  }
0x40: {  	_ =	swait.ge [sflag:s7], $0x140  }
0x41: {  	[sflag:s7] =	ssyncset.done $0x0  }
0x42: {  	s3 =	simm.s32 $0x140;
	s29 =	rddreg [dreg:$0x5];
	[sflag:s7] =	ssyncadd.s32 $0xFFFFFEC0  }
0x43: {  	[tilespmem:s3], [sflag:$0x7] =	stream.linear.gather [hbm4b:s29+s2], $0x140, $0x38;
	[tilespmem:$0x1AF80] =	vst v63  }
0x44: {  	_ =	swait.ge [sflag:s7], $0x140  }
0x45: {  	[sflag:s7] =	ssyncset.done $0x0  }
0x46: {  	[sflag:s7] =	ssyncadd.s32 $0xFFFFFEC0  }
0x47: {  	v0 =	vld [tilespmem:$0x0]  }
0x48: {  	v2 =	vld [tilespmem:$0x10]  }
0x49: {  	v7 =	vld [tilespmem:$0x20]  }
0x4a: {  	v20 =	vld [tilespmem:$0x30]  }
0x4b: {  	v33 =	vld [tilespmem:$0x40]  }
0x4c: {  	v0 =	vmul.u32 $0xC, v0  }
0x4d: {  	v60 =	vmul.u32 $0xC, v2  }
0x4e: {  	v13 =	vmul.u32 $0xC, v7;
	[tilespmem:$0x280] =	vst v0  }
0x4f: {  	v26 =	vmul.u32 $0xC, v20;
	[tilespmem:$0x290] =	vst v60  }
0x50: {  	v39 =	vmul.u32 $0xC, v33;
	[tilespmem:$0x2A0] =	vst v13  }
0x51: {  	[tilespmem:$0x2B0] =	vst v26  }
0x52: {  	v1 =	vor.u32 $0x1, v0;
	[tilespmem:$0x2C0] =	vst v39  }
0x53: {  	v51 =	vor.u32 $0x2, v0;
	[tilespmem:$0x3C0] =	vst v1  }
0x54: {  	v52 =	vor.u32 $0x3, v0;
	[tilespmem:$0x500] =	vst v51  }
0x55: {  	v53 =	vadd.s32 $0x4, v0;
	[tilespmem:$0x640] =	vst v52  }
0x56: {  	v54 =	vadd.s32 $0x5, v0;
	[tilespmem:$0x780] =	vst v53  }
0x57: {  	v55 =	vadd.s32 $0x6, v0;
	[tilespmem:$0x8C0] =	vst v54  }
0x58: {  	v56 =	vadd.s32 $0x7, v0;
	[tilespmem:$0xA00] =	vst v55  }
0x59: {  	v57 =	vadd.s32 $0x8, v0;
	[tilespmem:$0xB40] =	vst v56  }
0x5a: {  	v58 =	vadd.s32 $0x9, v0;
	[tilespmem:$0xC80] =	vst v57  }
0x5b: {  	v59 =	vadd.s32 $0xA, v0;
	[tilespmem:$0xDC0] =	vst v58  }
0x5c: {  	v0 =	vadd.s32 $0xB, v0;
	[tilespmem:$0xF00] =	vst v59  }
0x5d: {  	v61 =	vor.u32 $0x1, v60;
	[tilespmem:$0x1040] =	vst v0  }
0x5e: {  	v62 =	vor.u32 $0x2, v60;
	[tilespmem:$0x3D0] =	vst v61  }
0x5f: {  	v63 =	vor.u32 $0x3, v60;
	[tilespmem:$0x510] =	vst v62  }
0x60: {  	v4 =	vadd.s32 $0x4, v60;
	[tilespmem:$0x650] =	vst v63  }
0x61: {  	v5 =	vadd.s32 $0x5, v60;
	[tilespmem:$0x790] =	vst v4  }
0x62: {  	v6 =	vadd.s32 $0x6, v60;
	[tilespmem:$0x8D0] =	vst v5  }
0x63: {  	v8 =	vadd.s32 $0x7, v60;
	[tilespmem:$0xA10] =	vst v6  }
0x64: {  	v9 =	vadd.s32 $0x8, v60;
	[tilespmem:$0xB50] =	vst v8  }
0x65: {  	v10 =	vadd.s32 $0x9, v60;
	[tilespmem:$0xC90] =	vst v9  }
0x66: {  	v11 =	vadd.s32 $0xA, v60;
	[tilespmem:$0xDD0] =	vst v10  }
0x67: {  	v12 =	vadd.s32 $0xB, v60;
	[tilespmem:$0xF10] =	vst v11  }
0x68: {  	v14 =	vor.u32 $0x1, v13;
	[tilespmem:$0x1050] =	vst v12  }
0x69: {  	v15 =	vor.u32 $0x2, v13;
	[tilespmem:$0x3E0] =	vst v14  }
0x6a: {  	v16 =	vor.u32 $0x3, v13;
	[tilespmem:$0x520] =	vst v15  }
0x6b: {  	v17 =	vadd.s32 $0x4, v13;
	[tilespmem:$0x660] =	vst v16  }
0x6c: {  	v18 =	vadd.s32 $0x5, v13;
	[tilespmem:$0x7A0] =	vst v17  }
0x6d: {  	v19 =	vadd.s32 $0x6, v13;
	[tilespmem:$0x8E0] =	vst v18  }
0x6e: {  	v21 =	vadd.s32 $0x7, v13;
	[tilespmem:$0xA20] =	vst v19  }
0x6f: {  	v22 =	vadd.s32 $0x8, v13;
	[tilespmem:$0xB60] =	vst v21  }
0x70: {  	v23 =	vadd.s32 $0x9, v13;
	[tilespmem:$0xCA0] =	vst v22  }
0x71: {  	v24 =	vadd.s32 $0xA, v13;
	[tilespmem:$0xDE0] =	vst v23  }
0x72: {  	v25 =	vadd.s32 $0xB, v13;
	[tilespmem:$0xF20] =	vst v24  }
0x73: {  	v27 =	vor.u32 $0x1, v26;
	[tilespmem:$0x1060] =	vst v25  }
0x74: {  	v28 =	vor.u32 $0x2, v26;
	[tilespmem:$0x3F0] =	vst v27  }
0x75: {  	v29 =	vor.u32 $0x3, v26;
	[tilespmem:$0x530] =	vst v28  }
0x76: {  	v30 =	vadd.s32 $0x4, v26;
	[tilespmem:$0x670] =	vst v29  }
0x77: {  	v31 =	vadd.s32 $0x5, v26;
	[tilespmem:$0x7B0] =	vst v30  }
0x78: {  	v32 =	vadd.s32 $0x6, v26;
	[tilespmem:$0x8F0] =	vst v31  }
0x79: {  	v34 =	vadd.s32 $0x7, v26;
	[tilespmem:$0xA30] =	vst v32  }
0x7a: {  	v35 =	vadd.s32 $0x8, v26;
	[tilespmem:$0xB70] =	vst v34  }
0x7b: {  	v36 =	vadd.s32 $0x9, v26;
	[tilespmem:$0xCB0] =	vst v35  }
0x7c: {  	v37 =	vadd.s32 $0xA, v26;
	[tilespmem:$0xDF0] =	vst v36  }
0x7d: {  	v38 =	vadd.s32 $0xB, v26;
	[tilespmem:$0xF30] =	vst v37  }
0x7e: {  	v40 =	vor.u32 $0x1, v39;
	[tilespmem:$0x1070] =	vst v38  }
0x7f: {  	v41 =	vor.u32 $0x2, v39;
	[tilespmem:$0x400] =	vst v40  }
0x80: {  	v42 =	vor.u32 $0x3, v39;
	[tilespmem:$0x540] =	vst v41  }
0x81: {  	v43 =	vadd.s32 $0x4, v39;
	[tilespmem:$0x680] =	vst v42  }
0x82: {  	v44 =	vadd.s32 $0x5, v39;
	[tilespmem:$0x7C0] =	vst v43  }
0x83: {  	v46 =	vld [tilespmem:$0x50];
	v45 =	vadd.s32 $0x6, v39;
	[tilespmem:$0x900] =	vst v44  }
0x84: {  	v47 =	vadd.s32 $0x7, v39;
	[tilespmem:$0xA40] =	vst v45  }
0x85: {  	v48 =	vadd.s32 $0x8, v39;
	[tilespmem:$0xB80] =	vst v47  }
0x86: {  	v49 =	vadd.s32 $0x9, v39;
	[tilespmem:$0xCC0] =	vst v48  }
0x87: {  	v50 =	vadd.s32 $0xA, v39;
	[tilespmem:$0xE00] =	vst v49  }
0x88: {  	[tilespmem:$0xF40] =	vst v50;
	v51 =	vadd.s32 $0xB, v39;
	v52 =	vmul.u32 $0xC, v46  }
0x89: {  	[tilespmem:$0x1080] =	vst v51  }
0x8a: {  	[tilespmem:$0x2D0] =	vst v52;
	v53 =	vor.u32 $0x1, v52  }
0x8b: {  	v54 =	vor.u32 $0x2, v52;
	[tilespmem:$0x410] =	vst v53  }
0x8c: {  	v55 =	vor.u32 $0x3, v52;
	[tilespmem:$0x550] =	vst v54  }
0x8d: {  	v56 =	vadd.s32 $0x4, v52;
	[tilespmem:$0x690] =	vst v55  }
0x8e: {  	v57 =	vadd.s32 $0x5, v52;
	[tilespmem:$0x7D0] =	vst v56  }
0x8f: {  	v59 =	vld [tilespmem:$0x60];
	v58 =	vadd.s32 $0x6, v52;
	[tilespmem:$0x910] =	vst v57  }
0x90: {  	v12 =	vld [tilespmem:$0x70];
	v60 =	vadd.s32 $0x7, v52;
	[tilespmem:$0xA50] =	vst v58  }
0x91: {  	v25 =	vld [tilespmem:$0x80];
	v61 =	vadd.s32 $0x8, v52;
	[tilespmem:$0xB90] =	vst v60  }
0x92: {  	v38 =	vld [tilespmem:$0x90];
	v62 =	vadd.s32 $0x9, v52;
	[tilespmem:$0xCD0] =	vst v61  }
0x93: {  	v63 =	vadd.s32 $0xA, v52;
	[tilespmem:$0xE10] =	vst v62  }
0x94: {  	v4 =	vadd.s32 $0xB, v52;
	[tilespmem:$0xF50] =	vst v63;
	v5 =	vmul.u32 $0xC, v59  }
0x95: {  	[tilespmem:$0x1090] =	vst v4;
	v18 =	vmul.u32 $0xC, v12  }
0x96: {  	v31 =	vmul.u32 $0xC, v25;
	[tilespmem:$0x2E0] =	vst v5  }
0x97: {  	v44 =	vmul.u32 $0xC, v38;
	[tilespmem:$0x2F0] =	vst v18  }
0x98: {  	[tilespmem:$0x300] =	vst v31  }
0x99: {  	v6 =	vor.u32 $0x1, v5;
	[tilespmem:$0x310] =	vst v44  }
0x9a: {  	v7 =	vor.u32 $0x2, v5;
	[tilespmem:$0x420] =	vst v6  }
0x9b: {  	v8 =	vor.u32 $0x3, v5;
	[tilespmem:$0x560] =	vst v7  }
0x9c: {  	v9 =	vadd.s32 $0x4, v5;
	[tilespmem:$0x6A0] =	vst v8  }
0x9d: {  	v10 =	vadd.s32 $0x5, v5;
	[tilespmem:$0x7E0] =	vst v9  }
0x9e: {  	v11 =	vadd.s32 $0x6, v5;
	[tilespmem:$0x920] =	vst v10  }
0x9f: {  	v13 =	vadd.s32 $0x7, v5;
	[tilespmem:$0xA60] =	vst v11  }
0xa0: {  	v14 =	vadd.s32 $0x8, v5;
	[tilespmem:$0xBA0] =	vst v13  }
0xa1: {  	v15 =	vadd.s32 $0x9, v5;
	[tilespmem:$0xCE0] =	vst v14  }
0xa2: {  	v16 =	vadd.s32 $0xA, v5;
	[tilespmem:$0xE20] =	vst v15  }
0xa3: {  	v17 =	vadd.s32 $0xB, v5;
	[tilespmem:$0xF60] =	vst v16  }
0xa4: {  	v19 =	vor.u32 $0x1, v18;
	[tilespmem:$0x10A0] =	vst v17  }
0xa5: {  	v20 =	vor.u32 $0x2, v18;
	[tilespmem:$0x430] =	vst v19  }
0xa6: {  	v21 =	vor.u32 $0x3, v18;
	[tilespmem:$0x570] =	vst v20  }
0xa7: {  	v22 =	vadd.s32 $0x4, v18;
	[tilespmem:$0x6B0] =	vst v21  }
0xa8: {  	v23 =	vadd.s32 $0x5, v18;
	[tilespmem:$0x7F0] =	vst v22  }
0xa9: {  	v24 =	vadd.s32 $0x6, v18;
	[tilespmem:$0x930] =	vst v23  }
0xaa: {  	v26 =	vadd.s32 $0x7, v18;
	[tilespmem:$0xA70] =	vst v24  }
0xab: {  	v27 =	vadd.s32 $0x8, v18;
	[tilespmem:$0xBB0] =	vst v26  }
0xac: {  	v28 =	vadd.s32 $0x9, v18;
	[tilespmem:$0xCF0] =	vst v27  }
0xad: {  	v29 =	vadd.s32 $0xA, v18;
	[tilespmem:$0xE30] =	vst v28  }
0xae: {  	v30 =	vadd.s32 $0xB, v18;
	[tilespmem:$0xF70] =	vst v29  }
0xaf: {  	v32 =	vor.u32 $0x1, v31;
	[tilespmem:$0x10B0] =	vst v30  }
0xb0: {  	v33 =	vor.u32 $0x2, v31;
	[tilespmem:$0x440] =	vst v32  }
0xb1: {  	v34 =	vor.u32 $0x3, v31;
	[tilespmem:$0x580] =	vst v33  }
0xb2: {  	v35 =	vadd.s32 $0x4, v31;
	[tilespmem:$0x6C0] =	vst v34  }
0xb3: {  	v36 =	vadd.s32 $0x5, v31;
	[tilespmem:$0x800] =	vst v35  }
0xb4: {  	v37 =	vadd.s32 $0x6, v31;
	[tilespmem:$0x940] =	vst v36  }
0xb5: {  	v39 =	vadd.s32 $0x7, v31;
	[tilespmem:$0xA80] =	vst v37  }
0xb6: {  	v40 =	vadd.s32 $0x8, v31;
	[tilespmem:$0xBC0] =	vst v39  }
0xb7: {  	v41 =	vadd.s32 $0x9, v31;
	[tilespmem:$0xD00] =	vst v40  }
0xb8: {  	v42 =	vadd.s32 $0xA, v31;
	[tilespmem:$0xE40] =	vst v41  }
0xb9: {  	v43 =	vadd.s32 $0xB, v31;
	[tilespmem:$0xF80] =	vst v42  }
0xba: {  	v45 =	vor.u32 $0x1, v44;
	[tilespmem:$0x10C0] =	vst v43  }
0xbb: {  	v46 =	vor.u32 $0x2, v44;
	[tilespmem:$0x450] =	vst v45  }
0xbc: {  	v47 =	vor.u32 $0x3, v44;
	[tilespmem:$0x590] =	vst v46  }
0xbd: {  	v48 =	vadd.s32 $0x4, v44;
	[tilespmem:$0x6D0] =	vst v47  }
0xbe: {  	v49 =	vadd.s32 $0x5, v44;
	[tilespmem:$0x810] =	vst v48  }
0xbf: {  	v51 =	vld [tilespmem:$0xA0];
	v50 =	vadd.s32 $0x6, v44;
	[tilespmem:$0x950] =	vst v49  }
0xc0: {  	v52 =	vadd.s32 $0x7, v44;
	[tilespmem:$0xA90] =	vst v50  }
0xc1: {  	v53 =	vadd.s32 $0x8, v44;
	[tilespmem:$0xBD0] =	vst v52  }
0xc2: {  	v54 =	vadd.s32 $0x9, v44;
	[tilespmem:$0xD10] =	vst v53  }
0xc3: {  	v55 =	vadd.s32 $0xA, v44;
	[tilespmem:$0xE50] =	vst v54  }
0xc4: {  	v57 =	vmul.u32 $0xC, v51;
	v56 =	vadd.s32 $0xB, v44;
	[tilespmem:$0xF90] =	vst v55  }
0xc5: {  	[tilespmem:$0x10D0] =	vst v56  }
0xc6: {  	[tilespmem:$0x320] =	vst v57;
	v58 =	vor.u32 $0x1, v57  }
0xc7: {  	v59 =	vor.u32 $0x2, v57;
	[tilespmem:$0x460] =	vst v58  }
0xc8: {  	v60 =	vor.u32 $0x3, v57;
	[tilespmem:$0x5A0] =	vst v59  }
0xc9: {  	v61 =	vadd.s32 $0x4, v57;
	[tilespmem:$0x6E0] =	vst v60  }
0xca: {  	v62 =	vadd.s32 $0x5, v57;
	[tilespmem:$0x820] =	vst v61  }
0xcb: {  	v4 =	vld [tilespmem:$0xB0];
	v63 =	vadd.s32 $0x6, v57;
	[tilespmem:$0x960] =	vst v62  }
0xcc: {  	v5 =	vadd.s32 $0x7, v57;
	[tilespmem:$0xAA0] =	vst v63  }
0xcd: {  	v6 =	vadd.s32 $0x8, v57;
	[tilespmem:$0xBE0] =	vst v5  }
0xce: {  	v7 =	vadd.s32 $0x9, v57;
	[tilespmem:$0xD20] =	vst v6  }
0xcf: {  	v8 =	vadd.s32 $0xA, v57;
	[tilespmem:$0xE60] =	vst v7  }
0xd0: {  	v9 =	vadd.s32 $0xB, v57;
	v10 =	vmul.u32 $0xC, v4;
	[tilespmem:$0xFA0] =	vst v8  }
0xd1: {  	[tilespmem:$0x10E0] =	vst v9  }
0xd2: {  	[tilespmem:$0x330] =	vst v10;
	v11 =	vor.u32 $0x1, v10  }
0xd3: {  	v12 =	vor.u32 $0x2, v10;
	[tilespmem:$0x470] =	vst v11  }
0xd4: {  	v13 =	vor.u32 $0x3, v10;
	[tilespmem:$0x5B0] =	vst v12  }
0xd5: {  	v14 =	vadd.s32 $0x4, v10;
	[tilespmem:$0x6F0] =	vst v13  }
0xd6: {  	v15 =	vadd.s32 $0x5, v10;
	[tilespmem:$0x830] =	vst v14  }
0xd7: {  	v17 =	vld [tilespmem:$0xC0];
	v16 =	vadd.s32 $0x6, v10;
	[tilespmem:$0x970] =	vst v15  }
0xd8: {  	v18 =	vadd.s32 $0x7, v10;
	[tilespmem:$0xAB0] =	vst v16  }
0xd9: {  	v19 =	vadd.s32 $0x8, v10;
	[tilespmem:$0xBF0] =	vst v18  }
0xda: {  	v20 =	vadd.s32 $0x9, v10;
	[tilespmem:$0xD30] =	vst v19  }
0xdb: {  	v21 =	vadd.s32 $0xA, v10;
	[tilespmem:$0xE70] =	vst v20  }
0xdc: {  	v22 =	vadd.s32 $0xB, v10;
	[tilespmem:$0xFB0] =	vst v21;
	v23 =	vmul.u32 $0xC, v17  }
0xdd: {  	[tilespmem:$0x10F0] =	vst v22  }
0xde: {  	[tilespmem:$0x340] =	vst v23;
	v24 =	vor.u32 $0x1, v23  }
0xdf: {  	v25 =	vor.u32 $0x2, v23;
	[tilespmem:$0x480] =	vst v24  }
0xe0: {  	v26 =	vor.u32 $0x3, v23;
	[tilespmem:$0x5C0] =	vst v25  }
0xe1: {  	v27 =	vadd.s32 $0x4, v23;
	[tilespmem:$0x700] =	vst v26  }
0xe2: {  	v28 =	vadd.s32 $0x5, v23;
	[tilespmem:$0x840] =	vst v27  }
0xe3: {  	v29 =	vadd.s32 $0x6, v23;
	[tilespmem:$0x980] =	vst v28;
	v30 =	vld [tilespmem:$0xD0]  }
0xe4: {  	v31 =	vadd.s32 $0x7, v23;
	[tilespmem:$0xAC0] =	vst v29;
	v43 =	vld [tilespmem:$0xE0]  }
0xe5: {  	v32 =	vadd.s32 $0x8, v23;
	[tilespmem:$0xC00] =	vst v31;
	v56 =	vld [tilespmem:$0xF0]  }
0xe6: {  	v33 =	vadd.s32 $0x9, v23;
	[tilespmem:$0xD40] =	vst v32;
	v9 =	vld [tilespmem:$0x100]  }
0xe7: {  	v34 =	vadd.s32 $0xA, v23;
	[tilespmem:$0xE80] =	vst v33;
	v22 =	vld [tilespmem:$0x110]  }
0xe8: {  	v35 =	vadd.s32 $0xB, v23;
	[tilespmem:$0xFC0] =	vst v34;
	v34 =	vld [tilespmem:$0x120];
	v36 =	vmul.u32 $0xC, v30  }
0xe9: {  	[tilespmem:$0x1100] =	vst v35;
	v49 =	vmul.u32 $0xC, v43  }
0xea: {  	v62 =	vmul.u32 $0xC, v56;
	[tilespmem:$0x350] =	vst v36  }
0xeb: {  	v15 =	vmul.u32 $0xC, v9;
	[tilespmem:$0x360] =	vst v49  }
0xec: {  	v28 =	vmul.u32 $0xC, v22;
	[tilespmem:$0x370] =	vst v62  }
0xed: {  	v2 =	vmul.u32 $0xC, v34;
	[tilespmem:$0x380] =	vst v15  }
0xee: {  	[tilespmem:$0x390] =	vst v28  }
0xef: {  	v37 =	vor.u32 $0x1, v36;
	[tilespmem:$0x3A0] =	vst v2  }
0xf0: {  	v38 =	vor.u32 $0x2, v36;
	[tilespmem:$0x490] =	vst v37  }
0xf1: {  	v39 =	vor.u32 $0x3, v36;
	[tilespmem:$0x5D0] =	vst v38  }
0xf2: {  	v40 =	vadd.s32 $0x4, v36;
	[tilespmem:$0x710] =	vst v39  }
0xf3: {  	v41 =	vadd.s32 $0x5, v36;
	[tilespmem:$0x850] =	vst v40  }
0xf4: {  	v42 =	vadd.s32 $0x6, v36;
	[tilespmem:$0x990] =	vst v41  }
0xf5: {  	v44 =	vadd.s32 $0x7, v36;
	[tilespmem:$0xAD0] =	vst v42  }
0xf6: {  	v45 =	vadd.s32 $0x8, v36;
	[tilespmem:$0xC10] =	vst v44  }
0xf7: {  	v46 =	vadd.s32 $0x9, v36;
	[tilespmem:$0xD50] =	vst v45  }
0xf8: {  	v47 =	vadd.s32 $0xA, v36;
	[tilespmem:$0xE90] =	vst v46  }
0xf9: {  	v48 =	vadd.s32 $0xB, v36;
	[tilespmem:$0xFD0] =	vst v47  }
0xfa: {  	v50 =	vor.u32 $0x1, v49;
	[tilespmem:$0x1110] =	vst v48  }
0xfb: {  	v51 =	vor.u32 $0x2, v49;
	[tilespmem:$0x4A0] =	vst v50  }
0xfc: {  	v52 =	vor.u32 $0x3, v49;
	[tilespmem:$0x5E0] =	vst v51  }
0xfd: {  	v53 =	vadd.s32 $0x4, v49;
	[tilespmem:$0x720] =	vst v52  }
0xfe: {  	v54 =	vadd.s32 $0x5, v49;
	[tilespmem:$0x860] =	vst v53  }
0xff: {  	v55 =	vadd.s32 $0x6, v49;
	[tilespmem:$0x9A0] =	vst v54  }
0x100: {  	v57 =	vadd.s32 $0x7, v49;
	[tilespmem:$0xAE0] =	vst v55  }
0x101: {  	v58 =	vadd.s32 $0x8, v49;
	[tilespmem:$0xC20] =	vst v57  }
0x102: {  	v59 =	vadd.s32 $0x9, v49;
	[tilespmem:$0xD60] =	vst v58  }
0x103: {  	v60 =	vadd.s32 $0xA, v49;
	[tilespmem:$0xEA0] =	vst v59  }
0x104: {  	v61 =	vadd.s32 $0xB, v49;
	[tilespmem:$0xFE0] =	vst v60  }
0x105: {  	v63 =	vor.u32 $0x1, v62;
	[tilespmem:$0x1120] =	vst v61  }
0x106: {  	v4 =	vor.u32 $0x2, v62;
	[tilespmem:$0x4B0] =	vst v63  }
0x107: {  	v5 =	vor.u32 $0x3, v62;
	[tilespmem:$0x5F0] =	vst v4  }
0x108: {  	v6 =	vadd.s32 $0x4, v62;
	[tilespmem:$0x730] =	vst v5  }
0x109: {  	v7 =	vadd.s32 $0x5, v62;
	[tilespmem:$0x870] =	vst v6  }
0x10a: {  	v8 =	vadd.s32 $0x6, v62;
	[tilespmem:$0x9B0] =	vst v7  }
0x10b: {  	v10 =	vadd.s32 $0x7, v62;
	[tilespmem:$0xAF0] =	vst v8  }
0x10c: {  	v11 =	vadd.s32 $0x8, v62;
	[tilespmem:$0xC30] =	vst v10  }
0x10d: {  	v12 =	vadd.s32 $0x9, v62;
	[tilespmem:$0xD70] =	vst v11  }
0x10e: {  	v13 =	vadd.s32 $0xA, v62;
	[tilespmem:$0xEB0] =	vst v12  }
0x10f: {  	v14 =	vadd.s32 $0xB, v62;
	[tilespmem:$0xFF0] =	vst v13  }
0x110: {  	v16 =	vor.u32 $0x1, v15;
	[tilespmem:$0x1130] =	vst v14  }
0x111: {  	v17 =	vor.u32 $0x2, v15;
	[tilespmem:$0x4C0] =	vst v16  }
0x112: {  	v18 =	vor.u32 $0x3, v15;
	[tilespmem:$0x600] =	vst v17  }
0x113: {  	v19 =	vadd.s32 $0x4, v15;
	[tilespmem:$0x740] =	vst v18  }
0x114: {  	v20 =	vadd.s32 $0x5, v15;
	[tilespmem:$0x880] =	vst v19  }
0x115: {  	v21 =	vadd.s32 $0x6, v15;
	[tilespmem:$0x9C0] =	vst v20  }
0x116: {  	v23 =	vadd.s32 $0x7, v15;
	[tilespmem:$0xB00] =	vst v21  }
0x117: {  	v24 =	vadd.s32 $0x8, v15;
	[tilespmem:$0xC40] =	vst v23  }
0x118: {  	v25 =	vadd.s32 $0x9, v15;
	[tilespmem:$0xD80] =	vst v24  }
0x119: {  	v26 =	vadd.s32 $0xA, v15;
	[tilespmem:$0xEC0] =	vst v25  }
0x11a: {  	v27 =	vadd.s32 $0xB, v15;
	[tilespmem:$0x1000] =	vst v26  }
0x11b: {  	v29 =	vor.u32 $0x1, v28;
	[tilespmem:$0x1140] =	vst v27  }
0x11c: {  	v30 =	vor.u32 $0x2, v28;
	[tilespmem:$0x4D0] =	vst v29  }
0x11d: {  	v31 =	vor.u32 $0x3, v28;
	[tilespmem:$0x610] =	vst v30  }
0x11e: {  	v32 =	vadd.s32 $0x4, v28;
	[tilespmem:$0x750] =	vst v31  }
0x11f: {  	v33 =	vadd.s32 $0x5, v28;
	[tilespmem:$0x890] =	vst v32  }
0x120: {  	v35 =	vadd.s32 $0x6, v28;
	[tilespmem:$0x9D0] =	vst v33  }
0x121: {  	v36 =	vadd.s32 $0x7, v28;
	[tilespmem:$0xB10] =	vst v35  }
0x122: {  	v43 =	vor.u32 $0x3, v2;
	[tilespmem:$0xC50] =	vst v36  }
0x123: {  	v49 =	vadd.s32 $0x8, v2;
	[tilespmem:$0x760] =	vst v43  }
0x124: {  	v37 =	vadd.s32 $0x8, v28;
	[tilespmem:$0xDA0] =	vst v49  }
0x125: {  	v38 =	vadd.s32 $0x9, v28;
	[tilespmem:$0xD90] =	vst v37  }
0x126: {  	v39 =	vadd.s32 $0xA, v28;
	[tilespmem:$0xED0] =	vst v38  }
0x127: {  	v40 =	vadd.s32 $0xB, v28;
	[tilespmem:$0x1010] =	vst v39  }
0x128: {  	v41 =	vor.u32 $0x1, v2;
	[tilespmem:$0x1150] =	vst v40  }
0x129: {  	v42 =	vor.u32 $0x2, v2;
	[tilespmem:$0x4E0] =	vst v41  }
0x12a: {  	v44 =	vadd.s32 $0x4, v2;
	[tilespmem:$0x620] =	vst v42  }
0x12b: {  	v45 =	vadd.s32 $0x5, v2;
	v48 =	vld [tilespmem:$0x130];
	[tilespmem:$0x8A0] =	vst v44  }
0x12c: {  	v46 =	vadd.s32 $0x6, v2;
	[tilespmem:$0x9E0] =	vst v45  }
0x12d: {  	v47 =	vadd.s32 $0x7, v2;
	[tilespmem:$0xB20] =	vst v46  }
0x12e: {  	v50 =	vadd.s32 $0x9, v2;
	[tilespmem:$0xC60] =	vst v47  }
0x12f: {  	v51 =	vadd.s32 $0xA, v2;
	[tilespmem:$0xEE0] =	vst v50  }
0x130: {  	v52 =	vadd.s32 $0xB, v2;
	[tilespmem:$0x1020] =	vst v51;
	v1 =	vmul.u32 $0xC, v48  }
0x131: {  	[tilespmem:$0x1160] =	vst v52  }
0x132: {  	[tilespmem:$0x3B0] =	vst v1;
	v53 =	vor.u32 $0x1, v1  }
0x133: {  	v54 =	vor.u32 $0x2, v1;
	[tilespmem:$0x4F0] =	vst v53  }
0x134: {  	v55 =	vor.u32 $0x3, v1;
	[tilespmem:$0x630] =	vst v54  }
0x135: {  	v56 =	vadd.s32 $0x4, v1;
	[tilespmem:$0x770] =	vst v55  }
0x136: {  	v57 =	vadd.s32 $0x5, v1;
	[tilespmem:$0x8B0] =	vst v56  }
0x137: {  	v58 =	vadd.s32 $0x6, v1;
	[tilespmem:$0x9F0] =	vst v57  }
0x138: {  	v59 =	vadd.s32 $0x7, v1;
	[tilespmem:$0xB30] =	vst v58  }
0x139: {  	v60 =	vadd.s32 $0x8, v1;
	[tilespmem:$0xC70] =	vst v59  }
0x13a: {  	v61 =	vadd.s32 $0x9, v1;
	[tilespmem:$0xDB0] =	vst v60  }
0x13b: {  	v62 =	vadd.s32 $0xA, v1;
	[tilespmem:$0xEF0] =	vst v61  }
0x13c: {  	v63 =	vadd.s32 $0xB, v1;
	[tilespmem:$0x1030] =	vst v62  }
0x13d: {  	s13 =	simm.s32 $0x280;
	s7 =	simm.s32 $0x1180;
	[tilespmem:$0x1170] =	vst v63  }
0x13e: {  	[tilespmem:s7], [sflag:$0x1] =	stream.indirect.gather [hbm4b:s4+s9], $0x1, s13, s9, $0xb8;
	[tilespmem:$0x1AF80] =	vst v63  }
0x13f: {  	s16 =	simm.s32 $0x300;
	s8 =	simm.s32 $0x1200  }
0x140: {  	[tilespmem:s8], [sflag:$0x1] =	stream.indirect.gather [hbm4b:s4+s9], $0x1, s16, s9, $0xb8;
	[tilespmem:$0x1AF80] =	vst v63  }
0x141: {  	s10 =	simm.s32 $0x1280  }
0x142: {  	[tilespmem:s10], [sflag:$0x1] =	stream.indirect.gather [hbm4b:s4+s9], $0x1, s18, s9, $0xb8;
	[tilespmem:$0x1AF80] =	vst v63  }
0x143: {  	s11 =	simm.s32 $0x1300  }
0x144: {  	[tilespmem:s11], [sflag:$0x1] =	stream.indirect.gather [hbm4b:s4+s9], $0x1, s20, s9, $0xb8;
	[tilespmem:$0x1AF80] =	vst v63  }
0x145: {  	s12 =	simm.s32 $0x1380  }
0x146: {  	[tilespmem:s12], [sflag:$0x1] =	stream.indirect.gather [hbm4b:s4+s9], $0x1, s22, s9, $0xb8;
	[tilespmem:$0x1AF80] =	vst v63  }
0x147: {  	s14 =	simm.s32 $0x1400;
	s11 =	simm.s32 $0x500  }
0x148: {  	[tilespmem:s14], [sflag:$0x1] =	stream.indirect.gather [hbm4b:s4+s9], $0x1, s11, s9, $0xb8;
	[tilespmem:$0x1AF80] =	vst v63  }
0x149: {  	s15 =	simm.s32 $0x1480;
	s14 =	simm.s32 $0x580  }
0x14a: {  	[tilespmem:s15], [sflag:$0x1] =	stream.indirect.gather [hbm4b:s4+s9], $0x1, s14, s9, $0xb8;
	[tilespmem:$0x1AF80] =	vst v63  }
0x14b: {  	s17 =	simm.s32 $0x1500  }
0x14c: {  	[tilespmem:s17], [sflag:$0x1] =	stream.indirect.gather [hbm4b:s4+s9], $0x1, s28, s9, $0xb8;
	[tilespmem:$0x1AF80] =	vst v63  }
0x14d: {  	s29 =	simm.s32 $0x1580;
	s10 =	simm.s32 $0x680  }
0x14e: {  	[tilespmem:s29], [sflag:$0x1] =	stream.indirect.gather [hbm4b:s4+s9], $0x1, s10, s9, $0xb8;
	[tilespmem:$0x1AF80] =	vst v63  }
0x14f: {  	s3 =	simm.s32 $0x1600  }
0x150: {  	[tilespmem:s3], [sflag:$0x1] =	stream.indirect.gather [hbm4b:s4+s9], $0x1, s24, s9, $0xb8;
	[tilespmem:$0x1AF80] =	vst v63  }
0x151: {  	s7 =	simm.s32 $0x1680;
	s15 =	simm.s32 $0x780  }
0x152: {  	[tilespmem:s7], [sflag:$0x1] =	stream.indirect.gather [hbm4b:s4+s9], $0x1, s15, s9, $0xb8;
	[tilespmem:$0x1AF80] =	vst v63  }
0x153: {  	s8 =	simm.s32 $0x1700;
	s17 =	simm.s32 $0x800  }
0x154: {  	[tilespmem:s8], [sflag:$0x1] =	stream.indirect.gather [hbm4b:s4+s9], $0x1, s17, s9, $0xb8;
	[tilespmem:$0x1AF80] =	vst v63  }
0x155: {  	s12 =	simm.s32 $0x1780  }
0x156: {  	[tilespmem:s12], [sflag:$0x1] =	stream.indirect.gather [hbm4b:s4+s9], $0x1, s19, s9, $0xb8;
	[tilespmem:$0x1AF80] =	vst v63  }
0x157: {  	s29 =	simm.s32 $0x1800  }
0x158: {  	[tilespmem:s29], [sflag:$0x1] =	stream.indirect.gather [hbm4b:s4+s9], $0x1, s21, s9, $0xb8;
	[tilespmem:$0x1AF80] =	vst v63  }
0x159: {  	s3 =	simm.s32 $0x1880  }
0x15a: {  	[tilespmem:s3], [sflag:$0x1] =	stream.indirect.gather [hbm4b:s4+s9], $0x1, s30, s9, $0xb8;
	[tilespmem:$0x1AF80] =	vst v63  }
0x15b: {  	s7 =	simm.s32 $0x1900  }
0x15c: {  	[tilespmem:s7], [sflag:$0x1] =	stream.indirect.gather [hbm4b:s4+s9], $0x1, s23, s9, $0xb8;
	[tilespmem:$0x1AF80] =	vst v63  }
0x15d: {  	s8 =	simm.s32 $0x1980  }
0x15e: {  	[tilespmem:s8], [sflag:$0x1] =	stream.indirect.gather [hbm4b:s4+s9], $0x1, s26, s9, $0xb8;
	[tilespmem:$0x1AF80] =	vst v63  }
0x15f: {  	s12 =	simm.s32 $0x1A00;
	s8 =	simm.s32 $0xB00  }
0x160: {  	[tilespmem:s12], [sflag:$0x1] =	stream.indirect.gather [hbm4b:s4+s9], $0x1, s8, s9, $0xb8;
	[tilespmem:$0x1AF80] =	vst v63  }
0x161: {  	s29 =	simm.s32 $0x1A80;
	s3 =	simm.s32 $0xB80  }
0x162: {  	[tilespmem:s29], [sflag:$0x1] =	stream.indirect.gather [hbm4b:s4+s9], $0x1, s3, s9, $0xb8;
	[tilespmem:$0x1AF80] =	vst v63  }
0x163: {  	s7 =	simm.s32 $0x1B00  }
0x164: {  	[tilespmem:s7], [sflag:$0x1] =	stream.indirect.gather [hbm4b:s4+s9], $0x1, s31, s9, $0xb8;
	[tilespmem:$0x1AF80] =	vst v63  }
0x165: {  	s2 =	simm.s32 $0xC80;
	s12 =	simm.s32 $0x1B80  }
0x166: {  	[tilespmem:s12], [sflag:$0x1] =	stream.indirect.gather [hbm4b:s4+s9], $0x1, s2, s9, $0xb8;
	[tilespmem:$0x1AF80] =	vst v63  }
0x167: {  	s29 =	simm.s32 $0x1C00;
	s7 =	simm.s32 $0xD00  }
0x168: {  	[tilespmem:s29], [sflag:$0x1] =	stream.indirect.gather [hbm4b:s4+s9], $0x1, s7, s9, $0xb8;
	[tilespmem:$0x1AF80] =	vst v63  }
0x169: {  	s12 =	simm.s32 $0x1C80;
	s29 =	simm.s32 $0xD80  }
0x16a: {  	[tilespmem:s12], [sflag:$0x1] =	stream.indirect.gather [hbm4b:s4+s9], $0x1, s29, s9, $0xb8;
	[tilespmem:$0x1AF80] =	vst v63  }
0x16b: {  	s29 =	simm.s32 $0xE00;
	s12 =	simm.s32 $0x1D00  }
0x16c: {  	[tilespmem:s12], [sflag:$0x1] =	stream.indirect.gather [hbm4b:s4+s9], $0x1, s29, s9, $0xb8;
	[tilespmem:$0x1AF80] =	vst v63  }
0x16d: {  	s29 =	simm.s32 $0xE80;
	s12 =	simm.s32 $0x1D80  }
0x16e: {  	[tilespmem:s12], [sflag:$0x1] =	stream.indirect.gather [hbm4b:s4+s9], $0x1, s29, s9, $0xb8;
	[tilespmem:$0x1AF80] =	vst v63  }
0x16f: {  	s29 =	simm.s32 $0xF00;
	s12 =	simm.s32 $0x1E00  }
0x170: {  	[tilespmem:s12], [sflag:$0x1] =	stream.indirect.gather [hbm4b:s4+s9], $0x1, s29, s9, $0xb8;
	[tilespmem:$0x1AF80] =	vst v63  }
0x171: {  	s29 =	simm.s32 $0xF80;
	s12 =	simm.s32 $0x1E80  }
0x172: {  	[tilespmem:s12], [sflag:$0x1] =	stream.indirect.gather [hbm4b:s4+s9], $0x1, s29, s9, $0xb8;
	[tilespmem:$0x1AF80] =	vst v63  }
0x173: {  	s29 =	simm.s32 $0x1000;
	s12 =	simm.s32 $0x1F00  }
0x174: {  	[tilespmem:s12], [sflag:$0x1] =	stream.indirect.gather [hbm4b:s4+s9], $0x1, s29, s9, $0xb8;
	[tilespmem:$0x1AF80] =	vst v63  }
0x175: {  	s29 =	simm.s32 $0x1080;
	s12 =	simm.s32 $0x1F80  }
0x176: {  	[tilespmem:s12], [sflag:$0x1] =	stream.indirect.gather [hbm4b:s4+s9], $0x1, s29, s9, $0xb8;
	[tilespmem:$0x1AF80] =	vst v63  }
0x177: {  	s29 =	simm.s32 $0x1100;
	s12 =	simm.s32 $0x2000  }
0x178: {  	[tilespmem:s12], [sflag:$0x1] =	stream.indirect.gather [hbm4b:s4+s9], $0x1, s29, s9, $0xb8;
	[tilespmem:$0x1AF80] =	vst v63  }
0x179: {  	s12 =	rddreg [dreg:$0x1a];
	s29 =	simm.s32 $0x2080  }
0x17a: {  	[tilespmem:s29], [sflag:$0x2] =	stream.indirect.gather [hbm4b:s5+s9], $0x1, s13, s9, $0xb8;
	[tilespmem:$0x1AF80] =	vst v63  }
0x17b: {  	s13 =	rddreg [dreg:$0x1b]  }
0x17c: {  	[tilespmem:s12], [sflag:$0x2] =	stream.indirect.gather [hbm4b:s5+s9], $0x1, s16, s9, $0xb8;
	[tilespmem:$0x1AF80] =	vst v63  }
0x17d: {  	s12 =	rddreg [dreg:$0x1c]  }
0x17e: {  	[tilespmem:s13], [sflag:$0x2] =	stream.indirect.gather [hbm4b:s5+s9], $0x1, s18, s9, $0xb8;
	[tilespmem:$0x1AF80] =	vst v63  }
0x17f: {  	s16 =	rddreg [dreg:$0x1d]  }
0x180: {  	[tilespmem:s12], [sflag:$0x2] =	stream.indirect.gather [hbm4b:s5+s9], $0x1, s20, s9, $0xb8;
	[tilespmem:$0x1AF80] =	vst v63  }
0x181: {  	s12 =	rddreg [dreg:$0x1e]  }
0x182: {  	[tilespmem:s16], [sflag:$0x2] =	stream.indirect.gather [hbm4b:s5+s9], $0x1, s22, s9, $0xb8;
	[tilespmem:$0x1AF80] =	vst v63  }
0x183: {  	s16 =	rddreg [dreg:$0x1f]  }
0x184: {  	[tilespmem:s12], [sflag:$0x2] =	stream.indirect.gather [hbm4b:s5+s9], $0x1, s11, s9, $0xb8;
	[tilespmem:$0x1AF80] =	vst v63  }
0x185: {  	s11 =	sld [smem:$0x7E4]  }
0x186: {  	[tilespmem:s16], [sflag:$0x2] =	stream.indirect.gather [hbm4b:s5+s9], $0x1, s14, s9, $0xb8;
	[tilespmem:$0x1AF80] =	vst v63  }
0x187: {  	s14 =	sld [smem:$0x7E5]  }
0x188: {  	[tilespmem:s11], [sflag:$0x2] =	stream.indirect.gather [hbm4b:s5+s9], $0x1, s28, s9, $0xb8;
	[tilespmem:$0x1AF80] =	vst v63  }
0x189: {  	s16 =	sld [smem:$0x7E6]  }
0x18a: {  	[tilespmem:s14], [sflag:$0x2] =	stream.indirect.gather [hbm4b:s5+s9], $0x1, s10, s9, $0xb8;
	[tilespmem:$0x1AF80] =	vst v63  }
0x18b: {  	s10 =	sld [smem:$0x7E7]  }
0x18c: {  	[tilespmem:s16], [sflag:$0x2] =	stream.indirect.gather [hbm4b:s5+s9], $0x1, s24, s9, $0xb8;
	[tilespmem:$0x1AF80] =	vst v63  }
0x18d: {  	s11 =	sld [smem:$0x7E8]  }
0x18e: {  	[tilespmem:s10], [sflag:$0x2] =	stream.indirect.gather [hbm4b:s5+s9], $0x1, s15, s9, $0xb8;
	[tilespmem:$0x1AF80] =	vst v63  }
0x18f: {  	s14 =	sld [smem:$0x7E9]  }
0x190: {  	[tilespmem:s11], [sflag:$0x2] =	stream.indirect.gather [hbm4b:s5+s9], $0x1, s17, s9, $0xb8;
	[tilespmem:$0x1AF80] =	vst v63  }
0x191: {  	s15 =	sld [smem:$0x7EA]  }
0x192: {  	[tilespmem:s14], [sflag:$0x2] =	stream.indirect.gather [hbm4b:s5+s9], $0x1, s19, s9, $0xb8;
	[tilespmem:$0x1AF80] =	vst v63  }
0x193: {  	s16 =	sld [smem:$0x7EB]  }
0x194: {  	[tilespmem:s15], [sflag:$0x2] =	stream.indirect.gather [hbm4b:s5+s9], $0x1, s21, s9, $0xb8;
	[tilespmem:$0x1AF80] =	vst v63  }
0x195: {  	s17 =	sld [smem:$0x7EC]  }
0x196: {  	[tilespmem:s16], [sflag:$0x2] =	stream.indirect.gather [hbm4b:s5+s9], $0x1, s30, s9, $0xb8;
	[tilespmem:$0x1AF80] =	vst v63  }
0x197: {  	s10 =	sld [smem:$0x7ED]  }
0x198: {  	[tilespmem:s17], [sflag:$0x2] =	stream.indirect.gather [hbm4b:s5+s9], $0x1, s23, s9, $0xb8;
	[tilespmem:$0x1AF80] =	vst v63  }
0x199: {  	s11 =	sld [smem:$0x7EE]  }
0x19a: {  	[tilespmem:s10], [sflag:$0x2] =	stream.indirect.gather [hbm4b:s5+s9], $0x1, s26, s9, $0xb8;
	[tilespmem:$0x1AF80] =	vst v63  }
0x19b: {  	s14 =	sld [smem:$0x7EF]  }
0x19c: {  	[tilespmem:s11], [sflag:$0x2] =	stream.indirect.gather [hbm4b:s5+s9], $0x1, s8, s9, $0xb8;
	[tilespmem:$0x1AF80] =	vst v63  }
0x19d: {  	s15 =	sld [smem:$0x7F0]  }
0x19e: {  	[tilespmem:s14], [sflag:$0x2] =	stream.indirect.gather [hbm4b:s5+s9], $0x1, s3, s9, $0xb8;
	[tilespmem:$0x1AF80] =	vst v63  }
0x19f: {  	s16 =	sld [smem:$0x7F1]  }
0x1a0: {  	[tilespmem:s15], [sflag:$0x2] =	stream.indirect.gather [hbm4b:s5+s9], $0x1, s31, s9, $0xb8;
	[tilespmem:$0x1AF80] =	vst v63  }
0x1a1: {  	s17 =	sld [smem:$0x7F2]  }
0x1a2: {  	[tilespmem:s16], [sflag:$0x2] =	stream.indirect.gather [hbm4b:s5+s9], $0x1, s2, s9, $0xb8;
	[tilespmem:$0x1AF80] =	vst v63  }
0x1a3: {  	s2 =	sld [smem:$0x7F3]  }
0x1a4: {  	[tilespmem:s17], [sflag:$0x2] =	stream.indirect.gather [hbm4b:s5+s9], $0x1, s7, s9, $0xb8;
	[tilespmem:$0x1AF80] =	vst v63  }
0x1a5: {  	s3 =	sld [smem:$0x7F4];
	s7 =	simm.s32 $0xD80  }
0x1a6: {  	[tilespmem:s2], [sflag:$0x2] =	stream.indirect.gather [hbm4b:s5+s9], $0x1, s7, s9, $0xb8;
	[tilespmem:$0x1AF80] =	vst v63  }
0x1a7: {  	s10 =	simm.s32 $0xE00;
	s8 =	sld [smem:$0x7F5]  }
0x1a8: {  	[tilespmem:s3], [sflag:$0x2] =	stream.indirect.gather [hbm4b:s5+s9], $0x1, s10, s9, $0xb8;
	[tilespmem:$0x1AF80] =	vst v63  }
0x1a9: {  	s11 =	sld [smem:$0x7F6];
	s14 =	simm.s32 $0xE80  }
0x1aa: {  	[tilespmem:s8], [sflag:$0x2] =	stream.indirect.gather [hbm4b:s5+s9], $0x1, s14, s9, $0xb8;
	[tilespmem:$0x1AF80] =	vst v63  }
0x1ab: {  	s15 =	sld [smem:$0x7F7];
	s16 =	simm.s32 $0xF00  }
0x1ac: {  	[tilespmem:s11], [sflag:$0x2] =	stream.indirect.gather [hbm4b:s5+s9], $0x1, s16, s9, $0xb8;
	[tilespmem:$0x1AF80] =	vst v63  }
0x1ad: {  	s17 =	sld [smem:$0x7F8];
	s3 =	simm.s32 $0xF80  }
0x1ae: {  	[tilespmem:s15], [sflag:$0x2] =	stream.indirect.gather [hbm4b:s5+s9], $0x1, s3, s9, $0xb8;
	[tilespmem:$0x1AF80] =	vst v63  }
0x1af: {  	s7 =	sld [smem:$0x7F9];
	s8 =	simm.s32 $0x1000  }
0x1b0: {  	[tilespmem:s17], [sflag:$0x2] =	stream.indirect.gather [hbm4b:s5+s9], $0x1, s8, s9, $0xb8;
	[tilespmem:$0x1AF80] =	vst v63  }
0x1b1: {  	s10 =	sld [smem:$0x7FA];
	s11 =	simm.s32 $0x1080  }
0x1b2: {  	[tilespmem:s7], [sflag:$0x2] =	stream.indirect.gather [hbm4b:s5+s9], $0x1, s11, s9, $0xb8;
	[tilespmem:$0x1AF80] =	vst v63  }
0x1b3: {  	s13 =	simm.s32 $0x1100  }
0x1b4: {  	[tilespmem:s10], [sflag:$0x2] =	stream.indirect.gather [hbm4b:s5+s9], $0x1, s13, s9, $0xb8;
	[tilespmem:$0x1AF80] =	vst v63  }
0x1b5: {  	s2 =	rddreg [dreg:$0x1];
	s14 =	simm.s32 $0x0;
	s3 =	simm.s32 $0xAF80  }
0x1b6: {  	[tilespmem:s3], [sflag:$0x3] =	stream.indirect.gather [hbm4b:s2+s9], $0x80, s14, s9, $0xb8;
	[tilespmem:$0x1AF80] =	vst v63  }
0x1b7: {  	s7 =	simm.s32 $0xEF80  }
0x1b8: {  	[tilespmem:s7], [sflag:$0x3] =	stream.indirect.gather [hbm4b:s2+s9], $0x80, s9, s9, $0xb8;
	[tilespmem:$0x1AF80] =	vst v63  }
0x1b9: {  	_ =	swait.ge [sflag:s25], $0x4000  }
0x1ba: {  	[sflag:s25] =	ssyncset.done $0x0  }
0x1bb: {  	[sflag:s25] =	ssyncadd.s32 $0xFFFFC000  }
0x1bc: {  	_ =	swait.ge [sflag:s25], $0x4000  }
0x1bd: {  	[sflag:s25] =	ssyncset.done $0x0  }
0x1be: {  	s15 =	rddreg [dreg:$0x6];
	[sflag:s25] =	ssyncadd.s32 $0xFFFFC000  }
0x1bf: {  	[hbm4b:s15+s14] =	stream.linear.scatter [tilespmem:s3], [sflag:$0x5], $0x8000, $0x38;
	[tilespmem:$0x1AF80] =	vst v63  }
0x1c0: {  	s8 =	simm.s32 $0x12F80;
	s11 =	simm.s32 $0x140;
	s16 =	sld [smem:$0x7FB]  }
0x1c1: {  	[tilespmem:s8], [sflag:$0x3] =	stream.indirect.gather [hbm4b:s2+s9], $0x80, s11, s9, $0xb8;
	[tilespmem:$0x1AF80] =	vst v63  }
0x1c2: {  	s10 =	simm.s32 $0x16F80  }
0x1c3: {  	[tilespmem:s10], [sflag:$0x3] =	stream.indirect.gather [hbm4b:s2+s9], $0x80, s16, s9, $0xb8;
	[tilespmem:$0x1AF80] =	vst v63  }
0x1c4: {  	_ =	swait.ge [sflag:s25], $0x4000  }
0x1c5: {  	[sflag:s25] =	ssyncset.done $0x0  }
0x1c6: {  	[sflag:s25] =	ssyncadd.s32 $0xFFFFC000  }
0x1c7: {  	_ =	swait.ge [sflag:s25], $0x4000  }
0x1c8: {  	s17 =	simm.s32 $0x0;
	[sflag:s25] =	ssyncset.done $0x0  }
0x1c9: {  	s11 =	simm.s32 $0x5;
	s13 =	rddreg [dreg:$0x7];
	[sflag:s25] =	ssyncadd.s32 $0xFFFFC000  }
0x1ca: {  	[hbm4b:s13+s17] =	stream.linear.scatter [tilespmem:s8], [sflag:$0x6], $0x8000, $0x38;
	[tilespmem:$0x1AF80] =	vst v63  }
0x1cb: {  	_ =	swait.ge [sflag:s11], $0x8000  }
0x1cc: {  	s14 =	sld [smem:$0x7FC]  }
0x1cd: {  	[sflag:s11] =	ssyncset.done $0x0  }
0x1ce: {  	s13 =	simm.s32 $0x40;
	[sflag:s11] =	ssyncadd.s32 $0xFFFF8000  }
0x1cf: {  	[tilespmem:s3], [sflag:$0x3] =	stream.indirect.gather [hbm4b:s2+s13], $0x80, s14, s13, $0xb8;
	[tilespmem:$0x1AF80] =	vst v63  }
0x1d0: {  	_ =	swait.ge [sflag:s25], $0x2000  }
0x1d1: {  	[sflag:s25] =	ssyncset.done $0x0  }
0x1d2: {  	s14 =	simm.s32 $0x6;
	s15 =	rddreg [dreg:$0x8];
	[sflag:s25] =	ssyncadd.s32 $0xFFFFE000  }
0x1d3: {  	[hbm4b:s15+s17] =	stream.linear.scatter [tilespmem:s3], [sflag:$0x5], $0x2000, $0x38;
	[tilespmem:$0x1AF80] =	vst v63  }
0x1d4: {  	_ =	swait.ge [sflag:s14], $0x8000  }
0x1d5: {  	s16 =	sld [smem:$0x7FD]  }
0x1d6: {  	[sflag:s14] =	ssyncset.done $0x0  }
0x1d7: {  	[sflag:s14] =	ssyncadd.s32 $0xFFFF8000  }
0x1d8: {  	[tilespmem:s8], [sflag:$0x3] =	stream.indirect.gather [hbm4b:s2+s13], $0x80, s16, s13, $0xb8;
	[tilespmem:$0x1AF80] =	vst v63  }
0x1d9: {  	_ =	swait.ge [sflag:s25], $0x2000  }
0x1da: {  	[sflag:s25] =	ssyncset.done $0x0  }
0x1db: {  	s13 =	rddreg [dreg:$0x9];
	[sflag:s25] =	ssyncadd.s32 $0xFFFFE000  }
0x1dc: {  	[hbm4b:s13+s17] =	stream.linear.scatter [tilespmem:s8], [sflag:$0x6], $0x2000, $0x38;
	[tilespmem:$0x1AF80] =	vst v63  }
0x1dd: {  	_ =	swait.ge [sflag:s1], $0x80  }
0x1de: {  	[sflag:s1] =	ssyncset.done $0x0  }
0x1df: {  	[sflag:s1] =	ssyncadd.s32 $0xFFFFFF80  }
0x1e0: {  	_ =	swait.ge [sflag:s1], $0x80  }
0x1e1: {  	[sflag:s1] =	ssyncset.done $0x0  }
0x1e2: {  	[sflag:s1] =	ssyncadd.s32 $0xFFFFFF80  }
0x1e3: {  	_ =	swait.ge [sflag:s1], $0x80  }
0x1e4: {  	[sflag:s1] =	ssyncset.done $0x0  }
0x1e5: {  	[sflag:s1] =	ssyncadd.s32 $0xFFFFFF80  }
0x1e6: {  	_ =	swait.ge [sflag:s1], $0x80  }
0x1e7: {  	[sflag:s1] =	ssyncset.done $0x0  }
0x1e8: {  	[sflag:s1] =	ssyncadd.s32 $0xFFFFFF80  }
0x1e9: {  	_ =	swait.ge [sflag:s1], $0x80  }
0x1ea: {  	[sflag:s1] =	ssyncset.done $0x0  }
0x1eb: {  	[sflag:s1] =	ssyncadd.s32 $0xFFFFFF80  }
0x1ec: {  	_ =	swait.ge [sflag:s1], $0x80  }
0x1ed: {  	[sflag:s1] =	ssyncset.done $0x0  }
0x1ee: {  	[sflag:s1] =	ssyncadd.s32 $0xFFFFFF80  }
0x1ef: {  	_ =	swait.ge [sflag:s1], $0x80  }
0x1f0: {  	[sflag:s1] =	ssyncset.done $0x0  }
0x1f1: {  	[sflag:s1] =	ssyncadd.s32 $0xFFFFFF80  }
0x1f2: {  	_ =	swait.ge [sflag:s1], $0x80  }
0x1f3: {  	[sflag:s1] =	ssyncset.done $0x0  }
0x1f4: {  	[sflag:s1] =	ssyncadd.s32 $0xFFFFFF80  }
0x1f5: {  	_ =	swait.ge [sflag:s1], $0x80  }
0x1f6: {  	[sflag:s1] =	ssyncset.done $0x0  }
0x1f7: {  	[sflag:s1] =	ssyncadd.s32 $0xFFFFFF80  }
0x1f8: {  	_ =	swait.ge [sflag:s1], $0x80  }
0x1f9: {  	[sflag:s1] =	ssyncset.done $0x0  }
0x1fa: {  	[sflag:s1] =	ssyncadd.s32 $0xFFFFFF80  }
0x1fb: {  	_ =	swait.ge [sflag:s1], $0x80  }
0x1fc: {  	[sflag:s1] =	ssyncset.done $0x0  }
0x1fd: {  	[sflag:s1] =	ssyncadd.s32 $0xFFFFFF80  }
0x1fe: {  	_ =	swait.ge [sflag:s1], $0x80  }
0x1ff: {  	[sflag:s1] =	ssyncset.done $0x0  }
0x200: {  	[sflag:s1] =	ssyncadd.s32 $0xFFFFFF80  }
0x201: {  	_ =	swait.ge [sflag:s1], $0x80  }
0x202: {  	[sflag:s1] =	ssyncset.done $0x0  }
0x203: {  	[sflag:s1] =	ssyncadd.s32 $0xFFFFFF80  }
0x204: {  	_ =	swait.ge [sflag:s1], $0x80  }
0x205: {  	[sflag:s1] =	ssyncset.done $0x0  }
0x206: {  	[sflag:s1] =	ssyncadd.s32 $0xFFFFFF80  }
0x207: {  	_ =	swait.ge [sflag:s1], $0x80  }
0x208: {  	[sflag:s1] =	ssyncset.done $0x0  }
0x209: {  	[sflag:s1] =	ssyncadd.s32 $0xFFFFFF80  }
0x20a: {  	_ =	swait.ge [sflag:s1], $0x80  }
0x20b: {  	[sflag:s1] =	ssyncset.done $0x0  }
0x20c: {  	[sflag:s1] =	ssyncadd.s32 $0xFFFFFF80  }
0x20d: {  	_ =	swait.ge [sflag:s1], $0x80  }
0x20e: {  	[sflag:s1] =	ssyncset.done $0x0  }
0x20f: {  	[sflag:s1] =	ssyncadd.s32 $0xFFFFFF80  }
0x210: {  	_ =	swait.ge [sflag:s1], $0x80  }
0x211: {  	[sflag:s1] =	ssyncset.done $0x0  }
0x212: {  	[sflag:s1] =	ssyncadd.s32 $0xFFFFFF80  }
0x213: {  	_ =	swait.ge [sflag:s1], $0x80  }
0x214: {  	[sflag:s1] =	ssyncset.done $0x0  }
0x215: {  	[sflag:s1] =	ssyncadd.s32 $0xFFFFFF80  }
0x216: {  	_ =	swait.ge [sflag:s1], $0x80  }
0x217: {  	[sflag:s1] =	ssyncset.done $0x0  }
0x218: {  	[sflag:s1] =	ssyncadd.s32 $0xFFFFFF80  }
0x219: {  	_ =	swait.ge [sflag:s1], $0x80  }
0x21a: {  	[sflag:s1] =	ssyncset.done $0x0  }
0x21b: {  	[sflag:s1] =	ssyncadd.s32 $0xFFFFFF80  }
0x21c: {  	_ =	swait.ge [sflag:s1], $0x80  }
0x21d: {  	[sflag:s1] =	ssyncset.done $0x0  }
0x21e: {  	[sflag:s1] =	ssyncadd.s32 $0xFFFFFF80  }
0x21f: {  	_ =	swait.ge [sflag:s1], $0x80  }
0x220: {  	[sflag:s1] =	ssyncset.done $0x0  }
0x221: {  	[sflag:s1] =	ssyncadd.s32 $0xFFFFFF80  }
0x222: {  	_ =	swait.ge [sflag:s1], $0x80  }
0x223: {  	[sflag:s1] =	ssyncset.done $0x0  }
0x224: {  	[sflag:s1] =	ssyncadd.s32 $0xFFFFFF80  }
0x225: {  	_ =	swait.ge [sflag:s1], $0x80  }
0x226: {  	[sflag:s1] =	ssyncset.done $0x0  }
0x227: {  	[sflag:s1] =	ssyncadd.s32 $0xFFFFFF80  }
0x228: {  	_ =	swait.ge [sflag:s1], $0x80  }
0x229: {  	[sflag:s1] =	ssyncset.done $0x0  }
0x22a: {  	[sflag:s1] =	ssyncadd.s32 $0xFFFFFF80  }
0x22b: {  	_ =	swait.ge [sflag:s1], $0x80  }
0x22c: {  	[sflag:s1] =	ssyncset.done $0x0  }
0x22d: {  	[sflag:s1] =	ssyncadd.s32 $0xFFFFFF80  }
0x22e: {  	_ =	swait.ge [sflag:s1], $0x80  }
0x22f: {  	[sflag:s1] =	ssyncset.done $0x0  }
0x230: {  	[sflag:s1] =	ssyncadd.s32 $0xFFFFFF80  }
0x231: {  	_ =	swait.ge [sflag:s1], $0x80  }
0x232: {  	[sflag:s1] =	ssyncset.done $0x0  }
0x233: {  	[sflag:s1] =	ssyncadd.s32 $0xFFFFFF80  }
0x234: {  	_ =	swait.ge [sflag:s1], $0x80  }
0x235: {  	[sflag:s1] =	ssyncset.done $0x0  }
0x236: {  	s29 =	simm.s32 $0x2080;
	s15 =	rddreg [dreg:$0xa];
	[sflag:s1] =	ssyncadd.s32 $0xFFFFFF80  }
0x237: {  	[hbm4b:s15+s17] =	stream.linear.scatter [tilespmem:s29], [sflag:$0x4], $0xF00, $0x38;
	[tilespmem:$0x1AF80] =	vst v63  }
0x238: {  	_ =	swait.ge [sflag:s0], $0x80  }
0x239: {  	[sflag:s0] =	ssyncset.done $0x0  }
0x23a: {  	[sflag:s0] =	ssyncadd.s32 $0xFFFFFF80  }
0x23b: {  	_ =	swait.ge [sflag:s0], $0x80  }
0x23c: {  	[sflag:s0] =	ssyncset.done $0x0  }
0x23d: {  	[sflag:s0] =	ssyncadd.s32 $0xFFFFFF80  }
0x23e: {  	_ =	swait.ge [sflag:s0], $0x80  }
0x23f: {  	[sflag:s0] =	ssyncset.done $0x0  }
0x240: {  	[sflag:s0] =	ssyncadd.s32 $0xFFFFFF80  }
0x241: {  	_ =	swait.ge [sflag:s0], $0x80  }
0x242: {  	[sflag:s0] =	ssyncset.done $0x0  }
0x243: {  	[sflag:s0] =	ssyncadd.s32 $0xFFFFFF80  }
0x244: {  	_ =	swait.ge [sflag:s0], $0x80  }
0x245: {  	[sflag:s0] =	ssyncset.done $0x0  }
0x246: {  	[sflag:s0] =	ssyncadd.s32 $0xFFFFFF80  }
0x247: {  	_ =	swait.ge [sflag:s0], $0x80  }
0x248: {  	[sflag:s0] =	ssyncset.done $0x0  }
0x249: {  	[sflag:s0] =	ssyncadd.s32 $0xFFFFFF80  }
0x24a: {  	_ =	swait.ge [sflag:s0], $0x80  }
0x24b: {  	[sflag:s0] =	ssyncset.done $0x0  }
0x24c: {  	[sflag:s0] =	ssyncadd.s32 $0xFFFFFF80  }
0x24d: {  	_ =	swait.ge [sflag:s0], $0x80  }
0x24e: {  	[sflag:s0] =	ssyncset.done $0x0  }
0x24f: {  	[sflag:s0] =	ssyncadd.s32 $0xFFFFFF80  }
0x250: {  	_ =	swait.ge [sflag:s0], $0x80  }
0x251: {  	[sflag:s0] =	ssyncset.done $0x0  }
0x252: {  	[sflag:s0] =	ssyncadd.s32 $0xFFFFFF80  }
0x253: {  	_ =	swait.ge [sflag:s0], $0x80  }
0x254: {  	[sflag:s0] =	ssyncset.done $0x0  }
0x255: {  	[sflag:s0] =	ssyncadd.s32 $0xFFFFFF80  }
0x256: {  	_ =	swait.ge [sflag:s0], $0x80  }
0x257: {  	[sflag:s0] =	ssyncset.done $0x0  }
0x258: {  	[sflag:s0] =	ssyncadd.s32 $0xFFFFFF80  }
0x259: {  	_ =	swait.ge [sflag:s0], $0x80  }
0x25a: {  	[sflag:s0] =	ssyncset.done $0x0  }
0x25b: {  	[sflag:s0] =	ssyncadd.s32 $0xFFFFFF80  }
0x25c: {  	_ =	swait.ge [sflag:s0], $0x80  }
0x25d: {  	[sflag:s0] =	ssyncset.done $0x0  }
0x25e: {  	[sflag:s0] =	ssyncadd.s32 $0xFFFFFF80  }
0x25f: {  	_ =	swait.ge [sflag:s0], $0x80  }
0x260: {  	[sflag:s0] =	ssyncset.done $0x0  }
0x261: {  	[sflag:s0] =	ssyncadd.s32 $0xFFFFFF80  }
0x262: {  	_ =	swait.ge [sflag:s0], $0x80  }
0x263: {  	[sflag:s0] =	ssyncset.done $0x0  }
0x264: {  	[sflag:s0] =	ssyncadd.s32 $0xFFFFFF80  }
0x265: {  	_ =	swait.ge [sflag:s0], $0x80  }
0x266: {  	[sflag:s0] =	ssyncset.done $0x0  }
0x267: {  	[sflag:s0] =	ssyncadd.s32 $0xFFFFFF80  }
0x268: {  	_ =	swait.ge [sflag:s0], $0x80  }
0x269: {  	[sflag:s0] =	ssyncset.done $0x0  }
0x26a: {  	[sflag:s0] =	ssyncadd.s32 $0xFFFFFF80  }
0x26b: {  	_ =	swait.ge [sflag:s0], $0x80  }
0x26c: {  	[sflag:s0] =	ssyncset.done $0x0  }
0x26d: {  	[sflag:s0] =	ssyncadd.s32 $0xFFFFFF80  }
0x26e: {  	_ =	swait.ge [sflag:s0], $0x80  }
0x26f: {  	[sflag:s0] =	ssyncset.done $0x0  }
0x270: {  	[sflag:s0] =	ssyncadd.s32 $0xFFFFFF80  }
0x271: {  	_ =	swait.ge [sflag:s0], $0x80  }
0x272: {  	[sflag:s0] =	ssyncset.done $0x0  }
0x273: {  	[sflag:s0] =	ssyncadd.s32 $0xFFFFFF80  }
0x274: {  	_ =	swait.ge [sflag:s0], $0x80  }
0x275: {  	[sflag:s0] =	ssyncset.done $0x0  }
0x276: {  	[sflag:s0] =	ssyncadd.s32 $0xFFFFFF80  }
0x277: {  	_ =	swait.ge [sflag:s0], $0x80  }
0x278: {  	[sflag:s0] =	ssyncset.done $0x0  }
0x279: {  	[sflag:s0] =	ssyncadd.s32 $0xFFFFFF80  }
0x27a: {  	_ =	swait.ge [sflag:s0], $0x80  }
0x27b: {  	[sflag:s0] =	ssyncset.done $0x0  }
0x27c: {  	[sflag:s0] =	ssyncadd.s32 $0xFFFFFF80  }
0x27d: {  	_ =	swait.ge [sflag:s0], $0x80  }
0x27e: {  	[sflag:s0] =	ssyncset.done $0x0  }
0x27f: {  	[sflag:s0] =	ssyncadd.s32 $0xFFFFFF80  }
0x280: {  	_ =	swait.ge [sflag:s0], $0x80  }
0x281: {  	[sflag:s0] =	ssyncset.done $0x0  }
0x282: {  	[sflag:s0] =	ssyncadd.s32 $0xFFFFFF80  }
0x283: {  	_ =	swait.ge [sflag:s0], $0x80  }
0x284: {  	[sflag:s0] =	ssyncset.done $0x0  }
0x285: {  	[sflag:s0] =	ssyncadd.s32 $0xFFFFFF80  }
0x286: {  	_ =	swait.ge [sflag:s0], $0x80  }
0x287: {  	[sflag:s0] =	ssyncset.done $0x0  }
0x288: {  	[sflag:s0] =	ssyncadd.s32 $0xFFFFFF80  }
0x289: {  	_ =	swait.ge [sflag:s0], $0x80  }
0x28a: {  	[sflag:s0] =	ssyncset.done $0x0  }
0x28b: {  	[sflag:s0] =	ssyncadd.s32 $0xFFFFFF80  }
0x28c: {  	_ =	swait.ge [sflag:s0], $0x80  }
0x28d: {  	[sflag:s0] =	ssyncset.done $0x0  }
0x28e: {  	[sflag:s0] =	ssyncadd.s32 $0xFFFFFF80  }
0x28f: {  	_ =	swait.ge [sflag:s0], $0x80  }
0x290: {  	[sflag:s0] =	ssyncset.done $0x0  }
0x291: {  	[sflag:s0] =	ssyncadd.s32 $0xFFFFFF80  }
0x292: {  	_ =	swait.ge [sflag:s11], $0x2000  }
0x293: {  	[sflag:s11] =	ssyncset.done $0x0  }
0x294: {  	[sflag:s11] =	ssyncadd.s32 $0xFFFFE000  }
0x295: {  	_ =	swait.ge [sflag:s14], $0x2000  }
0x296: {  	[sflag:s14] =	ssyncset.done $0x0  }
0x297: {  	s13 =	simm.s32 $0x4;
	[sflag:s14] =	ssyncadd.s32 $0xFFFFE000  }
0x298: {  	_ =	swait.ge [sflag:s13], $0xF00  }
0x299: {  	[sflag:s13] =	ssyncset.done $0x0  }
0x29a: {  	s16 =	simm.s32 $0x1180;
	s15 =	simm.s32 $0x2F80;
	[sflag:s13] =	ssyncadd.s32 $0xFFFFF100  }
0x29b: {  	[tilespmem:s15], [sflag:$0x1] =	stream.indirect.gather [hbm4b:s2+s9], $0x80, s16, s9, $0xb8;
	[tilespmem:$0x1AF80] =	vst v63  }
0x29c: {  	s29 =	simm.s32 $0x1200;
	s16 =	simm.s32 $0x6F80  }
0x29d: {  	[tilespmem:s16], [sflag:$0x1] =	stream.indirect.gather [hbm4b:s2+s9], $0x80, s29, s9, $0xb8;
	[tilespmem:$0x1AF80] =	vst v63  }
0x29e: {  	s29 =	simm.s32 $0x1280  }
0x29f: {  	[tilespmem:s3], [sflag:$0x2] =	stream.indirect.gather [hbm4b:s2+s9], $0x80, s29, s9, $0xb8;
	[tilespmem:$0x1AF80] =	vst v63  }
0x2a0: {  	s29 =	simm.s32 $0x1300  }
0x2a1: {  	[tilespmem:s7], [sflag:$0x2] =	stream.indirect.gather [hbm4b:s2+s9], $0x80, s29, s9, $0xb8;
	[tilespmem:$0x1AF80] =	vst v63  }
0x2a2: {  	s29 =	simm.s32 $0x1380  }
0x2a3: {  	[tilespmem:s8], [sflag:$0x3] =	stream.indirect.gather [hbm4b:s2+s9], $0x80, s29, s9, $0xb8;
	[tilespmem:$0x1AF80] =	vst v63  }
0x2a4: {  	s29 =	simm.s32 $0x1400  }
0x2a5: {  	[tilespmem:s10], [sflag:$0x3] =	stream.indirect.gather [hbm4b:s2+s9], $0x80, s29, s9, $0xb8;
	[tilespmem:$0x1AF80] =	vst v63  }
0x2a6: {  	_ =	swait.ge [sflag:s0], $0x4000  }
0x2a7: {  	[sflag:s0] =	ssyncset.done $0x0  }
0x2a8: {  	[sflag:s0] =	ssyncadd.s32 $0xFFFFC000  }
0x2a9: {  	_ =	swait.ge [sflag:s0], $0x4000  }
0x2aa: {  	[sflag:s0] =	ssyncset.done $0x0  }
0x2ab: {  	s29 =	rddreg [dreg:$0xb];
	[sflag:s0] =	ssyncadd.s32 $0xFFFFC000  }
0x2ac: {  	[hbm4b:s29+s17] =	stream.linear.scatter [tilespmem:s15], [sflag:$0x4], $0x8000, $0x38;
	[tilespmem:$0x1AF80] =	vst v63  }
0x2ad: {  	_ =	swait.ge [sflag:s13], $0x8000  }
0x2ae: {  	[sflag:s13] =	ssyncset.done $0x0  }
0x2af: {  	s29 =	simm.s32 $0x1480;
	[sflag:s13] =	ssyncadd.s32 $0xFFFF8000  }
0x2b0: {  	[tilespmem:s15], [sflag:$0x1] =	stream.indirect.gather [hbm4b:s2+s9], $0x80, s29, s9, $0xb8;
	[tilespmem:$0x1AF80] =	vst v63  }
0x2b1: {  	s29 =	simm.s32 $0x1500  }
0x2b2: {  	[tilespmem:s16], [sflag:$0x1] =	stream.indirect.gather [hbm4b:s2+s9], $0x80, s29, s9, $0xb8;
	[tilespmem:$0x1AF80] =	vst v63  }
0x2b3: {  	_ =	swait.ge [sflag:s1], $0x4000  }
0x2b4: {  	[sflag:s1] =	ssyncset.done $0x0  }
0x2b5: {  	[sflag:s1] =	ssyncadd.s32 $0xFFFFC000  }
0x2b6: {  	_ =	swait.ge [sflag:s1], $0x4000  }
0x2b7: {  	[sflag:s1] =	ssyncset.done $0x0  }
0x2b8: {  	s29 =	rddreg [dreg:$0xc];
	[sflag:s1] =	ssyncadd.s32 $0xFFFFC000  }
0x2b9: {  	[hbm4b:s29+s17] =	stream.linear.scatter [tilespmem:s3], [sflag:$0x5], $0x8000, $0x38;
	[tilespmem:$0x1AF80] =	vst v63  }
0x2ba: {  	_ =	swait.ge [sflag:s11], $0x8000  }
0x2bb: {  	[sflag:s11] =	ssyncset.done $0x0  }
0x2bc: {  	s29 =	simm.s32 $0x1580;
	[sflag:s11] =	ssyncadd.s32 $0xFFFF8000  }
0x2bd: {  	[tilespmem:s3], [sflag:$0x2] =	stream.indirect.gather [hbm4b:s2+s9], $0x80, s29, s9, $0xb8;
	[tilespmem:$0x1AF80] =	vst v63  }
0x2be: {  	s29 =	simm.s32 $0x1600  }
0x2bf: {  	[tilespmem:s7], [sflag:$0x2] =	stream.indirect.gather [hbm4b:s2+s9], $0x80, s29, s9, $0xb8;
	[tilespmem:$0x1AF80] =	vst v63  }
0x2c0: {  	_ =	swait.ge [sflag:s25], $0x4000  }
0x2c1: {  	[sflag:s25] =	ssyncset.done $0x0  }
0x2c2: {  	[sflag:s25] =	ssyncadd.s32 $0xFFFFC000  }
0x2c3: {  	_ =	swait.ge [sflag:s25], $0x4000  }
0x2c4: {  	[sflag:s25] =	ssyncset.done $0x0  }
0x2c5: {  	s29 =	rddreg [dreg:$0xd];
	[sflag:s25] =	ssyncadd.s32 $0xFFFFC000  }
0x2c6: {  	[hbm4b:s29+s17] =	stream.linear.scatter [tilespmem:s8], [sflag:$0x6], $0x8000, $0x38;
	[tilespmem:$0x1AF80] =	vst v63  }
0x2c7: {  	_ =	swait.ge [sflag:s14], $0x8000  }
0x2c8: {  	[sflag:s14] =	ssyncset.done $0x0  }
0x2c9: {  	s29 =	simm.s32 $0x1680;
	[sflag:s14] =	ssyncadd.s32 $0xFFFF8000  }
0x2ca: {  	[tilespmem:s8], [sflag:$0x3] =	stream.indirect.gather [hbm4b:s2+s9], $0x80, s29, s9, $0xb8;
	[tilespmem:$0x1AF80] =	vst v63  }
0x2cb: {  	s29 =	simm.s32 $0x1700  }
0x2cc: {  	[tilespmem:s10], [sflag:$0x3] =	stream.indirect.gather [hbm4b:s2+s9], $0x80, s29, s9, $0xb8;
	[tilespmem:$0x1AF80] =	vst v63  }
0x2cd: {  	_ =	swait.ge [sflag:s0], $0x4000  }
0x2ce: {  	[sflag:s0] =	ssyncset.done $0x0  }
0x2cf: {  	[sflag:s0] =	ssyncadd.s32 $0xFFFFC000  }
0x2d0: {  	_ =	swait.ge [sflag:s0], $0x4000  }
0x2d1: {  	[sflag:s0] =	ssyncset.done $0x0  }
0x2d2: {  	s29 =	rddreg [dreg:$0xe];
	[sflag:s0] =	ssyncadd.s32 $0xFFFFC000  }
0x2d3: {  	[hbm4b:s29+s17] =	stream.linear.scatter [tilespmem:s15], [sflag:$0x4], $0x8000, $0x38;
	[tilespmem:$0x1AF80] =	vst v63  }
0x2d4: {  	_ =	swait.ge [sflag:s13], $0x8000  }
0x2d5: {  	[sflag:s13] =	ssyncset.done $0x0  }
0x2d6: {  	s29 =	simm.s32 $0x1780;
	[sflag:s13] =	ssyncadd.s32 $0xFFFF8000  }
0x2d7: {  	[tilespmem:s15], [sflag:$0x1] =	stream.indirect.gather [hbm4b:s2+s9], $0x80, s29, s9, $0xb8;
	[tilespmem:$0x1AF80] =	vst v63  }
0x2d8: {  	s29 =	simm.s32 $0x1800  }
0x2d9: {  	[tilespmem:s16], [sflag:$0x1] =	stream.indirect.gather [hbm4b:s2+s9], $0x80, s29, s9, $0xb8;
	[tilespmem:$0x1AF80] =	vst v63  }
0x2da: {  	_ =	swait.ge [sflag:s1], $0x4000  }
0x2db: {  	[sflag:s1] =	ssyncset.done $0x0  }
0x2dc: {  	[sflag:s1] =	ssyncadd.s32 $0xFFFFC000  }
0x2dd: {  	_ =	swait.ge [sflag:s1], $0x4000  }
0x2de: {  	[sflag:s1] =	ssyncset.done $0x0  }
0x2df: {  	s29 =	rddreg [dreg:$0xf];
	[sflag:s1] =	ssyncadd.s32 $0xFFFFC000  }
0x2e0: {  	[hbm4b:s29+s17] =	stream.linear.scatter [tilespmem:s3], [sflag:$0x5], $0x8000, $0x38;
	[tilespmem:$0x1AF80] =	vst v63  }
0x2e1: {  	_ =	swait.ge [sflag:s11], $0x8000  }
0x2e2: {  	[sflag:s11] =	ssyncset.done $0x0  }
0x2e3: {  	s29 =	simm.s32 $0x1880;
	[sflag:s11] =	ssyncadd.s32 $0xFFFF8000  }
0x2e4: {  	[tilespmem:s3], [sflag:$0x2] =	stream.indirect.gather [hbm4b:s2+s9], $0x80, s29, s9, $0xb8;
	[tilespmem:$0x1AF80] =	vst v63  }
0x2e5: {  	s29 =	simm.s32 $0x1900  }
0x2e6: {  	[tilespmem:s7], [sflag:$0x2] =	stream.indirect.gather [hbm4b:s2+s9], $0x80, s29, s9, $0xb8;
	[tilespmem:$0x1AF80] =	vst v63  }
0x2e7: {  	_ =	swait.ge [sflag:s25], $0x4000  }
0x2e8: {  	[sflag:s25] =	ssyncset.done $0x0  }
0x2e9: {  	[sflag:s25] =	ssyncadd.s32 $0xFFFFC000  }
0x2ea: {  	_ =	swait.ge [sflag:s25], $0x4000  }
0x2eb: {  	[sflag:s25] =	ssyncset.done $0x0  }
0x2ec: {  	s29 =	rddreg [dreg:$0x10];
	[sflag:s25] =	ssyncadd.s32 $0xFFFFC000  }
0x2ed: {  	[hbm4b:s29+s17] =	stream.linear.scatter [tilespmem:s8], [sflag:$0x6], $0x8000, $0x38;
	[tilespmem:$0x1AF80] =	vst v63  }
0x2ee: {  	_ =	swait.ge [sflag:s14], $0x8000  }
0x2ef: {  	[sflag:s14] =	ssyncset.done $0x0  }
0x2f0: {  	s29 =	simm.s32 $0x1980;
	[sflag:s14] =	ssyncadd.s32 $0xFFFF8000  }
0x2f1: {  	[tilespmem:s8], [sflag:$0x3] =	stream.indirect.gather [hbm4b:s2+s9], $0x80, s29, s9, $0xb8;
	[tilespmem:$0x1AF80] =	vst v63  }
0x2f2: {  	s29 =	simm.s32 $0x1A00  }
0x2f3: {  	[tilespmem:s10], [sflag:$0x3] =	stream.indirect.gather [hbm4b:s2+s9], $0x80, s29, s9, $0xb8;
	[tilespmem:$0x1AF80] =	vst v63  }
0x2f4: {  	_ =	swait.ge [sflag:s0], $0x4000  }
0x2f5: {  	[sflag:s0] =	ssyncset.done $0x0  }
0x2f6: {  	[sflag:s0] =	ssyncadd.s32 $0xFFFFC000  }
0x2f7: {  	_ =	swait.ge [sflag:s0], $0x4000  }
0x2f8: {  	[sflag:s0] =	ssyncset.done $0x0  }
0x2f9: {  	s29 =	rddreg [dreg:$0x11];
	[sflag:s0] =	ssyncadd.s32 $0xFFFFC000  }
0x2fa: {  	[hbm4b:s29+s17] =	stream.linear.scatter [tilespmem:s15], [sflag:$0x4], $0x8000, $0x38;
	[tilespmem:$0x1AF80] =	vst v63  }
0x2fb: {  	_ =	swait.ge [sflag:s13], $0x8000  }
0x2fc: {  	[sflag:s13] =	ssyncset.done $0x0  }
0x2fd: {  	s29 =	simm.s32 $0x1A80;
	[sflag:s13] =	ssyncadd.s32 $0xFFFF8000  }
0x2fe: {  	[tilespmem:s15], [sflag:$0x1] =	stream.indirect.gather [hbm4b:s2+s9], $0x80, s29, s9, $0xb8;
	[tilespmem:$0x1AF80] =	vst v63  }
0x2ff: {  	s29 =	simm.s32 $0x1B00  }
0x300: {  	[tilespmem:s16], [sflag:$0x1] =	stream.indirect.gather [hbm4b:s2+s9], $0x80, s29, s9, $0xb8;
	[tilespmem:$0x1AF80] =	vst v63  }
0x301: {  	_ =	swait.ge [sflag:s1], $0x4000  }
0x302: {  	[sflag:s1] =	ssyncset.done $0x0  }
0x303: {  	[sflag:s1] =	ssyncadd.s32 $0xFFFFC000  }
0x304: {  	_ =	swait.ge [sflag:s1], $0x4000  }
0x305: {  	[sflag:s1] =	ssyncset.done $0x0  }
0x306: {  	s29 =	rddreg [dreg:$0x12];
	[sflag:s1] =	ssyncadd.s32 $0xFFFFC000  }
0x307: {  	[hbm4b:s29+s17] =	stream.linear.scatter [tilespmem:s3], [sflag:$0x5], $0x8000, $0x38;
	[tilespmem:$0x1AF80] =	vst v63  }
0x308: {  	_ =	swait.ge [sflag:s11], $0x8000  }
0x309: {  	[sflag:s11] =	ssyncset.done $0x0  }
0x30a: {  	s29 =	simm.s32 $0x1B80;
	[sflag:s11] =	ssyncadd.s32 $0xFFFF8000  }
0x30b: {  	[tilespmem:s3], [sflag:$0x2] =	stream.indirect.gather [hbm4b:s2+s9], $0x80, s29, s9, $0xb8;
	[tilespmem:$0x1AF80] =	vst v63  }
0x30c: {  	s29 =	simm.s32 $0x1C00  }
0x30d: {  	[tilespmem:s7], [sflag:$0x2] =	stream.indirect.gather [hbm4b:s2+s9], $0x80, s29, s9, $0xb8;
	[tilespmem:$0x1AF80] =	vst v63  }
0x30e: {  	_ =	swait.ge [sflag:s25], $0x4000  }
0x30f: {  	[sflag:s25] =	ssyncset.done $0x0  }
0x310: {  	[sflag:s25] =	ssyncadd.s32 $0xFFFFC000  }
0x311: {  	_ =	swait.ge [sflag:s25], $0x4000  }
0x312: {  	[sflag:s25] =	ssyncset.done $0x0  }
0x313: {  	s29 =	rddreg [dreg:$0x13];
	[sflag:s25] =	ssyncadd.s32 $0xFFFFC000  }
0x314: {  	[hbm4b:s29+s17] =	stream.linear.scatter [tilespmem:s8], [sflag:$0x6], $0x8000, $0x38;
	[tilespmem:$0x1AF80] =	vst v63  }
0x315: {  	_ =	swait.ge [sflag:s14], $0x8000  }
0x316: {  	[sflag:s14] =	ssyncset.done $0x0  }
0x317: {  	s29 =	simm.s32 $0x1C80;
	[sflag:s14] =	ssyncadd.s32 $0xFFFF8000  }
0x318: {  	[tilespmem:s8], [sflag:$0x3] =	stream.indirect.gather [hbm4b:s2+s9], $0x80, s29, s9, $0xb8;
	[tilespmem:$0x1AF80] =	vst v63  }
0x319: {  	s29 =	simm.s32 $0x1D00  }
0x31a: {  	[tilespmem:s10], [sflag:$0x3] =	stream.indirect.gather [hbm4b:s2+s9], $0x80, s29, s9, $0xb8;
	[tilespmem:$0x1AF80] =	vst v63  }
0x31b: {  	_ =	swait.ge [sflag:s0], $0x4000  }
0x31c: {  	[sflag:s0] =	ssyncset.done $0x0  }
0x31d: {  	[sflag:s0] =	ssyncadd.s32 $0xFFFFC000  }
0x31e: {  	_ =	swait.ge [sflag:s0], $0x4000  }
0x31f: {  	[sflag:s0] =	ssyncset.done $0x0  }
0x320: {  	s29 =	rddreg [dreg:$0x14];
	[sflag:s0] =	ssyncadd.s32 $0xFFFFC000  }
0x321: {  	[hbm4b:s29+s17] =	stream.linear.scatter [tilespmem:s15], [sflag:$0x4], $0x8000, $0x38;
	[tilespmem:$0x1AF80] =	vst v63  }
0x322: {  	_ =	swait.ge [sflag:s13], $0x8000  }
0x323: {  	[sflag:s13] =	ssyncset.done $0x0  }
0x324: {  	s29 =	simm.s32 $0x1D80;
	[sflag:s13] =	ssyncadd.s32 $0xFFFF8000  }
0x325: {  	[tilespmem:s15], [sflag:$0x1] =	stream.indirect.gather [hbm4b:s2+s9], $0x80, s29, s9, $0xb8;
	[tilespmem:$0x1AF80] =	vst v63  }
0x326: {  	s29 =	simm.s32 $0x1E00  }
0x327: {  	[tilespmem:s16], [sflag:$0x1] =	stream.indirect.gather [hbm4b:s2+s9], $0x80, s29, s9, $0xb8;
	[tilespmem:$0x1AF80] =	vst v63  }
0x328: {  	_ =	swait.ge [sflag:s1], $0x4000  }
0x329: {  	[sflag:s1] =	ssyncset.done $0x0  }
0x32a: {  	[sflag:s1] =	ssyncadd.s32 $0xFFFFC000  }
0x32b: {  	_ =	swait.ge [sflag:s1], $0x4000  }
0x32c: {  	[sflag:s1] =	ssyncset.done $0x0  }
0x32d: {  	s29 =	rddreg [dreg:$0x15];
	[sflag:s1] =	ssyncadd.s32 $0xFFFFC000  }
0x32e: {  	[hbm4b:s29+s17] =	stream.linear.scatter [tilespmem:s3], [sflag:$0x5], $0x8000, $0x38;
	[tilespmem:$0x1AF80] =	vst v63  }
0x32f: {  	_ =	swait.ge [sflag:s11], $0x8000  }
0x330: {  	[sflag:s11] =	ssyncset.done $0x0  }
0x331: {  	s16 =	simm.s32 $0x1E80;
	[sflag:s11] =	ssyncadd.s32 $0xFFFF8000  }
0x332: {  	[tilespmem:s3], [sflag:$0x2] =	stream.indirect.gather [hbm4b:s2+s9], $0x80, s16, s9, $0xb8;
	[tilespmem:$0x1AF80] =	vst v63  }
0x333: {  	s29 =	simm.s32 $0x1F00  }
0x334: {  	[tilespmem:s7], [sflag:$0x2] =	stream.indirect.gather [hbm4b:s2+s9], $0x80, s29, s9, $0xb8;
	[tilespmem:$0x1AF80] =	vst v63  }
0x335: {  	_ =	swait.ge [sflag:s25], $0x4000  }
0x336: {  	[sflag:s25] =	ssyncset.done $0x0  }
0x337: {  	[sflag:s25] =	ssyncadd.s32 $0xFFFFC000  }
0x338: {  	_ =	swait.ge [sflag:s25], $0x4000  }
0x339: {  	[sflag:s25] =	ssyncset.done $0x0  }
0x33a: {  	s7 =	rddreg [dreg:$0x16];
	[sflag:s25] =	ssyncadd.s32 $0xFFFFC000  }
0x33b: {  	[hbm4b:s7+s17] =	stream.linear.scatter [tilespmem:s8], [sflag:$0x6], $0x8000, $0x38;
	[tilespmem:$0x1AF80] =	vst v63  }
0x33c: {  	_ =	swait.ge [sflag:s14], $0x8000  }
0x33d: {  	[sflag:s14] =	ssyncset.done $0x0  }
0x33e: {  	s16 =	simm.s32 $0x1F80;
	[sflag:s14] =	ssyncadd.s32 $0xFFFF8000  }
0x33f: {  	[tilespmem:s8], [sflag:$0x3] =	stream.indirect.gather [hbm4b:s2+s9], $0x80, s16, s9, $0xb8;
	[tilespmem:$0x1AF80] =	vst v63  }
0x340: {  	s29 =	simm.s32 $0x2000  }
0x341: {  	[tilespmem:s10], [sflag:$0x3] =	stream.indirect.gather [hbm4b:s2+s9], $0x80, s29, s9, $0xb8;
	[tilespmem:$0x1AF80] =	vst v63  }
0x342: {  	_ =	swait.ge [sflag:s0], $0x4000  }
0x343: {  	[sflag:s0] =	ssyncset.done $0x0  }
0x344: {  	[sflag:s0] =	ssyncadd.s32 $0xFFFFC000  }
0x345: {  	_ =	swait.ge [sflag:s0], $0x4000  }
0x346: {  	[sflag:s0] =	ssyncset.done $0x0  }
0x347: {  	s10 =	rddreg [dreg:$0x17];
	[sflag:s0] =	ssyncadd.s32 $0xFFFFC000  }
0x348: {  	[hbm4b:s10+s17] =	stream.linear.scatter [tilespmem:s15], [sflag:$0x4], $0x8000, $0x38;
	[tilespmem:$0x1AF80] =	vst v63  }
0x349: {  	_ =	swait.ge [sflag:s1], $0x4000  }
0x34a: {  	[sflag:s1] =	ssyncset.done $0x0  }
0x34b: {  	[sflag:s1] =	ssyncadd.s32 $0xFFFFC000  }
0x34c: {  	_ =	swait.ge [sflag:s1], $0x4000  }
0x34d: {  	[sflag:s1] =	ssyncset.done $0x0  }
0x34e: {  	s16 =	rddreg [dreg:$0x18];
	[sflag:s1] =	ssyncadd.s32 $0xFFFFC000  }
0x34f: {  	[hbm4b:s16+s17] =	stream.linear.scatter [tilespmem:s3], [sflag:$0x5], $0x8000, $0x38;
	[tilespmem:$0x1AF80] =	vst v63  }
0x350: {  	_ =	swait.ge [sflag:s25], $0x4000  }
0x351: {  	[sflag:s25] =	ssyncset.done $0x0  }
0x352: {  	[sflag:s25] =	ssyncadd.s32 $0xFFFFC000  }
0x353: {  	_ =	swait.ge [sflag:s25], $0x4000  }
0x354: {  	[sflag:s25] =	ssyncset.done $0x0  }
0x355: {  	s29 =	rddreg [dreg:$0x19];
	[sflag:s25] =	ssyncadd.s32 $0xFFFFC000  }
0x356: {  	[hbm4b:s29+s17] =	stream.linear.scatter [tilespmem:s8], [sflag:$0x6], $0x8000, $0x38;
	[tilespmem:$0x1AF80] =	vst v63  }
0x357: {  	_ =	swait.ge [sflag:s13], $0x8000  }
0x358: {  	[sflag:s13] =	ssyncset.done $0x0  }
0x359: {  	[sflag:s13] =	ssyncadd.s32 $0xFFFF8000  }
0x35a: {  	p0 =	sne.s32 s6, $0x1;
	_ =	swait.ge [sflag:s11], $0x8000  }
.Ltmp0:
0x35b: {  	[sflag:s11] =	ssyncset.done $0x0;
	(pc) =	sbr.rel @p0 .LBB2_1-.Ltmp0, $4  }
0x35c: {  	[sflag:s11] =	ssyncadd.s32 $0xFFFF8000  }
0x35d: {  	_ =	swait.ge [sflag:s14], $0x8000  }
0x35e: {  	[sflag:s14] =	ssyncset.done $0x0  }
0x35f: {  	s6 =	sadd.s32 $0xFFFFFFFF, s6;
	[sflag:s14] =	ssyncadd.s32 $0xFFFF8000  }
0x360: {  	_ =	sfence.sel $0x180000  }
0x361: {  	[bflag:$0x0] =	sbarrier.arrive $0xFFFF  }
0x362: {  	_ =	strace $0x90000047  }
0x363: {  	s0 =	stileid.u32;
	[bflag:$0x2] =	sbarrier.arrive $0xFFFF  }
0x364: {  	p0 =	sne.s32 s0, $0x0;
	s0 =	rddreg [dreg:$0x3]  }
0x365: {  	s0 =	sadd.s32 @!p0 $0x100000, s0  }
0x366: {  	[sflag:s0] =	ssyncadd.tile.s32 @!p0 $0x1;
	_ =	shalt  }
.Lfunc_end2:
_tile_overlayer_lowered:
.L_overlay_start_2:
0x367: {  	(tag) =	ssettag $0x2  }
0x368: {  	s0 =	rddreg [dreg:$0x0];
	s2 =	stileid.u32  }
0x369: {  	s1 =	rddreg [dreg:$0x1];
	p0 =	sne.s32 s2, $0x0  }
0x36a: {  	s3 =	rddreg [dreg:$0x2];
	[bflag:$0x3] =	sbarrier.arrive $0xFFFF;
	s2 =	simm.s32 @!p0 $0x1C07  }
0x36b: {  	[timem:s3], [sflag:s2] =	dma.local @!p0 [hbm:s0], s1  }
0x36c: {  	s0 =	simm.s32 @!p0 $0x7  }
0x36d: {  	_ =	swait.ge @!p0 [sflag:s0], s1  }
0x36e: {  	s1 =	ssub.s32 @!p0 $0x0, s1;
	[sflag:s0] =	ssyncset.done @!p0 $0x0  }
0x36f: {  	[sflag:s0] =	ssyncadd.s32 @!p0 s1  }
0x370: {  	[bflag:$0x3] =	sbarrier.arrive $0xFFFF  }
0x371: {  	_ =	shalt  }

</sc_bundles>
